<compile_context>
chip_gen: v7x
topology: tpu7x:2x2x1
jax: 0.10.2.dev20260603
libtpu: 0.0.44.dev20260713+nightly
codegen_flags: <defaults>
</compile_context>

<pallas_src>
import functools

import jax
import jax.numpy as jnp
from jax import lax
from jax.experimental import pallas as pl
from jax.experimental.pallas import tpu as pltpu
from jax.experimental.pallas import tpu_sc as plsc

EPS = 1e-5
_N = 10000
_NP = 10240
_ZC = 640
_OC = 632
_PO = 16 * _OC
_RB = 1000
_NRB = _N // _RB
_NC, _NS = 2, 16
_NW = _NC * _NS

_EA_DEG_B = 42
_EAP = _NW * _EA_DEG_B * 128
_SEG_B = 84
_EDP2 = 16 * 160 * 128


def _mesh():
    return plsc.VectorSubcoreMesh(core_axis_name="c", subcore_axis_name="s")


def _tc1_body(deg2_ref, x_ref, w1_ref, m1_ref, dis_ref):
    degb = deg2_ref[0] + deg2_ref[1]
    dis = lax.rsqrt(degb[:, 0:1])
    dis_ref[...] = dis
    xs = x_ref[...] * dis
    m1_ref[0] = jnp.dot(xs, w1_ref[...], preferred_element_type=jnp.float32)


def _tc1(deg2, X, W1):
    return pl.pallas_call(
        _tc1_body,
        grid=(_NRB, 4),
        in_specs=[
            pl.BlockSpec((2, _RB, 16), lambda i, j: (0, i, 0)),
            pl.BlockSpec((_RB, 256), lambda i, j: (i, 0)),
            pl.BlockSpec((256, 128), lambda i, j: (0, j)),
        ],
        out_specs=[
            pl.BlockSpec((1, _RB, 128), lambda i, j: (j, i, 0)),
            pl.BlockSpec((_RB, 1), lambda i, j: (i, 0)),
        ],
        out_shape=[
            jax.ShapeDtypeStruct((4, _N, 128), jnp.float32),
            jax.ShapeDtypeStruct((_N, 1), jnp.float32),
        ],
    )(deg2, X, W1)


def _tc2a_body(hr_ref, dis_ref, t_ref, st_ref, acc):
    i = pl.program_id(1)
    t = (hr_ref[0] * dis_ref[...]) ** 2
    t_ref[0] = t

    @pl.when(i == 0)
    def _():
        acc[...] = jnp.zeros_like(acc)

    acc[0:1] += jnp.sum(t, axis=0, keepdims=True)
    acc[1:2] += jnp.sum(t * t, axis=0, keepdims=True)

    @pl.when(i == _NRB - 1)
    def _():
        st_ref[0] = acc[...]


def _tc2a(hr, dis):
    return pl.pallas_call(
        _tc2a_body,
        grid=(4, _NRB),
        in_specs=[
            pl.BlockSpec((1, _RB, 128), lambda k, i: (k, i, 0)),
            pl.BlockSpec((_RB, 1), lambda k, i: (i, 0)),
        ],
        out_specs=[
            pl.BlockSpec((1, _RB, 128), lambda k, i: (k, i, 0)),
            pl.BlockSpec((1, 8, 128), lambda k, i: (k, 0, 0)),
        ],
        out_shape=[
            jax.ShapeDtypeStruct((4, _N, 128), jnp.float32),
            jax.ShapeDtypeStruct((4, 8, 128), jnp.float32),
        ],
        scratch_shapes=[pltpu.VMEM((8, 128), jnp.float32)],
    )(hr, dis)


def _tc2b_body(t_ref, st_ref, g_ref, b_ref, dis_ref, w2_ref, m2_ref):
    k = pl.program_id(2)
    sm = st_ref[0, 0:1, :] * (1.0 / _N)
    sq = st_ref[0, 1:2, :] * (1.0 / _N)
    inv = lax.rsqrt(sq - sm * sm + EPS)
    hb = ((t_ref[0] - sm) * inv * g_ref[0, 0:1, :] + b_ref[0, 0:1, :]) * dis_ref[...]
    part = jnp.dot(hb, w2_ref[0], preferred_element_type=jnp.float32)

    @pl.when(k == 0)
    def _():
        m2_ref[0] = part

    @pl.when(k > 0)
    def _():
        m2_ref[0] += part


def _tc2b(t, st, gamma4, beta4, dis, w2r):
    return pl.pallas_call(
        _tc2b_body,
        grid=(_NRB, 2, 4),
        in_specs=[
            pl.BlockSpec((1, _RB, 128), lambda i, jo, k: (k, i, 0)),
            pl.BlockSpec((1, 8, 128), lambda i, jo, k: (k, 0, 0)),
            pl.BlockSpec((1, 8, 128), lambda i, jo, k: (k, 0, 0)),
            pl.BlockSpec((1, 8, 128), lambda i, jo, k: (k, 0, 0)),
            pl.BlockSpec((_RB, 1), lambda i, jo, k: (i, 0)),
            pl.BlockSpec((1, 128, 128), lambda i, jo, k: (k, 0, jo)),
        ],
        out_specs=pl.BlockSpec((1, _RB, 128), lambda i, jo, k: (jo, i, 0)),
        out_shape=jax.ShapeDtypeStruct((2, _N, 128), jnp.float32),
    )(t, st, gamma4, beta4, dis, w2r)


def _sc_deg(rows3, zeros16, ones16):
    @functools.partial(
        pl.kernel,
        out_type=jax.ShapeDtypeStruct((_NC * _PO, 16), jnp.float32),
        mesh=_mesh(),
        scratch_types=[
            pltpu.VMEM((_EA_DEG_B, 128), jnp.int32),
            pltpu.VMEM((128, 16), jnp.float32),
            pltpu.VMEM_SHARED((_NP, 16), jnp.float32),
        ],
    )
    def run(rows_h, z16_h, o16_h, deg_h, idx_v, ones_v, acc):
        c = lax.axis_index("c")
        s = lax.axis_index("s")
        wid = s * _NC + c
        pltpu.sync_copy(z16_h, acc.at[pl.ds(s * _ZC, _ZC)])
        pltpu.sync_copy(rows_h.at[wid], idx_v)
        pltpu.sync_copy(o16_h, ones_v)
        plsc.subcore_barrier()

        def bstep(b, carry):
            pltpu.sync_copy(ones_v, acc.at[idx_v.at[b]], add=True)
            return carry

        lax.fori_loop(0, _EA_DEG_B, bstep, 0)
        plsc.subcore_barrier()
        pltpu.sync_copy(acc.at[pl.ds(s * _OC, _OC)],
                        deg_h.at[pl.ds(c * _PO + s * _OC, _OC)])

    return run(rows3, zeros16, ones16).reshape(_NC, _PO, 16)


_SCH = 12


def _sc_segsum(nch, cols3, rows3, zerosb, mts):
    cpc = nch // _NC

    @functools.partial(
        pl.kernel,
        out_type=jax.ShapeDtypeStruct((nch * _PO, 128), jnp.float32),
        mesh=_mesh(),
        scratch_types=[
            pltpu.VMEM((_SCH, 128), jnp.int32),
            pltpu.VMEM((_SCH, 128), jnp.int32),
            pltpu.VMEM((128, 128), jnp.float32),
            pltpu.VMEM((128, 128), jnp.float32),
            pltpu.VMEM_SHARED((_NP, 128), jnp.float32),
            pltpu.SemaphoreType.DMA,
            pltpu.SemaphoreType.DMA,
            pltpu.SemaphoreType.DMA,
            pltpu.SemaphoreType.DMA,
        ],
    )
    def run(cols_h, rows_h, z_h, *rest):
        mt_hs = rest[:nch]
        out_h = rest[nch]
        cidx, ridx, g0, g1, acc, smg0, smg1, sms0, sms1 = rest[nch + 1:]
        c = lax.axis_index("c")
        s = lax.axis_index("s")
        for chunk in range(nch):
            my = (chunk // cpc) == c

            @pl.when(my)
            def _zero():
                pltpu.sync_copy(z_h, acc.at[pl.ds(s * _ZC, _ZC)])

            plsc.subcore_barrier()

            @pl.when(my)
            def _work():
                def q_step(q, cq):
                    cia = pltpu.async_copy(cols_h.at[s, q], cidx, smg0)
                    ria = pltpu.async_copy(rows_h.at[s, q], ridx, smg1)
                    cia.wait()
                    ria.wait()

                    def pair(i, cp):
                        b0 = 2 * i
                        b1 = 2 * i + 1
                        g0c = pltpu.async_copy(
                            mt_hs[chunk].at[cidx.at[b0]], g0, smg0)
                        g0c.wait()
                        g1c = pltpu.async_copy(
                            mt_hs[chunk].at[cidx.at[b1]], g1, smg1)
                        s0c = pltpu.async_copy(
                            g0, acc.at[ridx.at[b0]], sms0, add=True)
                        g1c.wait()
                        s0c.wait()
                        s1c = pltpu.async_copy(
                            g1, acc.at[ridx.at[b1]], sms1, add=True)
                        s1c.wait()
                        return cp

                    lax.fori_loop(0, _SCH // 2, pair, 0)
                    return cq

                lax.fori_loop(0, _SEG_B // _SCH, q_step, 0)

            plsc.subcore_barrier()

            @pl.when(my)
            def _out():
                pltpu.sync_copy(acc.at[pl.ds(s * _OC, _OC)],
                                out_h.at[pl.ds(chunk * _PO + s * _OC, _OC)])

    return run(cols3, rows3, zerosb, *mts).reshape(nch, _PO, 128)


def _tc3_body(zr_ref, dis_ref, z_ref):
    z_ref[0] = zr_ref[0] * dis_ref[...]


def _tc3(zr, dis_pad):
    return pl.pallas_call(
        _tc3_body,
        grid=(2, 16),
        in_specs=[
            pl.BlockSpec((1, _OC, 128), lambda k, i: (k, i, 0)),
            pl.BlockSpec((_OC, 1), lambda k, i: (i, 0)),
        ],
        out_specs=pl.BlockSpec((1, _OC, 128), lambda k, i: (k, i, 0)),
        out_shape=jax.ShapeDtypeStruct((2, _PO, 128), jnp.float32),
    )(zr, dis_pad)


_DB2 = 160
_DCH = 8
_EPS2 = _DB2 * 128
_ZT = _N - 15 * _OC


def _sc_decode(z0, z1, a3, b3):
    @functools.partial(
        pl.kernel,
        out_type=jax.ShapeDtypeStruct((_NC * _EDP2, 16), jnp.float32),
        mesh=_mesh(),
        scratch_types=[
            pltpu.VMEM((_DCH, 128), jnp.int32),
            pltpu.VMEM((_DCH, 128), jnp.int32),
            pltpu.VMEM((128, 128), jnp.float32),
            pltpu.VMEM((128, 128), jnp.float32),
            pltpu.VMEM((64, 16), jnp.float32),
            pltpu.VMEM_SHARED((_N, 128), jnp.float32),
            pltpu.SemaphoreType.DMA,
            pltpu.SemaphoreType.DMA,
        ],
    )
    def run(z0_h, z1_h, a_h, b_h, out_h, av, bv, ga, gb, prow, zsp,
            sema, semb):
        c = lax.axis_index("c")
        s = lax.axis_index("s")

        @pl.when(jnp.logical_and(c == 0, s < 15))
        def _():
            pltpu.sync_copy(z0_h.at[pl.ds(s * _OC, _OC)],
                            zsp.at[pl.ds(s * _OC, _OC)])

        @pl.when(jnp.logical_and(c == 0, s == 15))
        def _():
            pltpu.sync_copy(z0_h.at[pl.ds(15 * _OC, _ZT)],
                            zsp.at[pl.ds(15 * _OC, _ZT)])

        @pl.when(jnp.logical_and(c == 1, s < 15))
        def _():
            pltpu.sync_copy(z1_h.at[pl.ds(s * _OC, _OC)],
                            zsp.at[pl.ds(s * _OC, _OC)])

        @pl.when(jnp.logical_and(c == 1, s == 15))
        def _():
            pltpu.sync_copy(z1_h.at[pl.ds(15 * _OC, _ZT)],
                            zsp.at[pl.ds(15 * _OC, _ZT)])

        plsc.subcore_barrier()

        def chunk_step(ch, carry):
            ca = pltpu.async_copy(a_h.at[s, pl.ds(ch * _DCH, _DCH)], av, sema)
            cb = pltpu.async_copy(b_h.at[s, pl.ds(ch * _DCH, _DCH)], bv, semb)
            ca.wait()
            cb.wait()

            def batch(b, carry2):
                ga_c = pltpu.async_copy(zsp.at[av.at[b]], ga, sema)
                gb_c = pltpu.async_copy(zsp.at[bv.at[b]], gb, semb)
                ga_c.wait()
                gb_c.wait()

                for half in range(2):
                    def estep(e, cc):
                        eh = 64 * half + e
                        acc = ga[eh, pl.ds(0, 16)] * gb[eh, pl.ds(0, 16)]
                        for k in range(1, 8):
                            acc = acc + ga[eh, pl.ds(16 * k, 16)] * gb[eh, pl.ds(16 * k, 16)]
                        prow[e] = acc
                        return cc

                    lax.fori_loop(0, 64, estep, 0)
                    pltpu.sync_copy(
                        prow,
                        out_h.at[pl.ds(
                            c * _EDP2 + s * _EPS2
                            + 128 * (ch * _DCH + b) + 64 * half, 64)])
                return carry2

            lax.fori_loop(0, _DCH, batch, 0)
            return carry

        lax.fori_loop(0, _DB2 // _DCH, chunk_step, 0)

    return run(z0, z1, a3, b3)


_T4B = 2048


def _tc4_body(p0_ref, p1_ref, o_ref):
    tot = jnp.sum(p0_ref[...] + p1_ref[...], axis=1, keepdims=True)
    o_ref[...] = jax.nn.sigmoid(tot)


def _tc4(p0, p1):
    t = p0.shape[0]
    return pl.pallas_call(
        _tc4_body,
        grid=(t // _T4B,),
        in_specs=[
            pl.BlockSpec((_T4B, 16), lambda i: (i, 0)),
            pl.BlockSpec((_T4B, 16), lambda i: (i, 0)),
        ],
        out_specs=pl.BlockSpec((_T4B, 1), lambda i: (i, 0)),
        out_shape=jax.ShapeDtypeStruct((t, 1), jnp.float32),
    )(p0, p1)


def kernel(X, W1, W2, gamma, beta, adj_edge_index, pos_edge_index, neg_edge_index):
    E = pos_edge_index.shape[1]
    rows = adj_edge_index[0]
    cols = adj_edge_index[1]
    pad_a = _EAP - rows.shape[0]
    rows_p = jnp.concatenate([rows, jnp.full((pad_a,), _N, jnp.int32)])
    cols_p = jnp.concatenate([cols, jnp.zeros((pad_a,), jnp.int32)])
    rows32 = rows_p.reshape(_NW, _EA_DEG_B, 128)
    rows16 = rows_p.reshape(_NS, _SEG_B // _SCH, _SCH, 128)
    cols16 = cols_p.reshape(_NS, _SEG_B // _SCH, _SCH, 128)
    z16 = jnp.zeros((_ZC, 16), jnp.float32)
    ones16 = jnp.ones((128, 16), jnp.float32)
    z128 = jnp.zeros((_ZC, 128), jnp.float32)

    deg2 = _sc_deg(rows32, z16, ones16)[:, :_N, :]
    M1, dis = _tc1(deg2, X, W1)
    hr = _sc_segsum(4, cols16, rows16, z128, tuple(M1[i] for i in range(4)))[:, :_N]
    t, st = _tc2a(hr, dis)
    g4 = jnp.broadcast_to(gamma.reshape(4, 1, 128), (4, 8, 128))
    b4 = jnp.broadcast_to(beta.reshape(4, 1, 128), (4, 8, 128))
    M2 = _tc2b(t, st, g4, b4, dis, W2.reshape(4, 128, 256))
    zr = _sc_segsum(2, cols16, rows16, z128, (M2[0], M2[1]))
    dis_pad = jnp.concatenate(
        [dis, jnp.zeros((_PO - _N, 1), jnp.float32)])
    z = _tc3(zr, dis_pad)

    pad_d = _EDP2 - 2 * E
    A = jnp.concatenate([pos_edge_index[0], neg_edge_index[0],
                         jnp.zeros((pad_d,), jnp.int32)])
    B = jnp.concatenate([pos_edge_index[1], neg_edge_index[1],
                         jnp.zeros((pad_d,), jnp.int32)])
    part = _sc_decode(z[0], z[1],
                      A.reshape(_NS, _DB2, 128), B.reshape(_NS, _DB2, 128))
    sig = _tc4(part[:_EDP2], part[_EDP2:])
    return sig.reshape(-1)[: 2 * E].reshape(2, E)

# --- scband reference (transcript-rebuilt; emitter-appended) ---
"""Pipeline reference for scband-gae-18863496364073 (READ-ONLY COPY).

The authoritative reference and input builder live on the scoring server;
editing this copy changes nothing except your own understanding.
"""

import jax, jax.numpy as jnp
import numpy as np

EPS = 1e-5


def _spmm(rows, cols, vals, M, n):
    # out[i] = sum_{e: rows[e]==i} vals[e] * M[cols[e]]
    return jax.ops.segment_sum(vals[:, None] * M[cols], rows, num_segments=n)


def setup_inputs(seed: int = 0) -> dict:
    key = jax.random.key(seed)
    ks = jax.random.split(key, 8)
    N, E = 10000, 160000
    in_f, h1, h2 = 256, 512, 256
    src = jax.random.randint(ks[0], (E,), 0, N)
    dst = jax.random.randint(ks[1], (E,), 0, N)
    loop = jnp.arange(N)
    # adjacency in COO form with self-loops so every row degree > 0
    adj_edge_index = jnp.stack([
        jnp.concatenate([src, loop]),
        jnp.concatenate([dst, loop]),
    ]).astype(jnp.int32)
    X = jax.random.normal(ks[2], (N, in_f), jnp.float32)
    # torch.rand -> uniform [0,1)
    W1 = jax.random.uniform(ks[3], (in_f, h1), jnp.float32)
    W2 = jax.random.uniform(ks[4], (h1, h2), jnp.float32)
    gamma = jnp.ones((h1,), jnp.float32)
    beta = jnp.zeros((h1,), jnp.float32)
    pos_edge_index = jax.random.randint(ks[5], (2, E), 0, N).astype(jnp.int32)
    neg_edge_index = jax.random.randint(ks[6], (2, E), 0, N).astype(jnp.int32)
    return {"X": X, "W1": W1, "W2": W2, "gamma": gamma, "beta": beta,
            "adj_edge_index": adj_edge_index, "pos_edge_index": pos_edge_index,
            "neg_edge_index": neg_edge_index}


def reference(X, W1, W2, gamma, beta, adj_edge_index, pos_edge_index, neg_edge_index):
    N = X.shape[0]
    rows, cols = adj_edge_index[0], adj_edge_index[1]
    vals = jnp.ones(rows.shape[0], jnp.float32)
    # degrees = sparse row-sum; D = diag(1/sqrt(deg)); A_hat = D A D
    deg = jax.ops.segment_sum(vals, rows, num_segments=N)
    dis = jnp.sqrt(1.0 / deg)
    nvals = dis[rows] * vals * dis[cols]
    # gc1: A_hat @ (X @ W1)
    h = _spmm(rows, cols, nvals, X @ W1, N)
    h = h ** 2
    # BatchNorm1d (training mode: batch statistics, biased variance)
    mean = jnp.mean(h, axis=0)
    var = jnp.var(h, axis=0)
    h = (h - mean) / jnp.sqrt(var + EPS) * gamma + beta
    # gc2: A_hat @ (h @ W2)
    z = _spmm(rows, cols, nvals, h @ W2, N)
    # decode: inner-product link prediction on pos and neg edge lists
    pos = jax.nn.sigmoid(jnp.sum(z[pos_edge_index[0]] * z[pos_edge_index[1]], axis=1))
    neg = jax.nn.sigmoid(jnp.sum(z[neg_edge_index[0]] * z[neg_edge_index[1]], axis=1))
    return jnp.stack([pos, neg])

if __name__ == "__main__":
    import jax
    _d = setup_inputs()
    print(jax.jit(kernel)(*tuple(_d.values())))

</pallas_src>

<mosaic_0001>
#map = affine_map<(d0, d1) -> (0, 0, 0)>
#map1 = affine_map<(d0, d1) -> (0, 0)>
module attributes {stable_mosaic.version = 14 : i64} {
  func.func @run(%arg0: i32, %arg1: i32, %arg2: memref<32x42x128xi32, #tpu.memory_space<hbm>>, %arg3: memref<640x16xf32, #tpu.memory_space<hbm>>, %arg4: memref<128x16xf32, #tpu.memory_space<hbm>>, %arg5: memref<20224x16xf32, #tpu.memory_space<hbm>>, %arg6: memref<42x128xi32, #tpu.memory_space<vmem>>, %arg7: memref<128x16xf32, #tpu.memory_space<vmem>>, %arg8: memref<10240x16xf32, #tpu.memory_space<vmem_shared>>) attributes {dimension_semantics = [#tpu.dimension_semantics<core_parallel>, #tpu.dimension_semantics<subcore_parallel>], iteration_bounds = array<i64: 2, 16>, scalar_prefetch = 0 : i64, scratch_operands = 3 : i64, tpu.core_type = #tpu.core_type<sc_vector_subcore>, window_params = [{transform_indices = #map}, {transform_indices = #map1}, {transform_indices = #map1}, {transform_indices = #map1}]} {
    %mul3A = arith.constant 2 : i32
    %mul3A_0 = arith.muli %arg1, %mul3A : i32
    %add3A = arith.addi %mul3A_0, %arg0 : i32
    %mul3A_1 = arith.constant 640 : i32
    %mul3A_2 = arith.muli %arg1, %mul3A_1 : i32
    "tpu.region"() ({
      %run_scoped3A = tpu.sem_alloc : memref<!tpu.dma_semaphore, #tpu.memory_space<semaphore_mem>>
      %dma_start3A = arith.constant 0 : i32
      %dma_start3A_16 = tpu.memref_slice %arg8[%mul3A_2, %dma_start3A] : memref<10240x16xf32, #tpu.memory_space<vmem_shared>> -> memref<640x16xf32, #tpu.memory_space<vmem_shared>>
      tpu.enqueue_dma source(%arg3 : memref<640x16xf32, #tpu.memory_space<hbm>>) target(%dma_start3A_16 : memref<640x16xf32, #tpu.memory_space<vmem_shared>>) target_semaphore(%run_scoped3A : memref<!tpu.dma_semaphore, #tpu.memory_space<semaphore_mem>>)
      %dma_wait3A = arith.constant 0 : i32
      %dma_wait3A_17 = tpu.memref_slice %arg8[%mul3A_2, %dma_wait3A] : memref<10240x16xf32, #tpu.memory_space<vmem_shared>> -> memref<640x16xf32, #tpu.memory_space<vmem_shared>>
      tpu.wait_dma2 semaphore(%run_scoped3A : memref<!tpu.dma_semaphore, #tpu.memory_space<semaphore_mem>>) src(%arg3 : memref<640x16xf32, #tpu.memory_space<hbm>>) dst(%dma_wait3A_17 : memref<640x16xf32, #tpu.memory_space<vmem_shared>>)
      tpu.yield
    }) : () -> ()
    "tpu.region"() ({
      %run_scoped3A = tpu.sem_alloc : memref<!tpu.dma_semaphore, #tpu.memory_space<semaphore_mem>>
      %dma_start3A = arith.constant 0 : i32
      %dma_start3A_16 = arith.constant 0 : i32
      %dma_start3A_17 = tpu.memref_slice %arg2[%add3A, %dma_start3A, %dma_start3A_16] : memref<32x42x128xi32, #tpu.memory_space<hbm>> -> memref<1x42x128xi32, #tpu.memory_space<hbm>>
      %dma_start3A_18 = tpu.memref_squeeze %dma_start3A_17 : memref<1x42x128xi32, #tpu.memory_space<hbm>> -> memref<42x128xi32, #tpu.memory_space<hbm>>
      %dma_start3A_19 = arith.constant 0 : i32
      %dma_start3A_20 = arith.constant 0 : i32
      %dma_start3A_21 = tpu.memref_slice %arg2[%add3A, %dma_start3A_19, %dma_start3A_20] : memref<32x42x128xi32, #tpu.memory_space<hbm>> -> memref<1x42x128xi32, #tpu.memory_space<hbm>>
      %dma_start3A_22 = tpu.memref_squeeze %dma_start3A_21 : memref<1x42x128xi32, #tpu.memory_space<hbm>> -> memref<42x128xi32, #tpu.memory_space<hbm>>
      tpu.enqueue_dma source(%dma_start3A_22 : memref<42x128xi32, #tpu.memory_space<hbm>>) target(%arg6 : memref<42x128xi32, #tpu.memory_space<vmem>>) target_semaphore(%run_scoped3A : memref<!tpu.dma_semaphore, #tpu.memory_space<semaphore_mem>>)
      %dma_wait3A = arith.constant 0 : i32
      %dma_wait3A_23 = arith.constant 0 : i32
      %dma_wait3A_24 = tpu.memref_slice %arg2[%add3A, %dma_wait3A, %dma_wait3A_23] : memref<32x42x128xi32, #tpu.memory_space<hbm>> -> memref<1x42x128xi32, #tpu.memory_space<hbm>>
      %dma_wait3A_25 = tpu.memref_squeeze %dma_wait3A_24 : memref<1x42x128xi32, #tpu.memory_space<hbm>> -> memref<42x128xi32, #tpu.memory_space<hbm>>
      %dma_wait3A_26 = arith.constant 0 : i32
      %dma_wait3A_27 = arith.constant 0 : i32
      %dma_wait3A_28 = tpu.memref_slice %arg2[%add3A, %dma_wait3A_26, %dma_wait3A_27] : memref<32x42x128xi32, #tpu.memory_space<hbm>> -> memref<1x42x128xi32, #tpu.memory_space<hbm>>
      %dma_wait3A_29 = tpu.memref_squeeze %dma_wait3A_28 : memref<1x42x128xi32, #tpu.memory_space<hbm>> -> memref<42x128xi32, #tpu.memory_space<hbm>>
      tpu.wait_dma2 semaphore(%run_scoped3A : memref<!tpu.dma_semaphore, #tpu.memory_space<semaphore_mem>>) src(%dma_wait3A_29 : memref<42x128xi32, #tpu.memory_space<hbm>>) dst(%arg6 : memref<42x128xi32, #tpu.memory_space<vmem>>)
      tpu.yield
    }) : () -> ()
    "tpu.region"() ({
      %run_scoped3A = tpu.sem_alloc : memref<!tpu.dma_semaphore, #tpu.memory_space<semaphore_mem>>
      tpu.enqueue_dma source(%arg4 : memref<128x16xf32, #tpu.memory_space<hbm>>) target(%arg7 : memref<128x16xf32, #tpu.memory_space<vmem>>) target_semaphore(%run_scoped3A : memref<!tpu.dma_semaphore, #tpu.memory_space<semaphore_mem>>)
      tpu.wait_dma2 semaphore(%run_scoped3A : memref<!tpu.dma_semaphore, #tpu.memory_space<semaphore_mem>>) src(%arg4 : memref<128x16xf32, #tpu.memory_space<hbm>>) dst(%arg7 : memref<128x16xf32, #tpu.memory_space<vmem>>)
      tpu.yield
    }) : () -> ()
    %barrier3A = arith.constant 0 : index
    tpu.barrier barrier_id(%barrier3A)
    %scan3A = arith.constant 0 : i32
    %scan3A_3 = arith.constant 0 : i32
    %scan3A_4 = arith.constant 42 : i32
    %scan3A_5 = arith.addi %scan3A_3, %scan3A_4 : i32
    %scan3A_6 = arith.constant 1 : i32
    scf.for %scan3A_16 = %scan3A_3 to %scan3A_5 step %scan3A_6  : i32 {
      "tpu.region"() ({
        %run_scoped3A = tpu.sem_alloc : memref<!tpu.dma_semaphore, #tpu.memory_space<semaphore_mem>>
        %dma_start3A = arith.constant 0 : i32
        %dma_start3A_17 = tpu.memref_slice %arg6[%scan3A_16, %dma_start3A] : memref<42x128xi32, #tpu.memory_space<vmem>> -> memref<1x128xi32, #tpu.memory_space<vmem>>
        %dma_start3A_18 = tpu.memref_squeeze %dma_start3A_17 : memref<1x128xi32, #tpu.memory_space<vmem>> -> memref<128xi32, #tpu.memory_space<vmem>>
        %dma_start3A_19 = arith.constant 0 : i32
        %dma_start3A_20 = arith.constant 0 : i32
        %dma_start3A_21 = tpu.memref_slice %arg8[%dma_start3A_19, %dma_start3A_20] : memref<10240x16xf32, #tpu.memory_space<vmem_shared>> -> memref<10240x16xf32, #tpu.memory_space<vmem_shared>>
        tpu.enqueue_indirect_dma source(%arg7 : memref<128x16xf32, #tpu.memory_space<vmem>>) target(%dma_start3A_21 : memref<10240x16xf32, #tpu.memory_space<vmem_shared>>) offsets(%dma_start3A_18 : memref<128xi32, #tpu.memory_space<vmem>>) semaphore(%run_scoped3A : memref<!tpu.dma_semaphore, #tpu.memory_space<semaphore_mem>>) {add = true}
        %dma_wait3A = arith.constant 0 : i32
        %dma_wait3A_22 = tpu.memref_slice %arg6[%scan3A_16, %dma_wait3A] : memref<42x128xi32, #tpu.memory_space<vmem>> -> memref<1x128xi32, #tpu.memory_space<vmem>>
        %dma_wait3A_23 = tpu.memref_squeeze %dma_wait3A_22 : memref<1x128xi32, #tpu.memory_space<vmem>> -> memref<128xi32, #tpu.memory_space<vmem>>
        %dma_wait3A_24 = arith.constant 0 : i32
        %dma_wait3A_25 = arith.constant 0 : i32
        %dma_wait3A_26 = tpu.memref_slice %arg8[%dma_wait3A_24, %dma_wait3A_25] : memref<10240x16xf32, #tpu.memory_space<vmem_shared>> -> memref<10240x16xf32, #tpu.memory_space<vmem_shared>>
        tpu.wait_indirect_dma semaphore(%run_scoped3A : memref<!tpu.dma_semaphore, #tpu.memory_space<semaphore_mem>>) src(%arg7 : memref<128x16xf32, #tpu.memory_space<vmem>>) dst(%dma_wait3A_26 : memref<10240x16xf32, #tpu.memory_space<vmem_shared>>)
        tpu.yield
      }) : () -> ()
    }
    %scan3A_7 = arith.constant 42 : i32
    %barrier3A_8 = arith.constant 0 : index
    tpu.barrier barrier_id(%barrier3A_8)
    %mul3A_9 = arith.constant 632 : i32
    %mul3A_10 = arith.muli %arg1, %mul3A_9 : i32
    %mul3A_11 = arith.constant 10112 : i32
    %mul3A_12 = arith.muli %arg0, %mul3A_11 : i32
    %mul3A_13 = arith.constant 632 : i32
    %mul3A_14 = arith.muli %arg1, %mul3A_13 : i32
    %add3A_15 = arith.addi %mul3A_12, %mul3A_14 : i32
    "tpu.region"() ({
      %run_scoped3A = tpu.sem_alloc : memref<!tpu.dma_semaphore, #tpu.memory_space<semaphore_mem>>
      %dma_start3A = arith.constant 0 : i32
      %dma_start3A_16 = tpu.memref_slice %arg5[%add3A_15, %dma_start3A] : memref<20224x16xf32, #tpu.memory_space<hbm>> -> memref<632x16xf32, #tpu.memory_space<hbm>>
      %dma_start3A_17 = arith.constant 0 : i32
      %dma_start3A_18 = tpu.memref_slice %arg8[%mul3A_10, %dma_start3A_17] : memref<10240x16xf32, #tpu.memory_space<vmem_shared>> -> memref<632x16xf32, #tpu.memory_space<vmem_shared>>
      tpu.enqueue_dma source(%dma_start3A_18 : memref<632x16xf32, #tpu.memory_space<vmem_shared>>) target(%dma_start3A_16 : memref<632x16xf32, #tpu.memory_space<hbm>>) target_semaphore(%run_scoped3A : memref<!tpu.dma_semaphore, #tpu.memory_space<semaphore_mem>>)
      %dma_wait3A = arith.constant 0 : i32
      %dma_wait3A_19 = tpu.memref_slice %arg5[%add3A_15, %dma_wait3A] : memref<20224x16xf32, #tpu.memory_space<hbm>> -> memref<632x16xf32, #tpu.memory_space<hbm>>
      %dma_wait3A_20 = arith.constant 0 : i32
      %dma_wait3A_21 = tpu.memref_slice %arg8[%mul3A_10, %dma_wait3A_20] : memref<10240x16xf32, #tpu.memory_space<vmem_shared>> -> memref<632x16xf32, #tpu.memory_space<vmem_shared>>
      tpu.wait_dma2 semaphore(%run_scoped3A : memref<!tpu.dma_semaphore, #tpu.memory_space<semaphore_mem>>) src(%dma_wait3A_21 : memref<632x16xf32, #tpu.memory_space<vmem_shared>>) dst(%dma_wait3A_19 : memref<632x16xf32, #tpu.memory_space<hbm>>)
      tpu.yield
    }) : () -> ()
    return
  }
}

#map = affine_map<(d0, d1) -> (0, 0, 0, 0)>
#map1 = affine_map<(d0, d1) -> (0, 0)>
module attributes {stable_mosaic.version = 14 : i64} {
  func.func @run(%arg0: i32, %arg1: i32, %arg2: memref<16x7x12x128xi32, #tpu.memory_space<hbm>>, %arg3: memref<16x7x12x128xi32, #tpu.memory_space<hbm>>, %arg4: memref<640x128xf32, #tpu.memory_space<hbm>>, %arg5: memref<10000x128xf32, #tpu.memory_space<hbm>>, %arg6: memref<10000x128xf32, #tpu.memory_space<hbm>>, %arg7: memref<20224x128xf32, #tpu.memory_space<hbm>>, %arg8: memref<12x128xi32, #tpu.memory_space<vmem>>, %arg9: memref<12x128xi32, #tpu.memory_space<vmem>>, %arg10: memref<128x128xf32, #tpu.memory_space<vmem>>, %arg11: memref<128x128xf32, #tpu.memory_space<vmem>>, %arg12: memref<10240x128xf32, #tpu.memory_space<vmem_shared>>, %arg13: memref<!tpu.dma_semaphore, #tpu.memory_space<semaphore_mem>>, %arg14: memref<!tpu.dma_semaphore, #tpu.memory_space<semaphore_mem>>, %arg15: memref<!tpu.dma_semaphore, #tpu.memory_space<semaphore_mem>>, %arg16: memref<!tpu.dma_semaphore, #tpu.memory_space<semaphore_mem>>) attributes {dimension_semantics = [#tpu.dimension_semantics<core_parallel>, #tpu.dimension_semantics<subcore_parallel>], iteration_bounds = array<i64: 2, 16>, scalar_prefetch = 0 : i64, scratch_operands = 9 : i64, tpu.core_type = #tpu.core_type<sc_vector_subcore>, window_params = [{transform_indices = #map}, {transform_indices = #map}, {transform_indices = #map1}, {transform_indices = #map1}, {transform_indices = #map1}, {transform_indices = #map1}]} {
    %eq3A = arith.constant 0 : i32
    %eq3A_0 = arith.cmpi eq, %arg0, %eq3A : i32
    %convert_element_type3A = arith.extui %eq3A_0 : i1 to i32
    %cond3A = arith.constant 0 : i32
    %cond3A_1 = arith.cmpi ne, %convert_element_type3A, %cond3A : i32
    scf.if %cond3A_1 {
      %mul3A = arith.constant 640 : i32
      %mul3A_22 = arith.muli %arg1, %mul3A : i32
      "tpu.region"() ({
        %run_scoped3A = tpu.sem_alloc : memref<!tpu.dma_semaphore, #tpu.memory_space<semaphore_mem>>
        %dma_start3A = arith.constant 0 : i32
        %dma_start3A_23 = tpu.memref_slice %arg12[%mul3A_22, %dma_start3A] : memref<10240x128xf32, #tpu.memory_space<vmem_shared>> -> memref<640x128xf32, #tpu.memory_space<vmem_shared>>
        tpu.enqueue_dma source(%arg4 : memref<640x128xf32, #tpu.memory_space<hbm>>) target(%dma_start3A_23 : memref<640x128xf32, #tpu.memory_space<vmem_shared>>) target_semaphore(%run_scoped3A : memref<!tpu.dma_semaphore, #tpu.memory_space<semaphore_mem>>)
        %dma_wait3A = arith.constant 0 : i32
        %dma_wait3A_24 = tpu.memref_slice %arg12[%mul3A_22, %dma_wait3A] : memref<10240x128xf32, #tpu.memory_space<vmem_shared>> -> memref<640x128xf32, #tpu.memory_space<vmem_shared>>
        tpu.wait_dma2 semaphore(%run_scoped3A : memref<!tpu.dma_semaphore, #tpu.memory_space<semaphore_mem>>) src(%arg4 : memref<640x128xf32, #tpu.memory_space<hbm>>) dst(%dma_wait3A_24 : memref<640x128xf32, #tpu.memory_space<vmem_shared>>)
        tpu.yield
      }) : () -> ()
    } else {
    }
    %barrier3A = arith.constant 0 : index
    tpu.barrier barrier_id(%barrier3A)
    %convert_element_type3A_2 = arith.extui %eq3A_0 : i1 to i32
    %cond3A_3 = arith.constant 0 : i32
    %cond3A_4 = arith.cmpi ne, %convert_element_type3A_2, %cond3A_3 : i32
    scf.if %cond3A_4 {
      %scan3A = arith.constant 0 : i32
      %scan3A_22 = arith.constant 0 : i32
      %scan3A_23 = arith.constant 7 : i32
      %scan3A_24 = arith.addi %scan3A_22, %scan3A_23 : i32
      %scan3A_25 = arith.constant 1 : i32
      scf.for %scan3A_27 = %scan3A_22 to %scan3A_24 step %scan3A_25  : i32 {
        %dma_start3A = arith.constant 0 : i32
        %dma_start3A_28 = arith.constant 0 : i32
        %dma_start3A_29 = tpu.memref_slice %arg2[%arg1, %scan3A_27, %dma_start3A, %dma_start3A_28] : memref<16x7x12x128xi32, #tpu.memory_space<hbm>> -> memref<1x1x12x128xi32, #tpu.memory_space<hbm>>
        %dma_start3A_30 = tpu.memref_squeeze %dma_start3A_29 : memref<1x1x12x128xi32, #tpu.memory_space<hbm>> -> memref<12x128xi32, #tpu.memory_space<hbm>>
        %dma_start3A_31 = arith.constant 0 : i32
        %dma_start3A_32 = arith.constant 0 : i32
        %dma_start3A_33 = tpu.memref_slice %arg2[%arg1, %scan3A_27, %dma_start3A_31, %dma_start3A_32] : memref<16x7x12x128xi32, #tpu.memory_space<hbm>> -> memref<1x1x12x128xi32, #tpu.memory_space<hbm>>
        %dma_start3A_34 = tpu.memref_squeeze %dma_start3A_33 : memref<1x1x12x128xi32, #tpu.memory_space<hbm>> -> memref<12x128xi32, #tpu.memory_space<hbm>>
        tpu.enqueue_dma source(%dma_start3A_34 : memref<12x128xi32, #tpu.memory_space<hbm>>) target(%arg8 : memref<12x128xi32, #tpu.memory_space<vmem>>) target_semaphore(%arg13 : memref<!tpu.dma_semaphore, #tpu.memory_space<semaphore_mem>>)
        %dma_start3A_35 = arith.constant 0 : i32
        %dma_start3A_36 = arith.constant 0 : i32
        %dma_start3A_37 = tpu.memref_slice %arg3[%arg1, %scan3A_27, %dma_start3A_35, %dma_start3A_36] : memref<16x7x12x128xi32, #tpu.memory_space<hbm>> -> memref<1x1x12x128xi32, #tpu.memory_space<hbm>>
        %dma_start3A_38 = tpu.memref_squeeze %dma_start3A_37 : memref<1x1x12x128xi32, #tpu.memory_space<hbm>> -> memref<12x128xi32, #tpu.memory_space<hbm>>
        %dma_start3A_39 = arith.constant 0 : i32
        %dma_start3A_40 = arith.constant 0 : i32
        %dma_start3A_41 = tpu.memref_slice %arg3[%arg1, %scan3A_27, %dma_start3A_39, %dma_start3A_40] : memref<16x7x12x128xi32, #tpu.memory_space<hbm>> -> memref<1x1x12x128xi32, #tpu.memory_space<hbm>>
        %dma_start3A_42 = tpu.memref_squeeze %dma_start3A_41 : memref<1x1x12x128xi32, #tpu.memory_space<hbm>> -> memref<12x128xi32, #tpu.memory_space<hbm>>
        tpu.enqueue_dma source(%dma_start3A_42 : memref<12x128xi32, #tpu.memory_space<hbm>>) target(%arg9 : memref<12x128xi32, #tpu.memory_space<vmem>>) target_semaphore(%arg14 : memref<!tpu.dma_semaphore, #tpu.memory_space<semaphore_mem>>)
        %dma_wait3A = arith.constant 0 : i32
        %dma_wait3A_43 = arith.constant 0 : i32
        %dma_wait3A_44 = tpu.memref_slice %arg2[%arg1, %scan3A_27, %dma_wait3A, %dma_wait3A_43] : memref<16x7x12x128xi32, #tpu.memory_space<hbm>> -> memref<1x1x12x128xi32, #tpu.memory_space<hbm>>
        %dma_wait3A_45 = tpu.memref_squeeze %dma_wait3A_44 : memref<1x1x12x128xi32, #tpu.memory_space<hbm>> -> memref<12x128xi32, #tpu.memory_space<hbm>>
        %dma_wait3A_46 = arith.constant 0 : i32
        %dma_wait3A_47 = arith.constant 0 : i32
        %dma_wait3A_48 = tpu.memref_slice %arg2[%arg1, %scan3A_27, %dma_wait3A_46, %dma_wait3A_47] : memref<16x7x12x128xi32, #tpu.memory_space<hbm>> -> memref<1x1x12x128xi32, #tpu.memory_space<hbm>>
        %dma_wait3A_49 = tpu.memref_squeeze %dma_wait3A_48 : memref<1x1x12x128xi32, #tpu.memory_space<hbm>> -> memref<12x128xi32, #tpu.memory_space<hbm>>
        tpu.wait_dma2 semaphore(%arg13 : memref<!tpu.dma_semaphore, #tpu.memory_space<semaphore_mem>>) src(%dma_wait3A_49 : memref<12x128xi32, #tpu.memory_space<hbm>>) dst(%arg8 : memref<12x128xi32, #tpu.memory_space<vmem>>)
        %dma_wait3A_50 = arith.constant 0 : i32
        %dma_wait3A_51 = arith.constant 0 : i32
        %dma_wait3A_52 = tpu.memref_slice %arg3[%arg1, %scan3A_27, %dma_wait3A_50, %dma_wait3A_51] : memref<16x7x12x128xi32, #tpu.memory_space<hbm>> -> memref<1x1x12x128xi32, #tpu.memory_space<hbm>>
        %dma_wait3A_53 = tpu.memref_squeeze %dma_wait3A_52 : memref<1x1x12x128xi32, #tpu.memory_space<hbm>> -> memref<12x128xi32, #tpu.memory_space<hbm>>
        %dma_wait3A_54 = arith.constant 0 : i32
        %dma_wait3A_55 = arith.constant 0 : i32
        %dma_wait3A_56 = tpu.memref_slice %arg3[%arg1, %scan3A_27, %dma_wait3A_54, %dma_wait3A_55] : memref<16x7x12x128xi32, #tpu.memory_space<hbm>> -> memref<1x1x12x128xi32, #tpu.memory_space<hbm>>
        %dma_wait3A_57 = tpu.memref_squeeze %dma_wait3A_56 : memref<1x1x12x128xi32, #tpu.memory_space<hbm>> -> memref<12x128xi32, #tpu.memory_space<hbm>>
        tpu.wait_dma2 semaphore(%arg14 : memref<!tpu.dma_semaphore, #tpu.memory_space<semaphore_mem>>) src(%dma_wait3A_57 : memref<12x128xi32, #tpu.memory_space<hbm>>) dst(%arg9 : memref<12x128xi32, #tpu.memory_space<vmem>>)
        %scan3A_58 = arith.constant 0 : i32
        %scan3A_59 = arith.constant 0 : i32
        %scan3A_60 = arith.constant 6 : i32
        %scan3A_61 = arith.addi %scan3A_59, %scan3A_60 : i32
        %scan3A_62 = arith.constant 1 : i32
        scf.for %scan3A_64 = %scan3A_59 to %scan3A_61 step %scan3A_62  : i32 {
          %mul3A = arith.constant 2 : i32
          %mul3A_65 = arith.muli %mul3A, %scan3A_64 : i32
          %mul3A_66 = arith.constant 2 : i32
          %mul3A_67 = arith.muli %mul3A_66, %scan3A_64 : i32
          %add3A = arith.constant 1 : i32
          %add3A_68 = arith.addi %mul3A_67, %add3A : i32
          %dma_start3A_69 = arith.constant 0 : i32
          %dma_start3A_70 = tpu.memref_slice %arg8[%mul3A_65, %dma_start3A_69] : memref<12x128xi32, #tpu.memory_space<vmem>> -> memref<1x128xi32, #tpu.memory_space<vmem>>
          %dma_start3A_71 = tpu.memref_squeeze %dma_start3A_70 : memref<1x128xi32, #tpu.memory_space<vmem>> -> memref<128xi32, #tpu.memory_space<vmem>>
          %dma_start3A_72 = arith.constant 0 : i32
          %dma_start3A_73 = arith.constant 0 : i32
          %dma_start3A_74 = tpu.memref_slice %arg5[%dma_start3A_72, %dma_start3A_73] : memref<10000x128xf32, #tpu.memory_space<hbm>> -> memref<10000x128xf32, #tpu.memory_space<hbm>>
          tpu.enqueue_indirect_dma source(%dma_start3A_74 : memref<10000x128xf32, #tpu.memory_space<hbm>>) target(%arg10 : memref<128x128xf32, #tpu.memory_space<vmem>>) offsets(%dma_start3A_71 : memref<128xi32, #tpu.memory_space<vmem>>) semaphore(%arg13 : memref<!tpu.dma_semaphore, #tpu.memory_space<semaphore_mem>>)
          %dma_wait3A_75 = arith.constant 0 : i32
          %dma_wait3A_76 = tpu.memref_slice %arg8[%mul3A_65, %dma_wait3A_75] : memref<12x128xi32, #tpu.memory_space<vmem>> -> memref<1x128xi32, #tpu.memory_space<vmem>>
          %dma_wait3A_77 = tpu.memref_squeeze %dma_wait3A_76 : memref<1x128xi32, #tpu.memory_space<vmem>> -> memref<128xi32, #tpu.memory_space<vmem>>
          %dma_wait3A_78 = arith.constant 0 : i32
          %dma_wait3A_79 = arith.constant 0 : i32
          %dma_wait3A_80 = tpu.memref_slice %arg5[%dma_wait3A_78, %dma_wait3A_79] : memref<10000x128xf32, #tpu.memory_space<hbm>> -> memref<10000x128xf32, #tpu.memory_space<hbm>>
          tpu.wait_indirect_dma semaphore(%arg13 : memref<!tpu.dma_semaphore, #tpu.memory_space<semaphore_mem>>) src(%dma_wait3A_80 : memref<10000x128xf32, #tpu.memory_space<hbm>>) dst(%arg10 : memref<128x128xf32, #tpu.memory_space<vmem>>)
          %dma_start3A_81 = arith.constant 0 : i32
          %dma_start3A_82 = tpu.memref_slice %arg8[%add3A_68, %dma_start3A_81] : memref<12x128xi32, #tpu.memory_space<vmem>> -> memref<1x128xi32, #tpu.memory_space<vmem>>
          %dma_start3A_83 = tpu.memref_squeeze %dma_start3A_82 : memref<1x128xi32, #tpu.memory_space<vmem>> -> memref<128xi32, #tpu.memory_space<vmem>>
          %dma_start3A_84 = arith.constant 0 : i32
          %dma_start3A_85 = arith.constant 0 : i32
          %dma_start3A_86 = tpu.memref_slice %arg5[%dma_start3A_84, %dma_start3A_85] : memref<10000x128xf32, #tpu.memory_space<hbm>> -> memref<10000x128xf32, #tpu.memory_space<hbm>>
          tpu.enqueue_indirect_dma source(%dma_start3A_86 : memref<10000x128xf32, #tpu.memory_space<hbm>>) target(%arg11 : memref<128x128xf32, #tpu.memory_space<vmem>>) offsets(%dma_start3A_83 : memref<128xi32, #tpu.memory_space<vmem>>) semaphore(%arg14 : memref<!tpu.dma_semaphore, #tpu.memory_space<semaphore_mem>>)
          %dma_start3A_87 = arith.constant 0 : i32
          %dma_start3A_88 = tpu.memref_slice %arg9[%mul3A_65, %dma_start3A_87] : memref<12x128xi32, #tpu.memory_space<vmem>> -> memref<1x128xi32, #tpu.memory_space<vmem>>
          %dma_start3A_89 = tpu.memref_squeeze %dma_start3A_88 : memref<1x128xi32, #tpu.memory_space<vmem>> -> memref<128xi32, #tpu.memory_space<vmem>>
          %dma_start3A_90 = arith.constant 0 : i32
          %dma_start3A_91 = arith.constant 0 : i32
          %dma_start3A_92 = tpu.memref_slice %arg12[%dma_start3A_90, %dma_start3A_91] : memref<10240x128xf32, #tpu.memory_space<vmem_shared>> -> memref<10240x128xf32, #tpu.memory_space<vmem_shared>>
          tpu.enqueue_indirect_dma source(%arg10 : memref<128x128xf32, #tpu.memory_space<vmem>>) target(%dma_start3A_92 : memref<10240x128xf32, #tpu.memory_space<vmem_shared>>) offsets(%dma_start3A_89 : memref<128xi32, #tpu.memory_space<vmem>>) semaphore(%arg15 : memref<!tpu.dma_semaphore, #tpu.memory_space<semaphore_mem>>) {add = true}
          %dma_wait3A_93 = arith.constant 0 : i32
          %dma_wait3A_94 = tpu.memref_slice %arg8[%add3A_68, %dma_wait3A_93] : memref<12x128xi32, #tpu.memory_space<vmem>> -> memref<1x128xi32, #tpu.memory_space<vmem>>
          %dma_wait3A_95 = tpu.memref_squeeze %dma_wait3A_94 : memref<1x128xi32, #tpu.memory_space<vmem>> -> memref<128xi32, #tpu.memory_space<vmem>>
          %dma_wait3A_96 = arith.constant 0 : i32
          %dma_wait3A_97 = arith.constant 0 : i32
          %dma_wait3A_98 = tpu.memref_slice %arg5[%dma_wait3A_96, %dma_wait3A_97] : memref<10000x128xf32, #tpu.memory_space<hbm>> -> memref<10000x128xf32, #tpu.memory_space<hbm>>
          tpu.wait_indirect_dma semaphore(%arg14 : memref<!tpu.dma_semaphore, #tpu.memory_space<semaphore_mem>>) src(%dma_wait3A_98 : memref<10000x128xf32, #tpu.memory_space<hbm>>) dst(%arg11 : memref<128x128xf32, #tpu.memory_space<vmem>>)
          %dma_wait3A_99 = arith.constant 0 : i32
          %dma_wait3A_100 = tpu.memref_slice %arg9[%mul3A_65, %dma_wait3A_99] : memref<12x128xi32, #tpu.memory_space<vmem>> -> memref<1x128xi32, #tpu.memory_space<vmem>>
          %dma_wait3A_101 = tpu.memref_squeeze %dma_wait3A_100 : memref<1x128xi32, #tpu.memory_space<vmem>> -> memref<128xi32, #tpu.memory_space<vmem>>
          %dma_wait3A_102 = arith.constant 0 : i32
          %dma_wait3A_103 = arith.constant 0 : i32
          %dma_wait3A_104 = tpu.memref_slice %arg12[%dma_wait3A_102, %dma_wait3A_103] : memref<10240x128xf32, #tpu.memory_space<vmem_shared>> -> memref<10240x128xf32, #tpu.memory_space<vmem_shared>>
          tpu.wait_indirect_dma semaphore(%arg15 : memref<!tpu.dma_semaphore, #tpu.memory_space<semaphore_mem>>) src(%arg10 : memref<128x128xf32, #tpu.memory_space<vmem>>) dst(%dma_wait3A_104 : memref<10240x128xf32, #tpu.memory_space<vmem_shared>>)
          %dma_start3A_105 = arith.constant 0 : i32
          %dma_start3A_106 = tpu.memref_slice %arg9[%add3A_68, %dma_start3A_105] : memref<12x128xi32, #tpu.memory_space<vmem>> -> memref<1x128xi32, #tpu.memory_space<vmem>>
          %dma_start3A_107 = tpu.memref_squeeze %dma_start3A_106 : memref<1x128xi32, #tpu.memory_space<vmem>> -> memref<128xi32, #tpu.memory_space<vmem>>
          %dma_start3A_108 = arith.constant 0 : i32
          %dma_start3A_109 = arith.constant 0 : i32
          %dma_start3A_110 = tpu.memref_slice %arg12[%dma_start3A_108, %dma_start3A_109] : memref<10240x128xf32, #tpu.memory_space<vmem_shared>> -> memref<10240x128xf32, #tpu.memory_space<vmem_shared>>
          tpu.enqueue_indirect_dma source(%arg11 : memref<128x128xf32, #tpu.memory_space<vmem>>) target(%dma_start3A_110 : memref<10240x128xf32, #tpu.memory_space<vmem_shared>>) offsets(%dma_start3A_107 : memref<128xi32, #tpu.memory_space<vmem>>) semaphore(%arg16 : memref<!tpu.dma_semaphore, #tpu.memory_space<semaphore_mem>>) {add = true}
          %dma_wait3A_111 = arith.constant 0 : i32
          %dma_wait3A_112 = tpu.memref_slice %arg9[%add3A_68, %dma_wait3A_111] : memref<12x128xi32, #tpu.memory_space<vmem>> -> memref<1x128xi32, #tpu.memory_space<vmem>>
          %dma_wait3A_113 = tpu.memref_squeeze %dma_wait3A_112 : memref<1x128xi32, #tpu.memory_space<vmem>> -> memref<128xi32, #tpu.memory_space<vmem>>
          %dma_wait3A_114 = arith.constant 0 : i32
          %dma_wait3A_115 = arith.constant 0 : i32
          %dma_wait3A_116 = tpu.memref_slice %arg12[%dma_wait3A_114, %dma_wait3A_115] : memref<10240x128xf32, #tpu.memory_space<vmem_shared>> -> memref<10240x128xf32, #tpu.memory_space<vmem_shared>>
          tpu.wait_indirect_dma semaphore(%arg16 : memref<!tpu.dma_semaphore, #tpu.memory_space<semaphore_mem>>) src(%arg11 : memref<128x128xf32, #tpu.memory_space<vmem>>) dst(%dma_wait3A_116 : memref<10240x128xf32, #tpu.memory_space<vmem_shared>>)
        }
        %scan3A_63 = arith.constant 6 : i32
      }
      %scan3A_26 = arith.constant 7 : i32
    } else {
    }
    %barrier3A_5 = arith.constant 0 : index
    tpu.barrier barrier_id(%barrier3A_5)
    %convert_element_type3A_6 = arith.extui %eq3A_0 : i1 to i32
    %cond3A_7 = arith.constant 0 : i32
    %cond3A_8 = arith.cmpi ne, %convert_element_type3A_6, %cond3A_7 : i32
    scf.if %cond3A_8 {
      %mul3A = arith.constant 632 : i32
      %mul3A_22 = arith.muli %arg1, %mul3A : i32
      %mul3A_23 = arith.constant 632 : i32
      %mul3A_24 = arith.muli %arg1, %mul3A_23 : i32
      %add3A = arith.constant 0 : i32
      %add3A_25 = arith.addi %add3A, %mul3A_24 : i32
      "tpu.region"() ({
        %run_scoped3A = tpu.sem_alloc : memref<!tpu.dma_semaphore, #tpu.memory_space<semaphore_mem>>
        %dma_start3A = arith.constant 0 : i32
        %dma_start3A_26 = tpu.memref_slice %arg7[%add3A_25, %dma_start3A] : memref<20224x128xf32, #tpu.memory_space<hbm>> -> memref<632x128xf32, #tpu.memory_space<hbm>>
        %dma_start3A_27 = arith.constant 0 : i32
        %dma_start3A_28 = tpu.memref_slice %arg12[%mul3A_22, %dma_start3A_27] : memref<10240x128xf32, #tpu.memory_space<vmem_shared>> -> memref<632x128xf32, #tpu.memory_space<vmem_shared>>
        tpu.enqueue_dma source(%dma_start3A_28 : memref<632x128xf32, #tpu.memory_space<vmem_shared>>) target(%dma_start3A_26 : memref<632x128xf32, #tpu.memory_space<hbm>>) target_semaphore(%run_scoped3A : memref<!tpu.dma_semaphore, #tpu.memory_space<semaphore_mem>>)
        %dma_wait3A = arith.constant 0 : i32
        %dma_wait3A_29 = tpu.memref_slice %arg7[%add3A_25, %dma_wait3A] : memref<20224x128xf32, #tpu.memory_space<hbm>> -> memref<632x128xf32, #tpu.memory_space<hbm>>
        %dma_wait3A_30 = arith.constant 0 : i32
        %dma_wait3A_31 = tpu.memref_slice %arg12[%mul3A_22, %dma_wait3A_30] : memref<10240x128xf32, #tpu.memory_space<vmem_shared>> -> memref<632x128xf32, #tpu.memory_space<vmem_shared>>
        tpu.wait_dma2 semaphore(%run_scoped3A : memref<!tpu.dma_semaphore, #tpu.memory_space<semaphore_mem>>) src(%dma_wait3A_31 : memref<632x128xf32, #tpu.memory_space<vmem_shared>>) dst(%dma_wait3A_29 : memref<632x128xf32, #tpu.memory_space<hbm>>)
        tpu.yield
      }) : () -> ()
    } else {
    }
    %eq3A_9 = arith.constant 1 : i32
    %eq3A_10 = arith.cmpi eq, %arg0, %eq3A_9 : i32
    %convert_element_type3A_11 = arith.extui %eq3A_10 : i1 to i32
    %cond3A_12 = arith.constant 0 : i32
    %cond3A_13 = arith.cmpi ne, %convert_element_type3A_11, %cond3A_12 : i32
    scf.if %cond3A_13 {
      %mul3A = arith.constant 640 : i32
      %mul3A_22 = arith.muli %arg1, %mul3A : i32
      "tpu.region"() ({
        %run_scoped3A = tpu.sem_alloc : memref<!tpu.dma_semaphore, #tpu.memory_space<semaphore_mem>>
        %dma_start3A = arith.constant 0 : i32
        %dma_start3A_23 = tpu.memref_slice %arg12[%mul3A_22, %dma_start3A] : memref<10240x128xf32, #tpu.memory_space<vmem_shared>> -> memref<640x128xf32, #tpu.memory_space<vmem_shared>>
        tpu.enqueue_dma source(%arg4 : memref<640x128xf32, #tpu.memory_space<hbm>>) target(%dma_start3A_23 : memref<640x128xf32, #tpu.memory_space<vmem_shared>>) target_semaphore(%run_scoped3A : memref<!tpu.dma_semaphore, #tpu.memory_space<semaphore_mem>>)
        %dma_wait3A = arith.constant 0 : i32
        %dma_wait3A_24 = tpu.memref_slice %arg12[%mul3A_22, %dma_wait3A] : memref<10240x128xf32, #tpu.memory_space<vmem_shared>> -> memref<640x128xf32, #tpu.memory_space<vmem_shared>>
        tpu.wait_dma2 semaphore(%run_scoped3A : memref<!tpu.dma_semaphore, #tpu.memory_space<semaphore_mem>>) src(%arg4 : memref<640x128xf32, #tpu.memory_space<hbm>>) dst(%dma_wait3A_24 : memref<640x128xf32, #tpu.memory_space<vmem_shared>>)
        tpu.yield
      }) : () -> ()
    } else {
    }
    %barrier3A_14 = arith.constant 0 : index
    tpu.barrier barrier_id(%barrier3A_14)
    %convert_element_type3A_15 = arith.extui %eq3A_10 : i1 to i32
    %cond3A_16 = arith.constant 0 : i32
    %cond3A_17 = arith.cmpi ne, %convert_element_type3A_15, %cond3A_16 : i32
    scf.if %cond3A_17 {
      %scan3A = arith.constant 0 : i32
      %scan3A_22 = arith.constant 0 : i32
      %scan3A_23 = arith.constant 7 : i32
      %scan3A_24 = arith.addi %scan3A_22, %scan3A_23 : i32
      %scan3A_25 = arith.constant 1 : i32
      scf.for %scan3A_27 = %scan3A_22 to %scan3A_24 step %scan3A_25  : i32 {
        %dma_start3A = arith.constant 0 : i32
        %dma_start3A_28 = arith.constant 0 : i32
        %dma_start3A_29 = tpu.memref_slice %arg2[%arg1, %scan3A_27, %dma_start3A, %dma_start3A_28] : memref<16x7x12x128xi32, #tpu.memory_space<hbm>> -> memref<1x1x12x128xi32, #tpu.memory_space<hbm>>
        %dma_start3A_30 = tpu.memref_squeeze %dma_start3A_29 : memref<1x1x12x128xi32, #tpu.memory_space<hbm>> -> memref<12x128xi32, #tpu.memory_space<hbm>>
        %dma_start3A_31 = arith.constant 0 : i32
        %dma_start3A_32 = arith.constant 0 : i32
        %dma_start3A_33 = tpu.memref_slice %arg2[%arg1, %scan3A_27, %dma_start3A_31, %dma_start3A_32] : memref<16x7x12x128xi32, #tpu.memory_space<hbm>> -> memref<1x1x12x128xi32, #tpu.memory_space<hbm>>
        %dma_start3A_34 = tpu.memref_squeeze %dma_start3A_33 : memref<1x1x12x128xi32, #tpu.memory_space<hbm>> -> memref<12x128xi32, #tpu.memory_space<hbm>>
        tpu.enqueue_dma source(%dma_start3A_34 : memref<12x128xi32, #tpu.memory_space<hbm>>) target(%arg8 : memref<12x128xi32, #tpu.memory_space<vmem>>) target_semaphore(%arg13 : memref<!tpu.dma_semaphore, #tpu.memory_space<semaphore_mem>>)
        %dma_start3A_35 = arith.constant 0 : i32
        %dma_start3A_36 = arith.constant 0 : i32
        %dma_start3A_37 = tpu.memref_slice %arg3[%arg1, %scan3A_27, %dma_start3A_35, %dma_start3A_36] : memref<16x7x12x128xi32, #tpu.memory_space<hbm>> -> memref<1x1x12x128xi32, #tpu.memory_space<hbm>>
        %dma_start3A_38 = tpu.memref_squeeze %dma_start3A_37 : memref<1x1x12x128xi32, #tpu.memory_space<hbm>> -> memref<12x128xi32, #tpu.memory_space<hbm>>
        %dma_start3A_39 = arith.constant 0 : i32
        %dma_start3A_40 = arith.constant 0 : i32
        %dma_start3A_41 = tpu.memref_slice %arg3[%arg1, %scan3A_27, %dma_start3A_39, %dma_start3A_40] : memref<16x7x12x128xi32, #tpu.memory_space<hbm>> -> memref<1x1x12x128xi32, #tpu.memory_space<hbm>>
        %dma_start3A_42 = tpu.memref_squeeze %dma_start3A_41 : memref<1x1x12x128xi32, #tpu.memory_space<hbm>> -> memref<12x128xi32, #tpu.memory_space<hbm>>
        tpu.enqueue_dma source(%dma_start3A_42 : memref<12x128xi32, #tpu.memory_space<hbm>>) target(%arg9 : memref<12x128xi32, #tpu.memory_space<vmem>>) target_semaphore(%arg14 : memref<!tpu.dma_semaphore, #tpu.memory_space<semaphore_mem>>)
        %dma_wait3A = arith.constant 0 : i32
        %dma_wait3A_43 = arith.constant 0 : i32
        %dma_wait3A_44 = tpu.memref_slice %arg2[%arg1, %scan3A_27, %dma_wait3A, %dma_wait3A_43] : memref<16x7x12x128xi32, #tpu.memory_space<hbm>> -> memref<1x1x12x128xi32, #tpu.memory_space<hbm>>
        %dma_wait3A_45 = tpu.memref_squeeze %dma_wait3A_44 : memref<1x1x12x128xi32, #tpu.memory_space<hbm>> -> memref<12x128xi32, #tpu.memory_space<hbm>>
        %dma_wait3A_46 = arith.constant 0 : i32
        %dma_wait3A_47 = arith.constant 0 : i32
        %dma_wait3A_48 = tpu.memref_slice %arg2[%arg1, %scan3A_27, %dma_wait3A_46, %dma_wait3A_47] : memref<16x7x12x128xi32, #tpu.memory_space<hbm>> -> memref<1x1x12x128xi32, #tpu.memory_space<hbm>>
        %dma_wait3A_49 = tpu.memref_squeeze %dma_wait3A_48 : memref<1x1x12x128xi32, #tpu.memory_space<hbm>> -> memref<12x128xi32, #tpu.memory_space<hbm>>
        tpu.wait_dma2 semaphore(%arg13 : memref<!tpu.dma_semaphore, #tpu.memory_space<semaphore_mem>>) src(%dma_wait3A_49 : memref<12x128xi32, #tpu.memory_space<hbm>>) dst(%arg8 : memref<12x128xi32, #tpu.memory_space<vmem>>)
        %dma_wait3A_50 = arith.constant 0 : i32
        %dma_wait3A_51 = arith.constant 0 : i32
        %dma_wait3A_52 = tpu.memref_slice %arg3[%arg1, %scan3A_27, %dma_wait3A_50, %dma_wait3A_51] : memref<16x7x12x128xi32, #tpu.memory_space<hbm>> -> memref<1x1x12x128xi32, #tpu.memory_space<hbm>>
        %dma_wait3A_53 = tpu.memref_squeeze %dma_wait3A_52 : memref<1x1x12x128xi32, #tpu.memory_space<hbm>> -> memref<12x128xi32, #tpu.memory_space<hbm>>
        %dma_wait3A_54 = arith.constant 0 : i32
        %dma_wait3A_55 = arith.constant 0 : i32
        %dma_wait3A_56 = tpu.memref_slice %arg3[%arg1, %scan3A_27, %dma_wait3A_54, %dma_wait3A_55] : memref<16x7x12x128xi32, #tpu.memory_space<hbm>> -> memref<1x1x12x128xi32, #tpu.memory_space<hbm>>
        %dma_wait3A_57 = tpu.memref_squeeze %dma_wait3A_56 : memref<1x1x12x128xi32, #tpu.memory_space<hbm>> -> memref<12x128xi32, #tpu.memory_space<hbm>>
        tpu.wait_dma2 semaphore(%arg14 : memref<!tpu.dma_semaphore, #tpu.memory_space<semaphore_mem>>) src(%dma_wait3A_57 : memref<12x128xi32, #tpu.memory_space<hbm>>) dst(%arg9 : memref<12x128xi32, #tpu.memory_space<vmem>>)
        %scan3A_58 = arith.constant 0 : i32
        %scan3A_59 = arith.constant 0 : i32
        %scan3A_60 = arith.constant 6 : i32
        %scan3A_61 = arith.addi %scan3A_59, %scan3A_60 : i32
        %scan3A_62 = arith.constant 1 : i32
        scf.for %scan3A_64 = %scan3A_59 to %scan3A_61 step %scan3A_62  : i32 {
          %mul3A = arith.constant 2 : i32
          %mul3A_65 = arith.muli %mul3A, %scan3A_64 : i32
          %mul3A_66 = arith.constant 2 : i32
          %mul3A_67 = arith.muli %mul3A_66, %scan3A_64 : i32
          %add3A = arith.constant 1 : i32
          %add3A_68 = arith.addi %mul3A_67, %add3A : i32
          %dma_start3A_69 = arith.constant 0 : i32
          %dma_start3A_70 = tpu.memref_slice %arg8[%mul3A_65, %dma_start3A_69] : memref<12x128xi32, #tpu.memory_space<vmem>> -> memref<1x128xi32, #tpu.memory_space<vmem>>
          %dma_start3A_71 = tpu.memref_squeeze %dma_start3A_70 : memref<1x128xi32, #tpu.memory_space<vmem>> -> memref<128xi32, #tpu.memory_space<vmem>>
          %dma_start3A_72 = arith.constant 0 : i32
          %dma_start3A_73 = arith.constant 0 : i32
          %dma_start3A_74 = tpu.memref_slice %arg6[%dma_start3A_72, %dma_start3A_73] : memref<10000x128xf32, #tpu.memory_space<hbm>> -> memref<10000x128xf32, #tpu.memory_space<hbm>>
          tpu.enqueue_indirect_dma source(%dma_start3A_74 : memref<10000x128xf32, #tpu.memory_space<hbm>>) target(%arg10 : memref<128x128xf32, #tpu.memory_space<vmem>>) offsets(%dma_start3A_71 : memref<128xi32, #tpu.memory_space<vmem>>) semaphore(%arg13 : memref<!tpu.dma_semaphore, #tpu.memory_space<semaphore_mem>>)
          %dma_wait3A_75 = arith.constant 0 : i32
          %dma_wait3A_76 = tpu.memref_slice %arg8[%mul3A_65, %dma_wait3A_75] : memref<12x128xi32, #tpu.memory_space<vmem>> -> memref<1x128xi32, #tpu.memory_space<vmem>>
          %dma_wait3A_77 = tpu.memref_squeeze %dma_wait3A_76 : memref<1x128xi32, #tpu.memory_space<vmem>> -> memref<128xi32, #tpu.memory_space<vmem>>
          %dma_wait3A_78 = arith.constant 0 : i32
          %dma_wait3A_79 = arith.constant 0 : i32
          %dma_wait3A_80 = tpu.memref_slice %arg6[%dma_wait3A_78, %dma_wait3A_79] : memref<10000x128xf32, #tpu.memory_space<hbm>> -> memref<10000x128xf32, #tpu.memory_space<hbm>>
          tpu.wait_indirect_dma semaphore(%arg13 : memref<!tpu.dma_semaphore, #tpu.memory_space<semaphore_mem>>) src(%dma_wait3A_80 : memref<10000x128xf32, #tpu.memory_space<hbm>>) dst(%arg10 : memref<128x128xf32, #tpu.memory_space<vmem>>)
          %dma_start3A_81 = arith.constant 0 : i32
          %dma_start3A_82 = tpu.memref_slice %arg8[%add3A_68, %dma_start3A_81] : memref<12x128xi32, #tpu.memory_space<vmem>> -> memref<1x128xi32, #tpu.memory_space<vmem>>
          %dma_start3A_83 = tpu.memref_squeeze %dma_start3A_82 : memref<1x128xi32, #tpu.memory_space<vmem>> -> memref<128xi32, #tpu.memory_space<vmem>>
          %dma_start3A_84 = arith.constant 0 : i32
          %dma_start3A_85 = arith.constant 0 : i32
          %dma_start3A_86 = tpu.memref_slice %arg6[%dma_start3A_84, %dma_start3A_85] : memref<10000x128xf32, #tpu.memory_space<hbm>> -> memref<10000x128xf32, #tpu.memory_space<hbm>>
          tpu.enqueue_indirect_dma source(%dma_start3A_86 : memref<10000x128xf32, #tpu.memory_space<hbm>>) target(%arg11 : memref<128x128xf32, #tpu.memory_space<vmem>>) offsets(%dma_start3A_83 : memref<128xi32, #tpu.memory_space<vmem>>) semaphore(%arg14 : memref<!tpu.dma_semaphore, #tpu.memory_space<semaphore_mem>>)
          %dma_start3A_87 = arith.constant 0 : i32
          %dma_start3A_88 = tpu.memref_slice %arg9[%mul3A_65, %dma_start3A_87] : memref<12x128xi32, #tpu.memory_space<vmem>> -> memref<1x128xi32, #tpu.memory_space<vmem>>
          %dma_start3A_89 = tpu.memref_squeeze %dma_start3A_88 : memref<1x128xi32, #tpu.memory_space<vmem>> -> memref<128xi32, #tpu.memory_space<vmem>>
          %dma_start3A_90 = arith.constant 0 : i32
          %dma_start3A_91 = arith.constant 0 : i32
          %dma_start3A_92 = tpu.memref_slice %arg12[%dma_start3A_90, %dma_start3A_91] : memref<10240x128xf32, #tpu.memory_space<vmem_shared>> -> memref<10240x128xf32, #tpu.memory_space<vmem_shared>>
          tpu.enqueue_indirect_dma source(%arg10 : memref<128x128xf32, #tpu.memory_space<vmem>>) target(%dma_start3A_92 : memref<10240x128xf32, #tpu.memory_space<vmem_shared>>) offsets(%dma_start3A_89 : memref<128xi32, #tpu.memory_space<vmem>>) semaphore(%arg15 : memref<!tpu.dma_semaphore, #tpu.memory_space<semaphore_mem>>) {add = true}
          %dma_wait3A_93 = arith.constant 0 : i32
          %dma_wait3A_94 = tpu.memref_slice %arg8[%add3A_68, %dma_wait3A_93] : memref<12x128xi32, #tpu.memory_space<vmem>> -> memref<1x128xi32, #tpu.memory_space<vmem>>
          %dma_wait3A_95 = tpu.memref_squeeze %dma_wait3A_94 : memref<1x128xi32, #tpu.memory_space<vmem>> -> memref<128xi32, #tpu.memory_space<vmem>>
          %dma_wait3A_96 = arith.constant 0 : i32
          %dma_wait3A_97 = arith.constant 0 : i32
          %dma_wait3A_98 = tpu.memref_slice %arg6[%dma_wait3A_96, %dma_wait3A_97] : memref<10000x128xf32, #tpu.memory_space<hbm>> -> memref<10000x128xf32, #tpu.memory_space<hbm>>
          tpu.wait_indirect_dma semaphore(%arg14 : memref<!tpu.dma_semaphore, #tpu.memory_space<semaphore_mem>>) src(%dma_wait3A_98 : memref<10000x128xf32, #tpu.memory_space<hbm>>) dst(%arg11 : memref<128x128xf32, #tpu.memory_space<vmem>>)
          %dma_wait3A_99 = arith.constant 0 : i32
          %dma_wait3A_100 = tpu.memref_slice %arg9[%mul3A_65, %dma_wait3A_99] : memref<12x128xi32, #tpu.memory_space<vmem>> -> memref<1x128xi32, #tpu.memory_space<vmem>>
          %dma_wait3A_101 = tpu.memref_squeeze %dma_wait3A_100 : memref<1x128xi32, #tpu.memory_space<vmem>> -> memref<128xi32, #tpu.memory_space<vmem>>
          %dma_wait3A_102 = arith.constant 0 : i32
          %dma_wait3A_103 = arith.constant 0 : i32
          %dma_wait3A_104 = tpu.memref_slice %arg12[%dma_wait3A_102, %dma_wait3A_103] : memref<10240x128xf32, #tpu.memory_space<vmem_shared>> -> memref<10240x128xf32, #tpu.memory_space<vmem_shared>>
          tpu.wait_indirect_dma semaphore(%arg15 : memref<!tpu.dma_semaphore, #tpu.memory_space<semaphore_mem>>) src(%arg10 : memref<128x128xf32, #tpu.memory_space<vmem>>) dst(%dma_wait3A_104 : memref<10240x128xf32, #tpu.memory_space<vmem_shared>>)
          %dma_start3A_105 = arith.constant 0 : i32
          %dma_start3A_106 = tpu.memref_slice %arg9[%add3A_68, %dma_start3A_105] : memref<12x128xi32, #tpu.memory_space<vmem>> -> memref<1x128xi32, #tpu.memory_space<vmem>>
          %dma_start3A_107 = tpu.memref_squeeze %dma_start3A_106 : memref<1x128xi32, #tpu.memory_space<vmem>> -> memref<128xi32, #tpu.memory_space<vmem>>
          %dma_start3A_108 = arith.constant 0 : i32
          %dma_start3A_109 = arith.constant 0 : i32
          %dma_start3A_110 = tpu.memref_slice %arg12[%dma_start3A_108, %dma_start3A_109] : memref<10240x128xf32, #tpu.memory_space<vmem_shared>> -> memref<10240x128xf32, #tpu.memory_space<vmem_shared>>
          tpu.enqueue_indirect_dma source(%arg11 : memref<128x128xf32, #tpu.memory_space<vmem>>) target(%dma_start3A_110 : memref<10240x128xf32, #tpu.memory_space<vmem_shared>>) offsets(%dma_start3A_107 : memref<128xi32, #tpu.memory_space<vmem>>) semaphore(%arg16 : memref<!tpu.dma_semaphore, #tpu.memory_space<semaphore_mem>>) {add = true}
          %dma_wait3A_111 = arith.constant 0 : i32
          %dma_wait3A_112 = tpu.memref_slice %arg9[%add3A_68, %dma_wait3A_111] : memref<12x128xi32, #tpu.memory_space<vmem>> -> memref<1x128xi32, #tpu.memory_space<vmem>>
          %dma_wait3A_113 = tpu.memref_squeeze %dma_wait3A_112 : memref<1x128xi32, #tpu.memory_space<vmem>> -> memref<128xi32, #tpu.memory_space<vmem>>
          %dma_wait3A_114 = arith.constant 0 : i32
          %dma_wait3A_115 = arith.constant 0 : i32
          %dma_wait3A_116 = tpu.memref_slice %arg12[%dma_wait3A_114, %dma_wait3A_115] : memref<10240x128xf32, #tpu.memory_space<vmem_shared>> -> memref<10240x128xf32, #tpu.memory_space<vmem_shared>>
          tpu.wait_indirect_dma semaphore(%arg16 : memref<!tpu.dma_semaphore, #tpu.memory_space<semaphore_mem>>) src(%arg11 : memref<128x128xf32, #tpu.memory_space<vmem>>) dst(%dma_wait3A_116 : memref<10240x128xf32, #tpu.memory_space<vmem_shared>>)
        }
        %scan3A_63 = arith.constant 6 : i32
      }
      %scan3A_26 = arith.constant 7 : i32
    } else {
    }
    %barrier3A_18 = arith.constant 0 : index
    tpu.barrier barrier_id(%barrier3A_18)
    %convert_element_type3A_19 = arith.extui %eq3A_10 : i1 to i32
    %cond3A_20 = arith.constant 0 : i32
    %cond3A_21 = arith.cmpi ne, %convert_element_type3A_19, %cond3A_20 : i32
    scf.if %cond3A_21 {
      %mul3A = arith.constant 632 : i32
      %mul3A_22 = arith.muli %arg1, %mul3A : i32
      %mul3A_23 = arith.constant 632 : i32
      %mul3A_24 = arith.muli %arg1, %mul3A_23 : i32
      %add3A = arith.constant 10112 : i32
      %add3A_25 = arith.addi %add3A, %mul3A_24 : i32
      "tpu.region"() ({
        %run_scoped3A = tpu.sem_alloc : memref<!tpu.dma_semaphore, #tpu.memory_space<semaphore_mem>>
        %dma_start3A = arith.constant 0 : i32
        %dma_start3A_26 = tpu.memref_slice %arg7[%add3A_25, %dma_start3A] : memref<20224x128xf32, #tpu.memory_space<hbm>> -> memref<632x128xf32, #tpu.memory_space<hbm>>
        %dma_start3A_27 = arith.constant 0 : i32
        %dma_start3A_28 = tpu.memref_slice %arg12[%mul3A_22, %dma_start3A_27] : memref<10240x128xf32, #tpu.memory_space<vmem_shared>> -> memref<632x128xf32, #tpu.memory_space<vmem_shared>>
        tpu.enqueue_dma source(%dma_start3A_28 : memref<632x128xf32, #tpu.memory_space<vmem_shared>>) target(%dma_start3A_26 : memref<632x128xf32, #tpu.memory_space<hbm>>) target_semaphore(%run_scoped3A : memref<!tpu.dma_semaphore, #tpu.memory_space<semaphore_mem>>)
        %dma_wait3A = arith.constant 0 : i32
        %dma_wait3A_29 = tpu.memref_slice %arg7[%add3A_25, %dma_wait3A] : memref<20224x128xf32, #tpu.memory_space<hbm>> -> memref<632x128xf32, #tpu.memory_space<hbm>>
        %dma_wait3A_30 = arith.constant 0 : i32
        %dma_wait3A_31 = tpu.memref_slice %arg12[%mul3A_22, %dma_wait3A_30] : memref<10240x128xf32, #tpu.memory_space<vmem_shared>> -> memref<632x128xf32, #tpu.memory_space<vmem_shared>>
        tpu.wait_dma2 semaphore(%run_scoped3A : memref<!tpu.dma_semaphore, #tpu.memory_space<semaphore_mem>>) src(%dma_wait3A_31 : memref<632x128xf32, #tpu.memory_space<vmem_shared>>) dst(%dma_wait3A_29 : memref<632x128xf32, #tpu.memory_space<hbm>>)
        tpu.yield
      }) : () -> ()
    } else {
    }
    return
  }
}

#map = affine_map<(d0, d1) -> (0, 0, 0, 0)>
#map1 = affine_map<(d0, d1) -> (0, 0)>
module attributes {stable_mosaic.version = 14 : i64} {
  func.func @run(%arg0: i32, %arg1: i32, %arg2: memref<16x7x12x128xi32, #tpu.memory_space<hbm>>, %arg3: memref<16x7x12x128xi32, #tpu.memory_space<hbm>>, %arg4: memref<640x128xf32, #tpu.memory_space<hbm>>, %arg5: memref<10000x128xf32, #tpu.memory_space<hbm>>, %arg6: memref<10000x128xf32, #tpu.memory_space<hbm>>, %arg7: memref<10000x128xf32, #tpu.memory_space<hbm>>, %arg8: memref<10000x128xf32, #tpu.memory_space<hbm>>, %arg9: memref<40448x128xf32, #tpu.memory_space<hbm>>, %arg10: memref<12x128xi32, #tpu.memory_space<vmem>>, %arg11: memref<12x128xi32, #tpu.memory_space<vmem>>, %arg12: memref<128x128xf32, #tpu.memory_space<vmem>>, %arg13: memref<128x128xf32, #tpu.memory_space<vmem>>, %arg14: memref<10240x128xf32, #tpu.memory_space<vmem_shared>>, %arg15: memref<!tpu.dma_semaphore, #tpu.memory_space<semaphore_mem>>, %arg16: memref<!tpu.dma_semaphore, #tpu.memory_space<semaphore_mem>>, %arg17: memref<!tpu.dma_semaphore, #tpu.memory_space<semaphore_mem>>, %arg18: memref<!tpu.dma_semaphore, #tpu.memory_space<semaphore_mem>>) attributes {dimension_semantics = [#tpu.dimension_semantics<core_parallel>, #tpu.dimension_semantics<subcore_parallel>], iteration_bounds = array<i64: 2, 16>, scalar_prefetch = 0 : i64, scratch_operands = 9 : i64, tpu.core_type = #tpu.core_type<sc_vector_subcore>, window_params = [{transform_indices = #map}, {transform_indices = #map}, {transform_indices = #map1}, {transform_indices = #map1}, {transform_indices = #map1}, {transform_indices = #map1}, {transform_indices = #map1}, {transform_indices = #map1}]} {
    %eq3A = arith.constant 0 : i32
    %eq3A_0 = arith.cmpi eq, %arg0, %eq3A : i32
    %convert_element_type3A = arith.extui %eq3A_0 : i1 to i32
    %cond3A = arith.constant 0 : i32
    %cond3A_1 = arith.cmpi ne, %convert_element_type3A, %cond3A : i32
    scf.if %cond3A_1 {
      %mul3A = arith.constant 640 : i32
      %mul3A_48 = arith.muli %arg1, %mul3A : i32
      "tpu.region"() ({
        %run_scoped3A = tpu.sem_alloc : memref<!tpu.dma_semaphore, #tpu.memory_space<semaphore_mem>>
        %dma_start3A = arith.constant 0 : i32
        %dma_start3A_49 = tpu.memref_slice %arg14[%mul3A_48, %dma_start3A] : memref<10240x128xf32, #tpu.memory_space<vmem_shared>> -> memref<640x128xf32, #tpu.memory_space<vmem_shared>>
        tpu.enqueue_dma source(%arg4 : memref<640x128xf32, #tpu.memory_space<hbm>>) target(%dma_start3A_49 : memref<640x128xf32, #tpu.memory_space<vmem_shared>>) target_semaphore(%run_scoped3A : memref<!tpu.dma_semaphore, #tpu.memory_space<semaphore_mem>>)
        %dma_wait3A = arith.constant 0 : i32
        %dma_wait3A_50 = tpu.memref_slice %arg14[%mul3A_48, %dma_wait3A] : memref<10240x128xf32, #tpu.memory_space<vmem_shared>> -> memref<640x128xf32, #tpu.memory_space<vmem_shared>>
        tpu.wait_dma2 semaphore(%run_scoped3A : memref<!tpu.dma_semaphore, #tpu.memory_space<semaphore_mem>>) src(%arg4 : memref<640x128xf32, #tpu.memory_space<hbm>>) dst(%dma_wait3A_50 : memref<640x128xf32, #tpu.memory_space<vmem_shared>>)
        tpu.yield
      }) : () -> ()
    } else {
    }
    %barrier3A = arith.constant 0 : index
    tpu.barrier barrier_id(%barrier3A)
    %convert_element_type3A_2 = arith.extui %eq3A_0 : i1 to i32
    %cond3A_3 = arith.constant 0 : i32
    %cond3A_4 = arith.cmpi ne, %convert_element_type3A_2, %cond3A_3 : i32
    scf.if %cond3A_4 {
      %scan3A = arith.constant 0 : i32
      %scan3A_48 = arith.constant 0 : i32
      %scan3A_49 = arith.constant 7 : i32
      %scan3A_50 = arith.addi %scan3A_48, %scan3A_49 : i32
      %scan3A_51 = arith.constant 1 : i32
      scf.for %scan3A_53 = %scan3A_48 to %scan3A_50 step %scan3A_51  : i32 {
        %dma_start3A = arith.constant 0 : i32
        %dma_start3A_54 = arith.constant 0 : i32
        %dma_start3A_55 = tpu.memref_slice %arg2[%arg1, %scan3A_53, %dma_start3A, %dma_start3A_54] : memref<16x7x12x128xi32, #tpu.memory_space<hbm>> -> memref<1x1x12x128xi32, #tpu.memory_space<hbm>>
        %dma_start3A_56 = tpu.memref_squeeze %dma_start3A_55 : memref<1x1x12x128xi32, #tpu.memory_space<hbm>> -> memref<12x128xi32, #tpu.memory_space<hbm>>
        %dma_start3A_57 = arith.constant 0 : i32
        %dma_start3A_58 = arith.constant 0 : i32
        %dma_start3A_59 = tpu.memref_slice %arg2[%arg1, %scan3A_53, %dma_start3A_57, %dma_start3A_58] : memref<16x7x12x128xi32, #tpu.memory_space<hbm>> -> memref<1x1x12x128xi32, #tpu.memory_space<hbm>>
        %dma_start3A_60 = tpu.memref_squeeze %dma_start3A_59 : memref<1x1x12x128xi32, #tpu.memory_space<hbm>> -> memref<12x128xi32, #tpu.memory_space<hbm>>
        tpu.enqueue_dma source(%dma_start3A_60 : memref<12x128xi32, #tpu.memory_space<hbm>>) target(%arg10 : memref<12x128xi32, #tpu.memory_space<vmem>>) target_semaphore(%arg15 : memref<!tpu.dma_semaphore, #tpu.memory_space<semaphore_mem>>)
        %dma_start3A_61 = arith.constant 0 : i32
        %dma_start3A_62 = arith.constant 0 : i32
        %dma_start3A_63 = tpu.memref_slice %arg3[%arg1, %scan3A_53, %dma_start3A_61, %dma_start3A_62] : memref<16x7x12x128xi32, #tpu.memory_space<hbm>> -> memref<1x1x12x128xi32, #tpu.memory_space<hbm>>
        %dma_start3A_64 = tpu.memref_squeeze %dma_start3A_63 : memref<1x1x12x128xi32, #tpu.memory_space<hbm>> -> memref<12x128xi32, #tpu.memory_space<hbm>>
        %dma_start3A_65 = arith.constant 0 : i32
        %dma_start3A_66 = arith.constant 0 : i32
        %dma_start3A_67 = tpu.memref_slice %arg3[%arg1, %scan3A_53, %dma_start3A_65, %dma_start3A_66] : memref<16x7x12x128xi32, #tpu.memory_space<hbm>> -> memref<1x1x12x128xi32, #tpu.memory_space<hbm>>
        %dma_start3A_68 = tpu.memref_squeeze %dma_start3A_67 : memref<1x1x12x128xi32, #tpu.memory_space<hbm>> -> memref<12x128xi32, #tpu.memory_space<hbm>>
        tpu.enqueue_dma source(%dma_start3A_68 : memref<12x128xi32, #tpu.memory_space<hbm>>) target(%arg11 : memref<12x128xi32, #tpu.memory_space<vmem>>) target_semaphore(%arg16 : memref<!tpu.dma_semaphore, #tpu.memory_space<semaphore_mem>>)
        %dma_wait3A = arith.constant 0 : i32
        %dma_wait3A_69 = arith.constant 0 : i32
        %dma_wait3A_70 = tpu.memref_slice %arg2[%arg1, %scan3A_53, %dma_wait3A, %dma_wait3A_69] : memref<16x7x12x128xi32, #tpu.memory_space<hbm>> -> memref<1x1x12x128xi32, #tpu.memory_space<hbm>>
        %dma_wait3A_71 = tpu.memref_squeeze %dma_wait3A_70 : memref<1x1x12x128xi32, #tpu.memory_space<hbm>> -> memref<12x128xi32, #tpu.memory_space<hbm>>
        %dma_wait3A_72 = arith.constant 0 : i32
        %dma_wait3A_73 = arith.constant 0 : i32
        %dma_wait3A_74 = tpu.memref_slice %arg2[%arg1, %scan3A_53, %dma_wait3A_72, %dma_wait3A_73] : memref<16x7x12x128xi32, #tpu.memory_space<hbm>> -> memref<1x1x12x128xi32, #tpu.memory_space<hbm>>
        %dma_wait3A_75 = tpu.memref_squeeze %dma_wait3A_74 : memref<1x1x12x128xi32, #tpu.memory_space<hbm>> -> memref<12x128xi32, #tpu.memory_space<hbm>>
        tpu.wait_dma2 semaphore(%arg15 : memref<!tpu.dma_semaphore, #tpu.memory_space<semaphore_mem>>) src(%dma_wait3A_75 : memref<12x128xi32, #tpu.memory_space<hbm>>) dst(%arg10 : memref<12x128xi32, #tpu.memory_space<vmem>>)
        %dma_wait3A_76 = arith.constant 0 : i32
        %dma_wait3A_77 = arith.constant 0 : i32
        %dma_wait3A_78 = tpu.memref_slice %arg3[%arg1, %scan3A_53, %dma_wait3A_76, %dma_wait3A_77] : memref<16x7x12x128xi32, #tpu.memory_space<hbm>> -> memref<1x1x12x128xi32, #tpu.memory_space<hbm>>
        %dma_wait3A_79 = tpu.memref_squeeze %dma_wait3A_78 : memref<1x1x12x128xi32, #tpu.memory_space<hbm>> -> memref<12x128xi32, #tpu.memory_space<hbm>>
        %dma_wait3A_80 = arith.constant 0 : i32
        %dma_wait3A_81 = arith.constant 0 : i32
        %dma_wait3A_82 = tpu.memref_slice %arg3[%arg1, %scan3A_53, %dma_wait3A_80, %dma_wait3A_81] : memref<16x7x12x128xi32, #tpu.memory_space<hbm>> -> memref<1x1x12x128xi32, #tpu.memory_space<hbm>>
        %dma_wait3A_83 = tpu.memref_squeeze %dma_wait3A_82 : memref<1x1x12x128xi32, #tpu.memory_space<hbm>> -> memref<12x128xi32, #tpu.memory_space<hbm>>
        tpu.wait_dma2 semaphore(%arg16 : memref<!tpu.dma_semaphore, #tpu.memory_space<semaphore_mem>>) src(%dma_wait3A_83 : memref<12x128xi32, #tpu.memory_space<hbm>>) dst(%arg11 : memref<12x128xi32, #tpu.memory_space<vmem>>)
        %scan3A_84 = arith.constant 0 : i32
        %scan3A_85 = arith.constant 0 : i32
        %scan3A_86 = arith.constant 6 : i32
        %scan3A_87 = arith.addi %scan3A_85, %scan3A_86 : i32
        %scan3A_88 = arith.constant 1 : i32
        scf.for %scan3A_90 = %scan3A_85 to %scan3A_87 step %scan3A_88  : i32 {
          %mul3A = arith.constant 2 : i32
          %mul3A_91 = arith.muli %mul3A, %scan3A_90 : i32
          %mul3A_92 = arith.constant 2 : i32
          %mul3A_93 = arith.muli %mul3A_92, %scan3A_90 : i32
          %add3A = arith.constant 1 : i32
          %add3A_94 = arith.addi %mul3A_93, %add3A : i32
          %dma_start3A_95 = arith.constant 0 : i32
          %dma_start3A_96 = tpu.memref_slice %arg10[%mul3A_91, %dma_start3A_95] : memref<12x128xi32, #tpu.memory_space<vmem>> -> memref<1x128xi32, #tpu.memory_space<vmem>>
          %dma_start3A_97 = tpu.memref_squeeze %dma_start3A_96 : memref<1x128xi32, #tpu.memory_space<vmem>> -> memref<128xi32, #tpu.memory_space<vmem>>
          %dma_start3A_98 = arith.constant 0 : i32
          %dma_start3A_99 = arith.constant 0 : i32
          %dma_start3A_100 = tpu.memref_slice %arg5[%dma_start3A_98, %dma_start3A_99] : memref<10000x128xf32, #tpu.memory_space<hbm>> -> memref<10000x128xf32, #tpu.memory_space<hbm>>
          tpu.enqueue_indirect_dma source(%dma_start3A_100 : memref<10000x128xf32, #tpu.memory_space<hbm>>) target(%arg12 : memref<128x128xf32, #tpu.memory_space<vmem>>) offsets(%dma_start3A_97 : memref<128xi32, #tpu.memory_space<vmem>>) semaphore(%arg15 : memref<!tpu.dma_semaphore, #tpu.memory_space<semaphore_mem>>)
          %dma_wait3A_101 = arith.constant 0 : i32
          %dma_wait3A_102 = tpu.memref_slice %arg10[%mul3A_91, %dma_wait3A_101] : memref<12x128xi32, #tpu.memory_space<vmem>> -> memref<1x128xi32, #tpu.memory_space<vmem>>
          %dma_wait3A_103 = tpu.memref_squeeze %dma_wait3A_102 : memref<1x128xi32, #tpu.memory_space<vmem>> -> memref<128xi32, #tpu.memory_space<vmem>>
          %dma_wait3A_104 = arith.constant 0 : i32
          %dma_wait3A_105 = arith.constant 0 : i32
          %dma_wait3A_106 = tpu.memref_slice %arg5[%dma_wait3A_104, %dma_wait3A_105] : memref<10000x128xf32, #tpu.memory_space<hbm>> -> memref<10000x128xf32, #tpu.memory_space<hbm>>
          tpu.wait_indirect_dma semaphore(%arg15 : memref<!tpu.dma_semaphore, #tpu.memory_space<semaphore_mem>>) src(%dma_wait3A_106 : memref<10000x128xf32, #tpu.memory_space<hbm>>) dst(%arg12 : memref<128x128xf32, #tpu.memory_space<vmem>>)
          %dma_start3A_107 = arith.constant 0 : i32
          %dma_start3A_108 = tpu.memref_slice %arg10[%add3A_94, %dma_start3A_107] : memref<12x128xi32, #tpu.memory_space<vmem>> -> memref<1x128xi32, #tpu.memory_space<vmem>>
          %dma_start3A_109 = tpu.memref_squeeze %dma_start3A_108 : memref<1x128xi32, #tpu.memory_space<vmem>> -> memref<128xi32, #tpu.memory_space<vmem>>
          %dma_start3A_110 = arith.constant 0 : i32
          %dma_start3A_111 = arith.constant 0 : i32
          %dma_start3A_112 = tpu.memref_slice %arg5[%dma_start3A_110, %dma_start3A_111] : memref<10000x128xf32, #tpu.memory_space<hbm>> -> memref<10000x128xf32, #tpu.memory_space<hbm>>
          tpu.enqueue_indirect_dma source(%dma_start3A_112 : memref<10000x128xf32, #tpu.memory_space<hbm>>) target(%arg13 : memref<128x128xf32, #tpu.memory_space<vmem>>) offsets(%dma_start3A_109 : memref<128xi32, #tpu.memory_space<vmem>>) semaphore(%arg16 : memref<!tpu.dma_semaphore, #tpu.memory_space<semaphore_mem>>)
          %dma_start3A_113 = arith.constant 0 : i32
          %dma_start3A_114 = tpu.memref_slice %arg11[%mul3A_91, %dma_start3A_113] : memref<12x128xi32, #tpu.memory_space<vmem>> -> memref<1x128xi32, #tpu.memory_space<vmem>>
          %dma_start3A_115 = tpu.memref_squeeze %dma_start3A_114 : memref<1x128xi32, #tpu.memory_space<vmem>> -> memref<128xi32, #tpu.memory_space<vmem>>
          %dma_start3A_116 = arith.constant 0 : i32
          %dma_start3A_117 = arith.constant 0 : i32
          %dma_start3A_118 = tpu.memref_slice %arg14[%dma_start3A_116, %dma_start3A_117] : memref<10240x128xf32, #tpu.memory_space<vmem_shared>> -> memref<10240x128xf32, #tpu.memory_space<vmem_shared>>
          tpu.enqueue_indirect_dma source(%arg12 : memref<128x128xf32, #tpu.memory_space<vmem>>) target(%dma_start3A_118 : memref<10240x128xf32, #tpu.memory_space<vmem_shared>>) offsets(%dma_start3A_115 : memref<128xi32, #tpu.memory_space<vmem>>) semaphore(%arg17 : memref<!tpu.dma_semaphore, #tpu.memory_space<semaphore_mem>>) {add = true}
          %dma_wait3A_119 = arith.constant 0 : i32
          %dma_wait3A_120 = tpu.memref_slice %arg10[%add3A_94, %dma_wait3A_119] : memref<12x128xi32, #tpu.memory_space<vmem>> -> memref<1x128xi32, #tpu.memory_space<vmem>>
          %dma_wait3A_121 = tpu.memref_squeeze %dma_wait3A_120 : memref<1x128xi32, #tpu.memory_space<vmem>> -> memref<128xi32, #tpu.memory_space<vmem>>
          %dma_wait3A_122 = arith.constant 0 : i32
          %dma_wait3A_123 = arith.constant 0 : i32
          %dma_wait3A_124 = tpu.memref_slice %arg5[%dma_wait3A_122, %dma_wait3A_123] : memref<10000x128xf32, #tpu.memory_space<hbm>> -> memref<10000x128xf32, #tpu.memory_space<hbm>>
          tpu.wait_indirect_dma semaphore(%arg16 : memref<!tpu.dma_semaphore, #tpu.memory_space<semaphore_mem>>) src(%dma_wait3A_124 : memref<10000x128xf32, #tpu.memory_space<hbm>>) dst(%arg13 : memref<128x128xf32, #tpu.memory_space<vmem>>)
          %dma_wait3A_125 = arith.constant 0 : i32
          %dma_wait3A_126 = tpu.memref_slice %arg11[%mul3A_91, %dma_wait3A_125] : memref<12x128xi32, #tpu.memory_space<vmem>> -> memref<1x128xi32, #tpu.memory_space<vmem>>
          %dma_wait3A_127 = tpu.memref_squeeze %dma_wait3A_126 : memref<1x128xi32, #tpu.memory_space<vmem>> -> memref<128xi32, #tpu.memory_space<vmem>>
          %dma_wait3A_128 = arith.constant 0 : i32
          %dma_wait3A_129 = arith.constant 0 : i32
          %dma_wait3A_130 = tpu.memref_slice %arg14[%dma_wait3A_128, %dma_wait3A_129] : memref<10240x128xf32, #tpu.memory_space<vmem_shared>> -> memref<10240x128xf32, #tpu.memory_space<vmem_shared>>
          tpu.wait_indirect_dma semaphore(%arg17 : memref<!tpu.dma_semaphore, #tpu.memory_space<semaphore_mem>>) src(%arg12 : memref<128x128xf32, #tpu.memory_space<vmem>>) dst(%dma_wait3A_130 : memref<10240x128xf32, #tpu.memory_space<vmem_shared>>)
          %dma_start3A_131 = arith.constant 0 : i32
          %dma_start3A_132 = tpu.memref_slice %arg11[%add3A_94, %dma_start3A_131] : memref<12x128xi32, #tpu.memory_space<vmem>> -> memref<1x128xi32, #tpu.memory_space<vmem>>
          %dma_start3A_133 = tpu.memref_squeeze %dma_start3A_132 : memref<1x128xi32, #tpu.memory_space<vmem>> -> memref<128xi32, #tpu.memory_space<vmem>>
          %dma_start3A_134 = arith.constant 0 : i32
          %dma_start3A_135 = arith.constant 0 : i32
          %dma_start3A_136 = tpu.memref_slice %arg14[%dma_start3A_134, %dma_start3A_135] : memref<10240x128xf32, #tpu.memory_space<vmem_shared>> -> memref<10240x128xf32, #tpu.memory_space<vmem_shared>>
          tpu.enqueue_indirect_dma source(%arg13 : memref<128x128xf32, #tpu.memory_space<vmem>>) target(%dma_start3A_136 : memref<10240x128xf32, #tpu.memory_space<vmem_shared>>) offsets(%dma_start3A_133 : memref<128xi32, #tpu.memory_space<vmem>>) semaphore(%arg18 : memref<!tpu.dma_semaphore, #tpu.memory_space<semaphore_mem>>) {add = true}
          %dma_wait3A_137 = arith.constant 0 : i32
          %dma_wait3A_138 = tpu.memref_slice %arg11[%add3A_94, %dma_wait3A_137] : memref<12x128xi32, #tpu.memory_space<vmem>> -> memref<1x128xi32, #tpu.memory_space<vmem>>
          %dma_wait3A_139 = tpu.memref_squeeze %dma_wait3A_138 : memref<1x128xi32, #tpu.memory_space<vmem>> -> memref<128xi32, #tpu.memory_space<vmem>>
          %dma_wait3A_140 = arith.constant 0 : i32
          %dma_wait3A_141 = arith.constant 0 : i32
          %dma_wait3A_142 = tpu.memref_slice %arg14[%dma_wait3A_140, %dma_wait3A_141] : memref<10240x128xf32, #tpu.memory_space<vmem_shared>> -> memref<10240x128xf32, #tpu.memory_space<vmem_shared>>
          tpu.wait_indirect_dma semaphore(%arg18 : memref<!tpu.dma_semaphore, #tpu.memory_space<semaphore_mem>>) src(%arg13 : memref<128x128xf32, #tpu.memory_space<vmem>>) dst(%dma_wait3A_142 : memref<10240x128xf32, #tpu.memory_space<vmem_shared>>)
        }
        %scan3A_89 = arith.constant 6 : i32
      }
      %scan3A_52 = arith.constant 7 : i32
    } else {
    }
    %barrier3A_5 = arith.constant 0 : index
    tpu.barrier barrier_id(%barrier3A_5)
    %convert_element_type3A_6 = arith.extui %eq3A_0 : i1 to i32
    %cond3A_7 = arith.constant 0 : i32
    %cond3A_8 = arith.cmpi ne, %convert_element_type3A_6, %cond3A_7 : i32
    scf.if %cond3A_8 {
      %mul3A = arith.constant 632 : i32
      %mul3A_48 = arith.muli %arg1, %mul3A : i32
      %mul3A_49 = arith.constant 632 : i32
      %mul3A_50 = arith.muli %arg1, %mul3A_49 : i32
      %add3A = arith.constant 0 : i32
      %add3A_51 = arith.addi %add3A, %mul3A_50 : i32
      "tpu.region"() ({
        %run_scoped3A = tpu.sem_alloc : memref<!tpu.dma_semaphore, #tpu.memory_space<semaphore_mem>>
        %dma_start3A = arith.constant 0 : i32
        %dma_start3A_52 = tpu.memref_slice %arg9[%add3A_51, %dma_start3A] : memref<40448x128xf32, #tpu.memory_space<hbm>> -> memref<632x128xf32, #tpu.memory_space<hbm>>
        %dma_start3A_53 = arith.constant 0 : i32
        %dma_start3A_54 = tpu.memref_slice %arg14[%mul3A_48, %dma_start3A_53] : memref<10240x128xf32, #tpu.memory_space<vmem_shared>> -> memref<632x128xf32, #tpu.memory_space<vmem_shared>>
        tpu.enqueue_dma source(%dma_start3A_54 : memref<632x128xf32, #tpu.memory_space<vmem_shared>>) target(%dma_start3A_52 : memref<632x128xf32, #tpu.memory_space<hbm>>) target_semaphore(%run_scoped3A : memref<!tpu.dma_semaphore, #tpu.memory_space<semaphore_mem>>)
        %dma_wait3A = arith.constant 0 : i32
        %dma_wait3A_55 = tpu.memref_slice %arg9[%add3A_51, %dma_wait3A] : memref<40448x128xf32, #tpu.memory_space<hbm>> -> memref<632x128xf32, #tpu.memory_space<hbm>>
        %dma_wait3A_56 = arith.constant 0 : i32
        %dma_wait3A_57 = tpu.memref_slice %arg14[%mul3A_48, %dma_wait3A_56] : memref<10240x128xf32, #tpu.memory_space<vmem_shared>> -> memref<632x128xf32, #tpu.memory_space<vmem_shared>>
        tpu.wait_dma2 semaphore(%run_scoped3A : memref<!tpu.dma_semaphore, #tpu.memory_space<semaphore_mem>>) src(%dma_wait3A_57 : memref<632x128xf32, #tpu.memory_space<vmem_shared>>) dst(%dma_wait3A_55 : memref<632x128xf32, #tpu.memory_space<hbm>>)
        tpu.yield
      }) : () -> ()
    } else {
    }
    %eq3A_9 = arith.constant 0 : i32
    %eq3A_10 = arith.cmpi eq, %arg0, %eq3A_9 : i32
    %convert_element_type3A_11 = arith.extui %eq3A_10 : i1 to i32
    %cond3A_12 = arith.constant 0 : i32
    %cond3A_13 = arith.cmpi ne, %convert_element_type3A_11, %cond3A_12 : i32
    scf.if %cond3A_13 {
      %mul3A = arith.constant 640 : i32
      %mul3A_48 = arith.muli %arg1, %mul3A : i32
      "tpu.region"() ({
        %run_scoped3A = tpu.sem_alloc : memref<!tpu.dma_semaphore, #tpu.memory_space<semaphore_mem>>
        %dma_start3A = arith.constant 0 : i32
        %dma_start3A_49 = tpu.memref_slice %arg14[%mul3A_48, %dma_start3A] : memref<10240x128xf32, #tpu.memory_space<vmem_shared>> -> memref<640x128xf32, #tpu.memory_space<vmem_shared>>
        tpu.enqueue_dma source(%arg4 : memref<640x128xf32, #tpu.memory_space<hbm>>) target(%dma_start3A_49 : memref<640x128xf32, #tpu.memory_space<vmem_shared>>) target_semaphore(%run_scoped3A : memref<!tpu.dma_semaphore, #tpu.memory_space<semaphore_mem>>)
        %dma_wait3A = arith.constant 0 : i32
        %dma_wait3A_50 = tpu.memref_slice %arg14[%mul3A_48, %dma_wait3A] : memref<10240x128xf32, #tpu.memory_space<vmem_shared>> -> memref<640x128xf32, #tpu.memory_space<vmem_shared>>
        tpu.wait_dma2 semaphore(%run_scoped3A : memref<!tpu.dma_semaphore, #tpu.memory_space<semaphore_mem>>) src(%arg4 : memref<640x128xf32, #tpu.memory_space<hbm>>) dst(%dma_wait3A_50 : memref<640x128xf32, #tpu.memory_space<vmem_shared>>)
        tpu.yield
      }) : () -> ()
    } else {
    }
    %barrier3A_14 = arith.constant 0 : index
    tpu.barrier barrier_id(%barrier3A_14)
    %convert_element_type3A_15 = arith.extui %eq3A_10 : i1 to i32
    %cond3A_16 = arith.constant 0 : i32
    %cond3A_17 = arith.cmpi ne, %convert_element_type3A_15, %cond3A_16 : i32
    scf.if %cond3A_17 {
      %scan3A = arith.constant 0 : i32
      %scan3A_48 = arith.constant 0 : i32
      %scan3A_49 = arith.constant 7 : i32
      %scan3A_50 = arith.addi %scan3A_48, %scan3A_49 : i32
      %scan3A_51 = arith.constant 1 : i32
      scf.for %scan3A_53 = %scan3A_48 to %scan3A_50 step %scan3A_51  : i32 {
        %dma_start3A = arith.constant 0 : i32
        %dma_start3A_54 = arith.constant 0 : i32
        %dma_start3A_55 = tpu.memref_slice %arg2[%arg1, %scan3A_53, %dma_start3A, %dma_start3A_54] : memref<16x7x12x128xi32, #tpu.memory_space<hbm>> -> memref<1x1x12x128xi32, #tpu.memory_space<hbm>>
        %dma_start3A_56 = tpu.memref_squeeze %dma_start3A_55 : memref<1x1x12x128xi32, #tpu.memory_space<hbm>> -> memref<12x128xi32, #tpu.memory_space<hbm>>
        %dma_start3A_57 = arith.constant 0 : i32
        %dma_start3A_58 = arith.constant 0 : i32
        %dma_start3A_59 = tpu.memref_slice %arg2[%arg1, %scan3A_53, %dma_start3A_57, %dma_start3A_58] : memref<16x7x12x128xi32, #tpu.memory_space<hbm>> -> memref<1x1x12x128xi32, #tpu.memory_space<hbm>>
        %dma_start3A_60 = tpu.memref_squeeze %dma_start3A_59 : memref<1x1x12x128xi32, #tpu.memory_space<hbm>> -> memref<12x128xi32, #tpu.memory_space<hbm>>
        tpu.enqueue_dma source(%dma_start3A_60 : memref<12x128xi32, #tpu.memory_space<hbm>>) target(%arg10 : memref<12x128xi32, #tpu.memory_space<vmem>>) target_semaphore(%arg15 : memref<!tpu.dma_semaphore, #tpu.memory_space<semaphore_mem>>)
        %dma_start3A_61 = arith.constant 0 : i32
        %dma_start3A_62 = arith.constant 0 : i32
        %dma_start3A_63 = tpu.memref_slice %arg3[%arg1, %scan3A_53, %dma_start3A_61, %dma_start3A_62] : memref<16x7x12x128xi32, #tpu.memory_space<hbm>> -> memref<1x1x12x128xi32, #tpu.memory_space<hbm>>
        %dma_start3A_64 = tpu.memref_squeeze %dma_start3A_63 : memref<1x1x12x128xi32, #tpu.memory_space<hbm>> -> memref<12x128xi32, #tpu.memory_space<hbm>>
        %dma_start3A_65 = arith.constant 0 : i32
        %dma_start3A_66 = arith.constant 0 : i32
        %dma_start3A_67 = tpu.memref_slice %arg3[%arg1, %scan3A_53, %dma_start3A_65, %dma_start3A_66] : memref<16x7x12x128xi32, #tpu.memory_space<hbm>> -> memref<1x1x12x128xi32, #tpu.memory_space<hbm>>
        %dma_start3A_68 = tpu.memref_squeeze %dma_start3A_67 : memref<1x1x12x128xi32, #tpu.memory_space<hbm>> -> memref<12x128xi32, #tpu.memory_space<hbm>>
        tpu.enqueue_dma source(%dma_start3A_68 : memref<12x128xi32, #tpu.memory_space<hbm>>) target(%arg11 : memref<12x128xi32, #tpu.memory_space<vmem>>) target_semaphore(%arg16 : memref<!tpu.dma_semaphore, #tpu.memory_space<semaphore_mem>>)
        %dma_wait3A = arith.constant 0 : i32
        %dma_wait3A_69 = arith.constant 0 : i32
        %dma_wait3A_70 = tpu.memref_slice %arg2[%arg1, %scan3A_53, %dma_wait3A, %dma_wait3A_69] : memref<16x7x12x128xi32, #tpu.memory_space<hbm>> -> memref<1x1x12x128xi32, #tpu.memory_space<hbm>>
        %dma_wait3A_71 = tpu.memref_squeeze %dma_wait3A_70 : memref<1x1x12x128xi32, #tpu.memory_space<hbm>> -> memref<12x128xi32, #tpu.memory_space<hbm>>
        %dma_wait3A_72 = arith.constant 0 : i32
        %dma_wait3A_73 = arith.constant 0 : i32
        %dma_wait3A_74 = tpu.memref_slice %arg2[%arg1, %scan3A_53, %dma_wait3A_72, %dma_wait3A_73] : memref<16x7x12x128xi32, #tpu.memory_space<hbm>> -> memref<1x1x12x128xi32, #tpu.memory_space<hbm>>
        %dma_wait3A_75 = tpu.memref_squeeze %dma_wait3A_74 : memref<1x1x12x128xi32, #tpu.memory_space<hbm>> -> memref<12x128xi32, #tpu.memory_space<hbm>>
        tpu.wait_dma2 semaphore(%arg15 : memref<!tpu.dma_semaphore, #tpu.memory_space<semaphore_mem>>) src(%dma_wait3A_75 : memref<12x128xi32, #tpu.memory_space<hbm>>) dst(%arg10 : memref<12x128xi32, #tpu.memory_space<vmem>>)
        %dma_wait3A_76 = arith.constant 0 : i32
        %dma_wait3A_77 = arith.constant 0 : i32
        %dma_wait3A_78 = tpu.memref_slice %arg3[%arg1, %scan3A_53, %dma_wait3A_76, %dma_wait3A_77] : memref<16x7x12x128xi32, #tpu.memory_space<hbm>> -> memref<1x1x12x128xi32, #tpu.memory_space<hbm>>
        %dma_wait3A_79 = tpu.memref_squeeze %dma_wait3A_78 : memref<1x1x12x128xi32, #tpu.memory_space<hbm>> -> memref<12x128xi32, #tpu.memory_space<hbm>>
        %dma_wait3A_80 = arith.constant 0 : i32
        %dma_wait3A_81 = arith.constant 0 : i32
        %dma_wait3A_82 = tpu.memref_slice %arg3[%arg1, %scan3A_53, %dma_wait3A_80, %dma_wait3A_81] : memref<16x7x12x128xi32, #tpu.memory_space<hbm>> -> memref<1x1x12x128xi32, #tpu.memory_space<hbm>>
        %dma_wait3A_83 = tpu.memref_squeeze %dma_wait3A_82 : memref<1x1x12x128xi32, #tpu.memory_space<hbm>> -> memref<12x128xi32, #tpu.memory_space<hbm>>
        tpu.wait_dma2 semaphore(%arg16 : memref<!tpu.dma_semaphore, #tpu.memory_space<semaphore_mem>>) src(%dma_wait3A_83 : memref<12x128xi32, #tpu.memory_space<hbm>>) dst(%arg11 : memref<12x128xi32, #tpu.memory_space<vmem>>)
        %scan3A_84 = arith.constant 0 : i32
        %scan3A_85 = arith.constant 0 : i32
        %scan3A_86 = arith.constant 6 : i32
        %scan3A_87 = arith.addi %scan3A_85, %scan3A_86 : i32
        %scan3A_88 = arith.constant 1 : i32
        scf.for %scan3A_90 = %scan3A_85 to %scan3A_87 step %scan3A_88  : i32 {
          %mul3A = arith.constant 2 : i32
          %mul3A_91 = arith.muli %mul3A, %scan3A_90 : i32
          %mul3A_92 = arith.constant 2 : i32
          %mul3A_93 = arith.muli %mul3A_92, %scan3A_90 : i32
          %add3A = arith.constant 1 : i32
          %add3A_94 = arith.addi %mul3A_93, %add3A : i32
          %dma_start3A_95 = arith.constant 0 : i32
          %dma_start3A_96 = tpu.memref_slice %arg10[%mul3A_91, %dma_start3A_95] : memref<12x128xi32, #tpu.memory_space<vmem>> -> memref<1x128xi32, #tpu.memory_space<vmem>>
          %dma_start3A_97 = tpu.memref_squeeze %dma_start3A_96 : memref<1x128xi32, #tpu.memory_space<vmem>> -> memref<128xi32, #tpu.memory_space<vmem>>
          %dma_start3A_98 = arith.constant 0 : i32
          %dma_start3A_99 = arith.constant 0 : i32
          %dma_start3A_100 = tpu.memref_slice %arg6[%dma_start3A_98, %dma_start3A_99] : memref<10000x128xf32, #tpu.memory_space<hbm>> -> memref<10000x128xf32, #tpu.memory_space<hbm>>
          tpu.enqueue_indirect_dma source(%dma_start3A_100 : memref<10000x128xf32, #tpu.memory_space<hbm>>) target(%arg12 : memref<128x128xf32, #tpu.memory_space<vmem>>) offsets(%dma_start3A_97 : memref<128xi32, #tpu.memory_space<vmem>>) semaphore(%arg15 : memref<!tpu.dma_semaphore, #tpu.memory_space<semaphore_mem>>)
          %dma_wait3A_101 = arith.constant 0 : i32
          %dma_wait3A_102 = tpu.memref_slice %arg10[%mul3A_91, %dma_wait3A_101] : memref<12x128xi32, #tpu.memory_space<vmem>> -> memref<1x128xi32, #tpu.memory_space<vmem>>
          %dma_wait3A_103 = tpu.memref_squeeze %dma_wait3A_102 : memref<1x128xi32, #tpu.memory_space<vmem>> -> memref<128xi32, #tpu.memory_space<vmem>>
          %dma_wait3A_104 = arith.constant 0 : i32
          %dma_wait3A_105 = arith.constant 0 : i32
          %dma_wait3A_106 = tpu.memref_slice %arg6[%dma_wait3A_104, %dma_wait3A_105] : memref<10000x128xf32, #tpu.memory_space<hbm>> -> memref<10000x128xf32, #tpu.memory_space<hbm>>
          tpu.wait_indirect_dma semaphore(%arg15 : memref<!tpu.dma_semaphore, #tpu.memory_space<semaphore_mem>>) src(%dma_wait3A_106 : memref<10000x128xf32, #tpu.memory_space<hbm>>) dst(%arg12 : memref<128x128xf32, #tpu.memory_space<vmem>>)
          %dma_start3A_107 = arith.constant 0 : i32
          %dma_start3A_108 = tpu.memref_slice %arg10[%add3A_94, %dma_start3A_107] : memref<12x128xi32, #tpu.memory_space<vmem>> -> memref<1x128xi32, #tpu.memory_space<vmem>>
          %dma_start3A_109 = tpu.memref_squeeze %dma_start3A_108 : memref<1x128xi32, #tpu.memory_space<vmem>> -> memref<128xi32, #tpu.memory_space<vmem>>
          %dma_start3A_110 = arith.constant 0 : i32
          %dma_start3A_111 = arith.constant 0 : i32
          %dma_start3A_112 = tpu.memref_slice %arg6[%dma_start3A_110, %dma_start3A_111] : memref<10000x128xf32, #tpu.memory_space<hbm>> -> memref<10000x128xf32, #tpu.memory_space<hbm>>
          tpu.enqueue_indirect_dma source(%dma_start3A_112 : memref<10000x128xf32, #tpu.memory_space<hbm>>) target(%arg13 : memref<128x128xf32, #tpu.memory_space<vmem>>) offsets(%dma_start3A_109 : memref<128xi32, #tpu.memory_space<vmem>>) semaphore(%arg16 : memref<!tpu.dma_semaphore, #tpu.memory_space<semaphore_mem>>)
          %dma_start3A_113 = arith.constant 0 : i32
          %dma_start3A_114 = tpu.memref_slice %arg11[%mul3A_91, %dma_start3A_113] : memref<12x128xi32, #tpu.memory_space<vmem>> -> memref<1x128xi32, #tpu.memory_space<vmem>>
          %dma_start3A_115 = tpu.memref_squeeze %dma_start3A_114 : memref<1x128xi32, #tpu.memory_space<vmem>> -> memref<128xi32, #tpu.memory_space<vmem>>
          %dma_start3A_116 = arith.constant 0 : i32
          %dma_start3A_117 = arith.constant 0 : i32
          %dma_start3A_118 = tpu.memref_slice %arg14[%dma_start3A_116, %dma_start3A_117] : memref<10240x128xf32, #tpu.memory_space<vmem_shared>> -> memref<10240x128xf32, #tpu.memory_space<vmem_shared>>
          tpu.enqueue_indirect_dma source(%arg12 : memref<128x128xf32, #tpu.memory_space<vmem>>) target(%dma_start3A_118 : memref<10240x128xf32, #tpu.memory_space<vmem_shared>>) offsets(%dma_start3A_115 : memref<128xi32, #tpu.memory_space<vmem>>) semaphore(%arg17 : memref<!tpu.dma_semaphore, #tpu.memory_space<semaphore_mem>>) {add = true}
          %dma_wait3A_119 = arith.constant 0 : i32
          %dma_wait3A_120 = tpu.memref_slice %arg10[%add3A_94, %dma_wait3A_119] : memref<12x128xi32, #tpu.memory_space<vmem>> -> memref<1x128xi32, #tpu.memory_space<vmem>>
          %dma_wait3A_121 = tpu.memref_squeeze %dma_wait3A_120 : memref<1x128xi32, #tpu.memory_space<vmem>> -> memref<128xi32, #tpu.memory_space<vmem>>
          %dma_wait3A_122 = arith.constant 0 : i32
          %dma_wait3A_123 = arith.constant 0 : i32
          %dma_wait3A_124 = tpu.memref_slice %arg6[%dma_wait3A_122, %dma_wait3A_123] : memref<10000x128xf32, #tpu.memory_space<hbm>> -> memref<10000x128xf32, #tpu.memory_space<hbm>>
          tpu.wait_indirect_dma semaphore(%arg16 : memref<!tpu.dma_semaphore, #tpu.memory_space<semaphore_mem>>) src(%dma_wait3A_124 : memref<10000x128xf32, #tpu.memory_space<hbm>>) dst(%arg13 : memref<128x128xf32, #tpu.memory_space<vmem>>)
          %dma_wait3A_125 = arith.constant 0 : i32
          %dma_wait3A_126 = tpu.memref_slice %arg11[%mul3A_91, %dma_wait3A_125] : memref<12x128xi32, #tpu.memory_space<vmem>> -> memref<1x128xi32, #tpu.memory_space<vmem>>
          %dma_wait3A_127 = tpu.memref_squeeze %dma_wait3A_126 : memref<1x128xi32, #tpu.memory_space<vmem>> -> memref<128xi32, #tpu.memory_space<vmem>>
          %dma_wait3A_128 = arith.constant 0 : i32
          %dma_wait3A_129 = arith.constant 0 : i32
          %dma_wait3A_130 = tpu.memref_slice %arg14[%dma_wait3A_128, %dma_wait3A_129] : memref<10240x128xf32, #tpu.memory_space<vmem_shared>> -> memref<10240x128xf32, #tpu.memory_space<vmem_shared>>
          tpu.wait_indirect_dma semaphore(%arg17 : memref<!tpu.dma_semaphore, #tpu.memory_space<semaphore_mem>>) src(%arg12 : memref<128x128xf32, #tpu.memory_space<vmem>>) dst(%dma_wait3A_130 : memref<10240x128xf32, #tpu.memory_space<vmem_shared>>)
          %dma_start3A_131 = arith.constant 0 : i32
          %dma_start3A_132 = tpu.memref_slice %arg11[%add3A_94, %dma_start3A_131] : memref<12x128xi32, #tpu.memory_space<vmem>> -> memref<1x128xi32, #tpu.memory_space<vmem>>
          %dma_start3A_133 = tpu.memref_squeeze %dma_start3A_132 : memref<1x128xi32, #tpu.memory_space<vmem>> -> memref<128xi32, #tpu.memory_space<vmem>>
          %dma_start3A_134 = arith.constant 0 : i32
          %dma_start3A_135 = arith.constant 0 : i32
          %dma_start3A_136 = tpu.memref_slice %arg14[%dma_start3A_134, %dma_start3A_135] : memref<10240x128xf32, #tpu.memory_space<vmem_shared>> -> memref<10240x128xf32, #tpu.memory_space<vmem_shared>>
          tpu.enqueue_indirect_dma source(%arg13 : memref<128x128xf32, #tpu.memory_space<vmem>>) target(%dma_start3A_136 : memref<10240x128xf32, #tpu.memory_space<vmem_shared>>) offsets(%dma_start3A_133 : memref<128xi32, #tpu.memory_space<vmem>>) semaphore(%arg18 : memref<!tpu.dma_semaphore, #tpu.memory_space<semaphore_mem>>) {add = true}
          %dma_wait3A_137 = arith.constant 0 : i32
          %dma_wait3A_138 = tpu.memref_slice %arg11[%add3A_94, %dma_wait3A_137] : memref<12x128xi32, #tpu.memory_space<vmem>> -> memref<1x128xi32, #tpu.memory_space<vmem>>
          %dma_wait3A_139 = tpu.memref_squeeze %dma_wait3A_138 : memref<1x128xi32, #tpu.memory_space<vmem>> -> memref<128xi32, #tpu.memory_space<vmem>>
          %dma_wait3A_140 = arith.constant 0 : i32
          %dma_wait3A_141 = arith.constant 0 : i32
          %dma_wait3A_142 = tpu.memref_slice %arg14[%dma_wait3A_140, %dma_wait3A_141] : memref<10240x128xf32, #tpu.memory_space<vmem_shared>> -> memref<10240x128xf32, #tpu.memory_space<vmem_shared>>
          tpu.wait_indirect_dma semaphore(%arg18 : memref<!tpu.dma_semaphore, #tpu.memory_space<semaphore_mem>>) src(%arg13 : memref<128x128xf32, #tpu.memory_space<vmem>>) dst(%dma_wait3A_142 : memref<10240x128xf32, #tpu.memory_space<vmem_shared>>)
        }
        %scan3A_89 = arith.constant 6 : i32
      }
      %scan3A_52 = arith.constant 7 : i32
    } else {
    }
    %barrier3A_18 = arith.constant 0 : index
    tpu.barrier barrier_id(%barrier3A_18)
    %convert_element_type3A_19 = arith.extui %eq3A_10 : i1 to i32
    %cond3A_20 = arith.constant 0 : i32
    %cond3A_21 = arith.cmpi ne, %convert_element_type3A_19, %cond3A_20 : i32
    scf.if %cond3A_21 {
      %mul3A = arith.constant 632 : i32
      %mul3A_48 = arith.muli %arg1, %mul3A : i32
      %mul3A_49 = arith.constant 632 : i32
      %mul3A_50 = arith.muli %arg1, %mul3A_49 : i32
      %add3A = arith.constant 10112 : i32
      %add3A_51 = arith.addi %add3A, %mul3A_50 : i32
      "tpu.region"() ({
        %run_scoped3A = tpu.sem_alloc : memref<!tpu.dma_semaphore, #tpu.memory_space<semaphore_mem>>
        %dma_start3A = arith.constant 0 : i32
        %dma_start3A_52 = tpu.memref_slice %arg9[%add3A_51, %dma_start3A] : memref<40448x128xf32, #tpu.memory_space<hbm>> -> memref<632x128xf32, #tpu.memory_space<hbm>>
        %dma_start3A_53 = arith.constant 0 : i32
        %dma_start3A_54 = tpu.memref_slice %arg14[%mul3A_48, %dma_start3A_53] : memref<10240x128xf32, #tpu.memory_space<vmem_shared>> -> memref<632x128xf32, #tpu.memory_space<vmem_shared>>
        tpu.enqueue_dma source(%dma_start3A_54 : memref<632x128xf32, #tpu.memory_space<vmem_shared>>) target(%dma_start3A_52 : memref<632x128xf32, #tpu.memory_space<hbm>>) target_semaphore(%run_scoped3A : memref<!tpu.dma_semaphore, #tpu.memory_space<semaphore_mem>>)
        %dma_wait3A = arith.constant 0 : i32
        %dma_wait3A_55 = tpu.memref_slice %arg9[%add3A_51, %dma_wait3A] : memref<40448x128xf32, #tpu.memory_space<hbm>> -> memref<632x128xf32, #tpu.memory_space<hbm>>
        %dma_wait3A_56 = arith.constant 0 : i32
        %dma_wait3A_57 = tpu.memref_slice %arg14[%mul3A_48, %dma_wait3A_56] : memref<10240x128xf32, #tpu.memory_space<vmem_shared>> -> memref<632x128xf32, #tpu.memory_space<vmem_shared>>
        tpu.wait_dma2 semaphore(%run_scoped3A : memref<!tpu.dma_semaphore, #tpu.memory_space<semaphore_mem>>) src(%dma_wait3A_57 : memref<632x128xf32, #tpu.memory_space<vmem_shared>>) dst(%dma_wait3A_55 : memref<632x128xf32, #tpu.memory_space<hbm>>)
        tpu.yield
      }) : () -> ()
    } else {
    }
    %eq3A_22 = arith.constant 1 : i32
    %eq3A_23 = arith.cmpi eq, %arg0, %eq3A_22 : i32
    %convert_element_type3A_24 = arith.extui %eq3A_23 : i1 to i32
    %cond3A_25 = arith.constant 0 : i32
    %cond3A_26 = arith.cmpi ne, %convert_element_type3A_24, %cond3A_25 : i32
    scf.if %cond3A_26 {
      %mul3A = arith.constant 640 : i32
      %mul3A_48 = arith.muli %arg1, %mul3A : i32
      "tpu.region"() ({
        %run_scoped3A = tpu.sem_alloc : memref<!tpu.dma_semaphore, #tpu.memory_space<semaphore_mem>>
        %dma_start3A = arith.constant 0 : i32
        %dma_start3A_49 = tpu.memref_slice %arg14[%mul3A_48, %dma_start3A] : memref<10240x128xf32, #tpu.memory_space<vmem_shared>> -> memref<640x128xf32, #tpu.memory_space<vmem_shared>>
        tpu.enqueue_dma source(%arg4 : memref<640x128xf32, #tpu.memory_space<hbm>>) target(%dma_start3A_49 : memref<640x128xf32, #tpu.memory_space<vmem_shared>>) target_semaphore(%run_scoped3A : memref<!tpu.dma_semaphore, #tpu.memory_space<semaphore_mem>>)
        %dma_wait3A = arith.constant 0 : i32
        %dma_wait3A_50 = tpu.memref_slice %arg14[%mul3A_48, %dma_wait3A] : memref<10240x128xf32, #tpu.memory_space<vmem_shared>> -> memref<640x128xf32, #tpu.memory_space<vmem_shared>>
        tpu.wait_dma2 semaphore(%run_scoped3A : memref<!tpu.dma_semaphore, #tpu.memory_space<semaphore_mem>>) src(%arg4 : memref<640x128xf32, #tpu.memory_space<hbm>>) dst(%dma_wait3A_50 : memref<640x128xf32, #tpu.memory_space<vmem_shared>>)
        tpu.yield
      }) : () -> ()
    } else {
    }
    %barrier3A_27 = arith.constant 0 : index
    tpu.barrier barrier_id(%barrier3A_27)
    %convert_element_type3A_28 = arith.extui %eq3A_23 : i1 to i32
    %cond3A_29 = arith.constant 0 : i32
    %cond3A_30 = arith.cmpi ne, %convert_element_type3A_28, %cond3A_29 : i32
    scf.if %cond3A_30 {
      %scan3A = arith.constant 0 : i32
      %scan3A_48 = arith.constant 0 : i32
      %scan3A_49 = arith.constant 7 : i32
      %scan3A_50 = arith.addi %scan3A_48, %scan3A_49 : i32
      %scan3A_51 = arith.constant 1 : i32
      scf.for %scan3A_53 = %scan3A_48 to %scan3A_50 step %scan3A_51  : i32 {
        %dma_start3A = arith.constant 0 : i32
        %dma_start3A_54 = arith.constant 0 : i32
        %dma_start3A_55 = tpu.memref_slice %arg2[%arg1, %scan3A_53, %dma_start3A, %dma_start3A_54] : memref<16x7x12x128xi32, #tpu.memory_space<hbm>> -> memref<1x1x12x128xi32, #tpu.memory_space<hbm>>
        %dma_start3A_56 = tpu.memref_squeeze %dma_start3A_55 : memref<1x1x12x128xi32, #tpu.memory_space<hbm>> -> memref<12x128xi32, #tpu.memory_space<hbm>>
        %dma_start3A_57 = arith.constant 0 : i32
        %dma_start3A_58 = arith.constant 0 : i32
        %dma_start3A_59 = tpu.memref_slice %arg2[%arg1, %scan3A_53, %dma_start3A_57, %dma_start3A_58] : memref<16x7x12x128xi32, #tpu.memory_space<hbm>> -> memref<1x1x12x128xi32, #tpu.memory_space<hbm>>
        %dma_start3A_60 = tpu.memref_squeeze %dma_start3A_59 : memref<1x1x12x128xi32, #tpu.memory_space<hbm>> -> memref<12x128xi32, #tpu.memory_space<hbm>>
        tpu.enqueue_dma source(%dma_start3A_60 : memref<12x128xi32, #tpu.memory_space<hbm>>) target(%arg10 : memref<12x128xi32, #tpu.memory_space<vmem>>) target_semaphore(%arg15 : memref<!tpu.dma_semaphore, #tpu.memory_space<semaphore_mem>>)
        %dma_start3A_61 = arith.constant 0 : i32
        %dma_start3A_62 = arith.constant 0 : i32
        %dma_start3A_63 = tpu.memref_slice %arg3[%arg1, %scan3A_53, %dma_start3A_61, %dma_start3A_62] : memref<16x7x12x128xi32, #tpu.memory_space<hbm>> -> memref<1x1x12x128xi32, #tpu.memory_space<hbm>>
        %dma_start3A_64 = tpu.memref_squeeze %dma_start3A_63 : memref<1x1x12x128xi32, #tpu.memory_space<hbm>> -> memref<12x128xi32, #tpu.memory_space<hbm>>
        %dma_start3A_65 = arith.constant 0 : i32
        %dma_start3A_66 = arith.constant 0 : i32
        %dma_start3A_67 = tpu.memref_slice %arg3[%arg1, %scan3A_53, %dma_start3A_65, %dma_start3A_66] : memref<16x7x12x128xi32, #tpu.memory_space<hbm>> -> memref<1x1x12x128xi32, #tpu.memory_space<hbm>>
        %dma_start3A_68 = tpu.memref_squeeze %dma_start3A_67 : memref<1x1x12x128xi32, #tpu.memory_space<hbm>> -> memref<12x128xi32, #tpu.memory_space<hbm>>
        tpu.enqueue_dma source(%dma_start3A_68 : memref<12x128xi32, #tpu.memory_space<hbm>>) target(%arg11 : memref<12x128xi32, #tpu.memory_space<vmem>>) target_semaphore(%arg16 : memref<!tpu.dma_semaphore, #tpu.memory_space<semaphore_mem>>)
        %dma_wait3A = arith.constant 0 : i32
        %dma_wait3A_69 = arith.constant 0 : i32
        %dma_wait3A_70 = tpu.memref_slice %arg2[%arg1, %scan3A_53, %dma_wait3A, %dma_wait3A_69] : memref<16x7x12x128xi32, #tpu.memory_space<hbm>> -> memref<1x1x12x128xi32, #tpu.memory_space<hbm>>
        %dma_wait3A_71 = tpu.memref_squeeze %dma_wait3A_70 : memref<1x1x12x128xi32, #tpu.memory_space<hbm>> -> memref<12x128xi32, #tpu.memory_space<hbm>>
        %dma_wait3A_72 = arith.constant 0 : i32
        %dma_wait3A_73 = arith.constant 0 : i32
        %dma_wait3A_74 = tpu.memref_slice %arg2[%arg1, %scan3A_53, %dma_wait3A_72, %dma_wait3A_73] : memref<16x7x12x128xi32, #tpu.memory_space<hbm>> -> memref<1x1x12x128xi32, #tpu.memory_space<hbm>>
        %dma_wait3A_75 = tpu.memref_squeeze %dma_wait3A_74 : memref<1x1x12x128xi32, #tpu.memory_space<hbm>> -> memref<12x128xi32, #tpu.memory_space<hbm>>
        tpu.wait_dma2 semaphore(%arg15 : memref<!tpu.dma_semaphore, #tpu.memory_space<semaphore_mem>>) src(%dma_wait3A_75 : memref<12x128xi32, #tpu.memory_space<hbm>>) dst(%arg10 : memref<12x128xi32, #tpu.memory_space<vmem>>)
        %dma_wait3A_76 = arith.constant 0 : i32
        %dma_wait3A_77 = arith.constant 0 : i32
        %dma_wait3A_78 = tpu.memref_slice %arg3[%arg1, %scan3A_53, %dma_wait3A_76, %dma_wait3A_77] : memref<16x7x12x128xi32, #tpu.memory_space<hbm>> -> memref<1x1x12x128xi32, #tpu.memory_space<hbm>>
        %dma_wait3A_79 = tpu.memref_squeeze %dma_wait3A_78 : memref<1x1x12x128xi32, #tpu.memory_space<hbm>> -> memref<12x128xi32, #tpu.memory_space<hbm>>
        %dma_wait3A_80 = arith.constant 0 : i32
        %dma_wait3A_81 = arith.constant 0 : i32
        %dma_wait3A_82 = tpu.memref_slice %arg3[%arg1, %scan3A_53, %dma_wait3A_80, %dma_wait3A_81] : memref<16x7x12x128xi32, #tpu.memory_space<hbm>> -> memref<1x1x12x128xi32, #tpu.memory_space<hbm>>
        %dma_wait3A_83 = tpu.memref_squeeze %dma_wait3A_82 : memref<1x1x12x128xi32, #tpu.memory_space<hbm>> -> memref<12x128xi32, #tpu.memory_space<hbm>>
        tpu.wait_dma2 semaphore(%arg16 : memref<!tpu.dma_semaphore, #tpu.memory_space<semaphore_mem>>) src(%dma_wait3A_83 : memref<12x128xi32, #tpu.memory_space<hbm>>) dst(%arg11 : memref<12x128xi32, #tpu.memory_space<vmem>>)
        %scan3A_84 = arith.constant 0 : i32
        %scan3A_85 = arith.constant 0 : i32
        %scan3A_86 = arith.constant 6 : i32
        %scan3A_87 = arith.addi %scan3A_85, %scan3A_86 : i32
        %scan3A_88 = arith.constant 1 : i32
        scf.for %scan3A_90 = %scan3A_85 to %scan3A_87 step %scan3A_88  : i32 {
          %mul3A = arith.constant 2 : i32
          %mul3A_91 = arith.muli %mul3A, %scan3A_90 : i32
          %mul3A_92 = arith.constant 2 : i32
          %mul3A_93 = arith.muli %mul3A_92, %scan3A_90 : i32
          %add3A = arith.constant 1 : i32
          %add3A_94 = arith.addi %mul3A_93, %add3A : i32
          %dma_start3A_95 = arith.constant 0 : i32
          %dma_start3A_96 = tpu.memref_slice %arg10[%mul3A_91, %dma_start3A_95] : memref<12x128xi32, #tpu.memory_space<vmem>> -> memref<1x128xi32, #tpu.memory_space<vmem>>
          %dma_start3A_97 = tpu.memref_squeeze %dma_start3A_96 : memref<1x128xi32, #tpu.memory_space<vmem>> -> memref<128xi32, #tpu.memory_space<vmem>>
          %dma_start3A_98 = arith.constant 0 : i32
          %dma_start3A_99 = arith.constant 0 : i32
          %dma_start3A_100 = tpu.memref_slice %arg7[%dma_start3A_98, %dma_start3A_99] : memref<10000x128xf32, #tpu.memory_space<hbm>> -> memref<10000x128xf32, #tpu.memory_space<hbm>>
          tpu.enqueue_indirect_dma source(%dma_start3A_100 : memref<10000x128xf32, #tpu.memory_space<hbm>>) target(%arg12 : memref<128x128xf32, #tpu.memory_space<vmem>>) offsets(%dma_start3A_97 : memref<128xi32, #tpu.memory_space<vmem>>) semaphore(%arg15 : memref<!tpu.dma_semaphore, #tpu.memory_space<semaphore_mem>>)
          %dma_wait3A_101 = arith.constant 0 : i32
          %dma_wait3A_102 = tpu.memref_slice %arg10[%mul3A_91, %dma_wait3A_101] : memref<12x128xi32, #tpu.memory_space<vmem>> -> memref<1x128xi32, #tpu.memory_space<vmem>>
          %dma_wait3A_103 = tpu.memref_squeeze %dma_wait3A_102 : memref<1x128xi32, #tpu.memory_space<vmem>> -> memref<128xi32, #tpu.memory_space<vmem>>
          %dma_wait3A_104 = arith.constant 0 : i32
          %dma_wait3A_105 = arith.constant 0 : i32
          %dma_wait3A_106 = tpu.memref_slice %arg7[%dma_wait3A_104, %dma_wait3A_105] : memref<10000x128xf32, #tpu.memory_space<hbm>> -> memref<10000x128xf32, #tpu.memory_space<hbm>>
          tpu.wait_indirect_dma semaphore(%arg15 : memref<!tpu.dma_semaphore, #tpu.memory_space<semaphore_mem>>) src(%dma_wait3A_106 : memref<10000x128xf32, #tpu.memory_space<hbm>>) dst(%arg12 : memref<128x128xf32, #tpu.memory_space<vmem>>)
          %dma_start3A_107 = arith.constant 0 : i32
          %dma_start3A_108 = tpu.memref_slice %arg10[%add3A_94, %dma_start3A_107] : memref<12x128xi32, #tpu.memory_space<vmem>> -> memref<1x128xi32, #tpu.memory_space<vmem>>
          %dma_start3A_109 = tpu.memref_squeeze %dma_start3A_108 : memref<1x128xi32, #tpu.memory_space<vmem>> -> memref<128xi32, #tpu.memory_space<vmem>>
          %dma_start3A_110 = arith.constant 0 : i32
          %dma_start3A_111 = arith.constant 0 : i32
          %dma_start3A_112 = tpu.memref_slice %arg7[%dma_start3A_110, %dma_start3A_111] : memref<10000x128xf32, #tpu.memory_space<hbm>> -> memref<10000x128xf32, #tpu.memory_space<hbm>>
          tpu.enqueue_indirect_dma source(%dma_start3A_112 : memref<10000x128xf32, #tpu.memory_space<hbm>>) target(%arg13 : memref<128x128xf32, #tpu.memory_space<vmem>>) offsets(%dma_start3A_109 : memref<128xi32, #tpu.memory_space<vmem>>) semaphore(%arg16 : memref<!tpu.dma_semaphore, #tpu.memory_space<semaphore_mem>>)
          %dma_start3A_113 = arith.constant 0 : i32
          %dma_start3A_114 = tpu.memref_slice %arg11[%mul3A_91, %dma_start3A_113] : memref<12x128xi32, #tpu.memory_space<vmem>> -> memref<1x128xi32, #tpu.memory_space<vmem>>
          %dma_start3A_115 = tpu.memref_squeeze %dma_start3A_114 : memref<1x128xi32, #tpu.memory_space<vmem>> -> memref<128xi32, #tpu.memory_space<vmem>>
          %dma_start3A_116 = arith.constant 0 : i32
          %dma_start3A_117 = arith.constant 0 : i32
          %dma_start3A_118 = tpu.memref_slice %arg14[%dma_start3A_116, %dma_start3A_117] : memref<10240x128xf32, #tpu.memory_space<vmem_shared>> -> memref<10240x128xf32, #tpu.memory_space<vmem_shared>>
          tpu.enqueue_indirect_dma source(%arg12 : memref<128x128xf32, #tpu.memory_space<vmem>>) target(%dma_start3A_118 : memref<10240x128xf32, #tpu.memory_space<vmem_shared>>) offsets(%dma_start3A_115 : memref<128xi32, #tpu.memory_space<vmem>>) semaphore(%arg17 : memref<!tpu.dma_semaphore, #tpu.memory_space<semaphore_mem>>) {add = true}
          %dma_wait3A_119 = arith.constant 0 : i32
          %dma_wait3A_120 = tpu.memref_slice %arg10[%add3A_94, %dma_wait3A_119] : memref<12x128xi32, #tpu.memory_space<vmem>> -> memref<1x128xi32, #tpu.memory_space<vmem>>
          %dma_wait3A_121 = tpu.memref_squeeze %dma_wait3A_120 : memref<1x128xi32, #tpu.memory_space<vmem>> -> memref<128xi32, #tpu.memory_space<vmem>>
          %dma_wait3A_122 = arith.constant 0 : i32
          %dma_wait3A_123 = arith.constant 0 : i32
          %dma_wait3A_124 = tpu.memref_slice %arg7[%dma_wait3A_122, %dma_wait3A_123] : memref<10000x128xf32, #tpu.memory_space<hbm>> -> memref<10000x128xf32, #tpu.memory_space<hbm>>
          tpu.wait_indirect_dma semaphore(%arg16 : memref<!tpu.dma_semaphore, #tpu.memory_space<semaphore_mem>>) src(%dma_wait3A_124 : memref<10000x128xf32, #tpu.memory_space<hbm>>) dst(%arg13 : memref<128x128xf32, #tpu.memory_space<vmem>>)
          %dma_wait3A_125 = arith.constant 0 : i32
          %dma_wait3A_126 = tpu.memref_slice %arg11[%mul3A_91, %dma_wait3A_125] : memref<12x128xi32, #tpu.memory_space<vmem>> -> memref<1x128xi32, #tpu.memory_space<vmem>>
          %dma_wait3A_127 = tpu.memref_squeeze %dma_wait3A_126 : memref<1x128xi32, #tpu.memory_space<vmem>> -> memref<128xi32, #tpu.memory_space<vmem>>
          %dma_wait3A_128 = arith.constant 0 : i32
          %dma_wait3A_129 = arith.constant 0 : i32
          %dma_wait3A_130 = tpu.memref_slice %arg14[%dma_wait3A_128, %dma_wait3A_129] : memref<10240x128xf32, #tpu.memory_space<vmem_shared>> -> memref<10240x128xf32, #tpu.memory_space<vmem_shared>>
          tpu.wait_indirect_dma semaphore(%arg17 : memref<!tpu.dma_semaphore, #tpu.memory_space<semaphore_mem>>) src(%arg12 : memref<128x128xf32, #tpu.memory_space<vmem>>) dst(%dma_wait3A_130 : memref<10240x128xf32, #tpu.memory_space<vmem_shared>>)
          %dma_start3A_131 = arith.constant 0 : i32
          %dma_start3A_132 = tpu.memref_slice %arg11[%add3A_94, %dma_start3A_131] : memref<12x128xi32, #tpu.memory_space<vmem>> -> memref<1x128xi32, #tpu.memory_space<vmem>>
          %dma_start3A_133 = tpu.memref_squeeze %dma_start3A_132 : memref<1x128xi32, #tpu.memory_space<vmem>> -> memref<128xi32, #tpu.memory_space<vmem>>
          %dma_start3A_134 = arith.constant 0 : i32
          %dma_start3A_135 = arith.constant 0 : i32
          %dma_start3A_136 = tpu.memref_slice %arg14[%dma_start3A_134, %dma_start3A_135] : memref<10240x128xf32, #tpu.memory_space<vmem_shared>> -> memref<10240x128xf32, #tpu.memory_space<vmem_shared>>
          tpu.enqueue_indirect_dma source(%arg13 : memref<128x128xf32, #tpu.memory_space<vmem>>) target(%dma_start3A_136 : memref<10240x128xf32, #tpu.memory_space<vmem_shared>>) offsets(%dma_start3A_133 : memref<128xi32, #tpu.memory_space<vmem>>) semaphore(%arg18 : memref<!tpu.dma_semaphore, #tpu.memory_space<semaphore_mem>>) {add = true}
          %dma_wait3A_137 = arith.constant 0 : i32
          %dma_wait3A_138 = tpu.memref_slice %arg11[%add3A_94, %dma_wait3A_137] : memref<12x128xi32, #tpu.memory_space<vmem>> -> memref<1x128xi32, #tpu.memory_space<vmem>>
          %dma_wait3A_139 = tpu.memref_squeeze %dma_wait3A_138 : memref<1x128xi32, #tpu.memory_space<vmem>> -> memref<128xi32, #tpu.memory_space<vmem>>
          %dma_wait3A_140 = arith.constant 0 : i32
          %dma_wait3A_141 = arith.constant 0 : i32
          %dma_wait3A_142 = tpu.memref_slice %arg14[%dma_wait3A_140, %dma_wait3A_141] : memref<10240x128xf32, #tpu.memory_space<vmem_shared>> -> memref<10240x128xf32, #tpu.memory_space<vmem_shared>>
          tpu.wait_indirect_dma semaphore(%arg18 : memref<!tpu.dma_semaphore, #tpu.memory_space<semaphore_mem>>) src(%arg13 : memref<128x128xf32, #tpu.memory_space<vmem>>) dst(%dma_wait3A_142 : memref<10240x128xf32, #tpu.memory_space<vmem_shared>>)
        }
        %scan3A_89 = arith.constant 6 : i32
      }
      %scan3A_52 = arith.constant 7 : i32
    } else {
    }
    %barrier3A_31 = arith.constant 0 : index
    tpu.barrier barrier_id(%barrier3A_31)
    %convert_element_type3A_32 = arith.extui %eq3A_23 : i1 to i32
    %cond3A_33 = arith.constant 0 : i32
    %cond3A_34 = arith.cmpi ne, %convert_element_type3A_32, %cond3A_33 : i32
    scf.if %cond3A_34 {
      %mul3A = arith.constant 632 : i32
      %mul3A_48 = arith.muli %arg1, %mul3A : i32
      %mul3A_49 = arith.constant 632 : i32
      %mul3A_50 = arith.muli %arg1, %mul3A_49 : i32
      %add3A = arith.constant 20224 : i32
      %add3A_51 = arith.addi %add3A, %mul3A_50 : i32
      "tpu.region"() ({
        %run_scoped3A = tpu.sem_alloc : memref<!tpu.dma_semaphore, #tpu.memory_space<semaphore_mem>>
        %dma_start3A = arith.constant 0 : i32
        %dma_start3A_52 = tpu.memref_slice %arg9[%add3A_51, %dma_start3A] : memref<40448x128xf32, #tpu.memory_space<hbm>> -> memref<632x128xf32, #tpu.memory_space<hbm>>
        %dma_start3A_53 = arith.constant 0 : i32
        %dma_start3A_54 = tpu.memref_slice %arg14[%mul3A_48, %dma_start3A_53] : memref<10240x128xf32, #tpu.memory_space<vmem_shared>> -> memref<632x128xf32, #tpu.memory_space<vmem_shared>>
        tpu.enqueue_dma source(%dma_start3A_54 : memref<632x128xf32, #tpu.memory_space<vmem_shared>>) target(%dma_start3A_52 : memref<632x128xf32, #tpu.memory_space<hbm>>) target_semaphore(%run_scoped3A : memref<!tpu.dma_semaphore, #tpu.memory_space<semaphore_mem>>)
        %dma_wait3A = arith.constant 0 : i32
        %dma_wait3A_55 = tpu.memref_slice %arg9[%add3A_51, %dma_wait3A] : memref<40448x128xf32, #tpu.memory_space<hbm>> -> memref<632x128xf32, #tpu.memory_space<hbm>>
        %dma_wait3A_56 = arith.constant 0 : i32
        %dma_wait3A_57 = tpu.memref_slice %arg14[%mul3A_48, %dma_wait3A_56] : memref<10240x128xf32, #tpu.memory_space<vmem_shared>> -> memref<632x128xf32, #tpu.memory_space<vmem_shared>>
        tpu.wait_dma2 semaphore(%run_scoped3A : memref<!tpu.dma_semaphore, #tpu.memory_space<semaphore_mem>>) src(%dma_wait3A_57 : memref<632x128xf32, #tpu.memory_space<vmem_shared>>) dst(%dma_wait3A_55 : memref<632x128xf32, #tpu.memory_space<hbm>>)
        tpu.yield
      }) : () -> ()
    } else {
    }
    %eq3A_35 = arith.constant 1 : i32
    %eq3A_36 = arith.cmpi eq, %arg0, %eq3A_35 : i32
    %convert_element_type3A_37 = arith.extui %eq3A_36 : i1 to i32
    %cond3A_38 = arith.constant 0 : i32
    %cond3A_39 = arith.cmpi ne, %convert_element_type3A_37, %cond3A_38 : i32
    scf.if %cond3A_39 {
      %mul3A = arith.constant 640 : i32
      %mul3A_48 = arith.muli %arg1, %mul3A : i32
      "tpu.region"() ({
        %run_scoped3A = tpu.sem_alloc : memref<!tpu.dma_semaphore, #tpu.memory_space<semaphore_mem>>
        %dma_start3A = arith.constant 0 : i32
        %dma_start3A_49 = tpu.memref_slice %arg14[%mul3A_48, %dma_start3A] : memref<10240x128xf32, #tpu.memory_space<vmem_shared>> -> memref<640x128xf32, #tpu.memory_space<vmem_shared>>
        tpu.enqueue_dma source(%arg4 : memref<640x128xf32, #tpu.memory_space<hbm>>) target(%dma_start3A_49 : memref<640x128xf32, #tpu.memory_space<vmem_shared>>) target_semaphore(%run_scoped3A : memref<!tpu.dma_semaphore, #tpu.memory_space<semaphore_mem>>)
        %dma_wait3A = arith.constant 0 : i32
        %dma_wait3A_50 = tpu.memref_slice %arg14[%mul3A_48, %dma_wait3A] : memref<10240x128xf32, #tpu.memory_space<vmem_shared>> -> memref<640x128xf32, #tpu.memory_space<vmem_shared>>
        tpu.wait_dma2 semaphore(%run_scoped3A : memref<!tpu.dma_semaphore, #tpu.memory_space<semaphore_mem>>) src(%arg4 : memref<640x128xf32, #tpu.memory_space<hbm>>) dst(%dma_wait3A_50 : memref<640x128xf32, #tpu.memory_space<vmem_shared>>)
        tpu.yield
      }) : () -> ()
    } else {
    }
    %barrier3A_40 = arith.constant 0 : index
    tpu.barrier barrier_id(%barrier3A_40)
    %convert_element_type3A_41 = arith.extui %eq3A_36 : i1 to i32
    %cond3A_42 = arith.constant 0 : i32
    %cond3A_43 = arith.cmpi ne, %convert_element_type3A_41, %cond3A_42 : i32
    scf.if %cond3A_43 {
      %scan3A = arith.constant 0 : i32
      %scan3A_48 = arith.constant 0 : i32
      %scan3A_49 = arith.constant 7 : i32
      %scan3A_50 = arith.addi %scan3A_48, %scan3A_49 : i32
      %scan3A_51 = arith.constant 1 : i32
      scf.for %scan3A_53 = %scan3A_48 to %scan3A_50 step %scan3A_51  : i32 {
        %dma_start3A = arith.constant 0 : i32
        %dma_start3A_54 = arith.constant 0 : i32
        %dma_start3A_55 = tpu.memref_slice %arg2[%arg1, %scan3A_53, %dma_start3A, %dma_start3A_54] : memref<16x7x12x128xi32, #tpu.memory_space<hbm>> -> memref<1x1x12x128xi32, #tpu.memory_space<hbm>>
        %dma_start3A_56 = tpu.memref_squeeze %dma_start3A_55 : memref<1x1x12x128xi32, #tpu.memory_space<hbm>> -> memref<12x128xi32, #tpu.memory_space<hbm>>
        %dma_start3A_57 = arith.constant 0 : i32
        %dma_start3A_58 = arith.constant 0 : i32
        %dma_start3A_59 = tpu.memref_slice %arg2[%arg1, %scan3A_53, %dma_start3A_57, %dma_start3A_58] : memref<16x7x12x128xi32, #tpu.memory_space<hbm>> -> memref<1x1x12x128xi32, #tpu.memory_space<hbm>>
        %dma_start3A_60 = tpu.memref_squeeze %dma_start3A_59 : memref<1x1x12x128xi32, #tpu.memory_space<hbm>> -> memref<12x128xi32, #tpu.memory_space<hbm>>
        tpu.enqueue_dma source(%dma_start3A_60 : memref<12x128xi32, #tpu.memory_space<hbm>>) target(%arg10 : memref<12x128xi32, #tpu.memory_space<vmem>>) target_semaphore(%arg15 : memref<!tpu.dma_semaphore, #tpu.memory_space<semaphore_mem>>)
        %dma_start3A_61 = arith.constant 0 : i32
        %dma_start3A_62 = arith.constant 0 : i32
        %dma_start3A_63 = tpu.memref_slice %arg3[%arg1, %scan3A_53, %dma_start3A_61, %dma_start3A_62] : memref<16x7x12x128xi32, #tpu.memory_space<hbm>> -> memref<1x1x12x128xi32, #tpu.memory_space<hbm>>
        %dma_start3A_64 = tpu.memref_squeeze %dma_start3A_63 : memref<1x1x12x128xi32, #tpu.memory_space<hbm>> -> memref<12x128xi32, #tpu.memory_space<hbm>>
        %dma_start3A_65 = arith.constant 0 : i32
        %dma_start3A_66 = arith.constant 0 : i32
        %dma_start3A_67 = tpu.memref_slice %arg3[%arg1, %scan3A_53, %dma_start3A_65, %dma_start3A_66] : memref<16x7x12x128xi32, #tpu.memory_space<hbm>> -> memref<1x1x12x128xi32, #tpu.memory_space<hbm>>
        %dma_start3A_68 = tpu.memref_squeeze %dma_start3A_67 : memref<1x1x12x128xi32, #tpu.memory_space<hbm>> -> memref<12x128xi32, #tpu.memory_space<hbm>>
        tpu.enqueue_dma source(%dma_start3A_68 : memref<12x128xi32, #tpu.memory_space<hbm>>) target(%arg11 : memref<12x128xi32, #tpu.memory_space<vmem>>) target_semaphore(%arg16 : memref<!tpu.dma_semaphore, #tpu.memory_space<semaphore_mem>>)
        %dma_wait3A = arith.constant 0 : i32
        %dma_wait3A_69 = arith.constant 0 : i32
        %dma_wait3A_70 = tpu.memref_slice %arg2[%arg1, %scan3A_53, %dma_wait3A, %dma_wait3A_69] : memref<16x7x12x128xi32, #tpu.memory_space<hbm>> -> memref<1x1x12x128xi32, #tpu.memory_space<hbm>>
        %dma_wait3A_71 = tpu.memref_squeeze %dma_wait3A_70 : memref<1x1x12x128xi32, #tpu.memory_space<hbm>> -> memref<12x128xi32, #tpu.memory_space<hbm>>
        %dma_wait3A_72 = arith.constant 0 : i32
        %dma_wait3A_73 = arith.constant 0 : i32
        %dma_wait3A_74 = tpu.memref_slice %arg2[%arg1, %scan3A_53, %dma_wait3A_72, %dma_wait3A_73] : memref<16x7x12x128xi32, #tpu.memory_space<hbm>> -> memref<1x1x12x128xi32, #tpu.memory_space<hbm>>
        %dma_wait3A_75 = tpu.memref_squeeze %dma_wait3A_74 : memref<1x1x12x128xi32, #tpu.memory_space<hbm>> -> memref<12x128xi32, #tpu.memory_space<hbm>>
        tpu.wait_dma2 semaphore(%arg15 : memref<!tpu.dma_semaphore, #tpu.memory_space<semaphore_mem>>) src(%dma_wait3A_75 : memref<12x128xi32, #tpu.memory_space<hbm>>) dst(%arg10 : memref<12x128xi32, #tpu.memory_space<vmem>>)
        %dma_wait3A_76 = arith.constant 0 : i32
        %dma_wait3A_77 = arith.constant 0 : i32
        %dma_wait3A_78 = tpu.memref_slice %arg3[%arg1, %scan3A_53, %dma_wait3A_76, %dma_wait3A_77] : memref<16x7x12x128xi32, #tpu.memory_space<hbm>> -> memref<1x1x12x128xi32, #tpu.memory_space<hbm>>
        %dma_wait3A_79 = tpu.memref_squeeze %dma_wait3A_78 : memref<1x1x12x128xi32, #tpu.memory_space<hbm>> -> memref<12x128xi32, #tpu.memory_space<hbm>>
        %dma_wait3A_80 = arith.constant 0 : i32
        %dma_wait3A_81 = arith.constant 0 : i32
        %dma_wait3A_82 = tpu.memref_slice %arg3[%arg1, %scan3A_53, %dma_wait3A_80, %dma_wait3A_81] : memref<16x7x12x128xi32, #tpu.memory_space<hbm>> -> memref<1x1x12x128xi32, #tpu.memory_space<hbm>>
        %dma_wait3A_83 = tpu.memref_squeeze %dma_wait3A_82 : memref<1x1x12x128xi32, #tpu.memory_space<hbm>> -> memref<12x128xi32, #tpu.memory_space<hbm>>
        tpu.wait_dma2 semaphore(%arg16 : memref<!tpu.dma_semaphore, #tpu.memory_space<semaphore_mem>>) src(%dma_wait3A_83 : memref<12x128xi32, #tpu.memory_space<hbm>>) dst(%arg11 : memref<12x128xi32, #tpu.memory_space<vmem>>)
        %scan3A_84 = arith.constant 0 : i32
        %scan3A_85 = arith.constant 0 : i32
        %scan3A_86 = arith.constant 6 : i32
        %scan3A_87 = arith.addi %scan3A_85, %scan3A_86 : i32
        %scan3A_88 = arith.constant 1 : i32
        scf.for %scan3A_90 = %scan3A_85 to %scan3A_87 step %scan3A_88  : i32 {
          %mul3A = arith.constant 2 : i32
          %mul3A_91 = arith.muli %mul3A, %scan3A_90 : i32
          %mul3A_92 = arith.constant 2 : i32
          %mul3A_93 = arith.muli %mul3A_92, %scan3A_90 : i32
          %add3A = arith.constant 1 : i32
          %add3A_94 = arith.addi %mul3A_93, %add3A : i32
          %dma_start3A_95 = arith.constant 0 : i32
          %dma_start3A_96 = tpu.memref_slice %arg10[%mul3A_91, %dma_start3A_95] : memref<12x128xi32, #tpu.memory_space<vmem>> -> memref<1x128xi32, #tpu.memory_space<vmem>>
          %dma_start3A_97 = tpu.memref_squeeze %dma_start3A_96 : memref<1x128xi32, #tpu.memory_space<vmem>> -> memref<128xi32, #tpu.memory_space<vmem>>
          %dma_start3A_98 = arith.constant 0 : i32
          %dma_start3A_99 = arith.constant 0 : i32
          %dma_start3A_100 = tpu.memref_slice %arg8[%dma_start3A_98, %dma_start3A_99] : memref<10000x128xf32, #tpu.memory_space<hbm>> -> memref<10000x128xf32, #tpu.memory_space<hbm>>
          tpu.enqueue_indirect_dma source(%dma_start3A_100 : memref<10000x128xf32, #tpu.memory_space<hbm>>) target(%arg12 : memref<128x128xf32, #tpu.memory_space<vmem>>) offsets(%dma_start3A_97 : memref<128xi32, #tpu.memory_space<vmem>>) semaphore(%arg15 : memref<!tpu.dma_semaphore, #tpu.memory_space<semaphore_mem>>)
          %dma_wait3A_101 = arith.constant 0 : i32
          %dma_wait3A_102 = tpu.memref_slice %arg10[%mul3A_91, %dma_wait3A_101] : memref<12x128xi32, #tpu.memory_space<vmem>> -> memref<1x128xi32, #tpu.memory_space<vmem>>
          %dma_wait3A_103 = tpu.memref_squeeze %dma_wait3A_102 : memref<1x128xi32, #tpu.memory_space<vmem>> -> memref<128xi32, #tpu.memory_space<vmem>>
          %dma_wait3A_104 = arith.constant 0 : i32
          %dma_wait3A_105 = arith.constant 0 : i32
          %dma_wait3A_106 = tpu.memref_slice %arg8[%dma_wait3A_104, %dma_wait3A_105] : memref<10000x128xf32, #tpu.memory_space<hbm>> -> memref<10000x128xf32, #tpu.memory_space<hbm>>
          tpu.wait_indirect_dma semaphore(%arg15 : memref<!tpu.dma_semaphore, #tpu.memory_space<semaphore_mem>>) src(%dma_wait3A_106 : memref<10000x128xf32, #tpu.memory_space<hbm>>) dst(%arg12 : memref<128x128xf32, #tpu.memory_space<vmem>>)
          %dma_start3A_107 = arith.constant 0 : i32
          %dma_start3A_108 = tpu.memref_slice %arg10[%add3A_94, %dma_start3A_107] : memref<12x128xi32, #tpu.memory_space<vmem>> -> memref<1x128xi32, #tpu.memory_space<vmem>>
          %dma_start3A_109 = tpu.memref_squeeze %dma_start3A_108 : memref<1x128xi32, #tpu.memory_space<vmem>> -> memref<128xi32, #tpu.memory_space<vmem>>
          %dma_start3A_110 = arith.constant 0 : i32
          %dma_start3A_111 = arith.constant 0 : i32
          %dma_start3A_112 = tpu.memref_slice %arg8[%dma_start3A_110, %dma_start3A_111] : memref<10000x128xf32, #tpu.memory_space<hbm>> -> memref<10000x128xf32, #tpu.memory_space<hbm>>
          tpu.enqueue_indirect_dma source(%dma_start3A_112 : memref<10000x128xf32, #tpu.memory_space<hbm>>) target(%arg13 : memref<128x128xf32, #tpu.memory_space<vmem>>) offsets(%dma_start3A_109 : memref<128xi32, #tpu.memory_space<vmem>>) semaphore(%arg16 : memref<!tpu.dma_semaphore, #tpu.memory_space<semaphore_mem>>)
          %dma_start3A_113 = arith.constant 0 : i32
          %dma_start3A_114 = tpu.memref_slice %arg11[%mul3A_91, %dma_start3A_113] : memref<12x128xi32, #tpu.memory_space<vmem>> -> memref<1x128xi32, #tpu.memory_space<vmem>>
          %dma_start3A_115 = tpu.memref_squeeze %dma_start3A_114 : memref<1x128xi32, #tpu.memory_space<vmem>> -> memref<128xi32, #tpu.memory_space<vmem>>
          %dma_start3A_116 = arith.constant 0 : i32
          %dma_start3A_117 = arith.constant 0 : i32
          %dma_start3A_118 = tpu.memref_slice %arg14[%dma_start3A_116, %dma_start3A_117] : memref<10240x128xf32, #tpu.memory_space<vmem_shared>> -> memref<10240x128xf32, #tpu.memory_space<vmem_shared>>
          tpu.enqueue_indirect_dma source(%arg12 : memref<128x128xf32, #tpu.memory_space<vmem>>) target(%dma_start3A_118 : memref<10240x128xf32, #tpu.memory_space<vmem_shared>>) offsets(%dma_start3A_115 : memref<128xi32, #tpu.memory_space<vmem>>) semaphore(%arg17 : memref<!tpu.dma_semaphore, #tpu.memory_space<semaphore_mem>>) {add = true}
          %dma_wait3A_119 = arith.constant 0 : i32
          %dma_wait3A_120 = tpu.memref_slice %arg10[%add3A_94, %dma_wait3A_119] : memref<12x128xi32, #tpu.memory_space<vmem>> -> memref<1x128xi32, #tpu.memory_space<vmem>>
          %dma_wait3A_121 = tpu.memref_squeeze %dma_wait3A_120 : memref<1x128xi32, #tpu.memory_space<vmem>> -> memref<128xi32, #tpu.memory_space<vmem>>
          %dma_wait3A_122 = arith.constant 0 : i32
          %dma_wait3A_123 = arith.constant 0 : i32
          %dma_wait3A_124 = tpu.memref_slice %arg8[%dma_wait3A_122, %dma_wait3A_123] : memref<10000x128xf32, #tpu.memory_space<hbm>> -> memref<10000x128xf32, #tpu.memory_space<hbm>>
          tpu.wait_indirect_dma semaphore(%arg16 : memref<!tpu.dma_semaphore, #tpu.memory_space<semaphore_mem>>) src(%dma_wait3A_124 : memref<10000x128xf32, #tpu.memory_space<hbm>>) dst(%arg13 : memref<128x128xf32, #tpu.memory_space<vmem>>)
          %dma_wait3A_125 = arith.constant 0 : i32
          %dma_wait3A_126 = tpu.memref_slice %arg11[%mul3A_91, %dma_wait3A_125] : memref<12x128xi32, #tpu.memory_space<vmem>> -> memref<1x128xi32, #tpu.memory_space<vmem>>
          %dma_wait3A_127 = tpu.memref_squeeze %dma_wait3A_126 : memref<1x128xi32, #tpu.memory_space<vmem>> -> memref<128xi32, #tpu.memory_space<vmem>>
          %dma_wait3A_128 = arith.constant 0 : i32
          %dma_wait3A_129 = arith.constant 0 : i32
          %dma_wait3A_130 = tpu.memref_slice %arg14[%dma_wait3A_128, %dma_wait3A_129] : memref<10240x128xf32, #tpu.memory_space<vmem_shared>> -> memref<10240x128xf32, #tpu.memory_space<vmem_shared>>
          tpu.wait_indirect_dma semaphore(%arg17 : memref<!tpu.dma_semaphore, #tpu.memory_space<semaphore_mem>>) src(%arg12 : memref<128x128xf32, #tpu.memory_space<vmem>>) dst(%dma_wait3A_130 : memref<10240x128xf32, #tpu.memory_space<vmem_shared>>)
          %dma_start3A_131 = arith.constant 0 : i32
          %dma_start3A_132 = tpu.memref_slice %arg11[%add3A_94, %dma_start3A_131] : memref<12x128xi32, #tpu.memory_space<vmem>> -> memref<1x128xi32, #tpu.memory_space<vmem>>
          %dma_start3A_133 = tpu.memref_squeeze %dma_start3A_132 : memref<1x128xi32, #tpu.memory_space<vmem>> -> memref<128xi32, #tpu.memory_space<vmem>>
          %dma_start3A_134 = arith.constant 0 : i32
          %dma_start3A_135 = arith.constant 0 : i32
          %dma_start3A_136 = tpu.memref_slice %arg14[%dma_start3A_134, %dma_start3A_135] : memref<10240x128xf32, #tpu.memory_space<vmem_shared>> -> memref<10240x128xf32, #tpu.memory_space<vmem_shared>>
          tpu.enqueue_indirect_dma source(%arg13 : memref<128x128xf32, #tpu.memory_space<vmem>>) target(%dma_start3A_136 : memref<10240x128xf32, #tpu.memory_space<vmem_shared>>) offsets(%dma_start3A_133 : memref<128xi32, #tpu.memory_space<vmem>>) semaphore(%arg18 : memref<!tpu.dma_semaphore, #tpu.memory_space<semaphore_mem>>) {add = true}
          %dma_wait3A_137 = arith.constant 0 : i32
          %dma_wait3A_138 = tpu.memref_slice %arg11[%add3A_94, %dma_wait3A_137] : memref<12x128xi32, #tpu.memory_space<vmem>> -> memref<1x128xi32, #tpu.memory_space<vmem>>
          %dma_wait3A_139 = tpu.memref_squeeze %dma_wait3A_138 : memref<1x128xi32, #tpu.memory_space<vmem>> -> memref<128xi32, #tpu.memory_space<vmem>>
          %dma_wait3A_140 = arith.constant 0 : i32
          %dma_wait3A_141 = arith.constant 0 : i32
          %dma_wait3A_142 = tpu.memref_slice %arg14[%dma_wait3A_140, %dma_wait3A_141] : memref<10240x128xf32, #tpu.memory_space<vmem_shared>> -> memref<10240x128xf32, #tpu.memory_space<vmem_shared>>
          tpu.wait_indirect_dma semaphore(%arg18 : memref<!tpu.dma_semaphore, #tpu.memory_space<semaphore_mem>>) src(%arg13 : memref<128x128xf32, #tpu.memory_space<vmem>>) dst(%dma_wait3A_142 : memref<10240x128xf32, #tpu.memory_space<vmem_shared>>)
        }
        %scan3A_89 = arith.constant 6 : i32
      }
      %scan3A_52 = arith.constant 7 : i32
    } else {
    }
    %barrier3A_44 = arith.constant 0 : index
    tpu.barrier barrier_id(%barrier3A_44)
    %convert_element_type3A_45 = arith.extui %eq3A_36 : i1 to i32
    %cond3A_46 = arith.constant 0 : i32
    %cond3A_47 = arith.cmpi ne, %convert_element_type3A_45, %cond3A_46 : i32
    scf.if %cond3A_47 {
      %mul3A = arith.constant 632 : i32
      %mul3A_48 = arith.muli %arg1, %mul3A : i32
      %mul3A_49 = arith.constant 632 : i32
      %mul3A_50 = arith.muli %arg1, %mul3A_49 : i32
      %add3A = arith.constant 30336 : i32
      %add3A_51 = arith.addi %add3A, %mul3A_50 : i32
      "tpu.region"() ({
        %run_scoped3A = tpu.sem_alloc : memref<!tpu.dma_semaphore, #tpu.memory_space<semaphore_mem>>
        %dma_start3A = arith.constant 0 : i32
        %dma_start3A_52 = tpu.memref_slice %arg9[%add3A_51, %dma_start3A] : memref<40448x128xf32, #tpu.memory_space<hbm>> -> memref<632x128xf32, #tpu.memory_space<hbm>>
        %dma_start3A_53 = arith.constant 0 : i32
        %dma_start3A_54 = tpu.memref_slice %arg14[%mul3A_48, %dma_start3A_53] : memref<10240x128xf32, #tpu.memory_space<vmem_shared>> -> memref<632x128xf32, #tpu.memory_space<vmem_shared>>
        tpu.enqueue_dma source(%dma_start3A_54 : memref<632x128xf32, #tpu.memory_space<vmem_shared>>) target(%dma_start3A_52 : memref<632x128xf32, #tpu.memory_space<hbm>>) target_semaphore(%run_scoped3A : memref<!tpu.dma_semaphore, #tpu.memory_space<semaphore_mem>>)
        %dma_wait3A = arith.constant 0 : i32
        %dma_wait3A_55 = tpu.memref_slice %arg9[%add3A_51, %dma_wait3A] : memref<40448x128xf32, #tpu.memory_space<hbm>> -> memref<632x128xf32, #tpu.memory_space<hbm>>
        %dma_wait3A_56 = arith.constant 0 : i32
        %dma_wait3A_57 = tpu.memref_slice %arg14[%mul3A_48, %dma_wait3A_56] : memref<10240x128xf32, #tpu.memory_space<vmem_shared>> -> memref<632x128xf32, #tpu.memory_space<vmem_shared>>
        tpu.wait_dma2 semaphore(%run_scoped3A : memref<!tpu.dma_semaphore, #tpu.memory_space<semaphore_mem>>) src(%dma_wait3A_57 : memref<632x128xf32, #tpu.memory_space<vmem_shared>>) dst(%dma_wait3A_55 : memref<632x128xf32, #tpu.memory_space<hbm>>)
        tpu.yield
      }) : () -> ()
    } else {
    }
    return
  }
}

#map = affine_map<(d0, d1) -> (0, 0)>
#map1 = affine_map<(d0, d1) -> (0, 0, 0)>
module attributes {stable_mosaic.version = 14 : i64} {
  func.func @run(%arg0: i32, %arg1: i32, %arg2: memref<10112x128xf32, #tpu.memory_space<hbm>>, %arg3: memref<10112x128xf32, #tpu.memory_space<hbm>>, %arg4: memref<16x160x128xi32, #tpu.memory_space<hbm>>, %arg5: memref<16x160x128xi32, #tpu.memory_space<hbm>>, %arg6: memref<655360x16xf32, #tpu.memory_space<hbm>>, %arg7: memref<8x128xi32, #tpu.memory_space<vmem>>, %arg8: memref<8x128xi32, #tpu.memory_space<vmem>>, %arg9: memref<128x128xf32, #tpu.memory_space<vmem>>, %arg10: memref<128x128xf32, #tpu.memory_space<vmem>>, %arg11: memref<64x16xf32, #tpu.memory_space<vmem>>, %arg12: memref<10000x128xf32, #tpu.memory_space<vmem_shared>>, %arg13: memref<!tpu.dma_semaphore, #tpu.memory_space<semaphore_mem>>, %arg14: memref<!tpu.dma_semaphore, #tpu.memory_space<semaphore_mem>>) attributes {dimension_semantics = [#tpu.dimension_semantics<core_parallel>, #tpu.dimension_semantics<subcore_parallel>], iteration_bounds = array<i64: 2, 16>, scalar_prefetch = 0 : i64, scratch_operands = 8 : i64, tpu.core_type = #tpu.core_type<sc_vector_subcore>, window_params = [{transform_indices = #map}, {transform_indices = #map}, {transform_indices = #map1}, {transform_indices = #map1}, {transform_indices = #map}]} {
    %eq3A = arith.constant 0 : i32
    %eq3A_0 = arith.cmpi eq, %arg0, %eq3A : i32
    %lt3A = arith.constant 15 : i32
    %lt3A_1 = arith.cmpi slt, %arg1, %lt3A : i32
    %and3A = arith.andi %eq3A_0, %lt3A_1 : i1
    %convert_element_type3A = arith.extui %and3A : i1 to i32
    %cond3A = arith.constant 0 : i32
    %cond3A_2 = arith.cmpi ne, %convert_element_type3A, %cond3A : i32
    scf.if %cond3A_2 {
      %mul3A = arith.constant 632 : i32
      %mul3A_32 = arith.muli %arg1, %mul3A : i32
      %mul3A_33 = arith.constant 632 : i32
      %mul3A_34 = arith.muli %arg1, %mul3A_33 : i32
      "tpu.region"() ({
        %run_scoped3A = tpu.sem_alloc : memref<!tpu.dma_semaphore, #tpu.memory_space<semaphore_mem>>
        %dma_start3A = arith.constant 0 : i32
        %dma_start3A_35 = tpu.memref_slice %arg12[%mul3A_34, %dma_start3A] : memref<10000x128xf32, #tpu.memory_space<vmem_shared>> -> memref<632x128xf32, #tpu.memory_space<vmem_shared>>
        %dma_start3A_36 = arith.constant 0 : i32
        %dma_start3A_37 = tpu.memref_slice %arg2[%mul3A_32, %dma_start3A_36] : memref<10112x128xf32, #tpu.memory_space<hbm>> -> memref<632x128xf32, #tpu.memory_space<hbm>>
        tpu.enqueue_dma source(%dma_start3A_37 : memref<632x128xf32, #tpu.memory_space<hbm>>) target(%dma_start3A_35 : memref<632x128xf32, #tpu.memory_space<vmem_shared>>) target_semaphore(%run_scoped3A : memref<!tpu.dma_semaphore, #tpu.memory_space<semaphore_mem>>)
        %dma_wait3A = arith.constant 0 : i32
        %dma_wait3A_38 = tpu.memref_slice %arg12[%mul3A_34, %dma_wait3A] : memref<10000x128xf32, #tpu.memory_space<vmem_shared>> -> memref<632x128xf32, #tpu.memory_space<vmem_shared>>
        %dma_wait3A_39 = arith.constant 0 : i32
        %dma_wait3A_40 = tpu.memref_slice %arg2[%mul3A_32, %dma_wait3A_39] : memref<10112x128xf32, #tpu.memory_space<hbm>> -> memref<632x128xf32, #tpu.memory_space<hbm>>
        tpu.wait_dma2 semaphore(%run_scoped3A : memref<!tpu.dma_semaphore, #tpu.memory_space<semaphore_mem>>) src(%dma_wait3A_40 : memref<632x128xf32, #tpu.memory_space<hbm>>) dst(%dma_wait3A_38 : memref<632x128xf32, #tpu.memory_space<vmem_shared>>)
        tpu.yield
      }) : () -> ()
    } else {
    }
    %eq3A_3 = arith.constant 0 : i32
    %eq3A_4 = arith.cmpi eq, %arg0, %eq3A_3 : i32
    %eq3A_5 = arith.constant 15 : i32
    %eq3A_6 = arith.cmpi eq, %arg1, %eq3A_5 : i32
    %and3A_7 = arith.andi %eq3A_4, %eq3A_6 : i1
    %convert_element_type3A_8 = arith.extui %and3A_7 : i1 to i32
    %cond3A_9 = arith.constant 0 : i32
    %cond3A_10 = arith.cmpi ne, %convert_element_type3A_8, %cond3A_9 : i32
    scf.if %cond3A_10 {
      "tpu.region"() ({
        %run_scoped3A = tpu.sem_alloc : memref<!tpu.dma_semaphore, #tpu.memory_space<semaphore_mem>>
        %dma_start3A = arith.constant 9480 : i32
        %dma_start3A_32 = arith.constant 0 : i32
        %dma_start3A_33 = tpu.memref_slice %arg12[%dma_start3A, %dma_start3A_32] : memref<10000x128xf32, #tpu.memory_space<vmem_shared>> -> memref<520x128xf32, #tpu.memory_space<vmem_shared>>
        %dma_start3A_34 = arith.constant 9480 : i32
        %dma_start3A_35 = arith.constant 0 : i32
        %dma_start3A_36 = tpu.memref_slice %arg2[%dma_start3A_34, %dma_start3A_35] : memref<10112x128xf32, #tpu.memory_space<hbm>> -> memref<520x128xf32, #tpu.memory_space<hbm>>
        tpu.enqueue_dma source(%dma_start3A_36 : memref<520x128xf32, #tpu.memory_space<hbm>>) target(%dma_start3A_33 : memref<520x128xf32, #tpu.memory_space<vmem_shared>>) target_semaphore(%run_scoped3A : memref<!tpu.dma_semaphore, #tpu.memory_space<semaphore_mem>>)
        %dma_wait3A = arith.constant 9480 : i32
        %dma_wait3A_37 = arith.constant 0 : i32
        %dma_wait3A_38 = tpu.memref_slice %arg12[%dma_wait3A, %dma_wait3A_37] : memref<10000x128xf32, #tpu.memory_space<vmem_shared>> -> memref<520x128xf32, #tpu.memory_space<vmem_shared>>
        %dma_wait3A_39 = arith.constant 9480 : i32
        %dma_wait3A_40 = arith.constant 0 : i32
        %dma_wait3A_41 = tpu.memref_slice %arg2[%dma_wait3A_39, %dma_wait3A_40] : memref<10112x128xf32, #tpu.memory_space<hbm>> -> memref<520x128xf32, #tpu.memory_space<hbm>>
        tpu.wait_dma2 semaphore(%run_scoped3A : memref<!tpu.dma_semaphore, #tpu.memory_space<semaphore_mem>>) src(%dma_wait3A_41 : memref<520x128xf32, #tpu.memory_space<hbm>>) dst(%dma_wait3A_38 : memref<520x128xf32, #tpu.memory_space<vmem_shared>>)
        tpu.yield
      }) : () -> ()
    } else {
    }
    %eq3A_11 = arith.constant 1 : i32
    %eq3A_12 = arith.cmpi eq, %arg0, %eq3A_11 : i32
    %lt3A_13 = arith.constant 15 : i32
    %lt3A_14 = arith.cmpi slt, %arg1, %lt3A_13 : i32
    %and3A_15 = arith.andi %eq3A_12, %lt3A_14 : i1
    %convert_element_type3A_16 = arith.extui %and3A_15 : i1 to i32
    %cond3A_17 = arith.constant 0 : i32
    %cond3A_18 = arith.cmpi ne, %convert_element_type3A_16, %cond3A_17 : i32
    scf.if %cond3A_18 {
      %mul3A = arith.constant 632 : i32
      %mul3A_32 = arith.muli %arg1, %mul3A : i32
      %mul3A_33 = arith.constant 632 : i32
      %mul3A_34 = arith.muli %arg1, %mul3A_33 : i32
      "tpu.region"() ({
        %run_scoped3A = tpu.sem_alloc : memref<!tpu.dma_semaphore, #tpu.memory_space<semaphore_mem>>
        %dma_start3A = arith.constant 0 : i32
        %dma_start3A_35 = tpu.memref_slice %arg12[%mul3A_34, %dma_start3A] : memref<10000x128xf32, #tpu.memory_space<vmem_shared>> -> memref<632x128xf32, #tpu.memory_space<vmem_shared>>
        %dma_start3A_36 = arith.constant 0 : i32
        %dma_start3A_37 = tpu.memref_slice %arg3[%mul3A_32, %dma_start3A_36] : memref<10112x128xf32, #tpu.memory_space<hbm>> -> memref<632x128xf32, #tpu.memory_space<hbm>>
        tpu.enqueue_dma source(%dma_start3A_37 : memref<632x128xf32, #tpu.memory_space<hbm>>) target(%dma_start3A_35 : memref<632x128xf32, #tpu.memory_space<vmem_shared>>) target_semaphore(%run_scoped3A : memref<!tpu.dma_semaphore, #tpu.memory_space<semaphore_mem>>)
        %dma_wait3A = arith.constant 0 : i32
        %dma_wait3A_38 = tpu.memref_slice %arg12[%mul3A_34, %dma_wait3A] : memref<10000x128xf32, #tpu.memory_space<vmem_shared>> -> memref<632x128xf32, #tpu.memory_space<vmem_shared>>
        %dma_wait3A_39 = arith.constant 0 : i32
        %dma_wait3A_40 = tpu.memref_slice %arg3[%mul3A_32, %dma_wait3A_39] : memref<10112x128xf32, #tpu.memory_space<hbm>> -> memref<632x128xf32, #tpu.memory_space<hbm>>
        tpu.wait_dma2 semaphore(%run_scoped3A : memref<!tpu.dma_semaphore, #tpu.memory_space<semaphore_mem>>) src(%dma_wait3A_40 : memref<632x128xf32, #tpu.memory_space<hbm>>) dst(%dma_wait3A_38 : memref<632x128xf32, #tpu.memory_space<vmem_shared>>)
        tpu.yield
      }) : () -> ()
    } else {
    }
    %eq3A_19 = arith.constant 1 : i32
    %eq3A_20 = arith.cmpi eq, %arg0, %eq3A_19 : i32
    %eq3A_21 = arith.constant 15 : i32
    %eq3A_22 = arith.cmpi eq, %arg1, %eq3A_21 : i32
    %and3A_23 = arith.andi %eq3A_20, %eq3A_22 : i1
    %convert_element_type3A_24 = arith.extui %and3A_23 : i1 to i32
    %cond3A_25 = arith.constant 0 : i32
    %cond3A_26 = arith.cmpi ne, %convert_element_type3A_24, %cond3A_25 : i32
    scf.if %cond3A_26 {
      "tpu.region"() ({
        %run_scoped3A = tpu.sem_alloc : memref<!tpu.dma_semaphore, #tpu.memory_space<semaphore_mem>>
        %dma_start3A = arith.constant 9480 : i32
        %dma_start3A_32 = arith.constant 0 : i32
        %dma_start3A_33 = tpu.memref_slice %arg12[%dma_start3A, %dma_start3A_32] : memref<10000x128xf32, #tpu.memory_space<vmem_shared>> -> memref<520x128xf32, #tpu.memory_space<vmem_shared>>
        %dma_start3A_34 = arith.constant 9480 : i32
        %dma_start3A_35 = arith.constant 0 : i32
        %dma_start3A_36 = tpu.memref_slice %arg3[%dma_start3A_34, %dma_start3A_35] : memref<10112x128xf32, #tpu.memory_space<hbm>> -> memref<520x128xf32, #tpu.memory_space<hbm>>
        tpu.enqueue_dma source(%dma_start3A_36 : memref<520x128xf32, #tpu.memory_space<hbm>>) target(%dma_start3A_33 : memref<520x128xf32, #tpu.memory_space<vmem_shared>>) target_semaphore(%run_scoped3A : memref<!tpu.dma_semaphore, #tpu.memory_space<semaphore_mem>>)
        %dma_wait3A = arith.constant 9480 : i32
        %dma_wait3A_37 = arith.constant 0 : i32
        %dma_wait3A_38 = tpu.memref_slice %arg12[%dma_wait3A, %dma_wait3A_37] : memref<10000x128xf32, #tpu.memory_space<vmem_shared>> -> memref<520x128xf32, #tpu.memory_space<vmem_shared>>
        %dma_wait3A_39 = arith.constant 9480 : i32
        %dma_wait3A_40 = arith.constant 0 : i32
        %dma_wait3A_41 = tpu.memref_slice %arg3[%dma_wait3A_39, %dma_wait3A_40] : memref<10112x128xf32, #tpu.memory_space<hbm>> -> memref<520x128xf32, #tpu.memory_space<hbm>>
        tpu.wait_dma2 semaphore(%run_scoped3A : memref<!tpu.dma_semaphore, #tpu.memory_space<semaphore_mem>>) src(%dma_wait3A_41 : memref<520x128xf32, #tpu.memory_space<hbm>>) dst(%dma_wait3A_38 : memref<520x128xf32, #tpu.memory_space<vmem_shared>>)
        tpu.yield
      }) : () -> ()
    } else {
    }
    %barrier3A = arith.constant 0 : index
    tpu.barrier barrier_id(%barrier3A)
    %scan3A = arith.constant 0 : i32
    %scan3A_27 = arith.constant 0 : i32
    %scan3A_28 = arith.constant 20 : i32
    %scan3A_29 = arith.addi %scan3A_27, %scan3A_28 : i32
    %scan3A_30 = arith.constant 1 : i32
    scf.for %scan3A_32 = %scan3A_27 to %scan3A_29 step %scan3A_30  : i32 {
      %mul3A = arith.constant 8 : i32
      %mul3A_33 = arith.muli %scan3A_32, %mul3A : i32
      %dma_start3A = arith.constant 0 : i32
      %dma_start3A_34 = tpu.memref_slice %arg4[%arg1, %mul3A_33, %dma_start3A] : memref<16x160x128xi32, #tpu.memory_space<hbm>> -> memref<1x8x128xi32, #tpu.memory_space<hbm>>
      %dma_start3A_35 = tpu.memref_squeeze %dma_start3A_34 : memref<1x8x128xi32, #tpu.memory_space<hbm>> -> memref<8x128xi32, #tpu.memory_space<hbm>>
      %dma_start3A_36 = arith.constant 0 : i32
      %dma_start3A_37 = tpu.memref_slice %arg4[%arg1, %mul3A_33, %dma_start3A_36] : memref<16x160x128xi32, #tpu.memory_space<hbm>> -> memref<1x8x128xi32, #tpu.memory_space<hbm>>
      %dma_start3A_38 = tpu.memref_squeeze %dma_start3A_37 : memref<1x8x128xi32, #tpu.memory_space<hbm>> -> memref<8x128xi32, #tpu.memory_space<hbm>>
      tpu.enqueue_dma source(%dma_start3A_38 : memref<8x128xi32, #tpu.memory_space<hbm>>) target(%arg7 : memref<8x128xi32, #tpu.memory_space<vmem>>) target_semaphore(%arg13 : memref<!tpu.dma_semaphore, #tpu.memory_space<semaphore_mem>>)
      %mul3A_39 = arith.constant 8 : i32
      %mul3A_40 = arith.muli %scan3A_32, %mul3A_39 : i32
      %dma_start3A_41 = arith.constant 0 : i32
      %dma_start3A_42 = tpu.memref_slice %arg5[%arg1, %mul3A_40, %dma_start3A_41] : memref<16x160x128xi32, #tpu.memory_space<hbm>> -> memref<1x8x128xi32, #tpu.memory_space<hbm>>
      %dma_start3A_43 = tpu.memref_squeeze %dma_start3A_42 : memref<1x8x128xi32, #tpu.memory_space<hbm>> -> memref<8x128xi32, #tpu.memory_space<hbm>>
      %dma_start3A_44 = arith.constant 0 : i32
      %dma_start3A_45 = tpu.memref_slice %arg5[%arg1, %mul3A_40, %dma_start3A_44] : memref<16x160x128xi32, #tpu.memory_space<hbm>> -> memref<1x8x128xi32, #tpu.memory_space<hbm>>
      %dma_start3A_46 = tpu.memref_squeeze %dma_start3A_45 : memref<1x8x128xi32, #tpu.memory_space<hbm>> -> memref<8x128xi32, #tpu.memory_space<hbm>>
      tpu.enqueue_dma source(%dma_start3A_46 : memref<8x128xi32, #tpu.memory_space<hbm>>) target(%arg8 : memref<8x128xi32, #tpu.memory_space<vmem>>) target_semaphore(%arg14 : memref<!tpu.dma_semaphore, #tpu.memory_space<semaphore_mem>>)
      %dma_wait3A = arith.constant 0 : i32
      %dma_wait3A_47 = tpu.memref_slice %arg4[%arg1, %mul3A_33, %dma_wait3A] : memref<16x160x128xi32, #tpu.memory_space<hbm>> -> memref<1x8x128xi32, #tpu.memory_space<hbm>>
      %dma_wait3A_48 = tpu.memref_squeeze %dma_wait3A_47 : memref<1x8x128xi32, #tpu.memory_space<hbm>> -> memref<8x128xi32, #tpu.memory_space<hbm>>
      %dma_wait3A_49 = arith.constant 0 : i32
      %dma_wait3A_50 = tpu.memref_slice %arg4[%arg1, %mul3A_33, %dma_wait3A_49] : memref<16x160x128xi32, #tpu.memory_space<hbm>> -> memref<1x8x128xi32, #tpu.memory_space<hbm>>
      %dma_wait3A_51 = tpu.memref_squeeze %dma_wait3A_50 : memref<1x8x128xi32, #tpu.memory_space<hbm>> -> memref<8x128xi32, #tpu.memory_space<hbm>>
      tpu.wait_dma2 semaphore(%arg13 : memref<!tpu.dma_semaphore, #tpu.memory_space<semaphore_mem>>) src(%dma_wait3A_51 : memref<8x128xi32, #tpu.memory_space<hbm>>) dst(%arg7 : memref<8x128xi32, #tpu.memory_space<vmem>>)
      %dma_wait3A_52 = arith.constant 0 : i32
      %dma_wait3A_53 = tpu.memref_slice %arg5[%arg1, %mul3A_40, %dma_wait3A_52] : memref<16x160x128xi32, #tpu.memory_space<hbm>> -> memref<1x8x128xi32, #tpu.memory_space<hbm>>
      %dma_wait3A_54 = tpu.memref_squeeze %dma_wait3A_53 : memref<1x8x128xi32, #tpu.memory_space<hbm>> -> memref<8x128xi32, #tpu.memory_space<hbm>>
      %dma_wait3A_55 = arith.constant 0 : i32
      %dma_wait3A_56 = tpu.memref_slice %arg5[%arg1, %mul3A_40, %dma_wait3A_55] : memref<16x160x128xi32, #tpu.memory_space<hbm>> -> memref<1x8x128xi32, #tpu.memory_space<hbm>>
      %dma_wait3A_57 = tpu.memref_squeeze %dma_wait3A_56 : memref<1x8x128xi32, #tpu.memory_space<hbm>> -> memref<8x128xi32, #tpu.memory_space<hbm>>
      tpu.wait_dma2 semaphore(%arg14 : memref<!tpu.dma_semaphore, #tpu.memory_space<semaphore_mem>>) src(%dma_wait3A_57 : memref<8x128xi32, #tpu.memory_space<hbm>>) dst(%arg8 : memref<8x128xi32, #tpu.memory_space<vmem>>)
      %scan3A_58 = arith.constant 0 : i32
      %scan3A_59 = arith.constant 0 : i32
      %scan3A_60 = arith.constant 8 : i32
      %scan3A_61 = arith.addi %scan3A_59, %scan3A_60 : i32
      %scan3A_62 = arith.constant 1 : i32
      scf.for %scan3A_64 = %scan3A_59 to %scan3A_61 step %scan3A_62  : i32 {
        %dma_start3A_65 = arith.constant 0 : i32
        %dma_start3A_66 = tpu.memref_slice %arg7[%scan3A_64, %dma_start3A_65] : memref<8x128xi32, #tpu.memory_space<vmem>> -> memref<1x128xi32, #tpu.memory_space<vmem>>
        %dma_start3A_67 = tpu.memref_squeeze %dma_start3A_66 : memref<1x128xi32, #tpu.memory_space<vmem>> -> memref<128xi32, #tpu.memory_space<vmem>>
        %dma_start3A_68 = arith.constant 0 : i32
        %dma_start3A_69 = arith.constant 0 : i32
        %dma_start3A_70 = tpu.memref_slice %arg12[%dma_start3A_68, %dma_start3A_69] : memref<10000x128xf32, #tpu.memory_space<vmem_shared>> -> memref<10000x128xf32, #tpu.memory_space<vmem_shared>>
        tpu.enqueue_indirect_dma source(%dma_start3A_70 : memref<10000x128xf32, #tpu.memory_space<vmem_shared>>) target(%arg9 : memref<128x128xf32, #tpu.memory_space<vmem>>) offsets(%dma_start3A_67 : memref<128xi32, #tpu.memory_space<vmem>>) semaphore(%arg13 : memref<!tpu.dma_semaphore, #tpu.memory_space<semaphore_mem>>)
        %dma_start3A_71 = arith.constant 0 : i32
        %dma_start3A_72 = tpu.memref_slice %arg8[%scan3A_64, %dma_start3A_71] : memref<8x128xi32, #tpu.memory_space<vmem>> -> memref<1x128xi32, #tpu.memory_space<vmem>>
        %dma_start3A_73 = tpu.memref_squeeze %dma_start3A_72 : memref<1x128xi32, #tpu.memory_space<vmem>> -> memref<128xi32, #tpu.memory_space<vmem>>
        %dma_start3A_74 = arith.constant 0 : i32
        %dma_start3A_75 = arith.constant 0 : i32
        %dma_start3A_76 = tpu.memref_slice %arg12[%dma_start3A_74, %dma_start3A_75] : memref<10000x128xf32, #tpu.memory_space<vmem_shared>> -> memref<10000x128xf32, #tpu.memory_space<vmem_shared>>
        tpu.enqueue_indirect_dma source(%dma_start3A_76 : memref<10000x128xf32, #tpu.memory_space<vmem_shared>>) target(%arg10 : memref<128x128xf32, #tpu.memory_space<vmem>>) offsets(%dma_start3A_73 : memref<128xi32, #tpu.memory_space<vmem>>) semaphore(%arg14 : memref<!tpu.dma_semaphore, #tpu.memory_space<semaphore_mem>>)
        %dma_wait3A_77 = arith.constant 0 : i32
        %dma_wait3A_78 = tpu.memref_slice %arg7[%scan3A_64, %dma_wait3A_77] : memref<8x128xi32, #tpu.memory_space<vmem>> -> memref<1x128xi32, #tpu.memory_space<vmem>>
        %dma_wait3A_79 = tpu.memref_squeeze %dma_wait3A_78 : memref<1x128xi32, #tpu.memory_space<vmem>> -> memref<128xi32, #tpu.memory_space<vmem>>
        %dma_wait3A_80 = arith.constant 0 : i32
        %dma_wait3A_81 = arith.constant 0 : i32
        %dma_wait3A_82 = tpu.memref_slice %arg12[%dma_wait3A_80, %dma_wait3A_81] : memref<10000x128xf32, #tpu.memory_space<vmem_shared>> -> memref<10000x128xf32, #tpu.memory_space<vmem_shared>>
        tpu.wait_indirect_dma semaphore(%arg13 : memref<!tpu.dma_semaphore, #tpu.memory_space<semaphore_mem>>) src(%dma_wait3A_82 : memref<10000x128xf32, #tpu.memory_space<vmem_shared>>) dst(%arg9 : memref<128x128xf32, #tpu.memory_space<vmem>>)
        %dma_wait3A_83 = arith.constant 0 : i32
        %dma_wait3A_84 = tpu.memref_slice %arg8[%scan3A_64, %dma_wait3A_83] : memref<8x128xi32, #tpu.memory_space<vmem>> -> memref<1x128xi32, #tpu.memory_space<vmem>>
        %dma_wait3A_85 = tpu.memref_squeeze %dma_wait3A_84 : memref<1x128xi32, #tpu.memory_space<vmem>> -> memref<128xi32, #tpu.memory_space<vmem>>
        %dma_wait3A_86 = arith.constant 0 : i32
        %dma_wait3A_87 = arith.constant 0 : i32
        %dma_wait3A_88 = tpu.memref_slice %arg12[%dma_wait3A_86, %dma_wait3A_87] : memref<10000x128xf32, #tpu.memory_space<vmem_shared>> -> memref<10000x128xf32, #tpu.memory_space<vmem_shared>>
        tpu.wait_indirect_dma semaphore(%arg14 : memref<!tpu.dma_semaphore, #tpu.memory_space<semaphore_mem>>) src(%dma_wait3A_88 : memref<10000x128xf32, #tpu.memory_space<vmem_shared>>) dst(%arg10 : memref<128x128xf32, #tpu.memory_space<vmem>>)
        %scan3A_89 = arith.constant 0 : i32
        %scan3A_90 = arith.constant 0 : i32
        %scan3A_91 = arith.constant 64 : i32
        %scan3A_92 = arith.addi %scan3A_90, %scan3A_91 : i32
        %scan3A_93 = arith.constant 1 : i32
        scf.for %scan3A_126 = %scan3A_90 to %scan3A_92 step %scan3A_93  : i32 {
          %add3A_127 = arith.constant 0 : i32
          %add3A_128 = arith.addi %add3A_127, %scan3A_126 : i32
          %get3A = arith.index_cast %add3A_128 : i32 to index
          %get3A_129 = arith.constant 0 : index
          %get3A_130 = tpu.vector_load %arg9[%get3A, %get3A_129] {strides = array<i32>} : memref<128x128xf32, #tpu.memory_space<vmem>>, vector<1x16xf32>,
          %get3A_131 = vector.shape_cast %get3A_130 : vector<1x16xf32> to vector<16xf32>
          %get3A_132 = arith.index_cast %add3A_128 : i32 to index
          %get3A_133 = arith.constant 0 : index
          %get3A_134 = tpu.vector_load %arg10[%get3A_132, %get3A_133] {strides = array<i32>} : memref<128x128xf32, #tpu.memory_space<vmem>>, vector<1x16xf32>,
          %get3A_135 = vector.shape_cast %get3A_134 : vector<1x16xf32> to vector<16xf32>
          %mul3A_136 = arith.mulf %get3A_131, %get3A_135 : vector<16xf32>
          %get3A_137 = arith.index_cast %add3A_128 : i32 to index
          %get3A_138 = arith.constant 16 : index
          %get3A_139 = tpu.vector_load %arg9[%get3A_137, %get3A_138] {strides = array<i32>} : memref<128x128xf32, #tpu.memory_space<vmem>>, vector<1x16xf32>,
          %get3A_140 = vector.shape_cast %get3A_139 : vector<1x16xf32> to vector<16xf32>
          %get3A_141 = arith.index_cast %add3A_128 : i32 to index
          %get3A_142 = arith.constant 16 : index
          %get3A_143 = tpu.vector_load %arg10[%get3A_141, %get3A_142] {strides = array<i32>} : memref<128x128xf32, #tpu.memory_space<vmem>>, vector<1x16xf32>,
          %get3A_144 = vector.shape_cast %get3A_143 : vector<1x16xf32> to vector<16xf32>
          %mul3A_145 = arith.mulf %get3A_140, %get3A_144 : vector<16xf32>
          %add3A_146 = arith.addf %mul3A_136, %mul3A_145 : vector<16xf32>
          %get3A_147 = arith.index_cast %add3A_128 : i32 to index
          %get3A_148 = arith.constant 32 : index
          %get3A_149 = tpu.vector_load %arg9[%get3A_147, %get3A_148] {strides = array<i32>} : memref<128x128xf32, #tpu.memory_space<vmem>>, vector<1x16xf32>,
          %get3A_150 = vector.shape_cast %get3A_149 : vector<1x16xf32> to vector<16xf32>
          %get3A_151 = arith.index_cast %add3A_128 : i32 to index
          %get3A_152 = arith.constant 32 : index
          %get3A_153 = tpu.vector_load %arg10[%get3A_151, %get3A_152] {strides = array<i32>} : memref<128x128xf32, #tpu.memory_space<vmem>>, vector<1x16xf32>,
          %get3A_154 = vector.shape_cast %get3A_153 : vector<1x16xf32> to vector<16xf32>
          %mul3A_155 = arith.mulf %get3A_150, %get3A_154 : vector<16xf32>
          %add3A_156 = arith.addf %add3A_146, %mul3A_155 : vector<16xf32>
          %get3A_157 = arith.index_cast %add3A_128 : i32 to index
          %get3A_158 = arith.constant 48 : index
          %get3A_159 = tpu.vector_load %arg9[%get3A_157, %get3A_158] {strides = array<i32>} : memref<128x128xf32, #tpu.memory_space<vmem>>, vector<1x16xf32>,
          %get3A_160 = vector.shape_cast %get3A_159 : vector<1x16xf32> to vector<16xf32>
          %get3A_161 = arith.index_cast %add3A_128 : i32 to index
          %get3A_162 = arith.constant 48 : index
          %get3A_163 = tpu.vector_load %arg10[%get3A_161, %get3A_162] {strides = array<i32>} : memref<128x128xf32, #tpu.memory_space<vmem>>, vector<1x16xf32>,
          %get3A_164 = vector.shape_cast %get3A_163 : vector<1x16xf32> to vector<16xf32>
          %mul3A_165 = arith.mulf %get3A_160, %get3A_164 : vector<16xf32>
          %add3A_166 = arith.addf %add3A_156, %mul3A_165 : vector<16xf32>
          %get3A_167 = arith.index_cast %add3A_128 : i32 to index
          %get3A_168 = arith.constant 64 : index
          %get3A_169 = tpu.vector_load %arg9[%get3A_167, %get3A_168] {strides = array<i32>} : memref<128x128xf32, #tpu.memory_space<vmem>>, vector<1x16xf32>,
          %get3A_170 = vector.shape_cast %get3A_169 : vector<1x16xf32> to vector<16xf32>
          %get3A_171 = arith.index_cast %add3A_128 : i32 to index
          %get3A_172 = arith.constant 64 : index
          %get3A_173 = tpu.vector_load %arg10[%get3A_171, %get3A_172] {strides = array<i32>} : memref<128x128xf32, #tpu.memory_space<vmem>>, vector<1x16xf32>,
          %get3A_174 = vector.shape_cast %get3A_173 : vector<1x16xf32> to vector<16xf32>
          %mul3A_175 = arith.mulf %get3A_170, %get3A_174 : vector<16xf32>
          %add3A_176 = arith.addf %add3A_166, %mul3A_175 : vector<16xf32>
          %get3A_177 = arith.index_cast %add3A_128 : i32 to index
          %get3A_178 = arith.constant 80 : index
          %get3A_179 = tpu.vector_load %arg9[%get3A_177, %get3A_178] {strides = array<i32>} : memref<128x128xf32, #tpu.memory_space<vmem>>, vector<1x16xf32>,
          %get3A_180 = vector.shape_cast %get3A_179 : vector<1x16xf32> to vector<16xf32>
          %get3A_181 = arith.index_cast %add3A_128 : i32 to index
          %get3A_182 = arith.constant 80 : index
          %get3A_183 = tpu.vector_load %arg10[%get3A_181, %get3A_182] {strides = array<i32>} : memref<128x128xf32, #tpu.memory_space<vmem>>, vector<1x16xf32>,
          %get3A_184 = vector.shape_cast %get3A_183 : vector<1x16xf32> to vector<16xf32>
          %mul3A_185 = arith.mulf %get3A_180, %get3A_184 : vector<16xf32>
          %add3A_186 = arith.addf %add3A_176, %mul3A_185 : vector<16xf32>
          %get3A_187 = arith.index_cast %add3A_128 : i32 to index
          %get3A_188 = arith.constant 96 : index
          %get3A_189 = tpu.vector_load %arg9[%get3A_187, %get3A_188] {strides = array<i32>} : memref<128x128xf32, #tpu.memory_space<vmem>>, vector<1x16xf32>,
          %get3A_190 = vector.shape_cast %get3A_189 : vector<1x16xf32> to vector<16xf32>
          %get3A_191 = arith.index_cast %add3A_128 : i32 to index
          %get3A_192 = arith.constant 96 : index
          %get3A_193 = tpu.vector_load %arg10[%get3A_191, %get3A_192] {strides = array<i32>} : memref<128x128xf32, #tpu.memory_space<vmem>>, vector<1x16xf32>,
          %get3A_194 = vector.shape_cast %get3A_193 : vector<1x16xf32> to vector<16xf32>
          %mul3A_195 = arith.mulf %get3A_190, %get3A_194 : vector<16xf32>
          %add3A_196 = arith.addf %add3A_186, %mul3A_195 : vector<16xf32>
          %get3A_197 = arith.index_cast %add3A_128 : i32 to index
          %get3A_198 = arith.constant 112 : index
          %get3A_199 = tpu.vector_load %arg9[%get3A_197, %get3A_198] {strides = array<i32>} : memref<128x128xf32, #tpu.memory_space<vmem>>, vector<1x16xf32>,
          %get3A_200 = vector.shape_cast %get3A_199 : vector<1x16xf32> to vector<16xf32>
          %get3A_201 = arith.index_cast %add3A_128 : i32 to index
          %get3A_202 = arith.constant 112 : index
          %get3A_203 = tpu.vector_load %arg10[%get3A_201, %get3A_202] {strides = array<i32>} : memref<128x128xf32, #tpu.memory_space<vmem>>, vector<1x16xf32>,
          %get3A_204 = vector.shape_cast %get3A_203 : vector<1x16xf32> to vector<16xf32>
          %mul3A_205 = arith.mulf %get3A_200, %get3A_204 : vector<16xf32>
          %add3A_206 = arith.addf %add3A_196, %mul3A_205 : vector<16xf32>
          %swap3A = arith.index_cast %scan3A_126 : i32 to index
          %swap3A_207 = arith.constant 0 : index
          %swap3A_208 = tpu.vector_load %arg11[%swap3A, %swap3A_207] {strides = array<i32>} : memref<64x16xf32, #tpu.memory_space<vmem>>, vector<1x16xf32>,
          %swap3A_209 = vector.shape_cast %swap3A_208 : vector<1x16xf32> to vector<16xf32>
          %swap3A_210 = vector.shape_cast %add3A_206 : vector<16xf32> to vector<1x16xf32>
          tpu.vector_store %arg11[%swap3A, %swap3A_207], %swap3A_210 {strides = array<i32>} : memref<64x16xf32, #tpu.memory_space<vmem>>, vector<1x16xf32>,
        }
        %scan3A_94 = arith.constant 64 : i32
        %mul3A_95 = arith.constant 327680 : i32
        %mul3A_96 = arith.muli %arg0, %mul3A_95 : i32
        %mul3A_97 = arith.constant 20480 : i32
        %mul3A_98 = arith.muli %arg1, %mul3A_97 : i32
        %add3A = arith.addi %mul3A_96, %mul3A_98 : i32
        %mul3A_99 = arith.constant 8 : i32
        %mul3A_100 = arith.muli %scan3A_32, %mul3A_99 : i32
        %add3A_101 = arith.addi %mul3A_100, %scan3A_64 : i32
        %mul3A_102 = arith.constant 128 : i32
        %mul3A_103 = arith.muli %mul3A_102, %add3A_101 : i32
        %add3A_104 = arith.addi %add3A, %mul3A_103 : i32
        %add3A_105 = arith.constant 0 : i32
        %add3A_106 = arith.addi %add3A_104, %add3A_105 : i32
        "tpu.region"() ({
          %run_scoped3A = tpu.sem_alloc : memref<!tpu.dma_semaphore, #tpu.memory_space<semaphore_mem>>
          %dma_start3A_126 = arith.constant 0 : i32
          %dma_start3A_127 = tpu.memref_slice %arg6[%add3A_106, %dma_start3A_126] : memref<655360x16xf32, #tpu.memory_space<hbm>> -> memref<64x16xf32, #tpu.memory_space<hbm>>
          %dma_start3A_128 = arith.constant 0 : i32
          %dma_start3A_129 = tpu.memref_slice %arg6[%add3A_106, %dma_start3A_128] : memref<655360x16xf32, #tpu.memory_space<hbm>> -> memref<64x16xf32, #tpu.memory_space<hbm>>
          tpu.enqueue_dma source(%arg11 : memref<64x16xf32, #tpu.memory_space<vmem>>) target(%dma_start3A_129 : memref<64x16xf32, #tpu.memory_space<hbm>>) target_semaphore(%run_scoped3A : memref<!tpu.dma_semaphore, #tpu.memory_space<semaphore_mem>>)
          %dma_wait3A_130 = arith.constant 0 : i32
          %dma_wait3A_131 = tpu.memref_slice %arg6[%add3A_106, %dma_wait3A_130] : memref<655360x16xf32, #tpu.memory_space<hbm>> -> memref<64x16xf32, #tpu.memory_space<hbm>>
          %dma_wait3A_132 = arith.constant 0 : i32
          %dma_wait3A_133 = tpu.memref_slice %arg6[%add3A_106, %dma_wait3A_132] : memref<655360x16xf32, #tpu.memory_space<hbm>> -> memref<64x16xf32, #tpu.memory_space<hbm>>
          tpu.wait_dma2 semaphore(%run_scoped3A : memref<!tpu.dma_semaphore, #tpu.memory_space<semaphore_mem>>) src(%arg11 : memref<64x16xf32, #tpu.memory_space<vmem>>) dst(%dma_wait3A_133 : memref<64x16xf32, #tpu.memory_space<hbm>>)
          tpu.yield
        }) : () -> ()
        %scan3A_107 = arith.constant 0 : i32
        %scan3A_108 = arith.constant 0 : i32
        %scan3A_109 = arith.constant 64 : i32
        %scan3A_110 = arith.addi %scan3A_108, %scan3A_109 : i32
        %scan3A_111 = arith.constant 1 : i32
        scf.for %scan3A_126 = %scan3A_108 to %scan3A_110 step %scan3A_111  : i32 {
          %add3A_127 = arith.constant 64 : i32
          %add3A_128 = arith.addi %add3A_127, %scan3A_126 : i32
          %get3A = arith.index_cast %add3A_128 : i32 to index
          %get3A_129 = arith.constant 0 : index
          %get3A_130 = tpu.vector_load %arg9[%get3A, %get3A_129] {strides = array<i32>} : memref<128x128xf32, #tpu.memory_space<vmem>>, vector<1x16xf32>,
          %get3A_131 = vector.shape_cast %get3A_130 : vector<1x16xf32> to vector<16xf32>
          %get3A_132 = arith.index_cast %add3A_128 : i32 to index
          %get3A_133 = arith.constant 0 : index
          %get3A_134 = tpu.vector_load %arg10[%get3A_132, %get3A_133] {strides = array<i32>} : memref<128x128xf32, #tpu.memory_space<vmem>>, vector<1x16xf32>,
          %get3A_135 = vector.shape_cast %get3A_134 : vector<1x16xf32> to vector<16xf32>
          %mul3A_136 = arith.mulf %get3A_131, %get3A_135 : vector<16xf32>
          %get3A_137 = arith.index_cast %add3A_128 : i32 to index
          %get3A_138 = arith.constant 16 : index
          %get3A_139 = tpu.vector_load %arg9[%get3A_137, %get3A_138] {strides = array<i32>} : memref<128x128xf32, #tpu.memory_space<vmem>>, vector<1x16xf32>,
          %get3A_140 = vector.shape_cast %get3A_139 : vector<1x16xf32> to vector<16xf32>
          %get3A_141 = arith.index_cast %add3A_128 : i32 to index
          %get3A_142 = arith.constant 16 : index
          %get3A_143 = tpu.vector_load %arg10[%get3A_141, %get3A_142] {strides = array<i32>} : memref<128x128xf32, #tpu.memory_space<vmem>>, vector<1x16xf32>,
          %get3A_144 = vector.shape_cast %get3A_143 : vector<1x16xf32> to vector<16xf32>
          %mul3A_145 = arith.mulf %get3A_140, %get3A_144 : vector<16xf32>
          %add3A_146 = arith.addf %mul3A_136, %mul3A_145 : vector<16xf32>
          %get3A_147 = arith.index_cast %add3A_128 : i32 to index
          %get3A_148 = arith.constant 32 : index
          %get3A_149 = tpu.vector_load %arg9[%get3A_147, %get3A_148] {strides = array<i32>} : memref<128x128xf32, #tpu.memory_space<vmem>>, vector<1x16xf32>,
          %get3A_150 = vector.shape_cast %get3A_149 : vector<1x16xf32> to vector<16xf32>
          %get3A_151 = arith.index_cast %add3A_128 : i32 to index
          %get3A_152 = arith.constant 32 : index
          %get3A_153 = tpu.vector_load %arg10[%get3A_151, %get3A_152] {strides = array<i32>} : memref<128x128xf32, #tpu.memory_space<vmem>>, vector<1x16xf32>,
          %get3A_154 = vector.shape_cast %get3A_153 : vector<1x16xf32> to vector<16xf32>
          %mul3A_155 = arith.mulf %get3A_150, %get3A_154 : vector<16xf32>
          %add3A_156 = arith.addf %add3A_146, %mul3A_155 : vector<16xf32>
          %get3A_157 = arith.index_cast %add3A_128 : i32 to index
          %get3A_158 = arith.constant 48 : index
          %get3A_159 = tpu.vector_load %arg9[%get3A_157, %get3A_158] {strides = array<i32>} : memref<128x128xf32, #tpu.memory_space<vmem>>, vector<1x16xf32>,
          %get3A_160 = vector.shape_cast %get3A_159 : vector<1x16xf32> to vector<16xf32>
          %get3A_161 = arith.index_cast %add3A_128 : i32 to index
          %get3A_162 = arith.constant 48 : index
          %get3A_163 = tpu.vector_load %arg10[%get3A_161, %get3A_162] {strides = array<i32>} : memref<128x128xf32, #tpu.memory_space<vmem>>, vector<1x16xf32>,
          %get3A_164 = vector.shape_cast %get3A_163 : vector<1x16xf32> to vector<16xf32>
          %mul3A_165 = arith.mulf %get3A_160, %get3A_164 : vector<16xf32>
          %add3A_166 = arith.addf %add3A_156, %mul3A_165 : vector<16xf32>
          %get3A_167 = arith.index_cast %add3A_128 : i32 to index
          %get3A_168 = arith.constant 64 : index
          %get3A_169 = tpu.vector_load %arg9[%get3A_167, %get3A_168] {strides = array<i32>} : memref<128x128xf32, #tpu.memory_space<vmem>>, vector<1x16xf32>,
          %get3A_170 = vector.shape_cast %get3A_169 : vector<1x16xf32> to vector<16xf32>
          %get3A_171 = arith.index_cast %add3A_128 : i32 to index
          %get3A_172 = arith.constant 64 : index
          %get3A_173 = tpu.vector_load %arg10[%get3A_171, %get3A_172] {strides = array<i32>} : memref<128x128xf32, #tpu.memory_space<vmem>>, vector<1x16xf32>,
          %get3A_174 = vector.shape_cast %get3A_173 : vector<1x16xf32> to vector<16xf32>
          %mul3A_175 = arith.mulf %get3A_170, %get3A_174 : vector<16xf32>
          %add3A_176 = arith.addf %add3A_166, %mul3A_175 : vector<16xf32>
          %get3A_177 = arith.index_cast %add3A_128 : i32 to index
          %get3A_178 = arith.constant 80 : index
          %get3A_179 = tpu.vector_load %arg9[%get3A_177, %get3A_178] {strides = array<i32>} : memref<128x128xf32, #tpu.memory_space<vmem>>, vector<1x16xf32>,
          %get3A_180 = vector.shape_cast %get3A_179 : vector<1x16xf32> to vector<16xf32>
          %get3A_181 = arith.index_cast %add3A_128 : i32 to index
          %get3A_182 = arith.constant 80 : index
          %get3A_183 = tpu.vector_load %arg10[%get3A_181, %get3A_182] {strides = array<i32>} : memref<128x128xf32, #tpu.memory_space<vmem>>, vector<1x16xf32>,
          %get3A_184 = vector.shape_cast %get3A_183 : vector<1x16xf32> to vector<16xf32>
          %mul3A_185 = arith.mulf %get3A_180, %get3A_184 : vector<16xf32>
          %add3A_186 = arith.addf %add3A_176, %mul3A_185 : vector<16xf32>
          %get3A_187 = arith.index_cast %add3A_128 : i32 to index
          %get3A_188 = arith.constant 96 : index
          %get3A_189 = tpu.vector_load %arg9[%get3A_187, %get3A_188] {strides = array<i32>} : memref<128x128xf32, #tpu.memory_space<vmem>>, vector<1x16xf32>,
          %get3A_190 = vector.shape_cast %get3A_189 : vector<1x16xf32> to vector<16xf32>
          %get3A_191 = arith.index_cast %add3A_128 : i32 to index
          %get3A_192 = arith.constant 96 : index
          %get3A_193 = tpu.vector_load %arg10[%get3A_191, %get3A_192] {strides = array<i32>} : memref<128x128xf32, #tpu.memory_space<vmem>>, vector<1x16xf32>,
          %get3A_194 = vector.shape_cast %get3A_193 : vector<1x16xf32> to vector<16xf32>
          %mul3A_195 = arith.mulf %get3A_190, %get3A_194 : vector<16xf32>
          %add3A_196 = arith.addf %add3A_186, %mul3A_195 : vector<16xf32>
          %get3A_197 = arith.index_cast %add3A_128 : i32 to index
          %get3A_198 = arith.constant 112 : index
          %get3A_199 = tpu.vector_load %arg9[%get3A_197, %get3A_198] {strides = array<i32>} : memref<128x128xf32, #tpu.memory_space<vmem>>, vector<1x16xf32>,
          %get3A_200 = vector.shape_cast %get3A_199 : vector<1x16xf32> to vector<16xf32>
          %get3A_201 = arith.index_cast %add3A_128 : i32 to index
          %get3A_202 = arith.constant 112 : index
          %get3A_203 = tpu.vector_load %arg10[%get3A_201, %get3A_202] {strides = array<i32>} : memref<128x128xf32, #tpu.memory_space<vmem>>, vector<1x16xf32>,
          %get3A_204 = vector.shape_cast %get3A_203 : vector<1x16xf32> to vector<16xf32>
          %mul3A_205 = arith.mulf %get3A_200, %get3A_204 : vector<16xf32>
          %add3A_206 = arith.addf %add3A_196, %mul3A_205 : vector<16xf32>
          %swap3A = arith.index_cast %scan3A_126 : i32 to index
          %swap3A_207 = arith.constant 0 : index
          %swap3A_208 = tpu.vector_load %arg11[%swap3A, %swap3A_207] {strides = array<i32>} : memref<64x16xf32, #tpu.memory_space<vmem>>, vector<1x16xf32>,
          %swap3A_209 = vector.shape_cast %swap3A_208 : vector<1x16xf32> to vector<16xf32>
          %swap3A_210 = vector.shape_cast %add3A_206 : vector<16xf32> to vector<1x16xf32>
          tpu.vector_store %arg11[%swap3A, %swap3A_207], %swap3A_210 {strides = array<i32>} : memref<64x16xf32, #tpu.memory_space<vmem>>, vector<1x16xf32>,
        }
        %scan3A_112 = arith.constant 64 : i32
        %mul3A_113 = arith.constant 327680 : i32
        %mul3A_114 = arith.muli %arg0, %mul3A_113 : i32
        %mul3A_115 = arith.constant 20480 : i32
        %mul3A_116 = arith.muli %arg1, %mul3A_115 : i32
        %add3A_117 = arith.addi %mul3A_114, %mul3A_116 : i32
        %mul3A_118 = arith.constant 8 : i32
        %mul3A_119 = arith.muli %scan3A_32, %mul3A_118 : i32
        %add3A_120 = arith.addi %mul3A_119, %scan3A_64 : i32
        %mul3A_121 = arith.constant 128 : i32
        %mul3A_122 = arith.muli %mul3A_121, %add3A_120 : i32
        %add3A_123 = arith.addi %add3A_117, %mul3A_122 : i32
        %add3A_124 = arith.constant 64 : i32
        %add3A_125 = arith.addi %add3A_123, %add3A_124 : i32
        "tpu.region"() ({
          %run_scoped3A = tpu.sem_alloc : memref<!tpu.dma_semaphore, #tpu.memory_space<semaphore_mem>>
          %dma_start3A_126 = arith.constant 0 : i32
          %dma_start3A_127 = tpu.memref_slice %arg6[%add3A_125, %dma_start3A_126] : memref<655360x16xf32, #tpu.memory_space<hbm>> -> memref<64x16xf32, #tpu.memory_space<hbm>>
          %dma_start3A_128 = arith.constant 0 : i32
          %dma_start3A_129 = tpu.memref_slice %arg6[%add3A_125, %dma_start3A_128] : memref<655360x16xf32, #tpu.memory_space<hbm>> -> memref<64x16xf32, #tpu.memory_space<hbm>>
          tpu.enqueue_dma source(%arg11 : memref<64x16xf32, #tpu.memory_space<vmem>>) target(%dma_start3A_129 : memref<64x16xf32, #tpu.memory_space<hbm>>) target_semaphore(%run_scoped3A : memref<!tpu.dma_semaphore, #tpu.memory_space<semaphore_mem>>)
          %dma_wait3A_130 = arith.constant 0 : i32
          %dma_wait3A_131 = tpu.memref_slice %arg6[%add3A_125, %dma_wait3A_130] : memref<655360x16xf32, #tpu.memory_space<hbm>> -> memref<64x16xf32, #tpu.memory_space<hbm>>
          %dma_wait3A_132 = arith.constant 0 : i32
          %dma_wait3A_133 = tpu.memref_slice %arg6[%add3A_125, %dma_wait3A_132] : memref<655360x16xf32, #tpu.memory_space<hbm>> -> memref<64x16xf32, #tpu.memory_space<hbm>>
          tpu.wait_dma2 semaphore(%run_scoped3A : memref<!tpu.dma_semaphore, #tpu.memory_space<semaphore_mem>>) src(%arg11 : memref<64x16xf32, #tpu.memory_space<vmem>>) dst(%dma_wait3A_133 : memref<64x16xf32, #tpu.memory_space<hbm>>)
          tpu.yield
        }) : () -> ()
      }
      %scan3A_63 = arith.constant 8 : i32
    }
    %scan3A_31 = arith.constant 20 : i32
    return
  }
}

module attributes {stable_mosaic.version = 14 : i64} {
  func.func @_tc1_body(%arg0: i32, %arg1: i32, %arg2: memref<2x1000x16xf32, #tpu.memory_space<vmem>>, %arg3: memref<1000x256xf32, #tpu.memory_space<vmem>>, %arg4: memref<256x128xf32, #tpu.memory_space<vmem>>, %arg5: memref<1x1000x128xf32, #tpu.memory_space<vmem>>, %arg6: memref<1000x1xf32, #tpu.memory_space<vmem>>) attributes {dimension_semantics = [#tpu.dimension_semantics<arbitrary>, #tpu.dimension_semantics<arbitrary>], iteration_bounds = array<i64: 10, 4>, scalar_prefetch = 0 : i64, scratch_operands = 0 : i64, tpu.core_type = #tpu.core_type<tc>, window_params = [{transform_indices = @transform_0, window_bounds = array<i64: 2, 1000, 16>}, {transform_indices = @transform_1, window_bounds = array<i64: 1000, 256>}, {transform_indices = @transform_2, window_bounds = array<i64: 256, 128>}, {transform_indices = @transform_3, window_bounds = array<i64: 1, 1000, 128>}, {transform_indices = @transform_4, window_bounds = array<i64: 1000, 1>}]} {
    %get3A = arith.constant 0 : index
    %get3A_0 = arith.constant 0 : index
    %get3A_1 = arith.constant 0 : index
    %get3A_2 = vector.load %arg2[%get3A, %get3A_0, %get3A_1] : memref<2x1000x16xf32, #tpu.memory_space<vmem>>, vector<1x1000x16xf32>
    %get3A_3 = vector.shape_cast %get3A_2 : vector<1x1000x16xf32> to vector<1000x16xf32>
    %get3A_4 = arith.constant 1 : index
    %get3A_5 = arith.constant 0 : index
    %get3A_6 = arith.constant 0 : index
    %get3A_7 = vector.load %arg2[%get3A_4, %get3A_5, %get3A_6] : memref<2x1000x16xf32, #tpu.memory_space<vmem>>, vector<1x1000x16xf32>
    %get3A_8 = vector.shape_cast %get3A_7 : vector<1x1000x16xf32> to vector<1000x16xf32>
    %add3A = arith.addf %get3A_3, %get3A_8 : vector<1000x16xf32>
    %slice3A = vector.extract_strided_slice %add3A {offsets = [0, 0], sizes = [1000, 1], strides = [1, 1]} : vector<1000x16xf32> to vector<1000x1xf32>
    %rsqrt3A = math.rsqrt %slice3A : vector<1000x1xf32>
    %swap3A = arith.constant 0 : index
    %swap3A_9 = arith.constant 0 : index
    %swap3A_10 = vector.load %arg6[%swap3A, %swap3A_9] : memref<1000x1xf32, #tpu.memory_space<vmem>>, vector<1000x1xf32>
    tpu.vector_store %arg6[%swap3A, %swap3A_9], %rsqrt3A {strides = array<i32>} : memref<1000x1xf32, #tpu.memory_space<vmem>>, vector<1000x1xf32>,
    %get3A_11 = arith.constant 0 : index
    %get3A_12 = arith.constant 0 : index
    %get3A_13 = vector.load %arg3[%get3A_11, %get3A_12] : memref<1000x256xf32, #tpu.memory_space<vmem>>, vector<1000x256xf32>
    %mul3A = vector.broadcast %rsqrt3A : vector<1000x1xf32> to vector<1000x256xf32>
    %mul3A_14 = arith.mulf %get3A_13, %mul3A : vector<1000x256xf32>
    %get3A_15 = arith.constant 0 : index
    %get3A_16 = arith.constant 0 : index
    %get3A_17 = vector.load %arg4[%get3A_15, %get3A_16] : memref<256x128xf32, #tpu.memory_space<vmem>>, vector<256x128xf32>
    %dot_general3A = arith.constant dense<0.000000e+00> : vector<1000x128xf32>
    %dot_general3A_18 = tpu.matmul %mul3A_14, %get3A_17, %dot_general3A {dimension_numbers = #tpu.dot_dimension_numbers<[1], [0], [0], [1], [0, 0, 1, 1], [], []>, transpose_lhs_hint = false} : vector<1000x256xf32>, vector<256x128xf32>, vector<1000x128xf32> -> vector<1000x128xf32>
    %swap3A_19 = arith.constant 0 : index
    %swap3A_20 = arith.constant 0 : index
    %swap3A_21 = arith.constant 0 : index
    %swap3A_22 = vector.load %arg5[%swap3A_19, %swap3A_20, %swap3A_21] : memref<1x1000x128xf32, #tpu.memory_space<vmem>>, vector<1x1000x128xf32>
    %swap3A_23 = vector.shape_cast %swap3A_22 : vector<1x1000x128xf32> to vector<1000x128xf32>
    %swap3A_24 = vector.shape_cast %dot_general3A_18 : vector<1000x128xf32> to vector<1x1000x128xf32>
    tpu.vector_store %arg5[%swap3A_19, %swap3A_20, %swap3A_21], %swap3A_24 {strides = array<i32>} : memref<1x1000x128xf32, #tpu.memory_space<vmem>>, vector<1x1000x128xf32>,
    return
  }
  func.func @transform_0(%arg0: i32, %arg1: i32) -> (i32, i32, i32) {
    %c0_i32 = arith.constant 0 : i32
    %c0_i32_0 = arith.constant 0 : i32
    %c0_i32_1 = arith.constant 0 : i32
    return %c0_i32, %arg0, %c0_i32_0 : i32, i32, i32
  }
  func.func @transform_1(%arg0: i32, %arg1: i32) -> (i32, i32) {
    %c0_i32 = arith.constant 0 : i32
    %c0_i32_0 = arith.constant 0 : i32
    return %arg0, %c0_i32 : i32, i32
  }
  func.func @transform_2(%arg0: i32, %arg1: i32) -> (i32, i32) {
    %c0_i32 = arith.constant 0 : i32
    %c0_i32_0 = arith.constant 0 : i32
    return %c0_i32, %arg1 : i32, i32
  }
  func.func @transform_3(%arg0: i32, %arg1: i32) -> (i32, i32, i32) {
    %c0_i32 = arith.constant 0 : i32
    %c0_i32_0 = arith.constant 0 : i32
    return %arg1, %arg0, %c0_i32 : i32, i32, i32
  }
  func.func @transform_4(%arg0: i32, %arg1: i32) -> (i32, i32) {
    %c0_i32 = arith.constant 0 : i32
    %c0_i32_0 = arith.constant 0 : i32
    return %arg0, %c0_i32 : i32, i32
  }
}

module attributes {stable_mosaic.version = 14 : i64} {
  func.func @_tc2a_body(%arg0: i32, %arg1: i32, %arg2: memref<1x1000x128xf32, #tpu.memory_space<vmem>>, %arg3: memref<1000x1xf32, #tpu.memory_space<vmem>>, %arg4: memref<1x1000x128xf32, #tpu.memory_space<vmem>>, %arg5: memref<1x8x128xf32, #tpu.memory_space<vmem>>, %arg6: memref<8x128xf32, #tpu.memory_space<vmem>>) attributes {dimension_semantics = [#tpu.dimension_semantics<arbitrary>, #tpu.dimension_semantics<arbitrary>], iteration_bounds = array<i64: 4, 10>, scalar_prefetch = 0 : i64, scratch_operands = 1 : i64, tpu.core_type = #tpu.core_type<tc>, window_params = [{transform_indices = @transform_0, window_bounds = array<i64: 1, 1000, 128>}, {transform_indices = @transform_1, window_bounds = array<i64: 1000, 1>}, {transform_indices = @transform_2, window_bounds = array<i64: 1, 1000, 128>}, {transform_indices = @transform_3, window_bounds = array<i64: 1, 8, 128>}]} {
    %get3A = arith.constant 0 : index
    %get3A_0 = arith.constant 0 : index
    %get3A_1 = arith.constant 0 : index
    %get3A_2 = vector.load %arg2[%get3A, %get3A_0, %get3A_1] : memref<1x1000x128xf32, #tpu.memory_space<vmem>>, vector<1x1000x128xf32>
    %get3A_3 = vector.shape_cast %get3A_2 : vector<1x1000x128xf32> to vector<1000x128xf32>
    %get3A_4 = arith.constant 0 : index
    %get3A_5 = arith.constant 0 : index
    %get3A_6 = vector.load %arg3[%get3A_4, %get3A_5] : memref<1000x1xf32, #tpu.memory_space<vmem>>, vector<1000x1xf32>
    %mul3A = vector.broadcast %get3A_6 : vector<1000x1xf32> to vector<1000x128xf32>
    %mul3A_7 = arith.mulf %get3A_3, %mul3A : vector<1000x128xf32>
    %integer_pow3A = arith.mulf %mul3A_7, %mul3A_7 : vector<1000x128xf32>
    %swap3A = arith.constant 0 : index
    %swap3A_8 = arith.constant 0 : index
    %swap3A_9 = arith.constant 0 : index
    %swap3A_10 = vector.load %arg4[%swap3A, %swap3A_8, %swap3A_9] : memref<1x1000x128xf32, #tpu.memory_space<vmem>>, vector<1x1000x128xf32>
    %swap3A_11 = vector.shape_cast %swap3A_10 : vector<1x1000x128xf32> to vector<1000x128xf32>
    %swap3A_12 = vector.shape_cast %integer_pow3A : vector<1000x128xf32> to vector<1x1000x128xf32>
    tpu.vector_store %arg4[%swap3A, %swap3A_8, %swap3A_9], %swap3A_12 {strides = array<i32>} : memref<1x1000x128xf32, #tpu.memory_space<vmem>>, vector<1x1000x128xf32>,
    %eq3A = arith.constant 0 : i32
    %eq3A_13 = arith.cmpi eq, %arg1, %eq3A : i32
    %convert_element_type3A = arith.extui %eq3A_13 : i1 to i32
    %cond3A = arith.constant 0 : i32
    %cond3A_14 = arith.cmpi ne, %convert_element_type3A, %cond3A : i32
    scf.if %cond3A_14 {
      %broadcast_in_dim3A_38 = arith.constant 0.000000e+00 : f32
      %broadcast_in_dim3A_39 = vector.broadcast %broadcast_in_dim3A_38 : f32 to vector<8x128xf32>
      %swap3A_40 = arith.constant 0 : index
      %swap3A_41 = arith.constant 0 : index
      %swap3A_42 = vector.load %arg6[%swap3A_40, %swap3A_41] : memref<8x128xf32, #tpu.memory_space<vmem>>, vector<8x128xf32>
      tpu.vector_store %arg6[%swap3A_40, %swap3A_41], %broadcast_in_dim3A_39 {strides = array<i32>} : memref<8x128xf32, #tpu.memory_space<vmem>>, vector<8x128xf32>,
    } else {
    }
    %get3A_15 = arith.constant 0 : index
    %get3A_16 = arith.constant 0 : index
    %get3A_17 = vector.load %arg6[%get3A_15, %get3A_16] : memref<8x128xf32, #tpu.memory_space<vmem>>, vector<1x128xf32>
    %reduce_sum3A = arith.constant dense<0.000000e+00> : vector<128xf32>
    %reduce_sum3A_18 = vector.multi_reduction <add>, %integer_pow3A, %reduce_sum3A [0] : vector<1000x128xf32> to vector<128xf32>
    %broadcast_in_dim3A = vector.shape_cast %reduce_sum3A_18 : vector<128xf32> to vector<1x128xf32>
    %add3A = arith.addf %get3A_17, %broadcast_in_dim3A : vector<1x128xf32>
    %swap3A_19 = arith.constant 0 : index
    %swap3A_20 = arith.constant 0 : index
    %swap3A_21 = vector.load %arg6[%swap3A_19, %swap3A_20] : memref<8x128xf32, #tpu.memory_space<vmem>>, vector<1x128xf32>
    tpu.vector_store %arg6[%swap3A_19, %swap3A_20], %add3A {strides = array<i32>} : memref<8x128xf32, #tpu.memory_space<vmem>>, vector<1x128xf32>,
    %get3A_22 = arith.constant 1 : index
    %get3A_23 = arith.constant 0 : index
    %get3A_24 = vector.load %arg6[%get3A_22, %get3A_23] : memref<8x128xf32, #tpu.memory_space<vmem>>, vector<1x128xf32>
    %mul3A_25 = arith.mulf %integer_pow3A, %integer_pow3A : vector<1000x128xf32>
    %reduce_sum3A_26 = arith.constant dense<0.000000e+00> : vector<128xf32>
    %reduce_sum3A_27 = vector.multi_reduction <add>, %mul3A_25, %reduce_sum3A_26 [0] : vector<1000x128xf32> to vector<128xf32>
    %broadcast_in_dim3A_28 = vector.shape_cast %reduce_sum3A_27 : vector<128xf32> to vector<1x128xf32>
    %add3A_29 = arith.addf %get3A_24, %broadcast_in_dim3A_28 : vector<1x128xf32>
    %swap3A_30 = arith.constant 1 : index
    %swap3A_31 = arith.constant 0 : index
    %swap3A_32 = vector.load %arg6[%swap3A_30, %swap3A_31] : memref<8x128xf32, #tpu.memory_space<vmem>>, vector<1x128xf32>
    tpu.vector_store %arg6[%swap3A_30, %swap3A_31], %add3A_29 {strides = array<i32>} : memref<8x128xf32, #tpu.memory_space<vmem>>, vector<1x128xf32>,
    %eq3A_33 = arith.constant 9 : i32
    %eq3A_34 = arith.cmpi eq, %arg1, %eq3A_33 : i32
    %convert_element_type3A_35 = arith.extui %eq3A_34 : i1 to i32
    %cond3A_36 = arith.constant 0 : i32
    %cond3A_37 = arith.cmpi ne, %convert_element_type3A_35, %cond3A_36 : i32
    scf.if %cond3A_37 {
      %get3A_38 = arith.constant 0 : index
      %get3A_39 = arith.constant 0 : index
      %get3A_40 = vector.load %arg6[%get3A_38, %get3A_39] : memref<8x128xf32, #tpu.memory_space<vmem>>, vector<8x128xf32>
      %swap3A_41 = arith.constant 0 : index
      %swap3A_42 = arith.constant 0 : index
      %swap3A_43 = arith.constant 0 : index
      %swap3A_44 = vector.load %arg5[%swap3A_41, %swap3A_42, %swap3A_43] : memref<1x8x128xf32, #tpu.memory_space<vmem>>, vector<1x8x128xf32>
      %swap3A_45 = vector.shape_cast %swap3A_44 : vector<1x8x128xf32> to vector<8x128xf32>
      %swap3A_46 = vector.shape_cast %get3A_40 : vector<8x128xf32> to vector<1x8x128xf32>
      tpu.vector_store %arg5[%swap3A_41, %swap3A_42, %swap3A_43], %swap3A_46 {strides = array<i32>} : memref<1x8x128xf32, #tpu.memory_space<vmem>>, vector<1x8x128xf32>,
    } else {
    }
    return
  }
  func.func @transform_0(%arg0: i32, %arg1: i32) -> (i32, i32, i32) {
    %c0_i32 = arith.constant 0 : i32
    %c0_i32_0 = arith.constant 0 : i32
    return %arg0, %arg1, %c0_i32 : i32, i32, i32
  }
  func.func @transform_1(%arg0: i32, %arg1: i32) -> (i32, i32) {
    %c0_i32 = arith.constant 0 : i32
    %c0_i32_0 = arith.constant 0 : i32
    return %arg1, %c0_i32 : i32, i32
  }
  func.func @transform_2(%arg0: i32, %arg1: i32) -> (i32, i32, i32) {
    %c0_i32 = arith.constant 0 : i32
    %c0_i32_0 = arith.constant 0 : i32
    return %arg0, %arg1, %c0_i32 : i32, i32, i32
  }
  func.func @transform_3(%arg0: i32, %arg1: i32) -> (i32, i32, i32) {
    %c0_i32 = arith.constant 0 : i32
    %c0_i32_0 = arith.constant 0 : i32
    %c0_i32_1 = arith.constant 0 : i32
    return %arg0, %c0_i32, %c0_i32_0 : i32, i32, i32
  }
}

module attributes {stable_mosaic.version = 14 : i64} {
  func.func @_tc2b_body(%arg0: i32, %arg1: i32, %arg2: i32, %arg3: memref<1x1000x128xf32, #tpu.memory_space<vmem>>, %arg4: memref<1x8x128xf32, #tpu.memory_space<vmem>>, %arg5: memref<1x8x128xf32, #tpu.memory_space<vmem>>, %arg6: memref<1x8x128xf32, #tpu.memory_space<vmem>>, %arg7: memref<1000x1xf32, #tpu.memory_space<vmem>>, %arg8: memref<1x128x128xf32, #tpu.memory_space<vmem>>, %arg9: memref<1x1000x128xf32, #tpu.memory_space<vmem>>) attributes {dimension_semantics = [#tpu.dimension_semantics<arbitrary>, #tpu.dimension_semantics<arbitrary>, #tpu.dimension_semantics<arbitrary>], iteration_bounds = array<i64: 10, 2, 4>, scalar_prefetch = 0 : i64, scratch_operands = 0 : i64, tpu.core_type = #tpu.core_type<tc>, window_params = [{transform_indices = @transform_0, window_bounds = array<i64: 1, 1000, 128>}, {transform_indices = @transform_1, window_bounds = array<i64: 1, 8, 128>}, {transform_indices = @transform_2, window_bounds = array<i64: 1, 8, 128>}, {transform_indices = @transform_3, window_bounds = array<i64: 1, 8, 128>}, {transform_indices = @transform_4, window_bounds = array<i64: 1000, 1>}, {transform_indices = @transform_5, window_bounds = array<i64: 1, 128, 128>}, {transform_indices = @transform_6, window_bounds = array<i64: 1, 1000, 128>}]} {
    %get3A = arith.constant 0 : index
    %get3A_0 = arith.constant 0 : index
    %get3A_1 = arith.constant 0 : index
    %get3A_2 = vector.load %arg4[%get3A, %get3A_0, %get3A_1] : memref<1x8x128xf32, #tpu.memory_space<vmem>>, vector<1x1x128xf32>
    %get3A_3 = vector.shape_cast %get3A_2 : vector<1x1x128xf32> to vector<1x128xf32>
    %mul3A = arith.constant 9.99999974E-5 : f32
    %mul3A_4 = vector.broadcast %mul3A : f32 to vector<1x128xf32>
    %mul3A_5 = arith.mulf %get3A_3, %mul3A_4 : vector<1x128xf32>
    %get3A_6 = arith.constant 0 : index
    %get3A_7 = arith.constant 1 : index
    %get3A_8 = arith.constant 0 : index
    %get3A_9 = vector.load %arg4[%get3A_6, %get3A_7, %get3A_8] : memref<1x8x128xf32, #tpu.memory_space<vmem>>, vector<1x1x128xf32>
    %get3A_10 = vector.shape_cast %get3A_9 : vector<1x1x128xf32> to vector<1x128xf32>
    %mul3A_11 = arith.constant 9.99999974E-5 : f32
    %mul3A_12 = vector.broadcast %mul3A_11 : f32 to vector<1x128xf32>
    %mul3A_13 = arith.mulf %get3A_10, %mul3A_12 : vector<1x128xf32>
    %mul3A_14 = arith.mulf %mul3A_5, %mul3A_5 : vector<1x128xf32>
    %sub3A = arith.subf %mul3A_13, %mul3A_14 : vector<1x128xf32>
    %add3A = arith.constant 9.99999974E-6 : f32
    %add3A_15 = vector.broadcast %add3A : f32 to vector<1x128xf32>
    %add3A_16 = arith.addf %sub3A, %add3A_15 : vector<1x128xf32>
    %rsqrt3A = math.rsqrt %add3A_16 : vector<1x128xf32>
    %get3A_17 = arith.constant 0 : index
    %get3A_18 = arith.constant 0 : index
    %get3A_19 = arith.constant 0 : index
    %get3A_20 = vector.load %arg3[%get3A_17, %get3A_18, %get3A_19] : memref<1x1000x128xf32, #tpu.memory_space<vmem>>, vector<1x1000x128xf32>
    %get3A_21 = vector.shape_cast %get3A_20 : vector<1x1000x128xf32> to vector<1000x128xf32>
    %sub3A_22 = vector.broadcast %mul3A_5 : vector<1x128xf32> to vector<1000x128xf32>
    %sub3A_23 = arith.subf %get3A_21, %sub3A_22 : vector<1000x128xf32>
    %mul3A_24 = vector.broadcast %rsqrt3A : vector<1x128xf32> to vector<1000x128xf32>
    %mul3A_25 = arith.mulf %sub3A_23, %mul3A_24 : vector<1000x128xf32>
    %get3A_26 = arith.constant 0 : index
    %get3A_27 = arith.constant 0 : index
    %get3A_28 = arith.constant 0 : index
    %get3A_29 = vector.load %arg5[%get3A_26, %get3A_27, %get3A_28] : memref<1x8x128xf32, #tpu.memory_space<vmem>>, vector<1x1x128xf32>
    %get3A_30 = vector.shape_cast %get3A_29 : vector<1x1x128xf32> to vector<1x128xf32>
    %mul3A_31 = vector.broadcast %get3A_30 : vector<1x128xf32> to vector<1000x128xf32>
    %mul3A_32 = arith.mulf %mul3A_25, %mul3A_31 : vector<1000x128xf32>
    %get3A_33 = arith.constant 0 : index
    %get3A_34 = arith.constant 0 : index
    %get3A_35 = arith.constant 0 : index
    %get3A_36 = vector.load %arg6[%get3A_33, %get3A_34, %get3A_35] : memref<1x8x128xf32, #tpu.memory_space<vmem>>, vector<1x1x128xf32>
    %get3A_37 = vector.shape_cast %get3A_36 : vector<1x1x128xf32> to vector<1x128xf32>
    %add3A_38 = vector.broadcast %get3A_37 : vector<1x128xf32> to vector<1000x128xf32>
    %add3A_39 = arith.addf %mul3A_32, %add3A_38 : vector<1000x128xf32>
    %get3A_40 = arith.constant 0 : index
    %get3A_41 = arith.constant 0 : index
    %get3A_42 = vector.load %arg7[%get3A_40, %get3A_41] : memref<1000x1xf32, #tpu.memory_space<vmem>>, vector<1000x1xf32>
    %mul3A_43 = vector.broadcast %get3A_42 : vector<1000x1xf32> to vector<1000x128xf32>
    %mul3A_44 = arith.mulf %add3A_39, %mul3A_43 : vector<1000x128xf32>
    %get3A_45 = arith.constant 0 : index
    %get3A_46 = arith.constant 0 : index
    %get3A_47 = arith.constant 0 : index
    %get3A_48 = vector.load %arg8[%get3A_45, %get3A_46, %get3A_47] : memref<1x128x128xf32, #tpu.memory_space<vmem>>, vector<1x128x128xf32>
    %get3A_49 = vector.shape_cast %get3A_48 : vector<1x128x128xf32> to vector<128x128xf32>
    %dot_general3A = arith.constant dense<0.000000e+00> : vector<1000x128xf32>
    %dot_general3A_50 = tpu.matmul %mul3A_44, %get3A_49, %dot_general3A {dimension_numbers = #tpu.dot_dimension_numbers<[1], [0], [0], [1], [0, 0, 1, 1], [], []>, transpose_lhs_hint = false} : vector<1000x128xf32>, vector<128x128xf32>, vector<1000x128xf32> -> vector<1000x128xf32>
    %eq3A = arith.constant 0 : i32
    %eq3A_51 = arith.cmpi eq, %arg2, %eq3A : i32
    %convert_element_type3A = arith.extui %eq3A_51 : i1 to i32
    %cond3A = arith.constant 0 : i32
    %cond3A_52 = arith.cmpi ne, %convert_element_type3A, %cond3A : i32
    scf.if %cond3A_52 {
      %swap3A = arith.constant 0 : index
      %swap3A_57 = arith.constant 0 : index
      %swap3A_58 = arith.constant 0 : index
      %swap3A_59 = vector.load %arg9[%swap3A, %swap3A_57, %swap3A_58] : memref<1x1000x128xf32, #tpu.memory_space<vmem>>, vector<1x1000x128xf32>
      %swap3A_60 = vector.shape_cast %swap3A_59 : vector<1x1000x128xf32> to vector<1000x128xf32>
      %swap3A_61 = vector.shape_cast %dot_general3A_50 : vector<1000x128xf32> to vector<1x1000x128xf32>
      tpu.vector_store %arg9[%swap3A, %swap3A_57, %swap3A_58], %swap3A_61 {strides = array<i32>} : memref<1x1000x128xf32, #tpu.memory_space<vmem>>, vector<1x1000x128xf32>,
    } else {
    }
    %gt3A = arith.constant 0 : i32
    %gt3A_53 = arith.cmpi sgt, %arg2, %gt3A : i32
    %convert_element_type3A_54 = arith.extui %gt3A_53 : i1 to i32
    %cond3A_55 = arith.constant 0 : i32
    %cond3A_56 = arith.cmpi ne, %convert_element_type3A_54, %cond3A_55 : i32
    scf.if %cond3A_56 {
      %get3A_57 = arith.constant 0 : index
      %get3A_58 = arith.constant 0 : index
      %get3A_59 = arith.constant 0 : index
      %get3A_60 = vector.load %arg9[%get3A_57, %get3A_58, %get3A_59] : memref<1x1000x128xf32, #tpu.memory_space<vmem>>, vector<1x1000x128xf32>
      %get3A_61 = vector.shape_cast %get3A_60 : vector<1x1000x128xf32> to vector<1000x128xf32>
      %add3A_62 = arith.addf %get3A_61, %dot_general3A_50 : vector<1000x128xf32>
      %swap3A = arith.constant 0 : index
      %swap3A_63 = arith.constant 0 : index
      %swap3A_64 = arith.constant 0 : index
      %swap3A_65 = vector.load %arg9[%swap3A, %swap3A_63, %swap3A_64] : memref<1x1000x128xf32, #tpu.memory_space<vmem>>, vector<1x1000x128xf32>
      %swap3A_66 = vector.shape_cast %swap3A_65 : vector<1x1000x128xf32> to vector<1000x128xf32>
      %swap3A_67 = vector.shape_cast %add3A_62 : vector<1000x128xf32> to vector<1x1000x128xf32>
      tpu.vector_store %arg9[%swap3A, %swap3A_63, %swap3A_64], %swap3A_67 {strides = array<i32>} : memref<1x1000x128xf32, #tpu.memory_space<vmem>>, vector<1x1000x128xf32>,
    } else {
    }
    return
  }
  func.func @transform_0(%arg0: i32, %arg1: i32, %arg2: i32) -> (i32, i32, i32) {
    %c0_i32 = arith.constant 0 : i32
    %c0_i32_0 = arith.constant 0 : i32
    return %arg2, %arg0, %c0_i32 : i32, i32, i32
  }
  func.func @transform_1(%arg0: i32, %arg1: i32, %arg2: i32) -> (i32, i32, i32) {
    %c0_i32 = arith.constant 0 : i32
    %c0_i32_0 = arith.constant 0 : i32
    %c0_i32_1 = arith.constant 0 : i32
    return %arg2, %c0_i32, %c0_i32_0 : i32, i32, i32
  }
  func.func @transform_2(%arg0: i32, %arg1: i32, %arg2: i32) -> (i32, i32, i32) {
    %c0_i32 = arith.constant 0 : i32
    %c0_i32_0 = arith.constant 0 : i32
    %c0_i32_1 = arith.constant 0 : i32
    return %arg2, %c0_i32, %c0_i32_0 : i32, i32, i32
  }
  func.func @transform_3(%arg0: i32, %arg1: i32, %arg2: i32) -> (i32, i32, i32) {
    %c0_i32 = arith.constant 0 : i32
    %c0_i32_0 = arith.constant 0 : i32
    %c0_i32_1 = arith.constant 0 : i32
    return %arg2, %c0_i32, %c0_i32_0 : i32, i32, i32
  }
  func.func @transform_4(%arg0: i32, %arg1: i32, %arg2: i32) -> (i32, i32) {
    %c0_i32 = arith.constant 0 : i32
    %c0_i32_0 = arith.constant 0 : i32
    return %arg0, %c0_i32 : i32, i32
  }
  func.func @transform_5(%arg0: i32, %arg1: i32, %arg2: i32) -> (i32, i32, i32) {
    %c0_i32 = arith.constant 0 : i32
    %c0_i32_0 = arith.constant 0 : i32
    return %arg2, %c0_i32, %arg1 : i32, i32, i32
  }
  func.func @transform_6(%arg0: i32, %arg1: i32, %arg2: i32) -> (i32, i32, i32) {
    %c0_i32 = arith.constant 0 : i32
    %c0_i32_0 = arith.constant 0 : i32
    return %arg1, %arg0, %c0_i32 : i32, i32, i32
  }
}

module attributes {stable_mosaic.version = 14 : i64} {
  func.func @_tc3_body(%arg0: i32, %arg1: i32, %arg2: memref<1x632x128xf32, #tpu.memory_space<vmem>>, %arg3: memref<632x1xf32, #tpu.memory_space<vmem>>, %arg4: memref<1x632x128xf32, #tpu.memory_space<vmem>>) attributes {dimension_semantics = [#tpu.dimension_semantics<arbitrary>, #tpu.dimension_semantics<arbitrary>], iteration_bounds = array<i64: 2, 16>, scalar_prefetch = 0 : i64, scratch_operands = 0 : i64, tpu.core_type = #tpu.core_type<tc>, window_params = [{transform_indices = @transform_0, window_bounds = array<i64: 1, 632, 128>}, {transform_indices = @transform_1, window_bounds = array<i64: 632, 1>}, {transform_indices = @transform_2, window_bounds = array<i64: 1, 632, 128>}]} {
    %get3A = arith.constant 0 : index
    %get3A_0 = arith.constant 0 : index
    %get3A_1 = arith.constant 0 : index
    %get3A_2 = vector.load %arg2[%get3A, %get3A_0, %get3A_1] : memref<1x632x128xf32, #tpu.memory_space<vmem>>, vector<1x632x128xf32>
    %get3A_3 = vector.shape_cast %get3A_2 : vector<1x632x128xf32> to vector<632x128xf32>
    %get3A_4 = arith.constant 0 : index
    %get3A_5 = arith.constant 0 : index
    %get3A_6 = vector.load %arg3[%get3A_4, %get3A_5] : memref<632x1xf32, #tpu.memory_space<vmem>>, vector<632x1xf32>
    %mul3A = vector.broadcast %get3A_6 : vector<632x1xf32> to vector<632x128xf32>
    %mul3A_7 = arith.mulf %get3A_3, %mul3A : vector<632x128xf32>
    %swap3A = arith.constant 0 : index
    %swap3A_8 = arith.constant 0 : index
    %swap3A_9 = arith.constant 0 : index
    %swap3A_10 = vector.load %arg4[%swap3A, %swap3A_8, %swap3A_9] : memref<1x632x128xf32, #tpu.memory_space<vmem>>, vector<1x632x128xf32>
    %swap3A_11 = vector.shape_cast %swap3A_10 : vector<1x632x128xf32> to vector<632x128xf32>
    %swap3A_12 = vector.shape_cast %mul3A_7 : vector<632x128xf32> to vector<1x632x128xf32>
    tpu.vector_store %arg4[%swap3A, %swap3A_8, %swap3A_9], %swap3A_12 {strides = array<i32>} : memref<1x632x128xf32, #tpu.memory_space<vmem>>, vector<1x632x128xf32>,
    return
  }
  func.func @transform_0(%arg0: i32, %arg1: i32) -> (i32, i32, i32) {
    %c0_i32 = arith.constant 0 : i32
    %c0_i32_0 = arith.constant 0 : i32
    return %arg0, %arg1, %c0_i32 : i32, i32, i32
  }
  func.func @transform_1(%arg0: i32, %arg1: i32) -> (i32, i32) {
    %c0_i32 = arith.constant 0 : i32
    %c0_i32_0 = arith.constant 0 : i32
    return %arg1, %c0_i32 : i32, i32
  }
  func.func @transform_2(%arg0: i32, %arg1: i32) -> (i32, i32, i32) {
    %c0_i32 = arith.constant 0 : i32
    %c0_i32_0 = arith.constant 0 : i32
    return %arg0, %arg1, %c0_i32 : i32, i32, i32
  }
}

module attributes {stable_mosaic.version = 14 : i64} {
  func.func @_tc4_body(%arg0: i32, %arg1: memref<2048x16xf32, #tpu.memory_space<vmem>>, %arg2: memref<2048x16xf32, #tpu.memory_space<vmem>>, %arg3: memref<2048x1xf32, #tpu.memory_space<vmem>>) attributes {dimension_semantics = [#tpu.dimension_semantics<arbitrary>], iteration_bounds = array<i64: 160>, scalar_prefetch = 0 : i64, scratch_operands = 0 : i64, tpu.core_type = #tpu.core_type<tc>, window_params = [{transform_indices = @transform_0, window_bounds = array<i64: 2048, 16>}, {transform_indices = @transform_1, window_bounds = array<i64: 2048, 16>}, {transform_indices = @transform_2, window_bounds = array<i64: 2048, 1>}]} {
    %get3A = arith.constant 0 : index
    %get3A_0 = arith.constant 0 : index
    %get3A_1 = vector.load %arg1[%get3A, %get3A_0] : memref<2048x16xf32, #tpu.memory_space<vmem>>, vector<2048x16xf32>
    %get3A_2 = arith.constant 0 : index
    %get3A_3 = arith.constant 0 : index
    %get3A_4 = vector.load %arg2[%get3A_2, %get3A_3] : memref<2048x16xf32, #tpu.memory_space<vmem>>, vector<2048x16xf32>
    %add3A = arith.addf %get3A_1, %get3A_4 : vector<2048x16xf32>
    %reduce_sum3A = arith.constant dense<0.000000e+00> : vector<2048xf32>
    %reduce_sum3A_5 = vector.multi_reduction <add>, %add3A, %reduce_sum3A [1] : vector<2048x16xf32> to vector<2048xf32>
    %broadcast_in_dim3A = vector.shape_cast %reduce_sum3A_5 : vector<2048xf32> to vector<2048x1xf32>
    %logistic3A = arith.negf %broadcast_in_dim3A : vector<2048x1xf32>
    %logistic3A_6 = math.exp %logistic3A : vector<2048x1xf32>
    %logistic3A_7 = arith.constant 1.000000e+00 : f32
    %logistic3A_8 = vector.broadcast %logistic3A_7 : f32 to vector<2048x1xf32>
    %logistic3A_9 = arith.addf %logistic3A_8, %logistic3A_6 : vector<2048x1xf32>
    %logistic3A_10 = arith.divf %logistic3A_8, %logistic3A_9 : vector<2048x1xf32>
    %swap3A = arith.constant 0 : index
    %swap3A_11 = arith.constant 0 : index
    %swap3A_12 = vector.load %arg3[%swap3A, %swap3A_11] : memref<2048x1xf32, #tpu.memory_space<vmem>>, vector<2048x1xf32>
    tpu.vector_store %arg3[%swap3A, %swap3A_11], %logistic3A_10 {strides = array<i32>} : memref<2048x1xf32, #tpu.memory_space<vmem>>, vector<2048x1xf32>,
    return
  }
  func.func @transform_0(%arg0: i32) -> (i32, i32) {
    %c0_i32 = arith.constant 0 : i32
    %c0_i32_0 = arith.constant 0 : i32
    return %arg0, %c0_i32 : i32, i32
  }
  func.func @transform_1(%arg0: i32) -> (i32, i32) {
    %c0_i32 = arith.constant 0 : i32
    %c0_i32_0 = arith.constant 0 : i32
    return %arg0, %c0_i32 : i32, i32
  }
  func.func @transform_2(%arg0: i32) -> (i32, i32) {
    %c0_i32 = arith.constant 0 : i32
    %c0_i32_0 = arith.constant 0 : i32
    return %arg0, %c0_i32 : i32, i32
  }
}

</mosaic_0001>

<sc_bundles>
// kernel: kernel.11.cloned.1.call-start
scs
__scs_entry_jumppad:
0x0: {  	(pc) =	sbr.rel $0x88, $3  }
0x1: {  	(tag) =	ssettag $0x0;
	lr =	simm.s32 $0x1  }
0x2: {  	[smem:$0x3F99] =	sst lr;
	_ =	strace $0xD0000000  }
0x3: {  	_ = 	snop  }
0x4: {  	_ = 	snop  }
0x5: {  	_ = 	snop  }
0x6: {  	_ = 	snop  }
0x7: {  	_ = 	snop  }
__scs_overlays_trampoline_lowered:
0x8: {  	[smem:$0x3FA8] =	sst s0  }
0x9: {  	[smem:$0x3FA9] =	sst s1  }
0xa: {  	[smem:$0x3FAA] =	sst s2  }
0xb: {  	[smem:$0x3FAB] =	sst s3  }
0xc: {  	[smem:$0x3FAC] =	sst s4  }
0xd: {  	[smem:$0x3FAD] =	sst s5  }
0xe: {  	[smem:$0x3FAE] =	sst s6  }
0xf: {  	[smem:$0x3FAF] =	sst s7  }
0x10: {  	[smem:$0x3FB0] =	sst s8  }
0x11: {  	[smem:$0x3FB1] =	sst s9;
	s0 =	simm.s32 @!p0 $0x0  }
0x12: {  	s1 =	sld [smem:$0x3F97];
	s0 =	simm.s32 @p0 $0x1  }
0x13: {  	[smem:$0x3FB2] =	sst s0;
	s0 =	simm.s32 @!p1 $0x0  }
0x14: {  	s2 =	sld [smem:$0x3F96];
	s0 =	simm.s32 @p1 $0x1  }
0x15: {  	[smem:$0x3FB3] =	sst s0;
	s0 =	simm.s32 @!p2 $0x0  }
0x16: {  	s3 =	sld [smem:$0x3FDB];
	s0 =	simm.s32 @p2 $0x1  }
0x17: {  	s4 =	simm.s32 $0x1BF5;
	[smem:$0x3FB5] =	sst s0  }
0x18: {  	s0 =	sld [smem:$0x3F98];
	_ =	swait.ge [sflag:s4], $0x0  }
0x19: {  	s7 =	sld [smem:$0x3F99]  }
0x1a: {  	s8 =	sadd.s32 $0xFFFFE003, lr  }
0x1b: {  	s9 =	sadd.s32 $0xFFFFFEF7, lr;
	s5 =	simm.s32 $0xFFFFFFFF;
	p2 =	slt.u32 s8, $0xFFFFF086  }
0x1c: {  	p1 =	slt.u32 s9, $0xF7A;
	s5 =	simm.s32 @!p2 $0x0  }
0x1d: {  	s5 =	simm.s32 @p1 $0x1;
	p0 =	seq.s32 s7, s2  }
0x1e: {  	s7 =	smul.u32 @!p0 $0xF7A, s2;
	p2 =	seq.s32 @!p0 s5, $0x0  }
0x1f: {  	s9 =	smul.u32 $0xF7A, s1;
	s8 =	simm.s32 @!p0 $0x1BF5;
	p2 =	por !p2, p0  }
0x20: {  	[sflag:s8] =	ssyncset.s32 @!p0 $0xFFFFF086;
	s6 =	sadd.s32 @!p0 s3, s7;
	s7 =	simm.s32 @!p0 $0x108  }
0x21: {  	s3 =	sadd.s32 s3, s9;
	s6 =	sadd.s32 @!p0 $0x88, s6;
	s7 =	simm.s32 @p2 $0x1082  }
0x22: {  	[simem:s7], [sflag:s8] =	dma.local @!p0 [hbm:s6], $0xF7A  }
0x23: {  	s9 =	sor.u32 $0xD0000000, s2;
	s6 =	simm.s32 $0x108;
	_ =	swait.ge @!p0 [sflag:s8], $0x0  }
0x24: {  	s3 =	sadd.s32 $0x88, s3;
	s6 =	simm.s32 @!p1 $0x1082;
	[sflag:s4] =	ssyncset.s32 $0xFFFFF086  }
0x25: {  	[simem:s6], [sflag:s4] =	dma.local [hbm:s3], $0xF7A  }
0x26: {  	[smem:$0x3F99] =	sst s1;
	(tag) =	ssettag s2;
	_ =	strace s9  }
0x27: {  	s1 =	sld [smem:$0x3FA9]  }
0x28: {  	s2 =	sld [smem:$0x3FAA]  }
0x29: {  	s4 =	sld [smem:$0x3FAC]  }
0x2a: {  	p0 =	seq.s32 s5, $0x0;
	s5 =	sld [smem:$0x3FAD]  }
0x2b: {  	s6 =	sld [smem:$0x3FAE]  }
0x2c: {  	s7 =	sld [smem:$0x3FAF]  }
0x2d: {  	s3 =	simm.s32 $0x108;
	s8 =	sld [smem:$0x3FB0]  }
0x2e: {  	s3 =	simm.s32 @!p0 $0x1082;
	s9 =	sld [smem:$0x3FB1]  }
0x2f: {  	lr =	sadd.s32 s0, s3;
	s0 =	sld [smem:$0x3FA8]  }
0x30: {  	s3 =	sld [smem:$0x3FAB]  }
0x31: {  	[smem:$0x3FB4] =	sst s10  }
0x32: {  	s10 =	sld [smem:$0x3FB2];
	_ =	sdelay $0x3  }
0x33: {  	p0 =	seq.s32 s10, $0x1;
	s10 =	sld [smem:$0x3FB4];
	_ =	sdelay $0x3  }
0x34: {  	[smem:$0x3FB4] =	sst s10  }
0x35: {  	s10 =	sld [smem:$0x3FB3];
	_ =	sdelay $0x3  }
0x36: {  	p1 =	seq.s32 s10, $0x1;
	s10 =	sld [smem:$0x3FB4];
	_ =	sdelay $0x3  }
0x37: {  	[smem:$0x3FB4] =	sst s10  }
0x38: {  	s10 =	sld [smem:$0x3FB5]  }
0x39: {  	_ = 	snop;
	(pc) =	sbr.ind lr, $3  }
0x3a: {  	_ = 	snop  }
0x3b: {  	_ = 	snop  }
0x3c: {  	p2 =	seq.s32 s10, $0x1;
	s10 =	sld [smem:$0x3FB4]  }
0x3d: {  	_ =	shalt  }
0x3e: {  	_ =	shalt  }
0x3f: {  	_ =	shalt  }
0x40: {  	_ =	shalt  }
0x41: {  	_ =	shalt  }
0x42: {  	_ =	shalt  }
0x43: {  	_ =	shalt  }
0x44: {  	_ =	shalt  }
0x45: {  	_ =	shalt  }
0x46: {  	_ =	shalt  }
0x47: {  	_ =	shalt  }
0x48: {  	_ =	shalt  }
0x49: {  	_ =	shalt  }
0x4a: {  	_ =	shalt  }
0x4b: {  	_ =	shalt  }
0x4c: {  	_ =	shalt  }
0x4d: {  	_ =	shalt  }
0x4e: {  	_ =	shalt  }
0x4f: {  	_ =	shalt  }
0x50: {  	_ =	shalt  }
0x51: {  	_ =	shalt  }
0x52: {  	_ =	shalt  }
0x53: {  	_ =	shalt  }
0x54: {  	_ =	shalt  }
0x55: {  	_ =	shalt  }
0x56: {  	_ =	shalt  }
0x57: {  	_ =	shalt  }
0x58: {  	_ =	shalt  }
0x59: {  	_ =	shalt  }
0x5a: {  	_ =	shalt  }
0x5b: {  	_ =	shalt  }
0x5c: {  	_ =	shalt  }
0x5d: {  	_ =	shalt  }
0x5e: {  	_ =	shalt  }
0x5f: {  	_ =	shalt  }
0x60: {  	_ =	shalt  }
0x61: {  	_ =	shalt  }
0x62: {  	_ =	shalt  }
0x63: {  	_ =	shalt  }
0x64: {  	_ =	shalt  }
0x65: {  	_ =	shalt  }
0x66: {  	_ =	shalt  }
0x67: {  	_ =	shalt  }
0x68: {  	_ =	shalt  }
0x69: {  	_ =	shalt  }
0x6a: {  	_ =	shalt  }
0x6b: {  	_ =	shalt  }
0x6c: {  	_ =	shalt  }
0x6d: {  	_ =	shalt  }
0x6e: {  	_ =	shalt  }
0x6f: {  	_ =	shalt  }
0x70: {  	_ =	shalt  }
0x71: {  	_ =	shalt  }
0x72: {  	_ =	shalt  }
0x73: {  	_ =	shalt  }
0x74: {  	_ =	shalt  }
0x75: {  	_ =	shalt  }
0x76: {  	_ =	shalt  }
0x77: {  	_ =	shalt  }
0x78: {  	_ =	shalt  }
0x79: {  	_ =	shalt  }
0x7a: {  	_ =	shalt  }
0x7b: {  	_ =	shalt  }
0x7c: {  	_ =	shalt  }
0x7d: {  	_ =	shalt  }
0x7e: {  	_ =	shalt  }
0x7f: {  	_ =	shalt  }
0x80: {  	_ =	shalt  }
0x81: {  	_ =	shalt  }
0x82: {  	_ =	shalt  }
0x83: {  	_ =	shalt  }
0x84: {  	_ =	shalt  }
0x85: {  	_ =	shalt  }
0x86: {  	_ =	shalt  }
0x87: {  	_ =	shalt  }
.Lfunc_end0:
.L_simem_size_0:
called_computation_lowered:
.L_overlay_start_0:
0x88: {  	s2 =	sld [smem:$0x3FD9]  }
0x89: {  	s3 =	sld [smem:$0x3FFE];
	_ =	sdelay $0x1  }
0x8a: {  	s1 =	srdreg.scid  }
0x8b: {  	s0 =	sand.u32 $0x1, s1  }
0x8c: {  	s16 =	sshll.u32 s0, $0xA;
	s2 =	sadd.s32 s3, s2  }
0x8d: {  	s2 =	sadd.s32 s2, s16  }
0x8e: {  	[smem:$0x3FC0] =	sst s2  }
0x8f: {  	_ = 	snop  }
0x90: {  	(tm) =	ssettm $0x1  }
0x91: {  	s17 =	sld [smem:$0x3FFB];
	_ =	sdelay $0x3  }
0x92: {  	_ =	strace s17  }
0x93: {  	s2 =	sld [smem:$0x3FFC];
	_ =	sdelay $0x3  }
0x94: {  	_ =	strace s2  }
0x95: {  	s2 =	sld [smem:$0x3FFD];
	_ =	sdelay $0x3  }
0x96: {  	_ =	strace s2  }
0x97: {  	_ =	strace $0x8FFFFFFF  }
0x98: {  	s18 =	sld [smem:$0x3FDB];
	_ =	sdelay $0x1  }
0x99: {  	s19 =	simm.s32 $_scs_section_size  }
0x9a: {  	s4 =	simm.s32 $_size__tile_overlayer_lowered;
	s5 =	simm.s32 $_tile_overlayer_lowered  }
0x9b: {  	s22 =	simm.s32 $0x1BFF;
	s21 =	sshll.u32 s5, $0x1;
	s2 =	sadd.s32 s19, s18  }
0x9c: {  	s6 =	simm.s32 $0x0;
	s20 =	sshll.u32 s4, $0x1;
	s4 =	sadd.s32 s21, s2  }
0x9d: {  	[timem:s6], [sflag:s22] =	dma.local [hbm:s4], s20  }
0x9e: {  	_ =	swait.ge [sflag:s22], s20  }
0x9f: {  	s3 =	ssub.s32 $0x0, s20;
	[sflag:s22] =	ssyncset.done $0x0  }
0xa0: {  	[sflag:s22] =	ssyncadd.s32 s3;
	_ =	sdelay $0x1  }
0xa1: {  	s23 =	simm.s32 $0x1B8B  }
0xa2: {  	_ =	swait.ge [sflag:s23], $0x1  }
0xa3: {  	[sflag:s23] =	ssyncset.done $0x0  }
0xa4: {  	s25 =	simm.s32 $0x1B8E;
	s24 =	sld [smem:$0x3FFE];
	[sflag:s23] =	ssyncadd.s32 $0xFFFFFFFF  }
0xa5: {  	s26 =	simm.s32 $execute0_lowered;
	[smem:$0x3FD2] =	sst s25  }
0xa6: {  	s4 =	sshll.u32 s26, $0x1;
	_ =	strace $0x80000046;
	[dreg:$0x1] =	wrdreg $0xFFFFFFFF  }
0xa7: {  	s28 =	simm.s32 $_size_execute0_lowered;
	s2 =	sadd.s32 s2, s4;
	[dreg:$0x0] =	wrdreg $0x0  }
0xa8: {  	s4 =	sshll.u32 s28, $0x1;
	[dreg:$0x2] =	wrdreg s2  }
0xa9: {  	[dreg:$0x3] =	wrdreg s4  }
0xaa: {  	[dreg:$0x4] =	wrdreg $0xC0  }
0xab: {  	_ =	task [dreg:s6], $0x5FFFF  }
0xac: {  	[dreg:$0x1] =	wrdreg $0xFFFFFFFF  }
0xad: {  	[dreg:$0x0] =	wrdreg $0x60  }
0xae: {  	[dreg:$0x2] =	wrdreg s24  }
0xaf: {  	[dreg:$0x3] =	wrdreg $0x58000  }
0xb0: {  	[dreg:$0x4] =	wrdreg $0x9  }
0xb1: {  	_ =	task.clear_ibuf [dreg:s6], $0x5FFFF;
	_ =	strace $0x90000046  }
0xb2: {  	s29 =	simm.s32 $0x9;
	_ =	strace $0x80000048  }
0xb3: {  	_ =	swait.ge [sflag:s29], $0x1  }
0xb4: {  	[sflag:s29] =	ssyncadd.s32 $0xFFFFFFFF  }
0xb5: {  	_ =	strace $0x90000048  }
0xb6: {  	_ =	sfence  }
0xb7: {  	s30 =	sld [smem:$0x0];
	_ =	sdelay $0x2  }
0xb8: {  	s31 =	sshll.u32 s1, $0xD;
	s1 =	sshrl.u32 s1, $0x2  }
0xb9: {  	s3 =	sand.u32 $0x4000, s31;
	s1 =	sadd.s32 s1, s30  }
0xba: {  	s0 =	sor.u32 s3, s0;
	s1 =	sshll.u32 s1, $0x11  }
0xbb: {  	s0 =	sor.u32 s1, s0  }
0xbc: {  	s0 =	sadd.s32 $0x8F2B, s0  }
0xbd: {  	[sflag:s0] =	ssyncadd.remote.s32 $0x1  }
0xbe: {  	_ =	sfence.sel $0xFFFF  }
0xbf: {  	[dreg:$0x0] =	wrdreg $0xFFFFFFFF;
	(pc) =	sbr.abs _section_cstart, $3  }
0xc0: {  	[dreg:$0x1] =	wrdreg $0xFFFFFFFF  }
0xc1: {  	_ =	task.clear_ibuf [dreg:s6], $0x2FFFF;
	_ =	strace $0x9FFFFFFF  }
0xc2: {  	(tm) =	ssettm $0x7FFFFFFF  }
0xc3: {  	_ =	shalt  }
tec
execute0_lowered:
.L_overlay_start_1:
0x0: {  	(tag) =	ssettag $0x1  }
0x1: {  	s1 =	srdreg.scid  }
0x2: {  	s0 =	stileid.u32;
	s7 =	rddreg [dreg:$0x0]  }
0x3: {  	s2 =	rddreg [dreg:$0x1];
	s3 =	simm.s32 $0x0;
	s8 =	smul.u32 $0x2780, s0  }
0x4: {  	s13 =	simm.s32 $0x80;
	s15 =	simm.s32 $0x0;
	s10 =	smul.u32 $0x50000, s0  }
0x5: {  	s6 =	sand.u32 $0x1, s1;
	s28 =	sshll.u32 s0, $0x1;
	s11 =	smul.u32 $0x4F000, s0  }
0x6: {  	[smem:$0x7FF] =	sst s3;
	s1 =	sor.u32 s6, s28;
	s5 =	smul.u32 $0x27800, s6  }
0x7: {  	s30 =	sshll.u32 s0, $0x6;
	s6 =	ssub.s32 $0x2, s6;
	s4 =	smul.u32 $0x300, s1  }
0x8: {  	s1 =	rddreg [dreg:$0x2];
	_ =	strace $0x80000047;
	s29 =	sshrl.u32 s6, $0x1  }
0x9: {  	s10 =	sshrl.u32 s10, $0x2;
	s31 =	sshrl.u32 s11, $0x2;
	s11 =	simm.s32 $0x1  }
0xa: {  	s8 =	sadd.s32 s8, s5;
	s5 =	sadd.s32 $0x6600, s7;
	s12 =	ssub.s32 s6, s29  }
0xb: {  	s10 =	sadd.s32 s10, s2;
	s6 =	sor.u32 $0x1C01, s30;
	s14 =	sadd.s32 s31, s2  }
0xc: {  	s9 =	sadd.s32 s4, s7;
	s4 =	sadd.s32 $0x6E00, s7;
	s8 =	sadd.s32 s8, s7  }
0xd: {  	s10 =	sshrl.u32 s10, $0x3;
	s14 =	sshrl.u32 s14, $0x3;
	s7 =	sadd.s32 $0x600, s9  }
0xe: {  	s8 =	sadd.s32 $0x9600, s8;
	s9 =	smax.u32 s12, $0x1;
	s12 =	simm.s32 $0x1800  }
.LBB2_1:
0xf: {  	[spmem:s10], [sflag:s6] =	dma.local [hbm:s4], $0x2800  }
0x10: {  	_ =	swait.ge [sflag:s11], $0x2800  }
0x11: {  	[sflag:s11] =	ssyncset.done $0x0  }
0x12: {  	[sflag:s11] =	ssyncadd.s32 $0xFFFFD800  }
0x13: {  	[tilespmem:s3], [sflag:$0x1] =	stream.linear.gather [hbm4b:s7+s3], $0x1500, $0x38;
	[tilespmem:$0x8000] =	vst v63  }
0x14: {  	_ =	swait.ge [sflag:s11], $0x1500  }
0x15: {  	[sflag:s11] =	ssyncset.done $0x0  }
0x16: {  	[sflag:s11] =	ssyncadd.s32 $0xFFFFEB00  }
0x17: {  	[tilespmem:s12], [sflag:$0x1] =	stream.linear.gather [hbm4b:s5+s3], $0x4000, $0x38;
	[tilespmem:$0x8000] =	vst v63  }
0x18: {  	_ =	swait.ge [sflag:s11], $0x4000  }
0x19: {  	[sflag:s11] =	ssyncset.done $0x0  }
0x1a: {  	[sflag:s11] =	ssyncadd.s32 $0xFFFFC000  }
0x1b: {  	s16 =	simm.s32 $0x0;
	[bflag:$0x0] =	sbarrier.arrive $0xFFFF  }
0x1c: {  	[spmem:s2] =	stream.indirect.scatter.add.f32 [tilespmem:s12], [sflag:$0x1], $0x10, s16, s13, $0xb8;
	[tilespmem:$0x8000] =	vst v63  }
0x1d: {  	_ =	swait.ge [sflag:s11], $0x800  }
0x1e: {  	s16 =	simm.s32 $0x200;
	[sflag:s11] =	ssyncset.done $0x0  }
.LBB2_2:
0x1f: {  	s17 =	sshra.s32 s16, $0x2;
	[sflag:s11] =	ssyncadd.s32 $0xFFFFF800;
	p0 =	sne.s32 s16, $0x5200  }
0x20: {  	[spmem:s2] =	stream.indirect.scatter.add.f32 [tilespmem:s12], [sflag:$0x1], $0x10, s17, s13, $0xb8;
	[tilespmem:$0x8000] =	vst v63  }
.Ltmp0:
0x21: {  	_ = 	snop;
	(pc) =	sbr.rel @p0 .LBB2_2-.Ltmp0, $4  }
0x22: {  	_ = 	snop  }
0x23: {  	s16 =	sadd.s32 $0x200, s16  }
0x24: {  	_ =	swait.ge [sflag:s11], $0x800  }
0x25: {  	[sflag:s11] =	ssyncset.done $0x0  }
0x26: {  	s15 =	sadd.s32 $0x1, s15  }
0x27: {  	[sflag:s11] =	ssyncadd.s32 $0xFFFFF800;
	p0 =	sne.s32 s15, s9  }
.Ltmp1:
0x28: {  	[bflag:$0x0] =	sbarrier.arrive $0xFFFF;
	(pc) =	sbr.rel @p0 .LBB2_1-.Ltmp1, $4  }
0x29: {  	[hbm:s8], [sflag:s6] =	dma.local [spmem:s14], $0x2780  }
0x2a: {  	_ =	swait.ge [sflag:s11], $0x2780  }
0x2b: {  	[sflag:s11] =	ssyncset.done $0x0  }
0x2c: {  	[sflag:s11] =	ssyncadd.s32 $0xFFFFD880  }
0x2d: {  	_ =	sfence.sel $0x180000  }
0x2e: {  	[bflag:$0x0] =	sbarrier.arrive $0xFFFF  }
0x2f: {  	p0 =	sne.s32 s0, $0x0;
	_ =	strace $0x90000047  }
0x30: {  	s0 =	sadd.s32 @!p0 $0x100000, s1;
	[bflag:$0x2] =	sbarrier.arrive $0xFFFF  }
0x31: {  	[sflag:s0] =	ssyncadd.tile.s32 @!p0 $0x1;
	_ =	shalt  }
.Lfunc_end2:
_tile_overlayer_lowered:
.L_overlay_start_2:
0x32: {  	(tag) =	ssettag $0x2  }
0x33: {  	s0 =	rddreg [dreg:$0x0];
	s2 =	stileid.u32  }
0x34: {  	s1 =	rddreg [dreg:$0x1];
	p0 =	sne.s32 s2, $0x0  }
0x35: {  	s3 =	rddreg [dreg:$0x2];
	[bflag:$0x3] =	sbarrier.arrive $0xFFFF;
	s2 =	simm.s32 @!p0 $0x1C01  }
0x36: {  	[timem:s3], [sflag:s2] =	dma.local @!p0 [hbm:s0], s1  }
0x37: {  	s0 =	simm.s32 @!p0 $0x1  }
0x38: {  	_ =	swait.ge @!p0 [sflag:s0], s1  }
0x39: {  	s1 =	ssub.s32 @!p0 $0x0, s1;
	[sflag:s0] =	ssyncset.done @!p0 $0x0  }
0x3a: {  	[sflag:s0] =	ssyncadd.s32 @!p0 s1  }
0x3b: {  	[bflag:$0x3] =	sbarrier.arrive $0xFFFF  }
0x3c: {  	_ =	shalt  }

// kernel: kernel.14.cloned.1.call-start
scs
__scs_entry_jumppad:
0x0: {  	(pc) =	sbr.rel $0x88, $3  }
0x1: {  	(tag) =	ssettag $0x0;
	lr =	simm.s32 $0x1  }
0x2: {  	[smem:$0x3F99] =	sst lr;
	_ =	strace $0xD0000000  }
0x3: {  	_ = 	snop  }
0x4: {  	_ = 	snop  }
0x5: {  	_ = 	snop  }
0x6: {  	_ = 	snop  }
0x7: {  	_ = 	snop  }
__scs_overlays_trampoline_lowered:
0x8: {  	[smem:$0x3FA8] =	sst s0  }
0x9: {  	[smem:$0x3FA9] =	sst s1  }
0xa: {  	[smem:$0x3FAA] =	sst s2  }
0xb: {  	[smem:$0x3FAB] =	sst s3  }
0xc: {  	[smem:$0x3FAC] =	sst s4  }
0xd: {  	[smem:$0x3FAD] =	sst s5  }
0xe: {  	[smem:$0x3FAE] =	sst s6  }
0xf: {  	[smem:$0x3FAF] =	sst s7  }
0x10: {  	[smem:$0x3FB0] =	sst s8  }
0x11: {  	[smem:$0x3FB1] =	sst s9;
	s0 =	simm.s32 @!p0 $0x0  }
0x12: {  	s1 =	sld [smem:$0x3F97];
	s0 =	simm.s32 @p0 $0x1  }
0x13: {  	[smem:$0x3FB2] =	sst s0;
	s0 =	simm.s32 @!p1 $0x0  }
0x14: {  	s2 =	sld [smem:$0x3F96];
	s0 =	simm.s32 @p1 $0x1  }
0x15: {  	[smem:$0x3FB3] =	sst s0;
	s0 =	simm.s32 @!p2 $0x0  }
0x16: {  	s3 =	sld [smem:$0x3FDB];
	s0 =	simm.s32 @p2 $0x1  }
0x17: {  	s4 =	simm.s32 $0x1BF5;
	[smem:$0x3FB5] =	sst s0  }
0x18: {  	s0 =	sld [smem:$0x3F98];
	_ =	swait.ge [sflag:s4], $0x0  }
0x19: {  	s7 =	sld [smem:$0x3F99]  }
0x1a: {  	s8 =	sadd.s32 $0xFFFFE003, lr  }
0x1b: {  	s9 =	sadd.s32 $0xFFFFFEF7, lr;
	s5 =	simm.s32 $0xFFFFFFFF;
	p2 =	slt.u32 s8, $0xFFFFF086  }
0x1c: {  	p1 =	slt.u32 s9, $0xF7A;
	s5 =	simm.s32 @!p2 $0x0  }
0x1d: {  	s5 =	simm.s32 @p1 $0x1;
	p0 =	seq.s32 s7, s2  }
0x1e: {  	s7 =	smul.u32 @!p0 $0xF7A, s2;
	p2 =	seq.s32 @!p0 s5, $0x0  }
0x1f: {  	s9 =	smul.u32 $0xF7A, s1;
	s8 =	simm.s32 @!p0 $0x1BF5;
	p2 =	por !p2, p0  }
0x20: {  	[sflag:s8] =	ssyncset.s32 @!p0 $0xFFFFF086;
	s6 =	sadd.s32 @!p0 s3, s7;
	s7 =	simm.s32 @!p0 $0x108  }
0x21: {  	s3 =	sadd.s32 s3, s9;
	s6 =	sadd.s32 @!p0 $0x88, s6;
	s7 =	simm.s32 @p2 $0x1082  }
0x22: {  	[simem:s7], [sflag:s8] =	dma.local @!p0 [hbm:s6], $0xF7A  }
0x23: {  	s9 =	sor.u32 $0xD0000000, s2;
	s6 =	simm.s32 $0x108;
	_ =	swait.ge @!p0 [sflag:s8], $0x0  }
0x24: {  	s3 =	sadd.s32 $0x88, s3;
	s6 =	simm.s32 @!p1 $0x1082;
	[sflag:s4] =	ssyncset.s32 $0xFFFFF086  }
0x25: {  	[simem:s6], [sflag:s4] =	dma.local [hbm:s3], $0xF7A  }
0x26: {  	[smem:$0x3F99] =	sst s1;
	(tag) =	ssettag s2;
	_ =	strace s9  }
0x27: {  	s1 =	sld [smem:$0x3FA9]  }
0x28: {  	s2 =	sld [smem:$0x3FAA]  }
0x29: {  	s4 =	sld [smem:$0x3FAC]  }
0x2a: {  	p0 =	seq.s32 s5, $0x0;
	s5 =	sld [smem:$0x3FAD]  }
0x2b: {  	s6 =	sld [smem:$0x3FAE]  }
0x2c: {  	s7 =	sld [smem:$0x3FAF]  }
0x2d: {  	s3 =	simm.s32 $0x108;
	s8 =	sld [smem:$0x3FB0]  }
0x2e: {  	s3 =	simm.s32 @!p0 $0x1082;
	s9 =	sld [smem:$0x3FB1]  }
0x2f: {  	lr =	sadd.s32 s0, s3;
	s0 =	sld [smem:$0x3FA8]  }
0x30: {  	s3 =	sld [smem:$0x3FAB]  }
0x31: {  	[smem:$0x3FB4] =	sst s10  }
0x32: {  	s10 =	sld [smem:$0x3FB2];
	_ =	sdelay $0x3  }
0x33: {  	p0 =	seq.s32 s10, $0x1;
	s10 =	sld [smem:$0x3FB4];
	_ =	sdelay $0x3  }
0x34: {  	[smem:$0x3FB4] =	sst s10  }
0x35: {  	s10 =	sld [smem:$0x3FB3];
	_ =	sdelay $0x3  }
0x36: {  	p1 =	seq.s32 s10, $0x1;
	s10 =	sld [smem:$0x3FB4];
	_ =	sdelay $0x3  }
0x37: {  	[smem:$0x3FB4] =	sst s10  }
0x38: {  	s10 =	sld [smem:$0x3FB5]  }
0x39: {  	_ = 	snop;
	(pc) =	sbr.ind lr, $3  }
0x3a: {  	_ = 	snop  }
0x3b: {  	_ = 	snop  }
0x3c: {  	p2 =	seq.s32 s10, $0x1;
	s10 =	sld [smem:$0x3FB4]  }
0x3d: {  	_ =	shalt  }
0x3e: {  	_ =	shalt  }
0x3f: {  	_ =	shalt  }
0x40: {  	_ =	shalt  }
0x41: {  	_ =	shalt  }
0x42: {  	_ =	shalt  }
0x43: {  	_ =	shalt  }
0x44: {  	_ =	shalt  }
0x45: {  	_ =	shalt  }
0x46: {  	_ =	shalt  }
0x47: {  	_ =	shalt  }
0x48: {  	_ =	shalt  }
0x49: {  	_ =	shalt  }
0x4a: {  	_ =	shalt  }
0x4b: {  	_ =	shalt  }
0x4c: {  	_ =	shalt  }
0x4d: {  	_ =	shalt  }
0x4e: {  	_ =	shalt  }
0x4f: {  	_ =	shalt  }
0x50: {  	_ =	shalt  }
0x51: {  	_ =	shalt  }
0x52: {  	_ =	shalt  }
0x53: {  	_ =	shalt  }
0x54: {  	_ =	shalt  }
0x55: {  	_ =	shalt  }
0x56: {  	_ =	shalt  }
0x57: {  	_ =	shalt  }
0x58: {  	_ =	shalt  }
0x59: {  	_ =	shalt  }
0x5a: {  	_ =	shalt  }
0x5b: {  	_ =	shalt  }
0x5c: {  	_ =	shalt  }
0x5d: {  	_ =	shalt  }
0x5e: {  	_ =	shalt  }
0x5f: {  	_ =	shalt  }
0x60: {  	_ =	shalt  }
0x61: {  	_ =	shalt  }
0x62: {  	_ =	shalt  }
0x63: {  	_ =	shalt  }
0x64: {  	_ =	shalt  }
0x65: {  	_ =	shalt  }
0x66: {  	_ =	shalt  }
0x67: {  	_ =	shalt  }
0x68: {  	_ =	shalt  }
0x69: {  	_ =	shalt  }
0x6a: {  	_ =	shalt  }
0x6b: {  	_ =	shalt  }
0x6c: {  	_ =	shalt  }
0x6d: {  	_ =	shalt  }
0x6e: {  	_ =	shalt  }
0x6f: {  	_ =	shalt  }
0x70: {  	_ =	shalt  }
0x71: {  	_ =	shalt  }
0x72: {  	_ =	shalt  }
0x73: {  	_ =	shalt  }
0x74: {  	_ =	shalt  }
0x75: {  	_ =	shalt  }
0x76: {  	_ =	shalt  }
0x77: {  	_ =	shalt  }
0x78: {  	_ =	shalt  }
0x79: {  	_ =	shalt  }
0x7a: {  	_ =	shalt  }
0x7b: {  	_ =	shalt  }
0x7c: {  	_ =	shalt  }
0x7d: {  	_ =	shalt  }
0x7e: {  	_ =	shalt  }
0x7f: {  	_ =	shalt  }
0x80: {  	_ =	shalt  }
0x81: {  	_ =	shalt  }
0x82: {  	_ =	shalt  }
0x83: {  	_ =	shalt  }
0x84: {  	_ =	shalt  }
0x85: {  	_ =	shalt  }
0x86: {  	_ =	shalt  }
0x87: {  	_ =	shalt  }
.Lfunc_end0:
.L_simem_size_0:
called_computation.1_lowered:
.L_overlay_start_0:
0x88: {  	s2 =	sld [smem:$0x3FD9]  }
0x89: {  	s3 =	sld [smem:$0x3FFE];
	_ =	sdelay $0x1  }
0x8a: {  	s1 =	srdreg.scid  }
0x8b: {  	s0 =	sand.u32 $0x1, s1  }
0x8c: {  	s17 =	sshll.u32 s0, $0xA;
	s2 =	sadd.s32 s3, s2  }
0x8d: {  	s2 =	sadd.s32 s2, s17  }
0x8e: {  	[smem:$0x3FC0] =	sst s2  }
0x8f: {  	_ = 	snop  }
0x90: {  	s2 =	sld [smem:$0x3FD0];
	(tm) =	ssettm $0x1  }
0x91: {  	s18 =	sld [smem:$0x3FFB];
	_ =	sdelay $0x3  }
0x92: {  	_ =	strace s18  }
0x93: {  	s3 =	sld [smem:$0x3FFC];
	_ =	sdelay $0x3  }
0x94: {  	_ =	strace s3  }
0x95: {  	s3 =	sld [smem:$0x3FFD];
	_ =	sdelay $0x3  }
0x96: {  	_ =	strace s3  }
0x97: {  	_ =	strace $0x8FFFFFFF  }
0x98: {  	s19 =	sld [smem:$0x3FDB];
	_ =	sdelay $0x1  }
0x99: {  	s4 =	simm.s32 $_scs_section_size  }
0x9a: {  	s5 =	simm.s32 $_size__tile_overlayer_lowered;
	s6 =	simm.s32 $_tile_overlayer_lowered  }
0x9b: {  	s22 =	simm.s32 $0x1BFF;
	s21 =	sshll.u32 s6, $0x1;
	s3 =	sadd.s32 s4, s19  }
0x9c: {  	s7 =	simm.s32 $0x0;
	s20 =	sshll.u32 s5, $0x1;
	s5 =	sadd.s32 s21, s3  }
0x9d: {  	[timem:s7], [sflag:s22] =	dma.local [hbm:s5], s20  }
0x9e: {  	_ =	swait.ge [sflag:s22], s20  }
0x9f: {  	s4 =	ssub.s32 $0x0, s20;
	[sflag:s22] =	ssyncset.done $0x0  }
0xa0: {  	[sflag:s22] =	ssyncadd.s32 s4;
	_ =	sdelay $0x1  }
0xa1: {  	s23 =	simm.s32 $0x1B8B  }
0xa2: {  	_ =	swait.ge [sflag:s23], $0x1  }
0xa3: {  	[sflag:s23] =	ssyncset.done $0x0  }
0xa4: {  	s25 =	simm.s32 $0x1B8E;
	s24 =	sld [smem:$0x3FFE];
	[sflag:s23] =	ssyncadd.s32 $0xFFFFFFFF  }
0xa5: {  	s26 =	simm.s32 $execute0_lowered;
	[smem:$0x3FD2] =	sst s25  }
0xa6: {  	s5 =	sshll.u32 s26, $0x1;
	_ =	strace $0x80000049;
	[dreg:$0x1] =	wrdreg $0xFFFFFFFF  }
0xa7: {  	s28 =	simm.s32 $_size_execute0_lowered;
	s3 =	sadd.s32 s3, s5;
	[dreg:$0x0] =	wrdreg $0x0  }
0xa8: {  	s5 =	sshll.u32 s28, $0x1;
	[dreg:$0x2] =	wrdreg s3  }
0xa9: {  	[dreg:$0x3] =	wrdreg s5  }
0xaa: {  	[dreg:$0x4] =	wrdreg $0xC0  }
0xab: {  	_ =	task [dreg:s7], $0x5FFFF  }
0xac: {  	[dreg:$0x1] =	wrdreg $0xFFFFFFFF  }
0xad: {  	[dreg:$0x0] =	wrdreg $0x60  }
0xae: {  	[dreg:$0x2] =	wrdreg s2  }
0xaf: {  	[dreg:$0x3] =	wrdreg s24  }
0xb0: {  	[dreg:$0x4] =	wrdreg $0x90000  }
0xb1: {  	[dreg:$0x5] =	wrdreg $0x9  }
0xb2: {  	_ =	task.clear_ibuf [dreg:s7], $0x6FFFF;
	_ =	strace $0x90000049  }
0xb3: {  	s29 =	simm.s32 $0x9;
	_ =	strace $0x8000004B  }
0xb4: {  	_ =	swait.ge [sflag:s29], $0x1  }
0xb5: {  	[sflag:s29] =	ssyncadd.s32 $0xFFFFFFFF  }
0xb6: {  	_ =	strace $0x9000004B  }
0xb7: {  	_ =	sfence  }
0xb8: {  	s30 =	sld [smem:$0x0];
	_ =	sdelay $0x2  }
0xb9: {  	s31 =	sshll.u32 s1, $0xD;
	s1 =	sshrl.u32 s1, $0x2  }
0xba: {  	s3 =	sand.u32 $0x4000, s31;
	s1 =	sadd.s32 s1, s30  }
0xbb: {  	s0 =	sor.u32 s3, s0;
	s1 =	sshll.u32 s1, $0x11  }
0xbc: {  	s0 =	sor.u32 s1, s0  }
0xbd: {  	s0 =	sadd.s32 $0x8F2B, s0  }
0xbe: {  	[sflag:s0] =	ssyncadd.remote.s32 $0x1  }
0xbf: {  	_ =	sfence.sel $0xFFFF  }
0xc0: {  	[dreg:$0x0] =	wrdreg $0xFFFFFFFF;
	(pc) =	sbr.abs _section_cstart, $3  }
0xc1: {  	[dreg:$0x1] =	wrdreg $0xFFFFFFFF  }
0xc2: {  	_ =	task.clear_ibuf [dreg:s7], $0x2FFFF;
	_ =	strace $0x9FFFFFFF  }
0xc3: {  	(tm) =	ssettm $0x7FFFFFFF  }
tec
execute0_lowered:
.L_overlay_start_1:
0x0: {  	(tag) =	ssettag $0x1  }
0x1: {  	s0 =	rddreg [dreg:$0x0]  }
0x2: {  	s1 =	rddreg [dreg:$0x1]  }
0x3: {  	s2 =	rddreg [dreg:$0x2]  }
0x4: {  	s17 =	stileid.u32;
	s3 =	simm.s32 $0x0;
	s7 =	srdreg.scid  }
0x5: {  	s29 =	simm.s32 $0x4;
	s18 =	simm.s32 $0x980;
	s28 =	simm.s32 $0x280  }
0x6: {  	s30 =	simm.s32 $0xA00;
	s31 =	simm.s32 $0xB00;
	s4 =	smul.u32 $0x700, s17  }
0x7: {  	[smem:$0x7FF] =	sst s3;
	s5 =	sadd.s32 $0x4EA00, s1;
	s11 =	smul.u32 $0x50000, s17  }
0x8: {  	s6 =	sadd.s32 $0xFBA00, s1;
	s10 =	sand.u32 $0x1, s7;
	s13 =	smul.u32 $0x4F000, s17  }
0x9: {  	s7 =	sadd.s32 $0x27800, s1;
	s8 =	sadd.s32 $0x600, s1;
	s15 =	smul.u32 $0x13C00, s17  }
0xa: {  	s20 =	smul.u32 $0x2780, s17;
	s25 =	sshll.u32 s17, $0x6;
	s17 =	simm.s32 $0x900  }
0xb: {  	_ =	strace $0x8000004A;
	[dreg:$0x4] =	wrdreg s5;
	s5 =	sadd.s32 $0x122C00, s1  }
0xc: {  	s12 =	ssub.s32 $0x2, s10;
	p0 =	sne.s32 s10, $0x0;
	s10 =	simm.s32 $0x380  }
0xd: {  	s9 =	sadd.s32 s4, s1;
	s14 =	sshrl.u32 s12, $0x1;
	s1 =	sadd.s32 $0x149E00, s1  }
0xe: {  	s11 =	sshrl.u32 s11, $0x2;
	s13 =	sshrl.u32 s13, $0x2;
	s19 =	sshrl.u32 s15, $0x3  }
0xf: {  	s16 =	sadd.s32 s4, s0;
	s0 =	sor.u32 $0x1C05, s25;
	s25 =	simm.s32 $0x5000  }
0x10: {  	s4 =	simm.s32 $0x100;
	s12 =	ssub.s32 s12, s14;
	s11 =	sadd.s32 s11, s2  }
0x11: {  	s13 =	sadd.s32 s13, s2;
	s21 =	sadd.s32 s1, s19;
	s1 =	sadd.s32 s1, s20  }
0x12: {  	s15 =	sadd.s32 $0x58600, s9;
	[dreg:$0xb] =	wrdreg s0;
	s20 =	simm.s32 $0x800  }
0x13: {  	s19 =	simm.s32 $0x200;
	s0 =	simm.s32 $0xA80;
	[dreg:$0x5] =	wrdreg s13  }
0x14: {  	s14 =	sadd.s32 $0x4F000, s21;
	s22 =	sadd.s32 $0x76800, s21;
	[dreg:$0x8] =	wrdreg s1  }
0x15: {  	s23 =	sadd.s32 $0x27800, s21;
	s24 =	smax.u32 s12, $0x1;
	[dreg:$0x6] =	wrdreg s14  }
.Ltmp0:
0x16: {  	s26 =	sshrl.u32 s11, $0x3;
	[dreg:$0x7] =	wrdreg s22;
	(pc) =	sbr.rel .LBB2_1-.Ltmp0, $4  }
0x17: {  	s21 =	simm.s32 $0x1;
	s13 =	simm.s32 $0x180;
	[dreg:$0x9] =	wrdreg s23  }
0x18: {  	s1 =	simm.s32 $0x300;
	s11 =	simm.s32 $0x0;
	[dreg:$0xa] =	wrdreg s24  }
0x19: {  	[dreg:$0xc] =	wrdreg s26;
	s22 =	simm.s32 $0x2;
	s23 =	simm.s32 $0x80  }
0x1a: {  	s24 =	simm.s32 $0x1000;
	s26 =	simm.s32 $0x3;
	s14 =	simm.s32 $0x880  }
.LBB2_11:
0x1b: {  	s9 =	sadd.s32 s11, s16;
	[sflag:s29] =	ssyncadd.s32 $0xFFFFC000  }
0x1c: {  	[tilespmem:s3], [sflag:$0x1] =	stream.linear.gather [hbm4b:s9+s3], $0x600, $0x38;
	[tilespmem:$0x1D000] =	vst v63  }
0x1d: {  	s11 =	sadd.s32 s11, s15  }
0x1e: {  	[tilespmem:s20], [sflag:$0x2] =	stream.linear.gather [hbm4b:s11+s3], $0x600, $0x38;
	[tilespmem:$0x1D000] =	vst v63  }
0x1f: {  	_ =	swait.ge [sflag:s21], $0x600  }
0x20: {  	[sflag:s21] =	ssyncset.done $0x0  }
0x21: {  	[sflag:s21] =	ssyncadd.s32 $0xFFFFFA00  }
0x22: {  	_ =	swait.ge [sflag:s22], $0x600  }
0x23: {  	[sflag:s22] =	ssyncset.done $0x0  }
0x24: {  	[sflag:s22] =	ssyncadd.s32 $0xFFFFFA00  }
0x25: {  	[tilespmem:s24], [sflag:$0x1] =	stream.indirect.gather [hbm4b:s8+s23], $0x80, s3, s23, $0xb8;
	[tilespmem:$0x1D000] =	vst v63  }
0x26: {  	_ =	swait.ge [sflag:s21], $0x4000  }
0x27: {  	[sflag:s21] =	ssyncset.done $0x0  }
0x28: {  	[sflag:s21] =	ssyncadd.s32 $0xFFFFC000  }
0x29: {  	[tilespmem:s25], [sflag:$0x2] =	stream.indirect.gather [hbm4b:s8+s23], $0x80, s23, s23, $0xb8;
	[tilespmem:$0x1D000] =	vst v63  }
0x2a: {  	_ = 	snop  }
0x2b: {  	[spmem:s2] =	stream.indirect.scatter.add.f32 [tilespmem:s24], [sflag:$0x3], $0x80, s20, s23, $0xb8;
	[tilespmem:$0x1D000] =	vst v63  }
0x2c: {  	_ =	swait.ge [sflag:s22], $0x4000  }
0x2d: {  	[sflag:s22] =	ssyncset.done $0x0  }
0x2e: {  	[sflag:s22] =	ssyncadd.s32 $0xFFFFC000  }
0x2f: {  	_ =	swait.ge [sflag:s26], $0x4000  }
0x30: {  	[sflag:s26] =	ssyncset.done $0x0  }
0x31: {  	[sflag:s26] =	ssyncadd.s32 $0xFFFFC000  }
0x32: {  	[spmem:s2] =	stream.indirect.scatter.add.f32 [tilespmem:s25], [sflag:$0x4], $0x80, s14, s23, $0xb8;
	[tilespmem:$0x1D000] =	vst v63  }
0x33: {  	_ =	swait.ge [sflag:s29], $0x4000  }
0x34: {  	[sflag:s29] =	ssyncset.done $0x0  }
0x35: {  	s12 =	simm.s32 $0x100;
	[sflag:s29] =	ssyncadd.s32 $0xFFFFC000  }
0x36: {  	[tilespmem:s24], [sflag:$0x1] =	stream.indirect.gather [hbm4b:s8+s23], $0x80, s12, s23, $0xb8;
	[tilespmem:$0x1D000] =	vst v63  }
0x37: {  	_ =	swait.ge [sflag:s21], $0x4000  }
0x38: {  	[sflag:s21] =	ssyncset.done $0x0  }
0x39: {  	s13 =	simm.s32 $0x180;
	[sflag:s21] =	ssyncadd.s32 $0xFFFFC000  }
0x3a: {  	[tilespmem:s25], [sflag:$0x2] =	stream.indirect.gather [hbm4b:s8+s23], $0x80, s13, s23, $0xb8;
	[tilespmem:$0x1D000] =	vst v63  }
0x3b: {  	s11 =	simm.s32 $0x900  }
0x3c: {  	[spmem:s2] =	stream.indirect.scatter.add.f32 [tilespmem:s24], [sflag:$0x3], $0x80, s11, s23, $0xb8;
	[tilespmem:$0x1D000] =	vst v63  }
0x3d: {  	_ =	swait.ge [sflag:s22], $0x4000  }
0x3e: {  	[sflag:s22] =	ssyncset.done $0x0  }
0x3f: {  	[sflag:s22] =	ssyncadd.s32 $0xFFFFC000  }
0x40: {  	_ =	swait.ge [sflag:s26], $0x4000  }
0x41: {  	[sflag:s26] =	ssyncset.done $0x0  }
0x42: {  	s12 =	simm.s32 $0x980;
	[sflag:s26] =	ssyncadd.s32 $0xFFFFC000  }
0x43: {  	[spmem:s2] =	stream.indirect.scatter.add.f32 [tilespmem:s25], [sflag:$0x4], $0x80, s12, s23, $0xb8;
	[tilespmem:$0x1D000] =	vst v63  }
0x44: {  	_ =	swait.ge [sflag:s29], $0x4000  }
0x45: {  	[sflag:s29] =	ssyncset.done $0x0  }
0x46: {  	s13 =	simm.s32 $0x200;
	[sflag:s29] =	ssyncadd.s32 $0xFFFFC000  }
0x47: {  	[tilespmem:s24], [sflag:$0x1] =	stream.indirect.gather [hbm4b:s8+s23], $0x80, s13, s23, $0xb8;
	[tilespmem:$0x1D000] =	vst v63  }
0x48: {  	_ =	swait.ge [sflag:s21], $0x4000  }
0x49: {  	[sflag:s21] =	ssyncset.done $0x0  }
0x4a: {  	s11 =	simm.s32 $0x280;
	[sflag:s21] =	ssyncadd.s32 $0xFFFFC000  }
0x4b: {  	[tilespmem:s25], [sflag:$0x2] =	stream.indirect.gather [hbm4b:s8+s23], $0x80, s11, s23, $0xb8;
	[tilespmem:$0x1D000] =	vst v63  }
0x4c: {  	s12 =	simm.s32 $0xA00  }
0x4d: {  	[spmem:s2] =	stream.indirect.scatter.add.f32 [tilespmem:s24], [sflag:$0x3], $0x80, s12, s23, $0xb8;
	[tilespmem:$0x1D000] =	vst v63  }
0x4e: {  	_ =	swait.ge [sflag:s22], $0x4000  }
0x4f: {  	[sflag:s22] =	ssyncset.done $0x0  }
0x50: {  	[sflag:s22] =	ssyncadd.s32 $0xFFFFC000  }
0x51: {  	_ =	swait.ge [sflag:s26], $0x4000  }
0x52: {  	[sflag:s26] =	ssyncset.done $0x0  }
0x53: {  	s13 =	simm.s32 $0xA80;
	[sflag:s26] =	ssyncadd.s32 $0xFFFFC000  }
0x54: {  	[spmem:s2] =	stream.indirect.scatter.add.f32 [tilespmem:s25], [sflag:$0x4], $0x80, s13, s23, $0xb8;
	[tilespmem:$0x1D000] =	vst v63  }
0x55: {  	_ =	swait.ge [sflag:s29], $0x4000  }
0x56: {  	[sflag:s29] =	ssyncset.done $0x0  }
0x57: {  	s11 =	simm.s32 $0x300;
	[sflag:s29] =	ssyncadd.s32 $0xFFFFC000  }
0x58: {  	[tilespmem:s24], [sflag:$0x1] =	stream.indirect.gather [hbm4b:s8+s23], $0x80, s11, s23, $0xb8;
	[tilespmem:$0x1D000] =	vst v63  }
0x59: {  	_ =	swait.ge [sflag:s21], $0x4000  }
0x5a: {  	[sflag:s21] =	ssyncset.done $0x0  }
0x5b: {  	s12 =	simm.s32 $0x380;
	[sflag:s21] =	ssyncadd.s32 $0xFFFFC000  }
0x5c: {  	[tilespmem:s25], [sflag:$0x2] =	stream.indirect.gather [hbm4b:s8+s23], $0x80, s12, s23, $0xb8;
	[tilespmem:$0x1D000] =	vst v63  }
0x5d: {  	_ = 	snop  }
0x5e: {  	[spmem:s2] =	stream.indirect.scatter.add.f32 [tilespmem:s24], [sflag:$0x3], $0x80, s4, s23, $0xb8;
	[tilespmem:$0x1D000] =	vst v63  }
0x5f: {  	_ =	swait.ge [sflag:s22], $0x4000  }
0x60: {  	[sflag:s22] =	ssyncset.done $0x0  }
0x61: {  	[sflag:s22] =	ssyncadd.s32 $0xFFFFC000  }
0x62: {  	_ =	swait.ge [sflag:s26], $0x4000  }
0x63: {  	[sflag:s26] =	ssyncset.done $0x0  }
0x64: {  	[sflag:s26] =	ssyncadd.s32 $0xFFFFC000  }
0x65: {  	[spmem:s2] =	stream.indirect.scatter.add.f32 [tilespmem:s25], [sflag:$0x4], $0x80, s10, s23, $0xb8;
	[tilespmem:$0x1D000] =	vst v63  }
0x66: {  	_ =	swait.ge [sflag:s29], $0x4000  }
0x67: {  	[sflag:s29] =	ssyncset.done $0x0  }
0x68: {  	[sflag:s29] =	ssyncadd.s32 $0xFFFFC000  }
0x69: {  	[tilespmem:s24], [sflag:$0x1] =	stream.indirect.gather [hbm4b:s8+s23], $0x80, s1, s23, $0xb8;
	[tilespmem:$0x1D000] =	vst v63  }
0x6a: {  	_ =	swait.ge [sflag:s21], $0x4000  }
0x6b: {  	[sflag:s21] =	ssyncset.done $0x0  }
0x6c: {  	[sflag:s21] =	ssyncadd.s32 $0xFFFFC000  }
0x6d: {  	[tilespmem:s25], [sflag:$0x2] =	stream.indirect.gather [hbm4b:s8+s23], $0x80, s0, s23, $0xb8;
	[tilespmem:$0x1D000] =	vst v63  }
0x6e: {  	_ = 	snop  }
0x6f: {  	[spmem:s2] =	stream.indirect.scatter.add.f32 [tilespmem:s24], [sflag:$0x3], $0x80, s31, s23, $0xb8;
	[tilespmem:$0x1D000] =	vst v63  }
0x70: {  	_ =	swait.ge [sflag:s22], $0x4000  }
0x71: {  	[sflag:s22] =	ssyncset.done $0x0  }
0x72: {  	[sflag:s22] =	ssyncadd.s32 $0xFFFFC000  }
0x73: {  	_ =	swait.ge [sflag:s26], $0x4000  }
0x74: {  	[sflag:s26] =	ssyncset.done $0x0  }
0x75: {  	[sflag:s26] =	ssyncadd.s32 $0xFFFFC000  }
0x76: {  	[spmem:s2] =	stream.indirect.scatter.add.f32 [tilespmem:s25], [sflag:$0x4], $0x80, s30, s23, $0xb8;
	[tilespmem:$0x1D000] =	vst v63  }
0x77: {  	_ =	swait.ge [sflag:s29], $0x4000  }
0x78: {  	[sflag:s29] =	ssyncset.done $0x0  }
0x79: {  	[sflag:s29] =	ssyncadd.s32 $0xFFFFC000  }
0x7a: {  	[tilespmem:s24], [sflag:$0x1] =	stream.indirect.gather [hbm4b:s8+s23], $0x80, s28, s23, $0xb8;
	[tilespmem:$0x1D000] =	vst v63  }
0x7b: {  	_ =	swait.ge [sflag:s21], $0x4000  }
0x7c: {  	[sflag:s21] =	ssyncset.done $0x0  }
0x7d: {  	[sflag:s21] =	ssyncadd.s32 $0xFFFFC000  }
0x7e: {  	[tilespmem:s25], [sflag:$0x2] =	stream.indirect.gather [hbm4b:s8+s23], $0x80, s19, s23, $0xb8;
	[tilespmem:$0x1D000] =	vst v63  }
0x7f: {  	_ = 	snop  }
0x80: {  	[spmem:s2] =	stream.indirect.scatter.add.f32 [tilespmem:s24], [sflag:$0x3], $0x80, s17, s23, $0xb8;
	[tilespmem:$0x1D000] =	vst v63  }
0x81: {  	_ =	swait.ge [sflag:s22], $0x4000  }
0x82: {  	[sflag:s22] =	ssyncset.done $0x0  }
0x83: {  	[sflag:s22] =	ssyncadd.s32 $0xFFFFC000  }
0x84: {  	_ =	swait.ge [sflag:s26], $0x4000  }
0x85: {  	[sflag:s26] =	ssyncset.done $0x0  }
0x86: {  	[sflag:s26] =	ssyncadd.s32 $0xFFFFC000  }
0x87: {  	[spmem:s2] =	stream.indirect.scatter.add.f32 [tilespmem:s25], [sflag:$0x4], $0x80, s18, s23, $0xb8;
	[tilespmem:$0x1D000] =	vst v63  }
0x88: {  	_ =	swait.ge [sflag:s29], $0x4000  }
0x89: {  	[sflag:s29] =	ssyncset.done $0x0  }
0x8a: {  	[sflag:s29] =	ssyncadd.s32 $0xFFFFC000  }
0x8b: {  	s4 =	simm.s32 $0x100;
	[bflag:$0x0] =	sbarrier.arrive $0xFFFF  }
0x8c: {  	s10 =	simm.s32 $0x380;
	s1 =	simm.s32 $0x300;
	s13 =	rddreg [dreg:$0x7]  }
0x8d: {  	s0 =	simm.s32 $0xA80;
	s31 =	simm.s32 $0xB00;
	s17 =	rddreg [dreg:$0xb]  }
0x8e: {  	s30 =	simm.s32 $0xA00;
	s19 =	simm.s32 $0x5;
	s18 =	rddreg [dreg:$0xe]  }
0x8f: {  	[hbm:s13], [sflag:s17] =	dma.local [spmem:s18], $0x2780  }
0x90: {  	s28 =	simm.s32 $0x280;
	s13 =	simm.s32 $0x180;
	_ =	swait.ge [sflag:s19], $0x2780  }
0x91: {  	s17 =	simm.s32 $0x900;
	s18 =	simm.s32 $0x980;
	[sflag:s19] =	ssyncset.done $0x0  }
0x92: {  	s11 =	rddreg [dreg:$0xd];
	[sflag:s19] =	ssyncadd.s32 $0xFFFFD880;
	s19 =	simm.s32 $0x200  }
.LBB2_12:
0x93: {  	s11 =	sadd.s32 $0x1, s11;
	s9 =	rddreg [dreg:$0xa]  }
0x94: {  	p1 =	sne.s32 s11, s9  }
.Ltmp1:
0x95: {  	_ = 	snop;
	(pc) =	sbr.rel @!p1 .LBB2_13-.Ltmp1, $1  }
0x96: {  	_ =	sdelay $0x3  }
.LBB2_1:
.Ltmp2:
0x97: {  	(pc) =	sbr.rel @p0 .LBB2_7-.Ltmp2, $2  }
0x98: {  	_ =	sdelay $0x2  }
0x99: {  	[dreg:$0xd] =	wrdreg s11  }
0x9a: {  	s9 =	rddreg [dreg:$0x4]  }
0x9b: {  	s11 =	rddreg [dreg:$0xb]  }
0x9c: {  	s12 =	rddreg [dreg:$0xc]  }
0x9d: {  	[spmem:s12], [sflag:s11] =	dma.local [hbm:s9], $0x2800  }
0x9e: {  	s12 =	simm.s32 $0x5  }
0x9f: {  	_ =	swait.ge [sflag:s12], $0x2800  }
0xa0: {  	[sflag:s12] =	ssyncset.done $0x0  }
0xa1: {  	[sflag:s12] =	ssyncadd.s32 $0xFFFFD800  }
0xa2: {  	s9 =	sadd.s32 $0x0, s16;
	[bflag:$0x0] =	sbarrier.arrive $0xFFFF  }
0xa3: {  	[tilespmem:s3], [sflag:$0x1] =	stream.linear.gather [hbm4b:s9+s3], $0x600, $0x38;
	[tilespmem:$0x1D000] =	vst v63  }
0xa4: {  	s12 =	sadd.s32 $0x0, s15  }
0xa5: {  	[tilespmem:s20], [sflag:$0x2] =	stream.linear.gather [hbm4b:s12+s3], $0x600, $0x38;
	[tilespmem:$0x1D000] =	vst v63  }
0xa6: {  	_ =	swait.ge [sflag:s21], $0x600  }
0xa7: {  	[sflag:s21] =	ssyncset.done $0x0  }
0xa8: {  	[sflag:s21] =	ssyncadd.s32 $0xFFFFFA00  }
0xa9: {  	_ =	swait.ge [sflag:s22], $0x600  }
0xaa: {  	[sflag:s22] =	ssyncset.done $0x0  }
0xab: {  	[sflag:s22] =	ssyncadd.s32 $0xFFFFFA00  }
0xac: {  	[tilespmem:s24], [sflag:$0x1] =	stream.indirect.gather [hbm4b:s5+s23], $0x80, s3, s23, $0xb8;
	[tilespmem:$0x1D000] =	vst v63  }
0xad: {  	_ =	swait.ge [sflag:s21], $0x4000  }
0xae: {  	[sflag:s21] =	ssyncset.done $0x0  }
0xaf: {  	[sflag:s21] =	ssyncadd.s32 $0xFFFFC000  }
0xb0: {  	[tilespmem:s25], [sflag:$0x2] =	stream.indirect.gather [hbm4b:s5+s23], $0x80, s23, s23, $0xb8;
	[tilespmem:$0x1D000] =	vst v63  }
0xb1: {  	_ = 	snop  }
0xb2: {  	[spmem:s2] =	stream.indirect.scatter.add.f32 [tilespmem:s24], [sflag:$0x3], $0x80, s20, s23, $0xb8;
	[tilespmem:$0x1D000] =	vst v63  }
0xb3: {  	_ =	swait.ge [sflag:s22], $0x4000  }
0xb4: {  	[sflag:s22] =	ssyncset.done $0x0  }
0xb5: {  	[sflag:s22] =	ssyncadd.s32 $0xFFFFC000  }
0xb6: {  	_ =	swait.ge [sflag:s26], $0x4000  }
0xb7: {  	[sflag:s26] =	ssyncset.done $0x0  }
0xb8: {  	[sflag:s26] =	ssyncadd.s32 $0xFFFFC000  }
0xb9: {  	[spmem:s2] =	stream.indirect.scatter.add.f32 [tilespmem:s25], [sflag:$0x4], $0x80, s14, s23, $0xb8;
	[tilespmem:$0x1D000] =	vst v63  }
0xba: {  	_ =	swait.ge [sflag:s29], $0x4000  }
0xbb: {  	[sflag:s29] =	ssyncset.done $0x0  }
0xbc: {  	[sflag:s29] =	ssyncadd.s32 $0xFFFFC000  }
0xbd: {  	[tilespmem:s24], [sflag:$0x1] =	stream.indirect.gather [hbm4b:s5+s23], $0x80, s4, s23, $0xb8;
	[tilespmem:$0x1D000] =	vst v63  }
0xbe: {  	_ =	swait.ge [sflag:s21], $0x4000  }
0xbf: {  	[sflag:s21] =	ssyncset.done $0x0  }
0xc0: {  	[sflag:s21] =	ssyncadd.s32 $0xFFFFC000  }
0xc1: {  	[tilespmem:s25], [sflag:$0x2] =	stream.indirect.gather [hbm4b:s5+s23], $0x80, s13, s23, $0xb8;
	[tilespmem:$0x1D000] =	vst v63  }
0xc2: {  	_ = 	snop  }
0xc3: {  	[spmem:s2] =	stream.indirect.scatter.add.f32 [tilespmem:s24], [sflag:$0x3], $0x80, s17, s23, $0xb8;
	[tilespmem:$0x1D000] =	vst v63  }
0xc4: {  	_ =	swait.ge [sflag:s22], $0x4000  }
0xc5: {  	[sflag:s22] =	ssyncset.done $0x0  }
0xc6: {  	[sflag:s22] =	ssyncadd.s32 $0xFFFFC000  }
0xc7: {  	_ =	swait.ge [sflag:s26], $0x4000  }
0xc8: {  	[sflag:s26] =	ssyncset.done $0x0  }
0xc9: {  	[sflag:s26] =	ssyncadd.s32 $0xFFFFC000  }
0xca: {  	[spmem:s2] =	stream.indirect.scatter.add.f32 [tilespmem:s25], [sflag:$0x4], $0x80, s18, s23, $0xb8;
	[tilespmem:$0x1D000] =	vst v63  }
0xcb: {  	_ =	swait.ge [sflag:s29], $0x4000  }
0xcc: {  	[sflag:s29] =	ssyncset.done $0x0  }
0xcd: {  	[sflag:s29] =	ssyncadd.s32 $0xFFFFC000  }
0xce: {  	[tilespmem:s24], [sflag:$0x1] =	stream.indirect.gather [hbm4b:s5+s23], $0x80, s19, s23, $0xb8;
	[tilespmem:$0x1D000] =	vst v63  }
0xcf: {  	_ =	swait.ge [sflag:s21], $0x4000  }
0xd0: {  	[sflag:s21] =	ssyncset.done $0x0  }
0xd1: {  	[sflag:s21] =	ssyncadd.s32 $0xFFFFC000  }
0xd2: {  	[tilespmem:s25], [sflag:$0x2] =	stream.indirect.gather [hbm4b:s5+s23], $0x80, s28, s23, $0xb8;
	[tilespmem:$0x1D000] =	vst v63  }
0xd3: {  	_ = 	snop  }
0xd4: {  	[spmem:s2] =	stream.indirect.scatter.add.f32 [tilespmem:s24], [sflag:$0x3], $0x80, s30, s23, $0xb8;
	[tilespmem:$0x1D000] =	vst v63  }
0xd5: {  	_ =	swait.ge [sflag:s22], $0x4000  }
0xd6: {  	[sflag:s22] =	ssyncset.done $0x0  }
0xd7: {  	[sflag:s22] =	ssyncadd.s32 $0xFFFFC000  }
0xd8: {  	_ =	swait.ge [sflag:s26], $0x4000  }
0xd9: {  	[sflag:s26] =	ssyncset.done $0x0  }
0xda: {  	[sflag:s26] =	ssyncadd.s32 $0xFFFFC000  }
0xdb: {  	[spmem:s2] =	stream.indirect.scatter.add.f32 [tilespmem:s25], [sflag:$0x4], $0x80, s0, s23, $0xb8;
	[tilespmem:$0x1D000] =	vst v63  }
0xdc: {  	_ =	swait.ge [sflag:s29], $0x4000  }
0xdd: {  	[sflag:s29] =	ssyncset.done $0x0  }
0xde: {  	[sflag:s29] =	ssyncadd.s32 $0xFFFFC000  }
0xdf: {  	[tilespmem:s24], [sflag:$0x1] =	stream.indirect.gather [hbm4b:s5+s23], $0x80, s1, s23, $0xb8;
	[tilespmem:$0x1D000] =	vst v63  }
0xe0: {  	_ =	swait.ge [sflag:s21], $0x4000  }
0xe1: {  	[sflag:s21] =	ssyncset.done $0x0  }
0xe2: {  	[sflag:s21] =	ssyncadd.s32 $0xFFFFC000  }
0xe3: {  	[tilespmem:s25], [sflag:$0x2] =	stream.indirect.gather [hbm4b:s5+s23], $0x80, s10, s23, $0xb8;
	[tilespmem:$0x1D000] =	vst v63  }
0xe4: {  	_ = 	snop  }
0xe5: {  	[spmem:s2] =	stream.indirect.scatter.add.f32 [tilespmem:s24], [sflag:$0x3], $0x80, s31, s23, $0xb8;
	[tilespmem:$0x1D000] =	vst v63  }
0xe6: {  	_ =	swait.ge [sflag:s22], $0x4000  }
0xe7: {  	[sflag:s22] =	ssyncset.done $0x0  }
0xe8: {  	[sflag:s22] =	ssyncadd.s32 $0xFFFFC000  }
0xe9: {  	_ =	swait.ge [sflag:s26], $0x4000  }
0xea: {  	[sflag:s26] =	ssyncset.done $0x0  }
0xeb: {  	s9 =	simm.s32 $0xB80;
	[sflag:s26] =	ssyncadd.s32 $0xFFFFC000  }
0xec: {  	[spmem:s2] =	stream.indirect.scatter.add.f32 [tilespmem:s25], [sflag:$0x4], $0x80, s9, s23, $0xb8;
	[tilespmem:$0x1D000] =	vst v63  }
0xed: {  	_ =	swait.ge [sflag:s29], $0x4000  }
0xee: {  	[sflag:s29] =	ssyncset.done $0x0  }
0xef: {  	s10 =	simm.s32 $0x400;
	[sflag:s29] =	ssyncadd.s32 $0xFFFFC000  }
0xf0: {  	[tilespmem:s24], [sflag:$0x1] =	stream.indirect.gather [hbm4b:s5+s23], $0x80, s10, s23, $0xb8;
	[tilespmem:$0x1D000] =	vst v63  }
0xf1: {  	_ =	swait.ge [sflag:s21], $0x4000  }
0xf2: {  	[sflag:s21] =	ssyncset.done $0x0  }
0xf3: {  	s11 =	simm.s32 $0x480;
	[sflag:s21] =	ssyncadd.s32 $0xFFFFC000  }
0xf4: {  	[tilespmem:s25], [sflag:$0x2] =	stream.indirect.gather [hbm4b:s5+s23], $0x80, s11, s23, $0xb8;
	[tilespmem:$0x1D000] =	vst v63  }
0xf5: {  	s12 =	simm.s32 $0xC00  }
0xf6: {  	[spmem:s2] =	stream.indirect.scatter.add.f32 [tilespmem:s24], [sflag:$0x3], $0x80, s12, s23, $0xb8;
	[tilespmem:$0x1D000] =	vst v63  }
0xf7: {  	_ =	swait.ge [sflag:s22], $0x4000  }
0xf8: {  	[sflag:s22] =	ssyncset.done $0x0  }
0xf9: {  	[sflag:s22] =	ssyncadd.s32 $0xFFFFC000  }
0xfa: {  	_ =	swait.ge [sflag:s26], $0x4000  }
0xfb: {  	[sflag:s26] =	ssyncset.done $0x0  }
0xfc: {  	s13 =	simm.s32 $0xC80;
	[sflag:s26] =	ssyncadd.s32 $0xFFFFC000  }
0xfd: {  	[spmem:s2] =	stream.indirect.scatter.add.f32 [tilespmem:s25], [sflag:$0x4], $0x80, s13, s23, $0xb8;
	[tilespmem:$0x1D000] =	vst v63  }
0xfe: {  	_ =	swait.ge [sflag:s29], $0x4000  }
0xff: {  	[sflag:s29] =	ssyncset.done $0x0  }
0x100: {  	s14 =	simm.s32 $0x500;
	[sflag:s29] =	ssyncadd.s32 $0xFFFFC000  }
0x101: {  	[tilespmem:s24], [sflag:$0x1] =	stream.indirect.gather [hbm4b:s5+s23], $0x80, s14, s23, $0xb8;
	[tilespmem:$0x1D000] =	vst v63  }
0x102: {  	_ =	swait.ge [sflag:s21], $0x4000  }
0x103: {  	[sflag:s21] =	ssyncset.done $0x0  }
0x104: {  	s17 =	simm.s32 $0x580;
	[sflag:s21] =	ssyncadd.s32 $0xFFFFC000  }
0x105: {  	[tilespmem:s25], [sflag:$0x2] =	stream.indirect.gather [hbm4b:s5+s23], $0x80, s17, s23, $0xb8;
	[tilespmem:$0x1D000] =	vst v63  }
0x106: {  	s18 =	simm.s32 $0xD00  }
0x107: {  	[spmem:s2] =	stream.indirect.scatter.add.f32 [tilespmem:s24], [sflag:$0x3], $0x80, s18, s23, $0xb8;
	[tilespmem:$0x1D000] =	vst v63  }
0x108: {  	_ =	swait.ge [sflag:s22], $0x4000  }
0x109: {  	s4 =	simm.s32 $0x100;
	[sflag:s22] =	ssyncset.done $0x0  }
0x10a: {  	s19 =	simm.s32 $0xD80;
	s28 =	simm.s32 $0x200;
	[sflag:s22] =	ssyncadd.s32 $0xFFFFC000  }
0x10b: {  	s30 =	simm.s32 $0x280;
	s0 =	simm.s32 $0xA80;
	_ =	swait.ge [sflag:s26], $0x4000  }
0x10c: {  	s1 =	simm.s32 $0x300;
	s31 =	simm.s32 $0xA00;
	[sflag:s26] =	ssyncset.done $0x0  }
0x10d: {  	s10 =	simm.s32 $0x380;
	s11 =	simm.s32 $0x100;
	[sflag:s26] =	ssyncadd.s32 $0xFFFFC000  }
0x10e: {  	[spmem:s2] =	stream.indirect.scatter.add.f32 [tilespmem:s25], [sflag:$0x4], $0x80, s19, s23, $0xb8;
	[tilespmem:$0x1D000] =	vst v63  }
0x10f: {  	s12 =	simm.s32 $0x200;
	s17 =	simm.s32 $0x900;
	_ =	swait.ge [sflag:s29], $0x4000  }
0x110: {  	s18 =	simm.s32 $0x180;
	s19 =	simm.s32 $0x980;
	[sflag:s29] =	ssyncset.done $0x0  }
.LBB2_3:
0x111: {  	s9 =	sadd.s32 s11, s16;
	[sflag:s29] =	ssyncadd.s32 $0xFFFFC000  }
0x112: {  	s14 =	smov.u32 s12;
	s13 =	sadd.s32 $0x100, s12;
	p1 =	seq.s32 s12, $0x600  }
0x113: {  	[tilespmem:s3], [sflag:$0x1] =	stream.linear.gather [hbm4b:s9+s3], $0x600, $0x38;
	[tilespmem:$0x1D000] =	vst v63  }
0x114: {  	s9 =	sadd.s32 s11, s15;
	s11 =	smov.u32 s14;
	s14 =	simm.s32 $0x880  }
0x115: {  	[tilespmem:s20], [sflag:$0x2] =	stream.linear.gather [hbm4b:s9+s3], $0x600, $0x38;
	[tilespmem:$0x1D000] =	vst v63  }
0x116: {  	_ =	swait.ge [sflag:s21], $0x600  }
0x117: {  	[sflag:s21] =	ssyncset.done $0x0  }
0x118: {  	[sflag:s21] =	ssyncadd.s32 $0xFFFFFA00  }
0x119: {  	_ =	swait.ge [sflag:s22], $0x600  }
0x11a: {  	[sflag:s22] =	ssyncset.done $0x0  }
0x11b: {  	[sflag:s22] =	ssyncadd.s32 $0xFFFFFA00  }
0x11c: {  	[tilespmem:s24], [sflag:$0x1] =	stream.indirect.gather [hbm4b:s5+s23], $0x80, s3, s23, $0xb8;
	[tilespmem:$0x1D000] =	vst v63  }
0x11d: {  	_ =	swait.ge [sflag:s21], $0x4000  }
0x11e: {  	[sflag:s21] =	ssyncset.done $0x0  }
0x11f: {  	[sflag:s21] =	ssyncadd.s32 $0xFFFFC000  }
0x120: {  	[tilespmem:s25], [sflag:$0x2] =	stream.indirect.gather [hbm4b:s5+s23], $0x80, s23, s23, $0xb8;
	[tilespmem:$0x1D000] =	vst v63  }
0x121: {  	_ = 	snop  }
0x122: {  	[spmem:s2] =	stream.indirect.scatter.add.f32 [tilespmem:s24], [sflag:$0x3], $0x80, s20, s23, $0xb8;
	[tilespmem:$0x1D000] =	vst v63  }
0x123: {  	_ =	swait.ge [sflag:s22], $0x4000  }
0x124: {  	[sflag:s22] =	ssyncset.done $0x0  }
0x125: {  	[sflag:s22] =	ssyncadd.s32 $0xFFFFC000  }
0x126: {  	_ =	swait.ge [sflag:s26], $0x4000  }
0x127: {  	[sflag:s26] =	ssyncset.done $0x0  }
0x128: {  	[sflag:s26] =	ssyncadd.s32 $0xFFFFC000  }
0x129: {  	[spmem:s2] =	stream.indirect.scatter.add.f32 [tilespmem:s25], [sflag:$0x4], $0x80, s14, s23, $0xb8;
	[tilespmem:$0x1D000] =	vst v63  }
0x12a: {  	_ =	swait.ge [sflag:s29], $0x4000  }
0x12b: {  	[sflag:s29] =	ssyncset.done $0x0  }
0x12c: {  	[sflag:s29] =	ssyncadd.s32 $0xFFFFC000  }
0x12d: {  	[tilespmem:s24], [sflag:$0x1] =	stream.indirect.gather [hbm4b:s5+s23], $0x80, s4, s23, $0xb8;
	[tilespmem:$0x1D000] =	vst v63  }
0x12e: {  	_ =	swait.ge [sflag:s21], $0x4000  }
0x12f: {  	[sflag:s21] =	ssyncset.done $0x0  }
0x130: {  	[sflag:s21] =	ssyncadd.s32 $0xFFFFC000  }
0x131: {  	[tilespmem:s25], [sflag:$0x2] =	stream.indirect.gather [hbm4b:s5+s23], $0x80, s18, s23, $0xb8;
	[tilespmem:$0x1D000] =	vst v63  }
0x132: {  	_ = 	snop  }
0x133: {  	[spmem:s2] =	stream.indirect.scatter.add.f32 [tilespmem:s24], [sflag:$0x3], $0x80, s17, s23, $0xb8;
	[tilespmem:$0x1D000] =	vst v63  }
0x134: {  	_ =	swait.ge [sflag:s22], $0x4000  }
0x135: {  	[sflag:s22] =	ssyncset.done $0x0  }
0x136: {  	[sflag:s22] =	ssyncadd.s32 $0xFFFFC000  }
0x137: {  	_ =	swait.ge [sflag:s26], $0x4000  }
0x138: {  	[sflag:s26] =	ssyncset.done $0x0  }
0x139: {  	[sflag:s26] =	ssyncadd.s32 $0xFFFFC000  }
0x13a: {  	[spmem:s2] =	stream.indirect.scatter.add.f32 [tilespmem:s25], [sflag:$0x4], $0x80, s19, s23, $0xb8;
	[tilespmem:$0x1D000] =	vst v63  }
0x13b: {  	_ =	swait.ge [sflag:s29], $0x4000  }
0x13c: {  	[sflag:s29] =	ssyncset.done $0x0  }
0x13d: {  	[sflag:s29] =	ssyncadd.s32 $0xFFFFC000  }
0x13e: {  	[tilespmem:s24], [sflag:$0x1] =	stream.indirect.gather [hbm4b:s5+s23], $0x80, s28, s23, $0xb8;
	[tilespmem:$0x1D000] =	vst v63  }
0x13f: {  	_ =	swait.ge [sflag:s21], $0x4000  }
0x140: {  	[sflag:s21] =	ssyncset.done $0x0  }
0x141: {  	[sflag:s21] =	ssyncadd.s32 $0xFFFFC000  }
0x142: {  	[tilespmem:s25], [sflag:$0x2] =	stream.indirect.gather [hbm4b:s5+s23], $0x80, s30, s23, $0xb8;
	[tilespmem:$0x1D000] =	vst v63  }
0x143: {  	_ = 	snop  }
0x144: {  	[spmem:s2] =	stream.indirect.scatter.add.f32 [tilespmem:s24], [sflag:$0x3], $0x80, s31, s23, $0xb8;
	[tilespmem:$0x1D000] =	vst v63  }
0x145: {  	_ =	swait.ge [sflag:s22], $0x4000  }
0x146: {  	[sflag:s22] =	ssyncset.done $0x0  }
0x147: {  	[sflag:s22] =	ssyncadd.s32 $0xFFFFC000  }
0x148: {  	_ =	swait.ge [sflag:s26], $0x4000  }
0x149: {  	[sflag:s26] =	ssyncset.done $0x0  }
0x14a: {  	[sflag:s26] =	ssyncadd.s32 $0xFFFFC000  }
0x14b: {  	[spmem:s2] =	stream.indirect.scatter.add.f32 [tilespmem:s25], [sflag:$0x4], $0x80, s0, s23, $0xb8;
	[tilespmem:$0x1D000] =	vst v63  }
0x14c: {  	_ =	swait.ge [sflag:s29], $0x4000  }
0x14d: {  	[sflag:s29] =	ssyncset.done $0x0  }
0x14e: {  	[sflag:s29] =	ssyncadd.s32 $0xFFFFC000  }
0x14f: {  	[tilespmem:s24], [sflag:$0x1] =	stream.indirect.gather [hbm4b:s5+s23], $0x80, s1, s23, $0xb8;
	[tilespmem:$0x1D000] =	vst v63  }
0x150: {  	_ =	swait.ge [sflag:s21], $0x4000  }
0x151: {  	[sflag:s21] =	ssyncset.done $0x0  }
0x152: {  	[sflag:s21] =	ssyncadd.s32 $0xFFFFC000  }
0x153: {  	[tilespmem:s25], [sflag:$0x2] =	stream.indirect.gather [hbm4b:s5+s23], $0x80, s10, s23, $0xb8;
	[tilespmem:$0x1D000] =	vst v63  }
0x154: {  	s9 =	simm.s32 $0xB00  }
0x155: {  	[spmem:s2] =	stream.indirect.scatter.add.f32 [tilespmem:s24], [sflag:$0x3], $0x80, s9, s23, $0xb8;
	[tilespmem:$0x1D000] =	vst v63  }
0x156: {  	_ =	swait.ge [sflag:s22], $0x4000  }
0x157: {  	[sflag:s22] =	ssyncset.done $0x0  }
0x158: {  	[sflag:s22] =	ssyncadd.s32 $0xFFFFC000  }
0x159: {  	_ =	swait.ge [sflag:s26], $0x4000  }
0x15a: {  	[sflag:s26] =	ssyncset.done $0x0  }
0x15b: {  	s9 =	simm.s32 $0xB80;
	[sflag:s26] =	ssyncadd.s32 $0xFFFFC000  }
0x15c: {  	[spmem:s2] =	stream.indirect.scatter.add.f32 [tilespmem:s25], [sflag:$0x4], $0x80, s9, s23, $0xb8;
	[tilespmem:$0x1D000] =	vst v63  }
0x15d: {  	_ =	swait.ge [sflag:s29], $0x4000  }
0x15e: {  	[sflag:s29] =	ssyncset.done $0x0  }
0x15f: {  	s9 =	simm.s32 $0x400;
	[sflag:s29] =	ssyncadd.s32 $0xFFFFC000  }
0x160: {  	[tilespmem:s24], [sflag:$0x1] =	stream.indirect.gather [hbm4b:s5+s23], $0x80, s9, s23, $0xb8;
	[tilespmem:$0x1D000] =	vst v63  }
0x161: {  	_ =	swait.ge [sflag:s21], $0x4000  }
0x162: {  	[sflag:s21] =	ssyncset.done $0x0  }
0x163: {  	s9 =	simm.s32 $0x480;
	[sflag:s21] =	ssyncadd.s32 $0xFFFFC000  }
0x164: {  	[tilespmem:s25], [sflag:$0x2] =	stream.indirect.gather [hbm4b:s5+s23], $0x80, s9, s23, $0xb8;
	[tilespmem:$0x1D000] =	vst v63  }
0x165: {  	s9 =	simm.s32 $0xC00  }
0x166: {  	[spmem:s2] =	stream.indirect.scatter.add.f32 [tilespmem:s24], [sflag:$0x3], $0x80, s9, s23, $0xb8;
	[tilespmem:$0x1D000] =	vst v63  }
0x167: {  	_ =	swait.ge [sflag:s22], $0x4000  }
0x168: {  	[sflag:s22] =	ssyncset.done $0x0  }
0x169: {  	[sflag:s22] =	ssyncadd.s32 $0xFFFFC000  }
0x16a: {  	_ =	swait.ge [sflag:s26], $0x4000  }
0x16b: {  	[sflag:s26] =	ssyncset.done $0x0  }
0x16c: {  	s9 =	simm.s32 $0xC80;
	[sflag:s26] =	ssyncadd.s32 $0xFFFFC000  }
0x16d: {  	[spmem:s2] =	stream.indirect.scatter.add.f32 [tilespmem:s25], [sflag:$0x4], $0x80, s9, s23, $0xb8;
	[tilespmem:$0x1D000] =	vst v63  }
0x16e: {  	_ =	swait.ge [sflag:s29], $0x4000  }
0x16f: {  	[sflag:s29] =	ssyncset.done $0x0  }
0x170: {  	s9 =	simm.s32 $0x500;
	[sflag:s29] =	ssyncadd.s32 $0xFFFFC000  }
0x171: {  	[tilespmem:s24], [sflag:$0x1] =	stream.indirect.gather [hbm4b:s5+s23], $0x80, s9, s23, $0xb8;
	[tilespmem:$0x1D000] =	vst v63  }
0x172: {  	_ =	swait.ge [sflag:s21], $0x4000  }
0x173: {  	[sflag:s21] =	ssyncset.done $0x0  }
0x174: {  	s9 =	simm.s32 $0x580;
	[sflag:s21] =	ssyncadd.s32 $0xFFFFC000  }
0x175: {  	[tilespmem:s25], [sflag:$0x2] =	stream.indirect.gather [hbm4b:s5+s23], $0x80, s9, s23, $0xb8;
	[tilespmem:$0x1D000] =	vst v63  }
0x176: {  	s9 =	simm.s32 $0xD00  }
0x177: {  	[spmem:s2] =	stream.indirect.scatter.add.f32 [tilespmem:s24], [sflag:$0x3], $0x80, s9, s23, $0xb8;
	[tilespmem:$0x1D000] =	vst v63  }
0x178: {  	_ =	swait.ge [sflag:s22], $0x4000  }
0x179: {  	[sflag:s22] =	ssyncset.done $0x0  }
0x17a: {  	[sflag:s22] =	ssyncadd.s32 $0xFFFFC000  }
0x17b: {  	_ =	swait.ge [sflag:s26], $0x4000  }
.Ltmp3:
0x17c: {  	[sflag:s26] =	ssyncset.done $0x0;
	(pc) =	sbr.rel @!p1 .LBB2_3-.Ltmp3, $4  }
0x17d: {  	s9 =	simm.s32 $0xD80;
	[sflag:s26] =	ssyncadd.s32 $0xFFFFC000  }
0x17e: {  	[spmem:s2] =	stream.indirect.scatter.add.f32 [tilespmem:s25], [sflag:$0x4], $0x80, s9, s23, $0xb8;
	[tilespmem:$0x1D000] =	vst v63  }
0x17f: {  	_ =	swait.ge [sflag:s29], $0x4000  }
0x180: {  	s12 =	smov.u32 s13;
	[sflag:s29] =	ssyncset.done $0x0  }
0x181: {  	s9 =	sadd.s32 s11, s16;
	[sflag:s29] =	ssyncadd.s32 $0xFFFFC000  }
0x182: {  	[tilespmem:s3], [sflag:$0x1] =	stream.linear.gather [hbm4b:s9+s3], $0x600, $0x38;
	[tilespmem:$0x1D000] =	vst v63  }
0x183: {  	s13 =	sadd.s32 s11, s15  }
0x184: {  	[tilespmem:s20], [sflag:$0x2] =	stream.linear.gather [hbm4b:s13+s3], $0x600, $0x38;
	[tilespmem:$0x1D000] =	vst v63  }
0x185: {  	_ =	swait.ge [sflag:s21], $0x600  }
0x186: {  	[sflag:s21] =	ssyncset.done $0x0  }
0x187: {  	[sflag:s21] =	ssyncadd.s32 $0xFFFFFA00  }
0x188: {  	_ =	swait.ge [sflag:s22], $0x600  }
0x189: {  	[sflag:s22] =	ssyncset.done $0x0  }
0x18a: {  	[sflag:s22] =	ssyncadd.s32 $0xFFFFFA00  }
0x18b: {  	[tilespmem:s24], [sflag:$0x1] =	stream.indirect.gather [hbm4b:s5+s23], $0x80, s3, s23, $0xb8;
	[tilespmem:$0x1D000] =	vst v63  }
0x18c: {  	_ =	swait.ge [sflag:s21], $0x4000  }
0x18d: {  	[sflag:s21] =	ssyncset.done $0x0  }
0x18e: {  	[sflag:s21] =	ssyncadd.s32 $0xFFFFC000  }
0x18f: {  	[tilespmem:s25], [sflag:$0x2] =	stream.indirect.gather [hbm4b:s5+s23], $0x80, s23, s23, $0xb8;
	[tilespmem:$0x1D000] =	vst v63  }
0x190: {  	_ = 	snop  }
0x191: {  	[spmem:s2] =	stream.indirect.scatter.add.f32 [tilespmem:s24], [sflag:$0x3], $0x80, s20, s23, $0xb8;
	[tilespmem:$0x1D000] =	vst v63  }
0x192: {  	_ =	swait.ge [sflag:s22], $0x4000  }
0x193: {  	[sflag:s22] =	ssyncset.done $0x0  }
0x194: {  	[sflag:s22] =	ssyncadd.s32 $0xFFFFC000  }
0x195: {  	_ =	swait.ge [sflag:s26], $0x4000  }
0x196: {  	[sflag:s26] =	ssyncset.done $0x0  }
0x197: {  	[sflag:s26] =	ssyncadd.s32 $0xFFFFC000  }
0x198: {  	[spmem:s2] =	stream.indirect.scatter.add.f32 [tilespmem:s25], [sflag:$0x4], $0x80, s14, s23, $0xb8;
	[tilespmem:$0x1D000] =	vst v63  }
0x199: {  	_ =	swait.ge [sflag:s29], $0x4000  }
0x19a: {  	[sflag:s29] =	ssyncset.done $0x0  }
0x19b: {  	[sflag:s29] =	ssyncadd.s32 $0xFFFFC000  }
0x19c: {  	[tilespmem:s24], [sflag:$0x1] =	stream.indirect.gather [hbm4b:s5+s23], $0x80, s4, s23, $0xb8;
	[tilespmem:$0x1D000] =	vst v63  }
0x19d: {  	_ =	swait.ge [sflag:s21], $0x4000  }
0x19e: {  	[sflag:s21] =	ssyncset.done $0x0  }
0x19f: {  	[sflag:s21] =	ssyncadd.s32 $0xFFFFC000  }
0x1a0: {  	[tilespmem:s25], [sflag:$0x2] =	stream.indirect.gather [hbm4b:s5+s23], $0x80, s18, s23, $0xb8;
	[tilespmem:$0x1D000] =	vst v63  }
0x1a1: {  	_ = 	snop  }
0x1a2: {  	[spmem:s2] =	stream.indirect.scatter.add.f32 [tilespmem:s24], [sflag:$0x3], $0x80, s17, s23, $0xb8;
	[tilespmem:$0x1D000] =	vst v63  }
0x1a3: {  	_ =	swait.ge [sflag:s22], $0x4000  }
0x1a4: {  	[sflag:s22] =	ssyncset.done $0x0  }
0x1a5: {  	[sflag:s22] =	ssyncadd.s32 $0xFFFFC000  }
0x1a6: {  	_ =	swait.ge [sflag:s26], $0x4000  }
0x1a7: {  	[sflag:s26] =	ssyncset.done $0x0  }
0x1a8: {  	[sflag:s26] =	ssyncadd.s32 $0xFFFFC000  }
0x1a9: {  	[spmem:s2] =	stream.indirect.scatter.add.f32 [tilespmem:s25], [sflag:$0x4], $0x80, s19, s23, $0xb8;
	[tilespmem:$0x1D000] =	vst v63  }
0x1aa: {  	_ =	swait.ge [sflag:s29], $0x4000  }
0x1ab: {  	[sflag:s29] =	ssyncset.done $0x0  }
0x1ac: {  	[sflag:s29] =	ssyncadd.s32 $0xFFFFC000  }
0x1ad: {  	[tilespmem:s24], [sflag:$0x1] =	stream.indirect.gather [hbm4b:s5+s23], $0x80, s28, s23, $0xb8;
	[tilespmem:$0x1D000] =	vst v63  }
0x1ae: {  	_ =	swait.ge [sflag:s21], $0x4000  }
0x1af: {  	[sflag:s21] =	ssyncset.done $0x0  }
0x1b0: {  	[sflag:s21] =	ssyncadd.s32 $0xFFFFC000  }
0x1b1: {  	[tilespmem:s25], [sflag:$0x2] =	stream.indirect.gather [hbm4b:s5+s23], $0x80, s30, s23, $0xb8;
	[tilespmem:$0x1D000] =	vst v63  }
0x1b2: {  	_ = 	snop  }
0x1b3: {  	[spmem:s2] =	stream.indirect.scatter.add.f32 [tilespmem:s24], [sflag:$0x3], $0x80, s31, s23, $0xb8;
	[tilespmem:$0x1D000] =	vst v63  }
0x1b4: {  	_ =	swait.ge [sflag:s22], $0x4000  }
0x1b5: {  	[sflag:s22] =	ssyncset.done $0x0  }
0x1b6: {  	[sflag:s22] =	ssyncadd.s32 $0xFFFFC000  }
0x1b7: {  	_ =	swait.ge [sflag:s26], $0x4000  }
0x1b8: {  	[sflag:s26] =	ssyncset.done $0x0  }
0x1b9: {  	[sflag:s26] =	ssyncadd.s32 $0xFFFFC000  }
0x1ba: {  	[spmem:s2] =	stream.indirect.scatter.add.f32 [tilespmem:s25], [sflag:$0x4], $0x80, s0, s23, $0xb8;
	[tilespmem:$0x1D000] =	vst v63  }
0x1bb: {  	_ =	swait.ge [sflag:s29], $0x4000  }
0x1bc: {  	[sflag:s29] =	ssyncset.done $0x0  }
0x1bd: {  	[sflag:s29] =	ssyncadd.s32 $0xFFFFC000  }
0x1be: {  	[tilespmem:s24], [sflag:$0x1] =	stream.indirect.gather [hbm4b:s5+s23], $0x80, s1, s23, $0xb8;
	[tilespmem:$0x1D000] =	vst v63  }
0x1bf: {  	_ =	swait.ge [sflag:s21], $0x4000  }
0x1c0: {  	[sflag:s21] =	ssyncset.done $0x0  }
0x1c1: {  	[sflag:s21] =	ssyncadd.s32 $0xFFFFC000  }
0x1c2: {  	[tilespmem:s25], [sflag:$0x2] =	stream.indirect.gather [hbm4b:s5+s23], $0x80, s10, s23, $0xb8;
	[tilespmem:$0x1D000] =	vst v63  }
0x1c3: {  	s11 =	simm.s32 $0xB00  }
0x1c4: {  	[spmem:s2] =	stream.indirect.scatter.add.f32 [tilespmem:s24], [sflag:$0x3], $0x80, s11, s23, $0xb8;
	[tilespmem:$0x1D000] =	vst v63  }
0x1c5: {  	_ =	swait.ge [sflag:s22], $0x4000  }
0x1c6: {  	[sflag:s22] =	ssyncset.done $0x0  }
0x1c7: {  	[sflag:s22] =	ssyncadd.s32 $0xFFFFC000  }
0x1c8: {  	_ =	swait.ge [sflag:s26], $0x4000  }
0x1c9: {  	[sflag:s26] =	ssyncset.done $0x0  }
0x1ca: {  	s12 =	simm.s32 $0xB80;
	[sflag:s26] =	ssyncadd.s32 $0xFFFFC000  }
0x1cb: {  	[spmem:s2] =	stream.indirect.scatter.add.f32 [tilespmem:s25], [sflag:$0x4], $0x80, s12, s23, $0xb8;
	[tilespmem:$0x1D000] =	vst v63  }
0x1cc: {  	_ =	swait.ge [sflag:s29], $0x4000  }
0x1cd: {  	[sflag:s29] =	ssyncset.done $0x0  }
0x1ce: {  	s13 =	simm.s32 $0x400;
	[sflag:s29] =	ssyncadd.s32 $0xFFFFC000  }
0x1cf: {  	[tilespmem:s24], [sflag:$0x1] =	stream.indirect.gather [hbm4b:s5+s23], $0x80, s13, s23, $0xb8;
	[tilespmem:$0x1D000] =	vst v63  }
0x1d0: {  	_ =	swait.ge [sflag:s21], $0x4000  }
0x1d1: {  	[sflag:s21] =	ssyncset.done $0x0  }
0x1d2: {  	s11 =	simm.s32 $0x480;
	[sflag:s21] =	ssyncadd.s32 $0xFFFFC000  }
0x1d3: {  	[tilespmem:s25], [sflag:$0x2] =	stream.indirect.gather [hbm4b:s5+s23], $0x80, s11, s23, $0xb8;
	[tilespmem:$0x1D000] =	vst v63  }
0x1d4: {  	s12 =	simm.s32 $0xC00  }
0x1d5: {  	[spmem:s2] =	stream.indirect.scatter.add.f32 [tilespmem:s24], [sflag:$0x3], $0x80, s12, s23, $0xb8;
	[tilespmem:$0x1D000] =	vst v63  }
0x1d6: {  	_ =	swait.ge [sflag:s22], $0x4000  }
0x1d7: {  	[sflag:s22] =	ssyncset.done $0x0  }
0x1d8: {  	[sflag:s22] =	ssyncadd.s32 $0xFFFFC000  }
0x1d9: {  	_ =	swait.ge [sflag:s26], $0x4000  }
0x1da: {  	[sflag:s26] =	ssyncset.done $0x0  }
0x1db: {  	s13 =	simm.s32 $0xC80;
	[sflag:s26] =	ssyncadd.s32 $0xFFFFC000  }
0x1dc: {  	[spmem:s2] =	stream.indirect.scatter.add.f32 [tilespmem:s25], [sflag:$0x4], $0x80, s13, s23, $0xb8;
	[tilespmem:$0x1D000] =	vst v63  }
0x1dd: {  	_ =	swait.ge [sflag:s29], $0x4000  }
0x1de: {  	[sflag:s29] =	ssyncset.done $0x0  }
0x1df: {  	s11 =	simm.s32 $0x500;
	[sflag:s29] =	ssyncadd.s32 $0xFFFFC000  }
0x1e0: {  	[tilespmem:s24], [sflag:$0x1] =	stream.indirect.gather [hbm4b:s5+s23], $0x80, s11, s23, $0xb8;
	[tilespmem:$0x1D000] =	vst v63  }
0x1e1: {  	_ =	swait.ge [sflag:s21], $0x4000  }
0x1e2: {  	[sflag:s21] =	ssyncset.done $0x0  }
0x1e3: {  	s12 =	simm.s32 $0x580;
	[sflag:s21] =	ssyncadd.s32 $0xFFFFC000  }
0x1e4: {  	[tilespmem:s25], [sflag:$0x2] =	stream.indirect.gather [hbm4b:s5+s23], $0x80, s12, s23, $0xb8;
	[tilespmem:$0x1D000] =	vst v63  }
0x1e5: {  	s13 =	simm.s32 $0xD00  }
0x1e6: {  	[spmem:s2] =	stream.indirect.scatter.add.f32 [tilespmem:s24], [sflag:$0x3], $0x80, s13, s23, $0xb8;
	[tilespmem:$0x1D000] =	vst v63  }
0x1e7: {  	_ =	swait.ge [sflag:s22], $0x4000  }
0x1e8: {  	[sflag:s22] =	ssyncset.done $0x0  }
0x1e9: {  	[sflag:s22] =	ssyncadd.s32 $0xFFFFC000  }
0x1ea: {  	_ =	swait.ge [sflag:s26], $0x4000  }
0x1eb: {  	[sflag:s26] =	ssyncset.done $0x0  }
0x1ec: {  	s11 =	simm.s32 $0xD80;
	[sflag:s26] =	ssyncadd.s32 $0xFFFFC000  }
0x1ed: {  	[spmem:s2] =	stream.indirect.scatter.add.f32 [tilespmem:s25], [sflag:$0x4], $0x80, s11, s23, $0xb8;
	[tilespmem:$0x1D000] =	vst v63  }
0x1ee: {  	_ =	swait.ge [sflag:s29], $0x4000  }
0x1ef: {  	[sflag:s29] =	ssyncset.done $0x0  }
0x1f0: {  	[sflag:s29] =	ssyncadd.s32 $0xFFFFC000  }
0x1f1: {  	[bflag:$0x0] =	sbarrier.arrive $0xFFFF  }
0x1f2: {  	s12 =	rddreg [dreg:$0x5]  }
0x1f3: {  	s13 =	rddreg [dreg:$0x8]  }
0x1f4: {  	s11 =	rddreg [dreg:$0xb];
	s12 =	sshrl.u32 s12, $0x3  }
0x1f5: {  	[dreg:$0xf] =	wrdreg s12  }
0x1f6: {  	[hbm:s13], [sflag:s11] =	dma.local [spmem:s12], $0x2780  }
0x1f7: {  	s13 =	simm.s32 $0x5  }
0x1f8: {  	_ =	swait.ge [sflag:s13], $0x2780  }
0x1f9: {  	[sflag:s13] =	ssyncset.done $0x0;
	s9 =	rddreg [dreg:$0x4]  }
0x1fa: {  	s12 =	rddreg [dreg:$0xc];
	[sflag:s13] =	ssyncadd.s32 $0xFFFFD880  }
0x1fb: {  	[spmem:s12], [sflag:s11] =	dma.local [hbm:s9], $0x2800  }
0x1fc: {  	_ =	swait.ge [sflag:s13], $0x2800  }
0x1fd: {  	[sflag:s13] =	ssyncset.done $0x0  }
0x1fe: {  	[sflag:s13] =	ssyncadd.s32 $0xFFFFD800  }
0x1ff: {  	s11 =	sadd.s32 $0x0, s16;
	[bflag:$0x0] =	sbarrier.arrive $0xFFFF  }
0x200: {  	[tilespmem:s3], [sflag:$0x1] =	stream.linear.gather [hbm4b:s11+s3], $0x600, $0x38;
	[tilespmem:$0x1D000] =	vst v63  }
0x201: {  	s12 =	sadd.s32 $0x0, s15  }
0x202: {  	[tilespmem:s20], [sflag:$0x2] =	stream.linear.gather [hbm4b:s12+s3], $0x600, $0x38;
	[tilespmem:$0x1D000] =	vst v63  }
0x203: {  	_ =	swait.ge [sflag:s21], $0x600  }
0x204: {  	[sflag:s21] =	ssyncset.done $0x0  }
0x205: {  	[sflag:s21] =	ssyncadd.s32 $0xFFFFFA00  }
0x206: {  	_ =	swait.ge [sflag:s22], $0x600  }
0x207: {  	[sflag:s22] =	ssyncset.done $0x0  }
0x208: {  	[sflag:s22] =	ssyncadd.s32 $0xFFFFFA00  }
0x209: {  	[tilespmem:s24], [sflag:$0x1] =	stream.indirect.gather [hbm4b:s6+s23], $0x80, s3, s23, $0xb8;
	[tilespmem:$0x1D000] =	vst v63  }
0x20a: {  	_ =	swait.ge [sflag:s21], $0x4000  }
0x20b: {  	[sflag:s21] =	ssyncset.done $0x0  }
0x20c: {  	[sflag:s21] =	ssyncadd.s32 $0xFFFFC000  }
0x20d: {  	[tilespmem:s25], [sflag:$0x2] =	stream.indirect.gather [hbm4b:s6+s23], $0x80, s23, s23, $0xb8;
	[tilespmem:$0x1D000] =	vst v63  }
0x20e: {  	_ = 	snop  }
0x20f: {  	[spmem:s2] =	stream.indirect.scatter.add.f32 [tilespmem:s24], [sflag:$0x3], $0x80, s20, s23, $0xb8;
	[tilespmem:$0x1D000] =	vst v63  }
0x210: {  	_ =	swait.ge [sflag:s22], $0x4000  }
0x211: {  	[sflag:s22] =	ssyncset.done $0x0  }
0x212: {  	[sflag:s22] =	ssyncadd.s32 $0xFFFFC000  }
0x213: {  	_ =	swait.ge [sflag:s26], $0x4000  }
0x214: {  	[sflag:s26] =	ssyncset.done $0x0  }
0x215: {  	[sflag:s26] =	ssyncadd.s32 $0xFFFFC000  }
0x216: {  	[spmem:s2] =	stream.indirect.scatter.add.f32 [tilespmem:s25], [sflag:$0x4], $0x80, s14, s23, $0xb8;
	[tilespmem:$0x1D000] =	vst v63  }
0x217: {  	_ =	swait.ge [sflag:s29], $0x4000  }
0x218: {  	[sflag:s29] =	ssyncset.done $0x0  }
0x219: {  	[sflag:s29] =	ssyncadd.s32 $0xFFFFC000  }
0x21a: {  	[tilespmem:s24], [sflag:$0x1] =	stream.indirect.gather [hbm4b:s6+s23], $0x80, s4, s23, $0xb8;
	[tilespmem:$0x1D000] =	vst v63  }
0x21b: {  	_ =	swait.ge [sflag:s21], $0x4000  }
0x21c: {  	[sflag:s21] =	ssyncset.done $0x0  }
0x21d: {  	[sflag:s21] =	ssyncadd.s32 $0xFFFFC000  }
0x21e: {  	[tilespmem:s25], [sflag:$0x2] =	stream.indirect.gather [hbm4b:s6+s23], $0x80, s18, s23, $0xb8;
	[tilespmem:$0x1D000] =	vst v63  }
0x21f: {  	_ = 	snop  }
0x220: {  	[spmem:s2] =	stream.indirect.scatter.add.f32 [tilespmem:s24], [sflag:$0x3], $0x80, s17, s23, $0xb8;
	[tilespmem:$0x1D000] =	vst v63  }
0x221: {  	_ =	swait.ge [sflag:s22], $0x4000  }
0x222: {  	[sflag:s22] =	ssyncset.done $0x0  }
0x223: {  	[sflag:s22] =	ssyncadd.s32 $0xFFFFC000  }
0x224: {  	_ =	swait.ge [sflag:s26], $0x4000  }
0x225: {  	[sflag:s26] =	ssyncset.done $0x0  }
0x226: {  	[sflag:s26] =	ssyncadd.s32 $0xFFFFC000  }
0x227: {  	[spmem:s2] =	stream.indirect.scatter.add.f32 [tilespmem:s25], [sflag:$0x4], $0x80, s19, s23, $0xb8;
	[tilespmem:$0x1D000] =	vst v63  }
0x228: {  	_ =	swait.ge [sflag:s29], $0x4000  }
0x229: {  	[sflag:s29] =	ssyncset.done $0x0  }
0x22a: {  	[sflag:s29] =	ssyncadd.s32 $0xFFFFC000  }
0x22b: {  	[tilespmem:s24], [sflag:$0x1] =	stream.indirect.gather [hbm4b:s6+s23], $0x80, s28, s23, $0xb8;
	[tilespmem:$0x1D000] =	vst v63  }
0x22c: {  	_ =	swait.ge [sflag:s21], $0x4000  }
0x22d: {  	[sflag:s21] =	ssyncset.done $0x0  }
0x22e: {  	[sflag:s21] =	ssyncadd.s32 $0xFFFFC000  }
0x22f: {  	[tilespmem:s25], [sflag:$0x2] =	stream.indirect.gather [hbm4b:s6+s23], $0x80, s30, s23, $0xb8;
	[tilespmem:$0x1D000] =	vst v63  }
0x230: {  	_ = 	snop  }
0x231: {  	[spmem:s2] =	stream.indirect.scatter.add.f32 [tilespmem:s24], [sflag:$0x3], $0x80, s31, s23, $0xb8;
	[tilespmem:$0x1D000] =	vst v63  }
0x232: {  	_ =	swait.ge [sflag:s22], $0x4000  }
0x233: {  	[sflag:s22] =	ssyncset.done $0x0  }
0x234: {  	[sflag:s22] =	ssyncadd.s32 $0xFFFFC000  }
0x235: {  	_ =	swait.ge [sflag:s26], $0x4000  }
0x236: {  	[sflag:s26] =	ssyncset.done $0x0  }
0x237: {  	[sflag:s26] =	ssyncadd.s32 $0xFFFFC000  }
0x238: {  	[spmem:s2] =	stream.indirect.scatter.add.f32 [tilespmem:s25], [sflag:$0x4], $0x80, s0, s23, $0xb8;
	[tilespmem:$0x1D000] =	vst v63  }
0x239: {  	_ =	swait.ge [sflag:s29], $0x4000  }
0x23a: {  	[sflag:s29] =	ssyncset.done $0x0  }
0x23b: {  	[sflag:s29] =	ssyncadd.s32 $0xFFFFC000  }
0x23c: {  	[tilespmem:s24], [sflag:$0x1] =	stream.indirect.gather [hbm4b:s6+s23], $0x80, s1, s23, $0xb8;
	[tilespmem:$0x1D000] =	vst v63  }
0x23d: {  	_ =	swait.ge [sflag:s21], $0x4000  }
0x23e: {  	[sflag:s21] =	ssyncset.done $0x0  }
0x23f: {  	[sflag:s21] =	ssyncadd.s32 $0xFFFFC000  }
0x240: {  	[tilespmem:s25], [sflag:$0x2] =	stream.indirect.gather [hbm4b:s6+s23], $0x80, s10, s23, $0xb8;
	[tilespmem:$0x1D000] =	vst v63  }
0x241: {  	s13 =	simm.s32 $0xB00  }
0x242: {  	[spmem:s2] =	stream.indirect.scatter.add.f32 [tilespmem:s24], [sflag:$0x3], $0x80, s13, s23, $0xb8;
	[tilespmem:$0x1D000] =	vst v63  }
0x243: {  	_ =	swait.ge [sflag:s22], $0x4000  }
0x244: {  	[sflag:s22] =	ssyncset.done $0x0  }
0x245: {  	[sflag:s22] =	ssyncadd.s32 $0xFFFFC000  }
0x246: {  	_ =	swait.ge [sflag:s26], $0x4000  }
0x247: {  	[sflag:s26] =	ssyncset.done $0x0  }
0x248: {  	s14 =	simm.s32 $0xB80;
	[sflag:s26] =	ssyncadd.s32 $0xFFFFC000  }
0x249: {  	[spmem:s2] =	stream.indirect.scatter.add.f32 [tilespmem:s25], [sflag:$0x4], $0x80, s14, s23, $0xb8;
	[tilespmem:$0x1D000] =	vst v63  }
0x24a: {  	_ =	swait.ge [sflag:s29], $0x4000  }
0x24b: {  	[sflag:s29] =	ssyncset.done $0x0  }
0x24c: {  	s11 =	simm.s32 $0x400;
	[sflag:s29] =	ssyncadd.s32 $0xFFFFC000  }
0x24d: {  	[tilespmem:s24], [sflag:$0x1] =	stream.indirect.gather [hbm4b:s6+s23], $0x80, s11, s23, $0xb8;
	[tilespmem:$0x1D000] =	vst v63  }
0x24e: {  	_ =	swait.ge [sflag:s21], $0x4000  }
0x24f: {  	[sflag:s21] =	ssyncset.done $0x0  }
0x250: {  	s12 =	simm.s32 $0x480;
	[sflag:s21] =	ssyncadd.s32 $0xFFFFC000  }
0x251: {  	[tilespmem:s25], [sflag:$0x2] =	stream.indirect.gather [hbm4b:s6+s23], $0x80, s12, s23, $0xb8;
	[tilespmem:$0x1D000] =	vst v63  }
0x252: {  	s13 =	simm.s32 $0xC00  }
0x253: {  	[spmem:s2] =	stream.indirect.scatter.add.f32 [tilespmem:s24], [sflag:$0x3], $0x80, s13, s23, $0xb8;
	[tilespmem:$0x1D000] =	vst v63  }
0x254: {  	_ =	swait.ge [sflag:s22], $0x4000  }
0x255: {  	[sflag:s22] =	ssyncset.done $0x0  }
0x256: {  	[sflag:s22] =	ssyncadd.s32 $0xFFFFC000  }
0x257: {  	_ =	swait.ge [sflag:s26], $0x4000  }
0x258: {  	[sflag:s26] =	ssyncset.done $0x0  }
0x259: {  	s14 =	simm.s32 $0xC80;
	[sflag:s26] =	ssyncadd.s32 $0xFFFFC000  }
0x25a: {  	[spmem:s2] =	stream.indirect.scatter.add.f32 [tilespmem:s25], [sflag:$0x4], $0x80, s14, s23, $0xb8;
	[tilespmem:$0x1D000] =	vst v63  }
0x25b: {  	_ =	swait.ge [sflag:s29], $0x4000  }
0x25c: {  	[sflag:s29] =	ssyncset.done $0x0  }
0x25d: {  	s11 =	simm.s32 $0x500;
	[sflag:s29] =	ssyncadd.s32 $0xFFFFC000  }
0x25e: {  	[tilespmem:s24], [sflag:$0x1] =	stream.indirect.gather [hbm4b:s6+s23], $0x80, s11, s23, $0xb8;
	[tilespmem:$0x1D000] =	vst v63  }
0x25f: {  	_ =	swait.ge [sflag:s21], $0x4000  }
0x260: {  	[sflag:s21] =	ssyncset.done $0x0  }
0x261: {  	s12 =	simm.s32 $0x580;
	[sflag:s21] =	ssyncadd.s32 $0xFFFFC000  }
0x262: {  	[tilespmem:s25], [sflag:$0x2] =	stream.indirect.gather [hbm4b:s6+s23], $0x80, s12, s23, $0xb8;
	[tilespmem:$0x1D000] =	vst v63  }
0x263: {  	s13 =	simm.s32 $0xD00  }
0x264: {  	[spmem:s2] =	stream.indirect.scatter.add.f32 [tilespmem:s24], [sflag:$0x3], $0x80, s13, s23, $0xb8;
	[tilespmem:$0x1D000] =	vst v63  }
0x265: {  	_ =	swait.ge [sflag:s22], $0x4000  }
0x266: {  	[sflag:s22] =	ssyncset.done $0x0  }
0x267: {  	[sflag:s22] =	ssyncadd.s32 $0xFFFFC000  }
0x268: {  	_ =	swait.ge [sflag:s26], $0x4000  }
0x269: {  	[sflag:s26] =	ssyncset.done $0x0  }
0x26a: {  	s14 =	simm.s32 $0xD80;
	[sflag:s26] =	ssyncadd.s32 $0xFFFFC000  }
0x26b: {  	[spmem:s2] =	stream.indirect.scatter.add.f32 [tilespmem:s25], [sflag:$0x4], $0x80, s14, s23, $0xb8;
	[tilespmem:$0x1D000] =	vst v63  }
0x26c: {  	_ =	swait.ge [sflag:s29], $0x4000  }
0x26d: {  	s11 =	simm.s32 $0x100;
	s13 =	simm.s32 $0x200;
	[sflag:s29] =	ssyncset.done $0x0  }
.LBB2_5:
0x26e: {  	s9 =	sadd.s32 s11, s16;
	[sflag:s29] =	ssyncadd.s32 $0xFFFFC000  }
0x26f: {  	s14 =	smov.u32 s13;
	s12 =	sadd.s32 $0x100, s13;
	p1 =	sne.s32 s13, $0x600  }
0x270: {  	[tilespmem:s3], [sflag:$0x1] =	stream.linear.gather [hbm4b:s9+s3], $0x600, $0x38;
	[tilespmem:$0x1D000] =	vst v63  }
0x271: {  	s9 =	sadd.s32 s11, s15;
	s11 =	smov.u32 s14;
	s14 =	simm.s32 $0x880  }
0x272: {  	[tilespmem:s20], [sflag:$0x2] =	stream.linear.gather [hbm4b:s9+s3], $0x600, $0x38;
	[tilespmem:$0x1D000] =	vst v63  }
0x273: {  	_ =	swait.ge [sflag:s21], $0x600  }
0x274: {  	[sflag:s21] =	ssyncset.done $0x0  }
0x275: {  	[sflag:s21] =	ssyncadd.s32 $0xFFFFFA00  }
0x276: {  	_ =	swait.ge [sflag:s22], $0x600  }
0x277: {  	[sflag:s22] =	ssyncset.done $0x0  }
0x278: {  	[sflag:s22] =	ssyncadd.s32 $0xFFFFFA00  }
0x279: {  	[tilespmem:s24], [sflag:$0x1] =	stream.indirect.gather [hbm4b:s6+s23], $0x80, s3, s23, $0xb8;
	[tilespmem:$0x1D000] =	vst v63  }
0x27a: {  	_ =	swait.ge [sflag:s21], $0x4000  }
0x27b: {  	[sflag:s21] =	ssyncset.done $0x0  }
0x27c: {  	[sflag:s21] =	ssyncadd.s32 $0xFFFFC000  }
0x27d: {  	[tilespmem:s25], [sflag:$0x2] =	stream.indirect.gather [hbm4b:s6+s23], $0x80, s23, s23, $0xb8;
	[tilespmem:$0x1D000] =	vst v63  }
0x27e: {  	_ = 	snop  }
0x27f: {  	[spmem:s2] =	stream.indirect.scatter.add.f32 [tilespmem:s24], [sflag:$0x3], $0x80, s20, s23, $0xb8;
	[tilespmem:$0x1D000] =	vst v63  }
0x280: {  	_ =	swait.ge [sflag:s22], $0x4000  }
0x281: {  	[sflag:s22] =	ssyncset.done $0x0  }
0x282: {  	[sflag:s22] =	ssyncadd.s32 $0xFFFFC000  }
0x283: {  	_ =	swait.ge [sflag:s26], $0x4000  }
0x284: {  	[sflag:s26] =	ssyncset.done $0x0  }
0x285: {  	[sflag:s26] =	ssyncadd.s32 $0xFFFFC000  }
0x286: {  	[spmem:s2] =	stream.indirect.scatter.add.f32 [tilespmem:s25], [sflag:$0x4], $0x80, s14, s23, $0xb8;
	[tilespmem:$0x1D000] =	vst v63  }
0x287: {  	_ =	swait.ge [sflag:s29], $0x4000  }
0x288: {  	[sflag:s29] =	ssyncset.done $0x0  }
0x289: {  	[sflag:s29] =	ssyncadd.s32 $0xFFFFC000  }
0x28a: {  	[tilespmem:s24], [sflag:$0x1] =	stream.indirect.gather [hbm4b:s6+s23], $0x80, s4, s23, $0xb8;
	[tilespmem:$0x1D000] =	vst v63  }
0x28b: {  	_ =	swait.ge [sflag:s21], $0x4000  }
0x28c: {  	[sflag:s21] =	ssyncset.done $0x0  }
0x28d: {  	[sflag:s21] =	ssyncadd.s32 $0xFFFFC000  }
0x28e: {  	[tilespmem:s25], [sflag:$0x2] =	stream.indirect.gather [hbm4b:s6+s23], $0x80, s18, s23, $0xb8;
	[tilespmem:$0x1D000] =	vst v63  }
0x28f: {  	_ = 	snop  }
0x290: {  	[spmem:s2] =	stream.indirect.scatter.add.f32 [tilespmem:s24], [sflag:$0x3], $0x80, s17, s23, $0xb8;
	[tilespmem:$0x1D000] =	vst v63  }
0x291: {  	_ =	swait.ge [sflag:s22], $0x4000  }
0x292: {  	[sflag:s22] =	ssyncset.done $0x0  }
0x293: {  	[sflag:s22] =	ssyncadd.s32 $0xFFFFC000  }
0x294: {  	_ =	swait.ge [sflag:s26], $0x4000  }
0x295: {  	[sflag:s26] =	ssyncset.done $0x0  }
0x296: {  	[sflag:s26] =	ssyncadd.s32 $0xFFFFC000  }
0x297: {  	[spmem:s2] =	stream.indirect.scatter.add.f32 [tilespmem:s25], [sflag:$0x4], $0x80, s19, s23, $0xb8;
	[tilespmem:$0x1D000] =	vst v63  }
0x298: {  	_ =	swait.ge [sflag:s29], $0x4000  }
0x299: {  	[sflag:s29] =	ssyncset.done $0x0  }
0x29a: {  	[sflag:s29] =	ssyncadd.s32 $0xFFFFC000  }
0x29b: {  	[tilespmem:s24], [sflag:$0x1] =	stream.indirect.gather [hbm4b:s6+s23], $0x80, s28, s23, $0xb8;
	[tilespmem:$0x1D000] =	vst v63  }
0x29c: {  	_ =	swait.ge [sflag:s21], $0x4000  }
0x29d: {  	[sflag:s21] =	ssyncset.done $0x0  }
0x29e: {  	[sflag:s21] =	ssyncadd.s32 $0xFFFFC000  }
0x29f: {  	[tilespmem:s25], [sflag:$0x2] =	stream.indirect.gather [hbm4b:s6+s23], $0x80, s30, s23, $0xb8;
	[tilespmem:$0x1D000] =	vst v63  }
0x2a0: {  	_ = 	snop  }
0x2a1: {  	[spmem:s2] =	stream.indirect.scatter.add.f32 [tilespmem:s24], [sflag:$0x3], $0x80, s31, s23, $0xb8;
	[tilespmem:$0x1D000] =	vst v63  }
0x2a2: {  	_ =	swait.ge [sflag:s22], $0x4000  }
0x2a3: {  	[sflag:s22] =	ssyncset.done $0x0  }
0x2a4: {  	[sflag:s22] =	ssyncadd.s32 $0xFFFFC000  }
0x2a5: {  	_ =	swait.ge [sflag:s26], $0x4000  }
0x2a6: {  	[sflag:s26] =	ssyncset.done $0x0  }
0x2a7: {  	[sflag:s26] =	ssyncadd.s32 $0xFFFFC000  }
0x2a8: {  	[spmem:s2] =	stream.indirect.scatter.add.f32 [tilespmem:s25], [sflag:$0x4], $0x80, s0, s23, $0xb8;
	[tilespmem:$0x1D000] =	vst v63  }
0x2a9: {  	_ =	swait.ge [sflag:s29], $0x4000  }
0x2aa: {  	[sflag:s29] =	ssyncset.done $0x0  }
0x2ab: {  	[sflag:s29] =	ssyncadd.s32 $0xFFFFC000  }
0x2ac: {  	[tilespmem:s24], [sflag:$0x1] =	stream.indirect.gather [hbm4b:s6+s23], $0x80, s1, s23, $0xb8;
	[tilespmem:$0x1D000] =	vst v63  }
0x2ad: {  	_ =	swait.ge [sflag:s21], $0x4000  }
0x2ae: {  	[sflag:s21] =	ssyncset.done $0x0  }
0x2af: {  	[sflag:s21] =	ssyncadd.s32 $0xFFFFC000  }
0x2b0: {  	[tilespmem:s25], [sflag:$0x2] =	stream.indirect.gather [hbm4b:s6+s23], $0x80, s10, s23, $0xb8;
	[tilespmem:$0x1D000] =	vst v63  }
0x2b1: {  	s9 =	simm.s32 $0xB00  }
0x2b2: {  	[spmem:s2] =	stream.indirect.scatter.add.f32 [tilespmem:s24], [sflag:$0x3], $0x80, s9, s23, $0xb8;
	[tilespmem:$0x1D000] =	vst v63  }
0x2b3: {  	_ =	swait.ge [sflag:s22], $0x4000  }
0x2b4: {  	[sflag:s22] =	ssyncset.done $0x0  }
0x2b5: {  	[sflag:s22] =	ssyncadd.s32 $0xFFFFC000  }
0x2b6: {  	_ =	swait.ge [sflag:s26], $0x4000  }
0x2b7: {  	[sflag:s26] =	ssyncset.done $0x0  }
0x2b8: {  	s9 =	simm.s32 $0xB80;
	[sflag:s26] =	ssyncadd.s32 $0xFFFFC000  }
0x2b9: {  	[spmem:s2] =	stream.indirect.scatter.add.f32 [tilespmem:s25], [sflag:$0x4], $0x80, s9, s23, $0xb8;
	[tilespmem:$0x1D000] =	vst v63  }
0x2ba: {  	_ =	swait.ge [sflag:s29], $0x4000  }
0x2bb: {  	[sflag:s29] =	ssyncset.done $0x0  }
0x2bc: {  	s9 =	simm.s32 $0x400;
	[sflag:s29] =	ssyncadd.s32 $0xFFFFC000  }
0x2bd: {  	[tilespmem:s24], [sflag:$0x1] =	stream.indirect.gather [hbm4b:s6+s23], $0x80, s9, s23, $0xb8;
	[tilespmem:$0x1D000] =	vst v63  }
0x2be: {  	_ =	swait.ge [sflag:s21], $0x4000  }
0x2bf: {  	[sflag:s21] =	ssyncset.done $0x0  }
0x2c0: {  	s9 =	simm.s32 $0x480;
	[sflag:s21] =	ssyncadd.s32 $0xFFFFC000  }
0x2c1: {  	[tilespmem:s25], [sflag:$0x2] =	stream.indirect.gather [hbm4b:s6+s23], $0x80, s9, s23, $0xb8;
	[tilespmem:$0x1D000] =	vst v63  }
0x2c2: {  	s9 =	simm.s32 $0xC00  }
0x2c3: {  	[spmem:s2] =	stream.indirect.scatter.add.f32 [tilespmem:s24], [sflag:$0x3], $0x80, s9, s23, $0xb8;
	[tilespmem:$0x1D000] =	vst v63  }
0x2c4: {  	_ =	swait.ge [sflag:s22], $0x4000  }
0x2c5: {  	[sflag:s22] =	ssyncset.done $0x0  }
0x2c6: {  	[sflag:s22] =	ssyncadd.s32 $0xFFFFC000  }
0x2c7: {  	_ =	swait.ge [sflag:s26], $0x4000  }
0x2c8: {  	[sflag:s26] =	ssyncset.done $0x0  }
0x2c9: {  	s9 =	simm.s32 $0xC80;
	[sflag:s26] =	ssyncadd.s32 $0xFFFFC000  }
0x2ca: {  	[spmem:s2] =	stream.indirect.scatter.add.f32 [tilespmem:s25], [sflag:$0x4], $0x80, s9, s23, $0xb8;
	[tilespmem:$0x1D000] =	vst v63  }
0x2cb: {  	_ =	swait.ge [sflag:s29], $0x4000  }
0x2cc: {  	[sflag:s29] =	ssyncset.done $0x0  }
0x2cd: {  	s9 =	simm.s32 $0x500;
	[sflag:s29] =	ssyncadd.s32 $0xFFFFC000  }
0x2ce: {  	[tilespmem:s24], [sflag:$0x1] =	stream.indirect.gather [hbm4b:s6+s23], $0x80, s9, s23, $0xb8;
	[tilespmem:$0x1D000] =	vst v63  }
0x2cf: {  	_ =	swait.ge [sflag:s21], $0x4000  }
0x2d0: {  	[sflag:s21] =	ssyncset.done $0x0  }
0x2d1: {  	s9 =	simm.s32 $0x580;
	[sflag:s21] =	ssyncadd.s32 $0xFFFFC000  }
0x2d2: {  	[tilespmem:s25], [sflag:$0x2] =	stream.indirect.gather [hbm4b:s6+s23], $0x80, s9, s23, $0xb8;
	[tilespmem:$0x1D000] =	vst v63  }
0x2d3: {  	s9 =	simm.s32 $0xD00  }
0x2d4: {  	[spmem:s2] =	stream.indirect.scatter.add.f32 [tilespmem:s24], [sflag:$0x3], $0x80, s9, s23, $0xb8;
	[tilespmem:$0x1D000] =	vst v63  }
0x2d5: {  	_ =	swait.ge [sflag:s22], $0x4000  }
0x2d6: {  	[sflag:s22] =	ssyncset.done $0x0  }
0x2d7: {  	[sflag:s22] =	ssyncadd.s32 $0xFFFFC000  }
0x2d8: {  	_ =	swait.ge [sflag:s26], $0x4000  }
.Ltmp4:
0x2d9: {  	[sflag:s26] =	ssyncset.done $0x0;
	(pc) =	sbr.rel @p1 .LBB2_5-.Ltmp4, $4  }
0x2da: {  	s9 =	simm.s32 $0xD80;
	[sflag:s26] =	ssyncadd.s32 $0xFFFFC000  }
0x2db: {  	[spmem:s2] =	stream.indirect.scatter.add.f32 [tilespmem:s25], [sflag:$0x4], $0x80, s9, s23, $0xb8;
	[tilespmem:$0x1D000] =	vst v63  }
0x2dc: {  	_ =	swait.ge [sflag:s29], $0x4000  }
0x2dd: {  	s13 =	smov.u32 s12;
	[sflag:s29] =	ssyncset.done $0x0  }
0x2de: {  	s9 =	sadd.s32 s11, s16;
	[sflag:s29] =	ssyncadd.s32 $0xFFFFC000  }
0x2df: {  	[tilespmem:s3], [sflag:$0x1] =	stream.linear.gather [hbm4b:s9+s3], $0x600, $0x38;
	[tilespmem:$0x1D000] =	vst v63  }
0x2e0: {  	s12 =	sadd.s32 s11, s15  }
0x2e1: {  	[tilespmem:s20], [sflag:$0x2] =	stream.linear.gather [hbm4b:s12+s3], $0x600, $0x38;
	[tilespmem:$0x1D000] =	vst v63  }
0x2e2: {  	_ =	swait.ge [sflag:s21], $0x600  }
0x2e3: {  	[sflag:s21] =	ssyncset.done $0x0  }
0x2e4: {  	[sflag:s21] =	ssyncadd.s32 $0xFFFFFA00  }
0x2e5: {  	_ =	swait.ge [sflag:s22], $0x600  }
0x2e6: {  	[sflag:s22] =	ssyncset.done $0x0  }
0x2e7: {  	[sflag:s22] =	ssyncadd.s32 $0xFFFFFA00  }
0x2e8: {  	[tilespmem:s24], [sflag:$0x1] =	stream.indirect.gather [hbm4b:s6+s23], $0x80, s3, s23, $0xb8;
	[tilespmem:$0x1D000] =	vst v63  }
0x2e9: {  	_ =	swait.ge [sflag:s21], $0x4000  }
0x2ea: {  	[sflag:s21] =	ssyncset.done $0x0  }
0x2eb: {  	[sflag:s21] =	ssyncadd.s32 $0xFFFFC000  }
0x2ec: {  	[tilespmem:s25], [sflag:$0x2] =	stream.indirect.gather [hbm4b:s6+s23], $0x80, s23, s23, $0xb8;
	[tilespmem:$0x1D000] =	vst v63  }
0x2ed: {  	_ = 	snop  }
0x2ee: {  	[spmem:s2] =	stream.indirect.scatter.add.f32 [tilespmem:s24], [sflag:$0x3], $0x80, s20, s23, $0xb8;
	[tilespmem:$0x1D000] =	vst v63  }
0x2ef: {  	_ =	swait.ge [sflag:s22], $0x4000  }
0x2f0: {  	[sflag:s22] =	ssyncset.done $0x0  }
0x2f1: {  	[sflag:s22] =	ssyncadd.s32 $0xFFFFC000  }
0x2f2: {  	_ =	swait.ge [sflag:s26], $0x4000  }
0x2f3: {  	[sflag:s26] =	ssyncset.done $0x0  }
0x2f4: {  	[sflag:s26] =	ssyncadd.s32 $0xFFFFC000  }
0x2f5: {  	[spmem:s2] =	stream.indirect.scatter.add.f32 [tilespmem:s25], [sflag:$0x4], $0x80, s14, s23, $0xb8;
	[tilespmem:$0x1D000] =	vst v63  }
0x2f6: {  	_ =	swait.ge [sflag:s29], $0x4000  }
0x2f7: {  	[sflag:s29] =	ssyncset.done $0x0  }
0x2f8: {  	[sflag:s29] =	ssyncadd.s32 $0xFFFFC000  }
0x2f9: {  	[tilespmem:s24], [sflag:$0x1] =	stream.indirect.gather [hbm4b:s6+s23], $0x80, s4, s23, $0xb8;
	[tilespmem:$0x1D000] =	vst v63  }
0x2fa: {  	_ =	swait.ge [sflag:s21], $0x4000  }
0x2fb: {  	[sflag:s21] =	ssyncset.done $0x0  }
0x2fc: {  	[sflag:s21] =	ssyncadd.s32 $0xFFFFC000  }
0x2fd: {  	[tilespmem:s25], [sflag:$0x2] =	stream.indirect.gather [hbm4b:s6+s23], $0x80, s18, s23, $0xb8;
	[tilespmem:$0x1D000] =	vst v63  }
0x2fe: {  	_ = 	snop  }
0x2ff: {  	[spmem:s2] =	stream.indirect.scatter.add.f32 [tilespmem:s24], [sflag:$0x3], $0x80, s17, s23, $0xb8;
	[tilespmem:$0x1D000] =	vst v63  }
0x300: {  	_ =	swait.ge [sflag:s22], $0x4000  }
0x301: {  	[sflag:s22] =	ssyncset.done $0x0  }
0x302: {  	[sflag:s22] =	ssyncadd.s32 $0xFFFFC000  }
0x303: {  	_ =	swait.ge [sflag:s26], $0x4000  }
0x304: {  	[sflag:s26] =	ssyncset.done $0x0  }
0x305: {  	[sflag:s26] =	ssyncadd.s32 $0xFFFFC000  }
0x306: {  	[spmem:s2] =	stream.indirect.scatter.add.f32 [tilespmem:s25], [sflag:$0x4], $0x80, s19, s23, $0xb8;
	[tilespmem:$0x1D000] =	vst v63  }
0x307: {  	_ =	swait.ge [sflag:s29], $0x4000  }
0x308: {  	[sflag:s29] =	ssyncset.done $0x0  }
0x309: {  	[sflag:s29] =	ssyncadd.s32 $0xFFFFC000  }
0x30a: {  	[tilespmem:s24], [sflag:$0x1] =	stream.indirect.gather [hbm4b:s6+s23], $0x80, s28, s23, $0xb8;
	[tilespmem:$0x1D000] =	vst v63  }
0x30b: {  	_ =	swait.ge [sflag:s21], $0x4000  }
0x30c: {  	[sflag:s21] =	ssyncset.done $0x0  }
0x30d: {  	[sflag:s21] =	ssyncadd.s32 $0xFFFFC000  }
0x30e: {  	[tilespmem:s25], [sflag:$0x2] =	stream.indirect.gather [hbm4b:s6+s23], $0x80, s30, s23, $0xb8;
	[tilespmem:$0x1D000] =	vst v63  }
0x30f: {  	_ = 	snop  }
0x310: {  	[spmem:s2] =	stream.indirect.scatter.add.f32 [tilespmem:s24], [sflag:$0x3], $0x80, s31, s23, $0xb8;
	[tilespmem:$0x1D000] =	vst v63  }
0x311: {  	_ =	swait.ge [sflag:s22], $0x4000  }
0x312: {  	[sflag:s22] =	ssyncset.done $0x0  }
0x313: {  	[sflag:s22] =	ssyncadd.s32 $0xFFFFC000  }
0x314: {  	_ =	swait.ge [sflag:s26], $0x4000  }
0x315: {  	[sflag:s26] =	ssyncset.done $0x0  }
0x316: {  	[sflag:s26] =	ssyncadd.s32 $0xFFFFC000  }
0x317: {  	[spmem:s2] =	stream.indirect.scatter.add.f32 [tilespmem:s25], [sflag:$0x4], $0x80, s0, s23, $0xb8;
	[tilespmem:$0x1D000] =	vst v63  }
0x318: {  	_ =	swait.ge [sflag:s29], $0x4000  }
0x319: {  	[sflag:s29] =	ssyncset.done $0x0  }
0x31a: {  	[sflag:s29] =	ssyncadd.s32 $0xFFFFC000  }
0x31b: {  	[tilespmem:s24], [sflag:$0x1] =	stream.indirect.gather [hbm4b:s6+s23], $0x80, s1, s23, $0xb8;
	[tilespmem:$0x1D000] =	vst v63  }
0x31c: {  	_ =	swait.ge [sflag:s21], $0x4000  }
0x31d: {  	[sflag:s21] =	ssyncset.done $0x0  }
0x31e: {  	[sflag:s21] =	ssyncadd.s32 $0xFFFFC000  }
0x31f: {  	[tilespmem:s25], [sflag:$0x2] =	stream.indirect.gather [hbm4b:s6+s23], $0x80, s10, s23, $0xb8;
	[tilespmem:$0x1D000] =	vst v63  }
0x320: {  	s13 =	simm.s32 $0xB00  }
0x321: {  	[spmem:s2] =	stream.indirect.scatter.add.f32 [tilespmem:s24], [sflag:$0x3], $0x80, s13, s23, $0xb8;
	[tilespmem:$0x1D000] =	vst v63  }
0x322: {  	_ =	swait.ge [sflag:s22], $0x4000  }
0x323: {  	[sflag:s22] =	ssyncset.done $0x0  }
0x324: {  	[sflag:s22] =	ssyncadd.s32 $0xFFFFC000  }
0x325: {  	_ =	swait.ge [sflag:s26], $0x4000  }
0x326: {  	[sflag:s26] =	ssyncset.done $0x0  }
0x327: {  	s17 =	simm.s32 $0xB80;
	[sflag:s26] =	ssyncadd.s32 $0xFFFFC000  }
0x328: {  	[spmem:s2] =	stream.indirect.scatter.add.f32 [tilespmem:s25], [sflag:$0x4], $0x80, s17, s23, $0xb8;
	[tilespmem:$0x1D000] =	vst v63  }
0x329: {  	_ =	swait.ge [sflag:s29], $0x4000  }
0x32a: {  	[sflag:s29] =	ssyncset.done $0x0  }
0x32b: {  	s18 =	simm.s32 $0x400;
	[sflag:s29] =	ssyncadd.s32 $0xFFFFC000  }
0x32c: {  	[tilespmem:s24], [sflag:$0x1] =	stream.indirect.gather [hbm4b:s6+s23], $0x80, s18, s23, $0xb8;
	[tilespmem:$0x1D000] =	vst v63  }
0x32d: {  	_ =	swait.ge [sflag:s21], $0x4000  }
0x32e: {  	[sflag:s21] =	ssyncset.done $0x0  }
0x32f: {  	s19 =	simm.s32 $0x480;
	[sflag:s21] =	ssyncadd.s32 $0xFFFFC000  }
0x330: {  	[tilespmem:s25], [sflag:$0x2] =	stream.indirect.gather [hbm4b:s6+s23], $0x80, s19, s23, $0xb8;
	[tilespmem:$0x1D000] =	vst v63  }
0x331: {  	s1 =	simm.s32 $0xC00  }
0x332: {  	[spmem:s2] =	stream.indirect.scatter.add.f32 [tilespmem:s24], [sflag:$0x3], $0x80, s1, s23, $0xb8;
	[tilespmem:$0x1D000] =	vst v63  }
0x333: {  	_ =	swait.ge [sflag:s22], $0x4000  }
0x334: {  	[sflag:s22] =	ssyncset.done $0x0  }
0x335: {  	[sflag:s22] =	ssyncadd.s32 $0xFFFFC000  }
0x336: {  	_ =	swait.ge [sflag:s26], $0x4000  }
0x337: {  	[sflag:s26] =	ssyncset.done $0x0  }
0x338: {  	s4 =	simm.s32 $0xC80;
	[sflag:s26] =	ssyncadd.s32 $0xFFFFC000  }
0x339: {  	[spmem:s2] =	stream.indirect.scatter.add.f32 [tilespmem:s25], [sflag:$0x4], $0x80, s4, s23, $0xb8;
	[tilespmem:$0x1D000] =	vst v63  }
0x33a: {  	_ =	swait.ge [sflag:s29], $0x4000  }
0x33b: {  	[sflag:s29] =	ssyncset.done $0x0  }
0x33c: {  	s9 =	simm.s32 $0x500;
	[sflag:s29] =	ssyncadd.s32 $0xFFFFC000  }
0x33d: {  	[tilespmem:s24], [sflag:$0x1] =	stream.indirect.gather [hbm4b:s6+s23], $0x80, s9, s23, $0xb8;
	[tilespmem:$0x1D000] =	vst v63  }
0x33e: {  	_ =	swait.ge [sflag:s21], $0x4000  }
0x33f: {  	[sflag:s21] =	ssyncset.done $0x0  }
0x340: {  	s10 =	simm.s32 $0x580;
	[sflag:s21] =	ssyncadd.s32 $0xFFFFC000  }
0x341: {  	[tilespmem:s25], [sflag:$0x2] =	stream.indirect.gather [hbm4b:s6+s23], $0x80, s10, s23, $0xb8;
	[tilespmem:$0x1D000] =	vst v63  }
0x342: {  	s11 =	simm.s32 $0xD00  }
0x343: {  	[spmem:s2] =	stream.indirect.scatter.add.f32 [tilespmem:s24], [sflag:$0x3], $0x80, s11, s23, $0xb8;
	[tilespmem:$0x1D000] =	vst v63  }
0x344: {  	_ =	swait.ge [sflag:s22], $0x4000  }
0x345: {  	[sflag:s22] =	ssyncset.done $0x0  }
0x346: {  	[sflag:s22] =	ssyncadd.s32 $0xFFFFC000  }
0x347: {  	_ =	swait.ge [sflag:s26], $0x4000  }
0x348: {  	[sflag:s26] =	ssyncset.done $0x0  }
0x349: {  	s12 =	simm.s32 $0xD80;
	[sflag:s26] =	ssyncadd.s32 $0xFFFFC000  }
0x34a: {  	[spmem:s2] =	stream.indirect.scatter.add.f32 [tilespmem:s25], [sflag:$0x4], $0x80, s12, s23, $0xb8;
	[tilespmem:$0x1D000] =	vst v63  }
0x34b: {  	_ =	swait.ge [sflag:s29], $0x4000  }
0x34c: {  	[sflag:s29] =	ssyncset.done $0x0  }
0x34d: {  	[sflag:s29] =	ssyncadd.s32 $0xFFFFC000  }
0x34e: {  	[bflag:$0x0] =	sbarrier.arrive $0xFFFF  }
0x34f: {  	s13 =	rddreg [dreg:$0x9]  }
0x350: {  	s17 =	rddreg [dreg:$0xb]  }
0x351: {  	s19 =	simm.s32 $0x5;
	s18 =	rddreg [dreg:$0xf]  }
0x352: {  	[hbm:s13], [sflag:s17] =	dma.local [spmem:s18], $0x2780  }
0x353: {  	_ =	swait.ge [sflag:s19], $0x2780  }
0x354: {  	[sflag:s19] =	ssyncset.done $0x0  }
0x355: {  	s28 =	simm.s32 $0x280;
	s30 =	simm.s32 $0xA00;
	[sflag:s19] =	ssyncadd.s32 $0xFFFFD880  }
.Ltmp5:
0x356: {  	s31 =	simm.s32 $0xB00;
	[bflag:$0x0] =	sbarrier.arrive $0xFFFF;
	(pc) =	sbr.rel .LBB2_12-.Ltmp5, $4  }
0x357: {  	s0 =	simm.s32 $0xA80;
	s1 =	simm.s32 $0x300;
	[bflag:$0x0] =	sbarrier.arrive $0xFFFF  }
0x358: {  	s4 =	simm.s32 $0x100;
	s10 =	simm.s32 $0x380;
	[bflag:$0x0] =	sbarrier.arrive $0xFFFF  }
0x359: {  	s13 =	simm.s32 $0x180;
	s17 =	simm.s32 $0x900;
	[bflag:$0x0] =	sbarrier.arrive $0xFFFF  }
0x35a: {  	s18 =	simm.s32 $0x980;
	s19 =	simm.s32 $0x200;
	s11 =	rddreg [dreg:$0xd]  }
.LBB2_7:
0x35b: {  	[bflag:$0x0] =	sbarrier.arrive $0xFFFF  }
0x35c: {  	[bflag:$0x0] =	sbarrier.arrive $0xFFFF  }
0x35d: {  	[bflag:$0x0] =	sbarrier.arrive $0xFFFF  }
0x35e: {  	[bflag:$0x0] =	sbarrier.arrive $0xFFFF  }
0x35f: {  	s9 =	rddreg [dreg:$0x4]  }
0x360: {  	s11 =	rddreg [dreg:$0xb]  }
0x361: {  	s12 =	rddreg [dreg:$0xc]  }
0x362: {  	[spmem:s12], [sflag:s11] =	dma.local [hbm:s9], $0x2800  }
0x363: {  	s12 =	simm.s32 $0x5  }
0x364: {  	_ =	swait.ge [sflag:s12], $0x2800  }
0x365: {  	[sflag:s12] =	ssyncset.done $0x0  }
0x366: {  	[sflag:s12] =	ssyncadd.s32 $0xFFFFD800  }
0x367: {  	s11 =	sadd.s32 $0x0, s16;
	[bflag:$0x0] =	sbarrier.arrive $0xFFFF  }
0x368: {  	[tilespmem:s3], [sflag:$0x1] =	stream.linear.gather [hbm4b:s11+s3], $0x600, $0x38;
	[tilespmem:$0x1D000] =	vst v63  }
0x369: {  	s12 =	sadd.s32 $0x0, s15  }
0x36a: {  	[tilespmem:s20], [sflag:$0x2] =	stream.linear.gather [hbm4b:s12+s3], $0x600, $0x38;
	[tilespmem:$0x1D000] =	vst v63  }
0x36b: {  	_ =	swait.ge [sflag:s21], $0x600  }
0x36c: {  	[sflag:s21] =	ssyncset.done $0x0  }
0x36d: {  	[sflag:s21] =	ssyncadd.s32 $0xFFFFFA00  }
0x36e: {  	_ =	swait.ge [sflag:s22], $0x600  }
0x36f: {  	[sflag:s22] =	ssyncset.done $0x0  }
0x370: {  	[sflag:s22] =	ssyncadd.s32 $0xFFFFFA00  }
0x371: {  	[tilespmem:s24], [sflag:$0x1] =	stream.indirect.gather [hbm4b:s7+s23], $0x80, s3, s23, $0xb8;
	[tilespmem:$0x1D000] =	vst v63  }
0x372: {  	_ =	swait.ge [sflag:s21], $0x4000  }
0x373: {  	[sflag:s21] =	ssyncset.done $0x0  }
0x374: {  	[sflag:s21] =	ssyncadd.s32 $0xFFFFC000  }
0x375: {  	[tilespmem:s25], [sflag:$0x2] =	stream.indirect.gather [hbm4b:s7+s23], $0x80, s23, s23, $0xb8;
	[tilespmem:$0x1D000] =	vst v63  }
0x376: {  	_ = 	snop  }
0x377: {  	[spmem:s2] =	stream.indirect.scatter.add.f32 [tilespmem:s24], [sflag:$0x3], $0x80, s20, s23, $0xb8;
	[tilespmem:$0x1D000] =	vst v63  }
0x378: {  	_ =	swait.ge [sflag:s22], $0x4000  }
0x379: {  	[sflag:s22] =	ssyncset.done $0x0  }
0x37a: {  	[sflag:s22] =	ssyncadd.s32 $0xFFFFC000  }
0x37b: {  	_ =	swait.ge [sflag:s26], $0x4000  }
0x37c: {  	[sflag:s26] =	ssyncset.done $0x0  }
0x37d: {  	[sflag:s26] =	ssyncadd.s32 $0xFFFFC000  }
0x37e: {  	[spmem:s2] =	stream.indirect.scatter.add.f32 [tilespmem:s25], [sflag:$0x4], $0x80, s14, s23, $0xb8;
	[tilespmem:$0x1D000] =	vst v63  }
0x37f: {  	_ =	swait.ge [sflag:s29], $0x4000  }
0x380: {  	[sflag:s29] =	ssyncset.done $0x0  }
0x381: {  	[sflag:s29] =	ssyncadd.s32 $0xFFFFC000  }
0x382: {  	[tilespmem:s24], [sflag:$0x1] =	stream.indirect.gather [hbm4b:s7+s23], $0x80, s4, s23, $0xb8;
	[tilespmem:$0x1D000] =	vst v63  }
0x383: {  	_ =	swait.ge [sflag:s21], $0x4000  }
0x384: {  	[sflag:s21] =	ssyncset.done $0x0  }
0x385: {  	[sflag:s21] =	ssyncadd.s32 $0xFFFFC000  }
0x386: {  	[tilespmem:s25], [sflag:$0x2] =	stream.indirect.gather [hbm4b:s7+s23], $0x80, s13, s23, $0xb8;
	[tilespmem:$0x1D000] =	vst v63  }
0x387: {  	_ = 	snop  }
0x388: {  	[spmem:s2] =	stream.indirect.scatter.add.f32 [tilespmem:s24], [sflag:$0x3], $0x80, s17, s23, $0xb8;
	[tilespmem:$0x1D000] =	vst v63  }
0x389: {  	_ =	swait.ge [sflag:s22], $0x4000  }
0x38a: {  	[sflag:s22] =	ssyncset.done $0x0  }
0x38b: {  	[sflag:s22] =	ssyncadd.s32 $0xFFFFC000  }
0x38c: {  	_ =	swait.ge [sflag:s26], $0x4000  }
0x38d: {  	[sflag:s26] =	ssyncset.done $0x0  }
0x38e: {  	[sflag:s26] =	ssyncadd.s32 $0xFFFFC000  }
0x38f: {  	[spmem:s2] =	stream.indirect.scatter.add.f32 [tilespmem:s25], [sflag:$0x4], $0x80, s18, s23, $0xb8;
	[tilespmem:$0x1D000] =	vst v63  }
0x390: {  	_ =	swait.ge [sflag:s29], $0x4000  }
0x391: {  	[sflag:s29] =	ssyncset.done $0x0  }
0x392: {  	[sflag:s29] =	ssyncadd.s32 $0xFFFFC000  }
0x393: {  	[tilespmem:s24], [sflag:$0x1] =	stream.indirect.gather [hbm4b:s7+s23], $0x80, s19, s23, $0xb8;
	[tilespmem:$0x1D000] =	vst v63  }
0x394: {  	_ =	swait.ge [sflag:s21], $0x4000  }
0x395: {  	[sflag:s21] =	ssyncset.done $0x0  }
0x396: {  	[sflag:s21] =	ssyncadd.s32 $0xFFFFC000  }
0x397: {  	[tilespmem:s25], [sflag:$0x2] =	stream.indirect.gather [hbm4b:s7+s23], $0x80, s28, s23, $0xb8;
	[tilespmem:$0x1D000] =	vst v63  }
0x398: {  	_ = 	snop  }
0x399: {  	[spmem:s2] =	stream.indirect.scatter.add.f32 [tilespmem:s24], [sflag:$0x3], $0x80, s30, s23, $0xb8;
	[tilespmem:$0x1D000] =	vst v63  }
0x39a: {  	_ =	swait.ge [sflag:s22], $0x4000  }
0x39b: {  	[sflag:s22] =	ssyncset.done $0x0  }
0x39c: {  	[sflag:s22] =	ssyncadd.s32 $0xFFFFC000  }
0x39d: {  	_ =	swait.ge [sflag:s26], $0x4000  }
0x39e: {  	[sflag:s26] =	ssyncset.done $0x0  }
0x39f: {  	[sflag:s26] =	ssyncadd.s32 $0xFFFFC000  }
0x3a0: {  	[spmem:s2] =	stream.indirect.scatter.add.f32 [tilespmem:s25], [sflag:$0x4], $0x80, s0, s23, $0xb8;
	[tilespmem:$0x1D000] =	vst v63  }
0x3a1: {  	_ =	swait.ge [sflag:s29], $0x4000  }
0x3a2: {  	[sflag:s29] =	ssyncset.done $0x0  }
0x3a3: {  	[sflag:s29] =	ssyncadd.s32 $0xFFFFC000  }
0x3a4: {  	[tilespmem:s24], [sflag:$0x1] =	stream.indirect.gather [hbm4b:s7+s23], $0x80, s1, s23, $0xb8;
	[tilespmem:$0x1D000] =	vst v63  }
0x3a5: {  	_ =	swait.ge [sflag:s21], $0x4000  }
0x3a6: {  	[sflag:s21] =	ssyncset.done $0x0  }
0x3a7: {  	[sflag:s21] =	ssyncadd.s32 $0xFFFFC000  }
0x3a8: {  	[tilespmem:s25], [sflag:$0x2] =	stream.indirect.gather [hbm4b:s7+s23], $0x80, s10, s23, $0xb8;
	[tilespmem:$0x1D000] =	vst v63  }
0x3a9: {  	_ = 	snop  }
0x3aa: {  	[spmem:s2] =	stream.indirect.scatter.add.f32 [tilespmem:s24], [sflag:$0x3], $0x80, s31, s23, $0xb8;
	[tilespmem:$0x1D000] =	vst v63  }
0x3ab: {  	_ =	swait.ge [sflag:s22], $0x4000  }
0x3ac: {  	[sflag:s22] =	ssyncset.done $0x0  }
0x3ad: {  	[sflag:s22] =	ssyncadd.s32 $0xFFFFC000  }
0x3ae: {  	_ =	swait.ge [sflag:s26], $0x4000  }
0x3af: {  	[sflag:s26] =	ssyncset.done $0x0  }
0x3b0: {  	s9 =	simm.s32 $0xB80;
	[sflag:s26] =	ssyncadd.s32 $0xFFFFC000  }
0x3b1: {  	[spmem:s2] =	stream.indirect.scatter.add.f32 [tilespmem:s25], [sflag:$0x4], $0x80, s9, s23, $0xb8;
	[tilespmem:$0x1D000] =	vst v63  }
0x3b2: {  	_ =	swait.ge [sflag:s29], $0x4000  }
0x3b3: {  	[sflag:s29] =	ssyncset.done $0x0  }
0x3b4: {  	s10 =	simm.s32 $0x400;
	[sflag:s29] =	ssyncadd.s32 $0xFFFFC000  }
0x3b5: {  	[tilespmem:s24], [sflag:$0x1] =	stream.indirect.gather [hbm4b:s7+s23], $0x80, s10, s23, $0xb8;
	[tilespmem:$0x1D000] =	vst v63  }
0x3b6: {  	_ =	swait.ge [sflag:s21], $0x4000  }
0x3b7: {  	[sflag:s21] =	ssyncset.done $0x0  }
0x3b8: {  	s11 =	simm.s32 $0x480;
	[sflag:s21] =	ssyncadd.s32 $0xFFFFC000  }
0x3b9: {  	[tilespmem:s25], [sflag:$0x2] =	stream.indirect.gather [hbm4b:s7+s23], $0x80, s11, s23, $0xb8;
	[tilespmem:$0x1D000] =	vst v63  }
0x3ba: {  	s12 =	simm.s32 $0xC00  }
0x3bb: {  	[spmem:s2] =	stream.indirect.scatter.add.f32 [tilespmem:s24], [sflag:$0x3], $0x80, s12, s23, $0xb8;
	[tilespmem:$0x1D000] =	vst v63  }
0x3bc: {  	_ =	swait.ge [sflag:s22], $0x4000  }
0x3bd: {  	[sflag:s22] =	ssyncset.done $0x0  }
0x3be: {  	[sflag:s22] =	ssyncadd.s32 $0xFFFFC000  }
0x3bf: {  	_ =	swait.ge [sflag:s26], $0x4000  }
0x3c0: {  	[sflag:s26] =	ssyncset.done $0x0  }
0x3c1: {  	s13 =	simm.s32 $0xC80;
	[sflag:s26] =	ssyncadd.s32 $0xFFFFC000  }
0x3c2: {  	[spmem:s2] =	stream.indirect.scatter.add.f32 [tilespmem:s25], [sflag:$0x4], $0x80, s13, s23, $0xb8;
	[tilespmem:$0x1D000] =	vst v63  }
0x3c3: {  	_ =	swait.ge [sflag:s29], $0x4000  }
0x3c4: {  	[sflag:s29] =	ssyncset.done $0x0  }
0x3c5: {  	s14 =	simm.s32 $0x500;
	[sflag:s29] =	ssyncadd.s32 $0xFFFFC000  }
0x3c6: {  	[tilespmem:s24], [sflag:$0x1] =	stream.indirect.gather [hbm4b:s7+s23], $0x80, s14, s23, $0xb8;
	[tilespmem:$0x1D000] =	vst v63  }
0x3c7: {  	_ =	swait.ge [sflag:s21], $0x4000  }
0x3c8: {  	[sflag:s21] =	ssyncset.done $0x0  }
0x3c9: {  	s17 =	simm.s32 $0x580;
	[sflag:s21] =	ssyncadd.s32 $0xFFFFC000  }
0x3ca: {  	[tilespmem:s25], [sflag:$0x2] =	stream.indirect.gather [hbm4b:s7+s23], $0x80, s17, s23, $0xb8;
	[tilespmem:$0x1D000] =	vst v63  }
0x3cb: {  	s18 =	simm.s32 $0xD00  }
0x3cc: {  	[spmem:s2] =	stream.indirect.scatter.add.f32 [tilespmem:s24], [sflag:$0x3], $0x80, s18, s23, $0xb8;
	[tilespmem:$0x1D000] =	vst v63  }
0x3cd: {  	_ =	swait.ge [sflag:s22], $0x4000  }
0x3ce: {  	s4 =	simm.s32 $0xB00;
	[sflag:s22] =	ssyncset.done $0x0  }
0x3cf: {  	s19 =	simm.s32 $0xD80;
	s28 =	simm.s32 $0x200;
	[sflag:s22] =	ssyncadd.s32 $0xFFFFC000  }
0x3d0: {  	s30 =	simm.s32 $0x280;
	s0 =	simm.s32 $0xA80;
	_ =	swait.ge [sflag:s26], $0x4000  }
0x3d1: {  	s1 =	simm.s32 $0x300;
	s31 =	simm.s32 $0xA00;
	[sflag:s26] =	ssyncset.done $0x0  }
0x3d2: {  	s10 =	simm.s32 $0x380;
	s11 =	simm.s32 $0x100;
	[sflag:s26] =	ssyncadd.s32 $0xFFFFC000  }
0x3d3: {  	[spmem:s2] =	stream.indirect.scatter.add.f32 [tilespmem:s25], [sflag:$0x4], $0x80, s19, s23, $0xb8;
	[tilespmem:$0x1D000] =	vst v63  }
0x3d4: {  	s13 =	simm.s32 $0x200;
	s17 =	simm.s32 $0x900;
	_ =	swait.ge [sflag:s29], $0x4000  }
0x3d5: {  	s18 =	simm.s32 $0x180;
	s19 =	simm.s32 $0x980;
	[sflag:s29] =	ssyncset.done $0x0  }
.LBB2_8:
0x3d6: {  	s9 =	sadd.s32 s11, s16;
	[sflag:s29] =	ssyncadd.s32 $0xFFFFC000  }
0x3d7: {  	s14 =	smov.u32 s13;
	s12 =	sadd.s32 $0x100, s13;
	p1 =	sne.s32 s13, $0x600  }
0x3d8: {  	[tilespmem:s3], [sflag:$0x1] =	stream.linear.gather [hbm4b:s9+s3], $0x600, $0x38;
	[tilespmem:$0x1D000] =	vst v63  }
0x3d9: {  	s9 =	sadd.s32 s11, s15;
	s11 =	smov.u32 s14;
	s14 =	simm.s32 $0x880  }
0x3da: {  	[tilespmem:s20], [sflag:$0x2] =	stream.linear.gather [hbm4b:s9+s3], $0x600, $0x38;
	[tilespmem:$0x1D000] =	vst v63  }
0x3db: {  	_ =	swait.ge [sflag:s21], $0x600  }
0x3dc: {  	[sflag:s21] =	ssyncset.done $0x0  }
0x3dd: {  	[sflag:s21] =	ssyncadd.s32 $0xFFFFFA00  }
0x3de: {  	_ =	swait.ge [sflag:s22], $0x600  }
0x3df: {  	[sflag:s22] =	ssyncset.done $0x0  }
0x3e0: {  	[sflag:s22] =	ssyncadd.s32 $0xFFFFFA00  }
0x3e1: {  	[tilespmem:s24], [sflag:$0x1] =	stream.indirect.gather [hbm4b:s7+s23], $0x80, s3, s23, $0xb8;
	[tilespmem:$0x1D000] =	vst v63  }
0x3e2: {  	_ =	swait.ge [sflag:s21], $0x4000  }
0x3e3: {  	[sflag:s21] =	ssyncset.done $0x0  }
0x3e4: {  	[sflag:s21] =	ssyncadd.s32 $0xFFFFC000  }
0x3e5: {  	[tilespmem:s25], [sflag:$0x2] =	stream.indirect.gather [hbm4b:s7+s23], $0x80, s23, s23, $0xb8;
	[tilespmem:$0x1D000] =	vst v63  }
0x3e6: {  	_ = 	snop  }
0x3e7: {  	[spmem:s2] =	stream.indirect.scatter.add.f32 [tilespmem:s24], [sflag:$0x3], $0x80, s20, s23, $0xb8;
	[tilespmem:$0x1D000] =	vst v63  }
0x3e8: {  	_ =	swait.ge [sflag:s22], $0x4000  }
0x3e9: {  	[sflag:s22] =	ssyncset.done $0x0  }
0x3ea: {  	[sflag:s22] =	ssyncadd.s32 $0xFFFFC000  }
0x3eb: {  	_ =	swait.ge [sflag:s26], $0x4000  }
0x3ec: {  	[sflag:s26] =	ssyncset.done $0x0  }
0x3ed: {  	[sflag:s26] =	ssyncadd.s32 $0xFFFFC000  }
0x3ee: {  	[spmem:s2] =	stream.indirect.scatter.add.f32 [tilespmem:s25], [sflag:$0x4], $0x80, s14, s23, $0xb8;
	[tilespmem:$0x1D000] =	vst v63  }
0x3ef: {  	_ =	swait.ge [sflag:s29], $0x4000  }
0x3f0: {  	[sflag:s29] =	ssyncset.done $0x0  }
0x3f1: {  	s9 =	simm.s32 $0x100;
	[sflag:s29] =	ssyncadd.s32 $0xFFFFC000  }
0x3f2: {  	[tilespmem:s24], [sflag:$0x1] =	stream.indirect.gather [hbm4b:s7+s23], $0x80, s9, s23, $0xb8;
	[tilespmem:$0x1D000] =	vst v63  }
0x3f3: {  	_ =	swait.ge [sflag:s21], $0x4000  }
0x3f4: {  	[sflag:s21] =	ssyncset.done $0x0  }
0x3f5: {  	[sflag:s21] =	ssyncadd.s32 $0xFFFFC000  }
0x3f6: {  	[tilespmem:s25], [sflag:$0x2] =	stream.indirect.gather [hbm4b:s7+s23], $0x80, s18, s23, $0xb8;
	[tilespmem:$0x1D000] =	vst v63  }
0x3f7: {  	_ = 	snop  }
0x3f8: {  	[spmem:s2] =	stream.indirect.scatter.add.f32 [tilespmem:s24], [sflag:$0x3], $0x80, s17, s23, $0xb8;
	[tilespmem:$0x1D000] =	vst v63  }
0x3f9: {  	_ =	swait.ge [sflag:s22], $0x4000  }
0x3fa: {  	[sflag:s22] =	ssyncset.done $0x0  }
0x3fb: {  	[sflag:s22] =	ssyncadd.s32 $0xFFFFC000  }
0x3fc: {  	_ =	swait.ge [sflag:s26], $0x4000  }
0x3fd: {  	[sflag:s26] =	ssyncset.done $0x0  }
0x3fe: {  	[sflag:s26] =	ssyncadd.s32 $0xFFFFC000  }
0x3ff: {  	[spmem:s2] =	stream.indirect.scatter.add.f32 [tilespmem:s25], [sflag:$0x4], $0x80, s19, s23, $0xb8;
	[tilespmem:$0x1D000] =	vst v63  }
0x400: {  	_ =	swait.ge [sflag:s29], $0x4000  }
0x401: {  	[sflag:s29] =	ssyncset.done $0x0  }
0x402: {  	[sflag:s29] =	ssyncadd.s32 $0xFFFFC000  }
0x403: {  	[tilespmem:s24], [sflag:$0x1] =	stream.indirect.gather [hbm4b:s7+s23], $0x80, s28, s23, $0xb8;
	[tilespmem:$0x1D000] =	vst v63  }
0x404: {  	_ =	swait.ge [sflag:s21], $0x4000  }
0x405: {  	[sflag:s21] =	ssyncset.done $0x0  }
0x406: {  	[sflag:s21] =	ssyncadd.s32 $0xFFFFC000  }
0x407: {  	[tilespmem:s25], [sflag:$0x2] =	stream.indirect.gather [hbm4b:s7+s23], $0x80, s30, s23, $0xb8;
	[tilespmem:$0x1D000] =	vst v63  }
0x408: {  	_ = 	snop  }
0x409: {  	[spmem:s2] =	stream.indirect.scatter.add.f32 [tilespmem:s24], [sflag:$0x3], $0x80, s31, s23, $0xb8;
	[tilespmem:$0x1D000] =	vst v63  }
0x40a: {  	_ =	swait.ge [sflag:s22], $0x4000  }
0x40b: {  	[sflag:s22] =	ssyncset.done $0x0  }
0x40c: {  	[sflag:s22] =	ssyncadd.s32 $0xFFFFC000  }
0x40d: {  	_ =	swait.ge [sflag:s26], $0x4000  }
0x40e: {  	[sflag:s26] =	ssyncset.done $0x0  }
0x40f: {  	[sflag:s26] =	ssyncadd.s32 $0xFFFFC000  }
0x410: {  	[spmem:s2] =	stream.indirect.scatter.add.f32 [tilespmem:s25], [sflag:$0x4], $0x80, s0, s23, $0xb8;
	[tilespmem:$0x1D000] =	vst v63  }
0x411: {  	_ =	swait.ge [sflag:s29], $0x4000  }
0x412: {  	[sflag:s29] =	ssyncset.done $0x0  }
0x413: {  	[sflag:s29] =	ssyncadd.s32 $0xFFFFC000  }
0x414: {  	[tilespmem:s24], [sflag:$0x1] =	stream.indirect.gather [hbm4b:s7+s23], $0x80, s1, s23, $0xb8;
	[tilespmem:$0x1D000] =	vst v63  }
0x415: {  	_ =	swait.ge [sflag:s21], $0x4000  }
0x416: {  	[sflag:s21] =	ssyncset.done $0x0  }
0x417: {  	[sflag:s21] =	ssyncadd.s32 $0xFFFFC000  }
0x418: {  	[tilespmem:s25], [sflag:$0x2] =	stream.indirect.gather [hbm4b:s7+s23], $0x80, s10, s23, $0xb8;
	[tilespmem:$0x1D000] =	vst v63  }
0x419: {  	_ = 	snop  }
0x41a: {  	[spmem:s2] =	stream.indirect.scatter.add.f32 [tilespmem:s24], [sflag:$0x3], $0x80, s4, s23, $0xb8;
	[tilespmem:$0x1D000] =	vst v63  }
0x41b: {  	_ =	swait.ge [sflag:s22], $0x4000  }
0x41c: {  	[sflag:s22] =	ssyncset.done $0x0  }
0x41d: {  	[sflag:s22] =	ssyncadd.s32 $0xFFFFC000  }
0x41e: {  	_ =	swait.ge [sflag:s26], $0x4000  }
0x41f: {  	[sflag:s26] =	ssyncset.done $0x0  }
0x420: {  	s9 =	simm.s32 $0xB80;
	[sflag:s26] =	ssyncadd.s32 $0xFFFFC000  }
0x421: {  	[spmem:s2] =	stream.indirect.scatter.add.f32 [tilespmem:s25], [sflag:$0x4], $0x80, s9, s23, $0xb8;
	[tilespmem:$0x1D000] =	vst v63  }
0x422: {  	_ =	swait.ge [sflag:s29], $0x4000  }
0x423: {  	[sflag:s29] =	ssyncset.done $0x0  }
0x424: {  	s9 =	simm.s32 $0x400;
	[sflag:s29] =	ssyncadd.s32 $0xFFFFC000  }
0x425: {  	[tilespmem:s24], [sflag:$0x1] =	stream.indirect.gather [hbm4b:s7+s23], $0x80, s9, s23, $0xb8;
	[tilespmem:$0x1D000] =	vst v63  }
0x426: {  	_ =	swait.ge [sflag:s21], $0x4000  }
0x427: {  	[sflag:s21] =	ssyncset.done $0x0  }
0x428: {  	s9 =	simm.s32 $0x480;
	[sflag:s21] =	ssyncadd.s32 $0xFFFFC000  }
0x429: {  	[tilespmem:s25], [sflag:$0x2] =	stream.indirect.gather [hbm4b:s7+s23], $0x80, s9, s23, $0xb8;
	[tilespmem:$0x1D000] =	vst v63  }
0x42a: {  	s9 =	simm.s32 $0xC00  }
0x42b: {  	[spmem:s2] =	stream.indirect.scatter.add.f32 [tilespmem:s24], [sflag:$0x3], $0x80, s9, s23, $0xb8;
	[tilespmem:$0x1D000] =	vst v63  }
0x42c: {  	_ =	swait.ge [sflag:s22], $0x4000  }
0x42d: {  	[sflag:s22] =	ssyncset.done $0x0  }
0x42e: {  	[sflag:s22] =	ssyncadd.s32 $0xFFFFC000  }
0x42f: {  	_ =	swait.ge [sflag:s26], $0x4000  }
0x430: {  	[sflag:s26] =	ssyncset.done $0x0  }
0x431: {  	s9 =	simm.s32 $0xC80;
	[sflag:s26] =	ssyncadd.s32 $0xFFFFC000  }
0x432: {  	[spmem:s2] =	stream.indirect.scatter.add.f32 [tilespmem:s25], [sflag:$0x4], $0x80, s9, s23, $0xb8;
	[tilespmem:$0x1D000] =	vst v63  }
0x433: {  	_ =	swait.ge [sflag:s29], $0x4000  }
0x434: {  	[sflag:s29] =	ssyncset.done $0x0  }
0x435: {  	s9 =	simm.s32 $0x500;
	[sflag:s29] =	ssyncadd.s32 $0xFFFFC000  }
0x436: {  	[tilespmem:s24], [sflag:$0x1] =	stream.indirect.gather [hbm4b:s7+s23], $0x80, s9, s23, $0xb8;
	[tilespmem:$0x1D000] =	vst v63  }
0x437: {  	_ =	swait.ge [sflag:s21], $0x4000  }
0x438: {  	[sflag:s21] =	ssyncset.done $0x0  }
0x439: {  	s9 =	simm.s32 $0x580;
	[sflag:s21] =	ssyncadd.s32 $0xFFFFC000  }
0x43a: {  	[tilespmem:s25], [sflag:$0x2] =	stream.indirect.gather [hbm4b:s7+s23], $0x80, s9, s23, $0xb8;
	[tilespmem:$0x1D000] =	vst v63  }
0x43b: {  	s9 =	simm.s32 $0xD00  }
0x43c: {  	[spmem:s2] =	stream.indirect.scatter.add.f32 [tilespmem:s24], [sflag:$0x3], $0x80, s9, s23, $0xb8;
	[tilespmem:$0x1D000] =	vst v63  }
0x43d: {  	_ =	swait.ge [sflag:s22], $0x4000  }
0x43e: {  	[sflag:s22] =	ssyncset.done $0x0  }
0x43f: {  	[sflag:s22] =	ssyncadd.s32 $0xFFFFC000  }
0x440: {  	_ =	swait.ge [sflag:s26], $0x4000  }
.Ltmp6:
0x441: {  	[sflag:s26] =	ssyncset.done $0x0;
	(pc) =	sbr.rel @p1 .LBB2_8-.Ltmp6, $4  }
0x442: {  	s9 =	simm.s32 $0xD80;
	[sflag:s26] =	ssyncadd.s32 $0xFFFFC000  }
0x443: {  	[spmem:s2] =	stream.indirect.scatter.add.f32 [tilespmem:s25], [sflag:$0x4], $0x80, s9, s23, $0xb8;
	[tilespmem:$0x1D000] =	vst v63  }
0x444: {  	_ =	swait.ge [sflag:s29], $0x4000  }
0x445: {  	s13 =	smov.u32 s12;
	[sflag:s29] =	ssyncset.done $0x0  }
0x446: {  	s9 =	sadd.s32 s11, s16;
	[sflag:s29] =	ssyncadd.s32 $0xFFFFC000  }
0x447: {  	[tilespmem:s3], [sflag:$0x1] =	stream.linear.gather [hbm4b:s9+s3], $0x600, $0x38;
	[tilespmem:$0x1D000] =	vst v63  }
0x448: {  	s11 =	sadd.s32 s11, s15  }
0x449: {  	[tilespmem:s20], [sflag:$0x2] =	stream.linear.gather [hbm4b:s11+s3], $0x600, $0x38;
	[tilespmem:$0x1D000] =	vst v63  }
0x44a: {  	_ =	swait.ge [sflag:s21], $0x600  }
0x44b: {  	[sflag:s21] =	ssyncset.done $0x0  }
0x44c: {  	[sflag:s21] =	ssyncadd.s32 $0xFFFFFA00  }
0x44d: {  	_ =	swait.ge [sflag:s22], $0x600  }
0x44e: {  	[sflag:s22] =	ssyncset.done $0x0  }
0x44f: {  	[sflag:s22] =	ssyncadd.s32 $0xFFFFFA00  }
0x450: {  	[tilespmem:s24], [sflag:$0x1] =	stream.indirect.gather [hbm4b:s7+s23], $0x80, s3, s23, $0xb8;
	[tilespmem:$0x1D000] =	vst v63  }
0x451: {  	_ =	swait.ge [sflag:s21], $0x4000  }
0x452: {  	[sflag:s21] =	ssyncset.done $0x0  }
0x453: {  	[sflag:s21] =	ssyncadd.s32 $0xFFFFC000  }
0x454: {  	[tilespmem:s25], [sflag:$0x2] =	stream.indirect.gather [hbm4b:s7+s23], $0x80, s23, s23, $0xb8;
	[tilespmem:$0x1D000] =	vst v63  }
0x455: {  	_ = 	snop  }
0x456: {  	[spmem:s2] =	stream.indirect.scatter.add.f32 [tilespmem:s24], [sflag:$0x3], $0x80, s20, s23, $0xb8;
	[tilespmem:$0x1D000] =	vst v63  }
0x457: {  	_ =	swait.ge [sflag:s22], $0x4000  }
0x458: {  	[sflag:s22] =	ssyncset.done $0x0  }
0x459: {  	[sflag:s22] =	ssyncadd.s32 $0xFFFFC000  }
0x45a: {  	_ =	swait.ge [sflag:s26], $0x4000  }
0x45b: {  	[sflag:s26] =	ssyncset.done $0x0  }
0x45c: {  	[sflag:s26] =	ssyncadd.s32 $0xFFFFC000  }
0x45d: {  	[spmem:s2] =	stream.indirect.scatter.add.f32 [tilespmem:s25], [sflag:$0x4], $0x80, s14, s23, $0xb8;
	[tilespmem:$0x1D000] =	vst v63  }
0x45e: {  	_ =	swait.ge [sflag:s29], $0x4000  }
0x45f: {  	[sflag:s29] =	ssyncset.done $0x0  }
0x460: {  	s31 =	simm.s32 $0x100;
	[sflag:s29] =	ssyncadd.s32 $0xFFFFC000  }
0x461: {  	[tilespmem:s24], [sflag:$0x1] =	stream.indirect.gather [hbm4b:s7+s23], $0x80, s31, s23, $0xb8;
	[tilespmem:$0x1D000] =	vst v63  }
0x462: {  	_ =	swait.ge [sflag:s21], $0x4000  }
0x463: {  	[sflag:s21] =	ssyncset.done $0x0  }
0x464: {  	s0 =	simm.s32 $0x180;
	[sflag:s21] =	ssyncadd.s32 $0xFFFFC000  }
0x465: {  	[tilespmem:s25], [sflag:$0x2] =	stream.indirect.gather [hbm4b:s7+s23], $0x80, s0, s23, $0xb8;
	[tilespmem:$0x1D000] =	vst v63  }
0x466: {  	s30 =	simm.s32 $0x900  }
0x467: {  	[spmem:s2] =	stream.indirect.scatter.add.f32 [tilespmem:s24], [sflag:$0x3], $0x80, s30, s23, $0xb8;
	[tilespmem:$0x1D000] =	vst v63  }
0x468: {  	_ =	swait.ge [sflag:s22], $0x4000  }
0x469: {  	[sflag:s22] =	ssyncset.done $0x0  }
0x46a: {  	[sflag:s22] =	ssyncadd.s32 $0xFFFFC000  }
0x46b: {  	_ =	swait.ge [sflag:s26], $0x4000  }
0x46c: {  	[sflag:s26] =	ssyncset.done $0x0  }
0x46d: {  	s28 =	simm.s32 $0x980;
	[sflag:s26] =	ssyncadd.s32 $0xFFFFC000  }
0x46e: {  	[spmem:s2] =	stream.indirect.scatter.add.f32 [tilespmem:s25], [sflag:$0x4], $0x80, s28, s23, $0xb8;
	[tilespmem:$0x1D000] =	vst v63  }
0x46f: {  	_ =	swait.ge [sflag:s29], $0x4000  }
0x470: {  	[sflag:s29] =	ssyncset.done $0x0  }
0x471: {  	s19 =	simm.s32 $0x200;
	[sflag:s29] =	ssyncadd.s32 $0xFFFFC000  }
0x472: {  	[tilespmem:s24], [sflag:$0x1] =	stream.indirect.gather [hbm4b:s7+s23], $0x80, s19, s23, $0xb8;
	[tilespmem:$0x1D000] =	vst v63  }
0x473: {  	_ =	swait.ge [sflag:s21], $0x4000  }
0x474: {  	[sflag:s21] =	ssyncset.done $0x0  }
0x475: {  	s18 =	simm.s32 $0x280;
	[sflag:s21] =	ssyncadd.s32 $0xFFFFC000  }
0x476: {  	[tilespmem:s25], [sflag:$0x2] =	stream.indirect.gather [hbm4b:s7+s23], $0x80, s18, s23, $0xb8;
	[tilespmem:$0x1D000] =	vst v63  }
0x477: {  	s17 =	simm.s32 $0xA00  }
0x478: {  	[spmem:s2] =	stream.indirect.scatter.add.f32 [tilespmem:s24], [sflag:$0x3], $0x80, s17, s23, $0xb8;
	[tilespmem:$0x1D000] =	vst v63  }
0x479: {  	_ =	swait.ge [sflag:s22], $0x4000  }
0x47a: {  	[sflag:s22] =	ssyncset.done $0x0  }
0x47b: {  	[sflag:s22] =	ssyncadd.s32 $0xFFFFC000  }
0x47c: {  	_ =	swait.ge [sflag:s26], $0x4000  }
0x47d: {  	[sflag:s26] =	ssyncset.done $0x0  }
0x47e: {  	s10 =	simm.s32 $0xA80;
	[sflag:s26] =	ssyncadd.s32 $0xFFFFC000  }
0x47f: {  	[spmem:s2] =	stream.indirect.scatter.add.f32 [tilespmem:s25], [sflag:$0x4], $0x80, s10, s23, $0xb8;
	[tilespmem:$0x1D000] =	vst v63  }
0x480: {  	_ =	swait.ge [sflag:s29], $0x4000  }
0x481: {  	[sflag:s29] =	ssyncset.done $0x0  }
0x482: {  	s4 =	simm.s32 $0x300;
	[sflag:s29] =	ssyncadd.s32 $0xFFFFC000  }
0x483: {  	[tilespmem:s24], [sflag:$0x1] =	stream.indirect.gather [hbm4b:s7+s23], $0x80, s4, s23, $0xb8;
	[tilespmem:$0x1D000] =	vst v63  }
0x484: {  	_ =	swait.ge [sflag:s21], $0x4000  }
0x485: {  	[sflag:s21] =	ssyncset.done $0x0  }
0x486: {  	s1 =	simm.s32 $0x380;
	[sflag:s21] =	ssyncadd.s32 $0xFFFFC000  }
0x487: {  	[tilespmem:s25], [sflag:$0x2] =	stream.indirect.gather [hbm4b:s7+s23], $0x80, s1, s23, $0xb8;
	[tilespmem:$0x1D000] =	vst v63  }
0x488: {  	s0 =	simm.s32 $0xB00  }
0x489: {  	[spmem:s2] =	stream.indirect.scatter.add.f32 [tilespmem:s24], [sflag:$0x3], $0x80, s0, s23, $0xb8;
	[tilespmem:$0x1D000] =	vst v63  }
0x48a: {  	_ =	swait.ge [sflag:s22], $0x4000  }
0x48b: {  	[sflag:s22] =	ssyncset.done $0x0  }
0x48c: {  	[sflag:s22] =	ssyncadd.s32 $0xFFFFC000  }
0x48d: {  	_ =	swait.ge [sflag:s26], $0x4000  }
0x48e: {  	[sflag:s26] =	ssyncset.done $0x0  }
0x48f: {  	s12 =	simm.s32 $0xB80;
	[sflag:s26] =	ssyncadd.s32 $0xFFFFC000  }
0x490: {  	[spmem:s2] =	stream.indirect.scatter.add.f32 [tilespmem:s25], [sflag:$0x4], $0x80, s12, s23, $0xb8;
	[tilespmem:$0x1D000] =	vst v63  }
0x491: {  	_ =	swait.ge [sflag:s29], $0x4000  }
0x492: {  	[sflag:s29] =	ssyncset.done $0x0  }
0x493: {  	s13 =	simm.s32 $0x400;
	[sflag:s29] =	ssyncadd.s32 $0xFFFFC000  }
0x494: {  	[tilespmem:s24], [sflag:$0x1] =	stream.indirect.gather [hbm4b:s7+s23], $0x80, s13, s23, $0xb8;
	[tilespmem:$0x1D000] =	vst v63  }
0x495: {  	_ =	swait.ge [sflag:s21], $0x4000  }
0x496: {  	[sflag:s21] =	ssyncset.done $0x0  }
0x497: {  	s11 =	simm.s32 $0x480;
	[sflag:s21] =	ssyncadd.s32 $0xFFFFC000  }
0x498: {  	[tilespmem:s25], [sflag:$0x2] =	stream.indirect.gather [hbm4b:s7+s23], $0x80, s11, s23, $0xb8;
	[tilespmem:$0x1D000] =	vst v63  }
0x499: {  	s12 =	simm.s32 $0xC00  }
0x49a: {  	[spmem:s2] =	stream.indirect.scatter.add.f32 [tilespmem:s24], [sflag:$0x3], $0x80, s12, s23, $0xb8;
	[tilespmem:$0x1D000] =	vst v63  }
0x49b: {  	_ =	swait.ge [sflag:s22], $0x4000  }
0x49c: {  	[sflag:s22] =	ssyncset.done $0x0  }
0x49d: {  	[sflag:s22] =	ssyncadd.s32 $0xFFFFC000  }
0x49e: {  	_ =	swait.ge [sflag:s26], $0x4000  }
0x49f: {  	[sflag:s26] =	ssyncset.done $0x0  }
0x4a0: {  	s13 =	simm.s32 $0xC80;
	[sflag:s26] =	ssyncadd.s32 $0xFFFFC000  }
0x4a1: {  	[spmem:s2] =	stream.indirect.scatter.add.f32 [tilespmem:s25], [sflag:$0x4], $0x80, s13, s23, $0xb8;
	[tilespmem:$0x1D000] =	vst v63  }
0x4a2: {  	_ =	swait.ge [sflag:s29], $0x4000  }
0x4a3: {  	[sflag:s29] =	ssyncset.done $0x0  }
0x4a4: {  	s11 =	simm.s32 $0x500;
	[sflag:s29] =	ssyncadd.s32 $0xFFFFC000  }
0x4a5: {  	[tilespmem:s24], [sflag:$0x1] =	stream.indirect.gather [hbm4b:s7+s23], $0x80, s11, s23, $0xb8;
	[tilespmem:$0x1D000] =	vst v63  }
0x4a6: {  	_ =	swait.ge [sflag:s21], $0x4000  }
0x4a7: {  	[sflag:s21] =	ssyncset.done $0x0  }
0x4a8: {  	s12 =	simm.s32 $0x580;
	[sflag:s21] =	ssyncadd.s32 $0xFFFFC000  }
0x4a9: {  	[tilespmem:s25], [sflag:$0x2] =	stream.indirect.gather [hbm4b:s7+s23], $0x80, s12, s23, $0xb8;
	[tilespmem:$0x1D000] =	vst v63  }
0x4aa: {  	s13 =	simm.s32 $0xD00  }
0x4ab: {  	[spmem:s2] =	stream.indirect.scatter.add.f32 [tilespmem:s24], [sflag:$0x3], $0x80, s13, s23, $0xb8;
	[tilespmem:$0x1D000] =	vst v63  }
0x4ac: {  	_ =	swait.ge [sflag:s22], $0x4000  }
0x4ad: {  	[sflag:s22] =	ssyncset.done $0x0  }
0x4ae: {  	[sflag:s22] =	ssyncadd.s32 $0xFFFFC000  }
0x4af: {  	_ =	swait.ge [sflag:s26], $0x4000  }
0x4b0: {  	[sflag:s26] =	ssyncset.done $0x0  }
0x4b1: {  	s11 =	simm.s32 $0xD80;
	[sflag:s26] =	ssyncadd.s32 $0xFFFFC000  }
0x4b2: {  	[spmem:s2] =	stream.indirect.scatter.add.f32 [tilespmem:s25], [sflag:$0x4], $0x80, s11, s23, $0xb8;
	[tilespmem:$0x1D000] =	vst v63  }
0x4b3: {  	_ =	swait.ge [sflag:s29], $0x4000  }
0x4b4: {  	[sflag:s29] =	ssyncset.done $0x0  }
0x4b5: {  	[sflag:s29] =	ssyncadd.s32 $0xFFFFC000  }
0x4b6: {  	[bflag:$0x0] =	sbarrier.arrive $0xFFFF  }
0x4b7: {  	s12 =	rddreg [dreg:$0x5]  }
0x4b8: {  	s13 =	rddreg [dreg:$0x6]  }
0x4b9: {  	s11 =	rddreg [dreg:$0xb];
	s12 =	sshrl.u32 s12, $0x3  }
0x4ba: {  	[dreg:$0xe] =	wrdreg s12  }
0x4bb: {  	[hbm:s13], [sflag:s11] =	dma.local [spmem:s12], $0x2780  }
0x4bc: {  	s13 =	simm.s32 $0x5  }
0x4bd: {  	_ =	swait.ge [sflag:s13], $0x2780  }
0x4be: {  	[sflag:s13] =	ssyncset.done $0x0;
	s9 =	rddreg [dreg:$0x4]  }
0x4bf: {  	s12 =	rddreg [dreg:$0xc];
	[sflag:s13] =	ssyncadd.s32 $0xFFFFD880  }
0x4c0: {  	[spmem:s12], [sflag:s11] =	dma.local [hbm:s9], $0x2800  }
0x4c1: {  	_ =	swait.ge [sflag:s13], $0x2800  }
0x4c2: {  	[sflag:s13] =	ssyncset.done $0x0  }
0x4c3: {  	[sflag:s13] =	ssyncadd.s32 $0xFFFFD800  }
0x4c4: {  	s13 =	sadd.s32 $0x0, s16;
	[bflag:$0x0] =	sbarrier.arrive $0xFFFF  }
0x4c5: {  	[tilespmem:s3], [sflag:$0x1] =	stream.linear.gather [hbm4b:s13+s3], $0x600, $0x38;
	[tilespmem:$0x1D000] =	vst v63  }
0x4c6: {  	s11 =	sadd.s32 $0x0, s15  }
0x4c7: {  	[tilespmem:s20], [sflag:$0x2] =	stream.linear.gather [hbm4b:s11+s3], $0x600, $0x38;
	[tilespmem:$0x1D000] =	vst v63  }
0x4c8: {  	_ =	swait.ge [sflag:s21], $0x600  }
0x4c9: {  	[sflag:s21] =	ssyncset.done $0x0  }
0x4ca: {  	[sflag:s21] =	ssyncadd.s32 $0xFFFFFA00  }
0x4cb: {  	_ =	swait.ge [sflag:s22], $0x600  }
0x4cc: {  	[sflag:s22] =	ssyncset.done $0x0  }
0x4cd: {  	[sflag:s22] =	ssyncadd.s32 $0xFFFFFA00  }
0x4ce: {  	[tilespmem:s24], [sflag:$0x1] =	stream.indirect.gather [hbm4b:s8+s23], $0x80, s3, s23, $0xb8;
	[tilespmem:$0x1D000] =	vst v63  }
0x4cf: {  	_ =	swait.ge [sflag:s21], $0x4000  }
0x4d0: {  	[sflag:s21] =	ssyncset.done $0x0  }
0x4d1: {  	[sflag:s21] =	ssyncadd.s32 $0xFFFFC000  }
0x4d2: {  	[tilespmem:s25], [sflag:$0x2] =	stream.indirect.gather [hbm4b:s8+s23], $0x80, s23, s23, $0xb8;
	[tilespmem:$0x1D000] =	vst v63  }
0x4d3: {  	_ = 	snop  }
0x4d4: {  	[spmem:s2] =	stream.indirect.scatter.add.f32 [tilespmem:s24], [sflag:$0x3], $0x80, s20, s23, $0xb8;
	[tilespmem:$0x1D000] =	vst v63  }
0x4d5: {  	_ =	swait.ge [sflag:s22], $0x4000  }
0x4d6: {  	[sflag:s22] =	ssyncset.done $0x0  }
0x4d7: {  	[sflag:s22] =	ssyncadd.s32 $0xFFFFC000  }
0x4d8: {  	_ =	swait.ge [sflag:s26], $0x4000  }
0x4d9: {  	[sflag:s26] =	ssyncset.done $0x0  }
0x4da: {  	[sflag:s26] =	ssyncadd.s32 $0xFFFFC000  }
0x4db: {  	[spmem:s2] =	stream.indirect.scatter.add.f32 [tilespmem:s25], [sflag:$0x4], $0x80, s14, s23, $0xb8;
	[tilespmem:$0x1D000] =	vst v63  }
0x4dc: {  	_ =	swait.ge [sflag:s29], $0x4000  }
0x4dd: {  	[sflag:s29] =	ssyncset.done $0x0  }
0x4de: {  	[sflag:s29] =	ssyncadd.s32 $0xFFFFC000  }
0x4df: {  	[tilespmem:s24], [sflag:$0x1] =	stream.indirect.gather [hbm4b:s8+s23], $0x80, s31, s23, $0xb8;
	[tilespmem:$0x1D000] =	vst v63  }
0x4e0: {  	_ =	swait.ge [sflag:s21], $0x4000  }
0x4e1: {  	[sflag:s21] =	ssyncset.done $0x0  }
0x4e2: {  	s12 =	simm.s32 $0x180;
	[sflag:s21] =	ssyncadd.s32 $0xFFFFC000  }
0x4e3: {  	[tilespmem:s25], [sflag:$0x2] =	stream.indirect.gather [hbm4b:s8+s23], $0x80, s12, s23, $0xb8;
	[tilespmem:$0x1D000] =	vst v63  }
0x4e4: {  	_ = 	snop  }
0x4e5: {  	[spmem:s2] =	stream.indirect.scatter.add.f32 [tilespmem:s24], [sflag:$0x3], $0x80, s30, s23, $0xb8;
	[tilespmem:$0x1D000] =	vst v63  }
0x4e6: {  	_ =	swait.ge [sflag:s22], $0x4000  }
0x4e7: {  	[sflag:s22] =	ssyncset.done $0x0  }
0x4e8: {  	[sflag:s22] =	ssyncadd.s32 $0xFFFFC000  }
0x4e9: {  	_ =	swait.ge [sflag:s26], $0x4000  }
0x4ea: {  	[sflag:s26] =	ssyncset.done $0x0  }
0x4eb: {  	[sflag:s26] =	ssyncadd.s32 $0xFFFFC000  }
0x4ec: {  	[spmem:s2] =	stream.indirect.scatter.add.f32 [tilespmem:s25], [sflag:$0x4], $0x80, s28, s23, $0xb8;
	[tilespmem:$0x1D000] =	vst v63  }
0x4ed: {  	_ =	swait.ge [sflag:s29], $0x4000  }
0x4ee: {  	[sflag:s29] =	ssyncset.done $0x0  }
0x4ef: {  	[sflag:s29] =	ssyncadd.s32 $0xFFFFC000  }
0x4f0: {  	[tilespmem:s24], [sflag:$0x1] =	stream.indirect.gather [hbm4b:s8+s23], $0x80, s19, s23, $0xb8;
	[tilespmem:$0x1D000] =	vst v63  }
0x4f1: {  	_ =	swait.ge [sflag:s21], $0x4000  }
0x4f2: {  	[sflag:s21] =	ssyncset.done $0x0  }
0x4f3: {  	[sflag:s21] =	ssyncadd.s32 $0xFFFFC000  }
0x4f4: {  	[tilespmem:s25], [sflag:$0x2] =	stream.indirect.gather [hbm4b:s8+s23], $0x80, s18, s23, $0xb8;
	[tilespmem:$0x1D000] =	vst v63  }
0x4f5: {  	_ = 	snop  }
0x4f6: {  	[spmem:s2] =	stream.indirect.scatter.add.f32 [tilespmem:s24], [sflag:$0x3], $0x80, s17, s23, $0xb8;
	[tilespmem:$0x1D000] =	vst v63  }
0x4f7: {  	_ =	swait.ge [sflag:s22], $0x4000  }
0x4f8: {  	[sflag:s22] =	ssyncset.done $0x0  }
0x4f9: {  	[sflag:s22] =	ssyncadd.s32 $0xFFFFC000  }
0x4fa: {  	_ =	swait.ge [sflag:s26], $0x4000  }
0x4fb: {  	[sflag:s26] =	ssyncset.done $0x0  }
0x4fc: {  	[sflag:s26] =	ssyncadd.s32 $0xFFFFC000  }
0x4fd: {  	[spmem:s2] =	stream.indirect.scatter.add.f32 [tilespmem:s25], [sflag:$0x4], $0x80, s10, s23, $0xb8;
	[tilespmem:$0x1D000] =	vst v63  }
0x4fe: {  	_ =	swait.ge [sflag:s29], $0x4000  }
0x4ff: {  	[sflag:s29] =	ssyncset.done $0x0  }
0x500: {  	[sflag:s29] =	ssyncadd.s32 $0xFFFFC000  }
0x501: {  	[tilespmem:s24], [sflag:$0x1] =	stream.indirect.gather [hbm4b:s8+s23], $0x80, s4, s23, $0xb8;
	[tilespmem:$0x1D000] =	vst v63  }
0x502: {  	_ =	swait.ge [sflag:s21], $0x4000  }
0x503: {  	[sflag:s21] =	ssyncset.done $0x0  }
0x504: {  	[sflag:s21] =	ssyncadd.s32 $0xFFFFC000  }
0x505: {  	[tilespmem:s25], [sflag:$0x2] =	stream.indirect.gather [hbm4b:s8+s23], $0x80, s1, s23, $0xb8;
	[tilespmem:$0x1D000] =	vst v63  }
0x506: {  	_ = 	snop  }
0x507: {  	[spmem:s2] =	stream.indirect.scatter.add.f32 [tilespmem:s24], [sflag:$0x3], $0x80, s0, s23, $0xb8;
	[tilespmem:$0x1D000] =	vst v63  }
0x508: {  	_ =	swait.ge [sflag:s22], $0x4000  }
0x509: {  	[sflag:s22] =	ssyncset.done $0x0  }
0x50a: {  	[sflag:s22] =	ssyncadd.s32 $0xFFFFC000  }
0x50b: {  	_ =	swait.ge [sflag:s26], $0x4000  }
0x50c: {  	[sflag:s26] =	ssyncset.done $0x0  }
0x50d: {  	s13 =	simm.s32 $0xB80;
	[sflag:s26] =	ssyncadd.s32 $0xFFFFC000  }
0x50e: {  	[spmem:s2] =	stream.indirect.scatter.add.f32 [tilespmem:s25], [sflag:$0x4], $0x80, s13, s23, $0xb8;
	[tilespmem:$0x1D000] =	vst v63  }
0x50f: {  	_ =	swait.ge [sflag:s29], $0x4000  }
0x510: {  	[sflag:s29] =	ssyncset.done $0x0  }
0x511: {  	s14 =	simm.s32 $0x400;
	[sflag:s29] =	ssyncadd.s32 $0xFFFFC000  }
0x512: {  	[tilespmem:s24], [sflag:$0x1] =	stream.indirect.gather [hbm4b:s8+s23], $0x80, s14, s23, $0xb8;
	[tilespmem:$0x1D000] =	vst v63  }
0x513: {  	_ =	swait.ge [sflag:s21], $0x4000  }
0x514: {  	[sflag:s21] =	ssyncset.done $0x0  }
0x515: {  	s17 =	simm.s32 $0x480;
	[sflag:s21] =	ssyncadd.s32 $0xFFFFC000  }
0x516: {  	[tilespmem:s25], [sflag:$0x2] =	stream.indirect.gather [hbm4b:s8+s23], $0x80, s17, s23, $0xb8;
	[tilespmem:$0x1D000] =	vst v63  }
0x517: {  	s18 =	simm.s32 $0xC00  }
0x518: {  	[spmem:s2] =	stream.indirect.scatter.add.f32 [tilespmem:s24], [sflag:$0x3], $0x80, s18, s23, $0xb8;
	[tilespmem:$0x1D000] =	vst v63  }
0x519: {  	_ =	swait.ge [sflag:s22], $0x4000  }
0x51a: {  	[sflag:s22] =	ssyncset.done $0x0  }
0x51b: {  	[sflag:s22] =	ssyncadd.s32 $0xFFFFC000  }
0x51c: {  	_ =	swait.ge [sflag:s26], $0x4000  }
0x51d: {  	[sflag:s26] =	ssyncset.done $0x0  }
0x51e: {  	s19 =	simm.s32 $0xC80;
	[sflag:s26] =	ssyncadd.s32 $0xFFFFC000  }
0x51f: {  	[spmem:s2] =	stream.indirect.scatter.add.f32 [tilespmem:s25], [sflag:$0x4], $0x80, s19, s23, $0xb8;
	[tilespmem:$0x1D000] =	vst v63  }
0x520: {  	_ =	swait.ge [sflag:s29], $0x4000  }
0x521: {  	[sflag:s29] =	ssyncset.done $0x0  }
0x522: {  	s11 =	simm.s32 $0x500;
	[sflag:s29] =	ssyncadd.s32 $0xFFFFC000  }
0x523: {  	[tilespmem:s24], [sflag:$0x1] =	stream.indirect.gather [hbm4b:s8+s23], $0x80, s11, s23, $0xb8;
	[tilespmem:$0x1D000] =	vst v63  }
0x524: {  	_ =	swait.ge [sflag:s21], $0x4000  }
0x525: {  	[sflag:s21] =	ssyncset.done $0x0  }
0x526: {  	s12 =	simm.s32 $0x580;
	[sflag:s21] =	ssyncadd.s32 $0xFFFFC000  }
0x527: {  	[tilespmem:s25], [sflag:$0x2] =	stream.indirect.gather [hbm4b:s8+s23], $0x80, s12, s23, $0xb8;
	[tilespmem:$0x1D000] =	vst v63  }
0x528: {  	s13 =	simm.s32 $0xD00  }
0x529: {  	[spmem:s2] =	stream.indirect.scatter.add.f32 [tilespmem:s24], [sflag:$0x3], $0x80, s13, s23, $0xb8;
	[tilespmem:$0x1D000] =	vst v63  }
0x52a: {  	_ =	swait.ge [sflag:s22], $0x4000  }
0x52b: {  	s31 =	simm.s32 $0xC00;
	[sflag:s22] =	ssyncset.done $0x0  }
0x52c: {  	s30 =	simm.s32 $0xC80;
	s28 =	simm.s32 $0x500;
	[sflag:s22] =	ssyncadd.s32 $0xFFFFC000  }
0x52d: {  	s10 =	simm.s32 $0xB80;
	s4 =	simm.s32 $0xB00;
	_ =	swait.ge [sflag:s26], $0x4000  }
0x52e: {  	s1 =	simm.s32 $0x400;
	s0 =	simm.s32 $0x480;
	[sflag:s26] =	ssyncset.done $0x0  }
0x52f: {  	s14 =	simm.s32 $0xD80;
	s17 =	simm.s32 $0xD00;
	[sflag:s26] =	ssyncadd.s32 $0xFFFFC000  }
0x530: {  	[spmem:s2] =	stream.indirect.scatter.add.f32 [tilespmem:s25], [sflag:$0x4], $0x80, s14, s23, $0xb8;
	[tilespmem:$0x1D000] =	vst v63  }
0x531: {  	s18 =	simm.s32 $0xD80;
	s19 =	simm.s32 $0x580;
	_ =	swait.ge [sflag:s29], $0x4000  }
0x532: {  	s11 =	simm.s32 $0x100;
	s13 =	simm.s32 $0x200;
	[sflag:s29] =	ssyncset.done $0x0  }
.LBB2_10:
0x533: {  	s9 =	sadd.s32 s11, s16;
	[sflag:s29] =	ssyncadd.s32 $0xFFFFC000  }
0x534: {  	s14 =	smov.u32 s13;
	s12 =	sadd.s32 $0x100, s13;
	p1 =	sne.s32 s13, $0x600  }
0x535: {  	[tilespmem:s3], [sflag:$0x1] =	stream.linear.gather [hbm4b:s9+s3], $0x600, $0x38;
	[tilespmem:$0x1D000] =	vst v63  }
0x536: {  	s9 =	sadd.s32 s11, s15;
	s11 =	smov.u32 s14;
	s14 =	simm.s32 $0x880  }
0x537: {  	[tilespmem:s20], [sflag:$0x2] =	stream.linear.gather [hbm4b:s9+s3], $0x600, $0x38;
	[tilespmem:$0x1D000] =	vst v63  }
0x538: {  	_ =	swait.ge [sflag:s21], $0x600  }
0x539: {  	[sflag:s21] =	ssyncset.done $0x0  }
0x53a: {  	[sflag:s21] =	ssyncadd.s32 $0xFFFFFA00  }
0x53b: {  	_ =	swait.ge [sflag:s22], $0x600  }
0x53c: {  	[sflag:s22] =	ssyncset.done $0x0  }
0x53d: {  	[sflag:s22] =	ssyncadd.s32 $0xFFFFFA00  }
0x53e: {  	[tilespmem:s24], [sflag:$0x1] =	stream.indirect.gather [hbm4b:s8+s23], $0x80, s3, s23, $0xb8;
	[tilespmem:$0x1D000] =	vst v63  }
0x53f: {  	_ =	swait.ge [sflag:s21], $0x4000  }
0x540: {  	[sflag:s21] =	ssyncset.done $0x0  }
0x541: {  	[sflag:s21] =	ssyncadd.s32 $0xFFFFC000  }
0x542: {  	[tilespmem:s25], [sflag:$0x2] =	stream.indirect.gather [hbm4b:s8+s23], $0x80, s23, s23, $0xb8;
	[tilespmem:$0x1D000] =	vst v63  }
0x543: {  	_ = 	snop  }
0x544: {  	[spmem:s2] =	stream.indirect.scatter.add.f32 [tilespmem:s24], [sflag:$0x3], $0x80, s20, s23, $0xb8;
	[tilespmem:$0x1D000] =	vst v63  }
0x545: {  	_ =	swait.ge [sflag:s22], $0x4000  }
0x546: {  	[sflag:s22] =	ssyncset.done $0x0  }
0x547: {  	[sflag:s22] =	ssyncadd.s32 $0xFFFFC000  }
0x548: {  	_ =	swait.ge [sflag:s26], $0x4000  }
0x549: {  	[sflag:s26] =	ssyncset.done $0x0  }
0x54a: {  	[sflag:s26] =	ssyncadd.s32 $0xFFFFC000  }
0x54b: {  	[spmem:s2] =	stream.indirect.scatter.add.f32 [tilespmem:s25], [sflag:$0x4], $0x80, s14, s23, $0xb8;
	[tilespmem:$0x1D000] =	vst v63  }
0x54c: {  	_ =	swait.ge [sflag:s29], $0x4000  }
0x54d: {  	[sflag:s29] =	ssyncset.done $0x0  }
0x54e: {  	s9 =	simm.s32 $0x100;
	[sflag:s29] =	ssyncadd.s32 $0xFFFFC000  }
0x54f: {  	[tilespmem:s24], [sflag:$0x1] =	stream.indirect.gather [hbm4b:s8+s23], $0x80, s9, s23, $0xb8;
	[tilespmem:$0x1D000] =	vst v63  }
0x550: {  	_ =	swait.ge [sflag:s21], $0x4000  }
0x551: {  	[sflag:s21] =	ssyncset.done $0x0  }
0x552: {  	s9 =	simm.s32 $0x180;
	[sflag:s21] =	ssyncadd.s32 $0xFFFFC000  }
0x553: {  	[tilespmem:s25], [sflag:$0x2] =	stream.indirect.gather [hbm4b:s8+s23], $0x80, s9, s23, $0xb8;
	[tilespmem:$0x1D000] =	vst v63  }
0x554: {  	s9 =	simm.s32 $0x900  }
0x555: {  	[spmem:s2] =	stream.indirect.scatter.add.f32 [tilespmem:s24], [sflag:$0x3], $0x80, s9, s23, $0xb8;
	[tilespmem:$0x1D000] =	vst v63  }
0x556: {  	_ =	swait.ge [sflag:s22], $0x4000  }
0x557: {  	[sflag:s22] =	ssyncset.done $0x0  }
0x558: {  	[sflag:s22] =	ssyncadd.s32 $0xFFFFC000  }
0x559: {  	_ =	swait.ge [sflag:s26], $0x4000  }
0x55a: {  	[sflag:s26] =	ssyncset.done $0x0  }
0x55b: {  	s9 =	simm.s32 $0x980;
	[sflag:s26] =	ssyncadd.s32 $0xFFFFC000  }
0x55c: {  	[spmem:s2] =	stream.indirect.scatter.add.f32 [tilespmem:s25], [sflag:$0x4], $0x80, s9, s23, $0xb8;
	[tilespmem:$0x1D000] =	vst v63  }
0x55d: {  	_ =	swait.ge [sflag:s29], $0x4000  }
0x55e: {  	[sflag:s29] =	ssyncset.done $0x0  }
0x55f: {  	s9 =	simm.s32 $0x200;
	[sflag:s29] =	ssyncadd.s32 $0xFFFFC000  }
0x560: {  	[tilespmem:s24], [sflag:$0x1] =	stream.indirect.gather [hbm4b:s8+s23], $0x80, s9, s23, $0xb8;
	[tilespmem:$0x1D000] =	vst v63  }
0x561: {  	_ =	swait.ge [sflag:s21], $0x4000  }
0x562: {  	[sflag:s21] =	ssyncset.done $0x0  }
0x563: {  	s9 =	simm.s32 $0x280;
	[sflag:s21] =	ssyncadd.s32 $0xFFFFC000  }
0x564: {  	[tilespmem:s25], [sflag:$0x2] =	stream.indirect.gather [hbm4b:s8+s23], $0x80, s9, s23, $0xb8;
	[tilespmem:$0x1D000] =	vst v63  }
0x565: {  	s9 =	simm.s32 $0xA00  }
0x566: {  	[spmem:s2] =	stream.indirect.scatter.add.f32 [tilespmem:s24], [sflag:$0x3], $0x80, s9, s23, $0xb8;
	[tilespmem:$0x1D000] =	vst v63  }
0x567: {  	_ =	swait.ge [sflag:s22], $0x4000  }
0x568: {  	[sflag:s22] =	ssyncset.done $0x0  }
0x569: {  	[sflag:s22] =	ssyncadd.s32 $0xFFFFC000  }
0x56a: {  	_ =	swait.ge [sflag:s26], $0x4000  }
0x56b: {  	[sflag:s26] =	ssyncset.done $0x0  }
0x56c: {  	s9 =	simm.s32 $0xA80;
	[sflag:s26] =	ssyncadd.s32 $0xFFFFC000  }
0x56d: {  	[spmem:s2] =	stream.indirect.scatter.add.f32 [tilespmem:s25], [sflag:$0x4], $0x80, s9, s23, $0xb8;
	[tilespmem:$0x1D000] =	vst v63  }
0x56e: {  	_ =	swait.ge [sflag:s29], $0x4000  }
0x56f: {  	[sflag:s29] =	ssyncset.done $0x0  }
0x570: {  	s9 =	simm.s32 $0x300;
	[sflag:s29] =	ssyncadd.s32 $0xFFFFC000  }
0x571: {  	[tilespmem:s24], [sflag:$0x1] =	stream.indirect.gather [hbm4b:s8+s23], $0x80, s9, s23, $0xb8;
	[tilespmem:$0x1D000] =	vst v63  }
0x572: {  	_ =	swait.ge [sflag:s21], $0x4000  }
0x573: {  	[sflag:s21] =	ssyncset.done $0x0  }
0x574: {  	s9 =	simm.s32 $0x380;
	[sflag:s21] =	ssyncadd.s32 $0xFFFFC000  }
0x575: {  	[tilespmem:s25], [sflag:$0x2] =	stream.indirect.gather [hbm4b:s8+s23], $0x80, s9, s23, $0xb8;
	[tilespmem:$0x1D000] =	vst v63  }
0x576: {  	_ = 	snop  }
0x577: {  	[spmem:s2] =	stream.indirect.scatter.add.f32 [tilespmem:s24], [sflag:$0x3], $0x80, s4, s23, $0xb8;
	[tilespmem:$0x1D000] =	vst v63  }
0x578: {  	_ =	swait.ge [sflag:s22], $0x4000  }
0x579: {  	[sflag:s22] =	ssyncset.done $0x0  }
0x57a: {  	[sflag:s22] =	ssyncadd.s32 $0xFFFFC000  }
0x57b: {  	_ =	swait.ge [sflag:s26], $0x4000  }
0x57c: {  	[sflag:s26] =	ssyncset.done $0x0  }
0x57d: {  	[sflag:s26] =	ssyncadd.s32 $0xFFFFC000  }
0x57e: {  	[spmem:s2] =	stream.indirect.scatter.add.f32 [tilespmem:s25], [sflag:$0x4], $0x80, s10, s23, $0xb8;
	[tilespmem:$0x1D000] =	vst v63  }
0x57f: {  	_ =	swait.ge [sflag:s29], $0x4000  }
0x580: {  	[sflag:s29] =	ssyncset.done $0x0  }
0x581: {  	[sflag:s29] =	ssyncadd.s32 $0xFFFFC000  }
0x582: {  	[tilespmem:s24], [sflag:$0x1] =	stream.indirect.gather [hbm4b:s8+s23], $0x80, s1, s23, $0xb8;
	[tilespmem:$0x1D000] =	vst v63  }
0x583: {  	_ =	swait.ge [sflag:s21], $0x4000  }
0x584: {  	[sflag:s21] =	ssyncset.done $0x0  }
0x585: {  	[sflag:s21] =	ssyncadd.s32 $0xFFFFC000  }
0x586: {  	[tilespmem:s25], [sflag:$0x2] =	stream.indirect.gather [hbm4b:s8+s23], $0x80, s0, s23, $0xb8;
	[tilespmem:$0x1D000] =	vst v63  }
0x587: {  	_ = 	snop  }
0x588: {  	[spmem:s2] =	stream.indirect.scatter.add.f32 [tilespmem:s24], [sflag:$0x3], $0x80, s31, s23, $0xb8;
	[tilespmem:$0x1D000] =	vst v63  }
0x589: {  	_ =	swait.ge [sflag:s22], $0x4000  }
0x58a: {  	[sflag:s22] =	ssyncset.done $0x0  }
0x58b: {  	[sflag:s22] =	ssyncadd.s32 $0xFFFFC000  }
0x58c: {  	_ =	swait.ge [sflag:s26], $0x4000  }
0x58d: {  	[sflag:s26] =	ssyncset.done $0x0  }
0x58e: {  	[sflag:s26] =	ssyncadd.s32 $0xFFFFC000  }
0x58f: {  	[spmem:s2] =	stream.indirect.scatter.add.f32 [tilespmem:s25], [sflag:$0x4], $0x80, s30, s23, $0xb8;
	[tilespmem:$0x1D000] =	vst v63  }
0x590: {  	_ =	swait.ge [sflag:s29], $0x4000  }
0x591: {  	[sflag:s29] =	ssyncset.done $0x0  }
0x592: {  	[sflag:s29] =	ssyncadd.s32 $0xFFFFC000  }
0x593: {  	[tilespmem:s24], [sflag:$0x1] =	stream.indirect.gather [hbm4b:s8+s23], $0x80, s28, s23, $0xb8;
	[tilespmem:$0x1D000] =	vst v63  }
0x594: {  	_ =	swait.ge [sflag:s21], $0x4000  }
0x595: {  	[sflag:s21] =	ssyncset.done $0x0  }
0x596: {  	[sflag:s21] =	ssyncadd.s32 $0xFFFFC000  }
0x597: {  	[tilespmem:s25], [sflag:$0x2] =	stream.indirect.gather [hbm4b:s8+s23], $0x80, s19, s23, $0xb8;
	[tilespmem:$0x1D000] =	vst v63  }
0x598: {  	_ = 	snop  }
0x599: {  	[spmem:s2] =	stream.indirect.scatter.add.f32 [tilespmem:s24], [sflag:$0x3], $0x80, s17, s23, $0xb8;
	[tilespmem:$0x1D000] =	vst v63  }
0x59a: {  	_ =	swait.ge [sflag:s22], $0x4000  }
0x59b: {  	[sflag:s22] =	ssyncset.done $0x0  }
0x59c: {  	[sflag:s22] =	ssyncadd.s32 $0xFFFFC000  }
0x59d: {  	_ =	swait.ge [sflag:s26], $0x4000  }
.Ltmp7:
0x59e: {  	[sflag:s26] =	ssyncset.done $0x0;
	(pc) =	sbr.rel @p1 .LBB2_10-.Ltmp7, $4  }
0x59f: {  	[sflag:s26] =	ssyncadd.s32 $0xFFFFC000  }
0x5a0: {  	[spmem:s2] =	stream.indirect.scatter.add.f32 [tilespmem:s25], [sflag:$0x4], $0x80, s18, s23, $0xb8;
	[tilespmem:$0x1D000] =	vst v63  }
0x5a1: {  	_ =	swait.ge [sflag:s29], $0x4000  }
0x5a2: {  	s13 =	smov.u32 s12;
	[sflag:s29] =	ssyncset.done $0x0  }
.Ltmp8:
0x5a3: {  	_ = 	snop;
	(pc) =	sbr.rel .LBB2_11-.Ltmp8, $1  }
0x5a4: {  	_ =	sdelay $0x3  }
.LBB2_13:
0x5a5: {  	_ =	sfence.sel $0x180000  }
0x5a6: {  	[bflag:$0x0] =	sbarrier.arrive $0xFFFF  }
0x5a7: {  	_ =	strace $0x9000004A  }
0x5a8: {  	s0 =	stileid.u32;
	[bflag:$0x2] =	sbarrier.arrive $0xFFFF  }
0x5a9: {  	p0 =	sne.s32 s0, $0x0;
	s0 =	rddreg [dreg:$0x3]  }
0x5aa: {  	s0 =	sadd.s32 @!p0 $0x100000, s0  }
0x5ab: {  	[sflag:s0] =	ssyncadd.tile.s32 @!p0 $0x1;
	_ =	shalt  }
.Lfunc_end2:
_tile_overlayer_lowered:
.L_overlay_start_2:
0x5ac: {  	(tag) =	ssettag $0x2  }
0x5ad: {  	s0 =	rddreg [dreg:$0x0];
	s2 =	stileid.u32  }
0x5ae: {  	s1 =	rddreg [dreg:$0x1];
	p0 =	sne.s32 s2, $0x0  }
0x5af: {  	s3 =	rddreg [dreg:$0x2];
	[bflag:$0x3] =	sbarrier.arrive $0xFFFF;
	s2 =	simm.s32 @!p0 $0x1C05  }
0x5b0: {  	[timem:s3], [sflag:s2] =	dma.local @!p0 [hbm:s0], s1  }
0x5b1: {  	s0 =	simm.s32 @!p0 $0x5  }
0x5b2: {  	_ =	swait.ge @!p0 [sflag:s0], s1  }
0x5b3: {  	s1 =	ssub.s32 @!p0 $0x0, s1;
	[sflag:s0] =	ssyncset.done @!p0 $0x0  }
0x5b4: {  	[sflag:s0] =	ssyncadd.s32 @!p0 s1  }
0x5b5: {  	[bflag:$0x3] =	sbarrier.arrive $0xFFFF  }
0x5b6: {  	_ =	shalt  }

// kernel: kernel.17.cloned.1.call-start
scs
__scs_entry_jumppad:
0x0: {  	(pc) =	sbr.rel $0x88, $3  }
0x1: {  	(tag) =	ssettag $0x0;
	lr =	simm.s32 $0x1  }
0x2: {  	[smem:$0x3F99] =	sst lr;
	_ =	strace $0xD0000000  }
0x3: {  	_ = 	snop  }
0x4: {  	_ = 	snop  }
0x5: {  	_ = 	snop  }
0x6: {  	_ = 	snop  }
0x7: {  	_ = 	snop  }
__scs_overlays_trampoline_lowered:
0x8: {  	[smem:$0x3FA8] =	sst s0  }
0x9: {  	[smem:$0x3FA9] =	sst s1  }
0xa: {  	[smem:$0x3FAA] =	sst s2  }
0xb: {  	[smem:$0x3FAB] =	sst s3  }
0xc: {  	[smem:$0x3FAC] =	sst s4  }
0xd: {  	[smem:$0x3FAD] =	sst s5  }
0xe: {  	[smem:$0x3FAE] =	sst s6  }
0xf: {  	[smem:$0x3FAF] =	sst s7  }
0x10: {  	[smem:$0x3FB0] =	sst s8  }
0x11: {  	[smem:$0x3FB1] =	sst s9;
	s0 =	simm.s32 @!p0 $0x0  }
0x12: {  	s1 =	sld [smem:$0x3F97];
	s0 =	simm.s32 @p0 $0x1  }
0x13: {  	[smem:$0x3FB2] =	sst s0;
	s0 =	simm.s32 @!p1 $0x0  }
0x14: {  	s2 =	sld [smem:$0x3F96];
	s0 =	simm.s32 @p1 $0x1  }
0x15: {  	[smem:$0x3FB3] =	sst s0;
	s0 =	simm.s32 @!p2 $0x0  }
0x16: {  	s3 =	sld [smem:$0x3FDB];
	s0 =	simm.s32 @p2 $0x1  }
0x17: {  	s4 =	simm.s32 $0x1BF5;
	[smem:$0x3FB5] =	sst s0  }
0x18: {  	s0 =	sld [smem:$0x3F98];
	_ =	swait.ge [sflag:s4], $0x0  }
0x19: {  	s7 =	sld [smem:$0x3F99]  }
0x1a: {  	s8 =	sadd.s32 $0xFFFFE003, lr  }
0x1b: {  	s9 =	sadd.s32 $0xFFFFFEF7, lr;
	s5 =	simm.s32 $0xFFFFFFFF;
	p2 =	slt.u32 s8, $0xFFFFF086  }
0x1c: {  	p1 =	slt.u32 s9, $0xF7A;
	s5 =	simm.s32 @!p2 $0x0  }
0x1d: {  	s5 =	simm.s32 @p1 $0x1;
	p0 =	seq.s32 s7, s2  }
0x1e: {  	s7 =	smul.u32 @!p0 $0xF7A, s2;
	p2 =	seq.s32 @!p0 s5, $0x0  }
0x1f: {  	s9 =	smul.u32 $0xF7A, s1;
	s8 =	simm.s32 @!p0 $0x1BF5;
	p2 =	por !p2, p0  }
0x20: {  	[sflag:s8] =	ssyncset.s32 @!p0 $0xFFFFF086;
	s6 =	sadd.s32 @!p0 s3, s7;
	s7 =	simm.s32 @!p0 $0x108  }
0x21: {  	s3 =	sadd.s32 s3, s9;
	s6 =	sadd.s32 @!p0 $0x88, s6;
	s7 =	simm.s32 @p2 $0x1082  }
0x22: {  	[simem:s7], [sflag:s8] =	dma.local @!p0 [hbm:s6], $0xF7A  }
0x23: {  	s9 =	sor.u32 $0xD0000000, s2;
	s6 =	simm.s32 $0x108;
	_ =	swait.ge @!p0 [sflag:s8], $0x0  }
0x24: {  	s3 =	sadd.s32 $0x88, s3;
	s6 =	simm.s32 @!p1 $0x1082;
	[sflag:s4] =	ssyncset.s32 $0xFFFFF086  }
0x25: {  	[simem:s6], [sflag:s4] =	dma.local [hbm:s3], $0xF7A  }
0x26: {  	[smem:$0x3F99] =	sst s1;
	(tag) =	ssettag s2;
	_ =	strace s9  }
0x27: {  	s1 =	sld [smem:$0x3FA9]  }
0x28: {  	s2 =	sld [smem:$0x3FAA]  }
0x29: {  	s4 =	sld [smem:$0x3FAC]  }
0x2a: {  	p0 =	seq.s32 s5, $0x0;
	s5 =	sld [smem:$0x3FAD]  }
0x2b: {  	s6 =	sld [smem:$0x3FAE]  }
0x2c: {  	s7 =	sld [smem:$0x3FAF]  }
0x2d: {  	s3 =	simm.s32 $0x108;
	s8 =	sld [smem:$0x3FB0]  }
0x2e: {  	s3 =	simm.s32 @!p0 $0x1082;
	s9 =	sld [smem:$0x3FB1]  }
0x2f: {  	lr =	sadd.s32 s0, s3;
	s0 =	sld [smem:$0x3FA8]  }
0x30: {  	s3 =	sld [smem:$0x3FAB]  }
0x31: {  	[smem:$0x3FB4] =	sst s10  }
0x32: {  	s10 =	sld [smem:$0x3FB2];
	_ =	sdelay $0x3  }
0x33: {  	p0 =	seq.s32 s10, $0x1;
	s10 =	sld [smem:$0x3FB4];
	_ =	sdelay $0x3  }
0x34: {  	[smem:$0x3FB4] =	sst s10  }
0x35: {  	s10 =	sld [smem:$0x3FB3];
	_ =	sdelay $0x3  }
0x36: {  	p1 =	seq.s32 s10, $0x1;
	s10 =	sld [smem:$0x3FB4];
	_ =	sdelay $0x3  }
0x37: {  	[smem:$0x3FB4] =	sst s10  }
0x38: {  	s10 =	sld [smem:$0x3FB5]  }
0x39: {  	_ = 	snop;
	(pc) =	sbr.ind lr, $3  }
0x3a: {  	_ = 	snop  }
0x3b: {  	_ = 	snop  }
0x3c: {  	p2 =	seq.s32 s10, $0x1;
	s10 =	sld [smem:$0x3FB4]  }
0x3d: {  	_ =	shalt  }
0x3e: {  	_ =	shalt  }
0x3f: {  	_ =	shalt  }
0x40: {  	_ =	shalt  }
0x41: {  	_ =	shalt  }
0x42: {  	_ =	shalt  }
0x43: {  	_ =	shalt  }
0x44: {  	_ =	shalt  }
0x45: {  	_ =	shalt  }
0x46: {  	_ =	shalt  }
0x47: {  	_ =	shalt  }
0x48: {  	_ =	shalt  }
0x49: {  	_ =	shalt  }
0x4a: {  	_ =	shalt  }
0x4b: {  	_ =	shalt  }
0x4c: {  	_ =	shalt  }
0x4d: {  	_ =	shalt  }
0x4e: {  	_ =	shalt  }
0x4f: {  	_ =	shalt  }
0x50: {  	_ =	shalt  }
0x51: {  	_ =	shalt  }
0x52: {  	_ =	shalt  }
0x53: {  	_ =	shalt  }
0x54: {  	_ =	shalt  }
0x55: {  	_ =	shalt  }
0x56: {  	_ =	shalt  }
0x57: {  	_ =	shalt  }
0x58: {  	_ =	shalt  }
0x59: {  	_ =	shalt  }
0x5a: {  	_ =	shalt  }
0x5b: {  	_ =	shalt  }
0x5c: {  	_ =	shalt  }
0x5d: {  	_ =	shalt  }
0x5e: {  	_ =	shalt  }
0x5f: {  	_ =	shalt  }
0x60: {  	_ =	shalt  }
0x61: {  	_ =	shalt  }
0x62: {  	_ =	shalt  }
0x63: {  	_ =	shalt  }
0x64: {  	_ =	shalt  }
0x65: {  	_ =	shalt  }
0x66: {  	_ =	shalt  }
0x67: {  	_ =	shalt  }
0x68: {  	_ =	shalt  }
0x69: {  	_ =	shalt  }
0x6a: {  	_ =	shalt  }
0x6b: {  	_ =	shalt  }
0x6c: {  	_ =	shalt  }
0x6d: {  	_ =	shalt  }
0x6e: {  	_ =	shalt  }
0x6f: {  	_ =	shalt  }
0x70: {  	_ =	shalt  }
0x71: {  	_ =	shalt  }
0x72: {  	_ =	shalt  }
0x73: {  	_ =	shalt  }
0x74: {  	_ =	shalt  }
0x75: {  	_ =	shalt  }
0x76: {  	_ =	shalt  }
0x77: {  	_ =	shalt  }
0x78: {  	_ =	shalt  }
0x79: {  	_ =	shalt  }
0x7a: {  	_ =	shalt  }
0x7b: {  	_ =	shalt  }
0x7c: {  	_ =	shalt  }
0x7d: {  	_ =	shalt  }
0x7e: {  	_ =	shalt  }
0x7f: {  	_ =	shalt  }
0x80: {  	_ =	shalt  }
0x81: {  	_ =	shalt  }
0x82: {  	_ =	shalt  }
0x83: {  	_ =	shalt  }
0x84: {  	_ =	shalt  }
0x85: {  	_ =	shalt  }
0x86: {  	_ =	shalt  }
0x87: {  	_ =	shalt  }
.Lfunc_end0:
.L_simem_size_0:
called_computation.2_lowered:
.L_overlay_start_0:
0x88: {  	s2 =	sld [smem:$0x3FD9]  }
0x89: {  	s3 =	sld [smem:$0x3FFE];
	_ =	sdelay $0x1  }
0x8a: {  	s1 =	srdreg.scid  }
0x8b: {  	s0 =	sand.u32 $0x1, s1  }
0x8c: {  	s17 =	sshll.u32 s0, $0xA;
	s2 =	sadd.s32 s3, s2  }
0x8d: {  	s2 =	sadd.s32 s2, s17  }
0x8e: {  	[smem:$0x3FC0] =	sst s2  }
0x8f: {  	_ = 	snop  }
0x90: {  	s2 =	sld [smem:$0x3FD0];
	(tm) =	ssettm $0x1  }
0x91: {  	s18 =	sld [smem:$0x3FFB];
	_ =	sdelay $0x3  }
0x92: {  	_ =	strace s18  }
0x93: {  	s3 =	sld [smem:$0x3FFC];
	_ =	sdelay $0x3  }
0x94: {  	_ =	strace s3  }
0x95: {  	s3 =	sld [smem:$0x3FFD];
	_ =	sdelay $0x3  }
0x96: {  	_ =	strace s3  }
0x97: {  	_ =	strace $0x8FFFFFFF  }
0x98: {  	s19 =	sld [smem:$0x3FDB];
	_ =	sdelay $0x1  }
0x99: {  	s4 =	simm.s32 $_scs_section_size  }
0x9a: {  	s5 =	simm.s32 $_size__tile_overlayer_lowered;
	s6 =	simm.s32 $_tile_overlayer_lowered  }
0x9b: {  	s22 =	simm.s32 $0x1BFF;
	s21 =	sshll.u32 s6, $0x1;
	s3 =	sadd.s32 s4, s19  }
0x9c: {  	s7 =	simm.s32 $0x0;
	s20 =	sshll.u32 s5, $0x1;
	s5 =	sadd.s32 s21, s3  }
0x9d: {  	[timem:s7], [sflag:s22] =	dma.local [hbm:s5], s20  }
0x9e: {  	_ =	swait.ge [sflag:s22], s20  }
0x9f: {  	s4 =	ssub.s32 $0x0, s20;
	[sflag:s22] =	ssyncset.done $0x0  }
0xa0: {  	[sflag:s22] =	ssyncadd.s32 s4;
	_ =	sdelay $0x1  }
0xa1: {  	s23 =	simm.s32 $0x1B8B  }
0xa2: {  	_ =	swait.ge [sflag:s23], $0x1  }
0xa3: {  	[sflag:s23] =	ssyncset.done $0x0  }
0xa4: {  	s25 =	simm.s32 $0x1B8E;
	s24 =	sld [smem:$0x3FFE];
	[sflag:s23] =	ssyncadd.s32 $0xFFFFFFFF  }
0xa5: {  	s26 =	simm.s32 $execute0_lowered;
	[smem:$0x3FD2] =	sst s25  }
0xa6: {  	s5 =	sshll.u32 s26, $0x1;
	_ =	strace $0x8000004C;
	[dreg:$0x1] =	wrdreg $0xFFFFFFFF  }
0xa7: {  	s28 =	simm.s32 $_size_execute0_lowered;
	s3 =	sadd.s32 s3, s5;
	[dreg:$0x0] =	wrdreg $0x0  }
0xa8: {  	s5 =	sshll.u32 s28, $0x1;
	[dreg:$0x2] =	wrdreg s3  }
0xa9: {  	[dreg:$0x3] =	wrdreg s5  }
0xaa: {  	[dreg:$0x4] =	wrdreg $0xC0  }
0xab: {  	_ =	task [dreg:s7], $0x5FFFF  }
0xac: {  	[dreg:$0x1] =	wrdreg $0xFFFFFFFF  }
0xad: {  	[dreg:$0x0] =	wrdreg $0x60  }
0xae: {  	[dreg:$0x2] =	wrdreg s2  }
0xaf: {  	[dreg:$0x3] =	wrdreg s24  }
0xb0: {  	[dreg:$0x4] =	wrdreg $0x90000  }
0xb1: {  	[dreg:$0x5] =	wrdreg $0x9  }
0xb2: {  	_ =	task.clear_ibuf [dreg:s7], $0x6FFFF;
	_ =	strace $0x9000004C  }
0xb3: {  	s29 =	simm.s32 $0x9;
	_ =	strace $0x8000004E  }
0xb4: {  	_ =	swait.ge [sflag:s29], $0x1  }
0xb5: {  	[sflag:s29] =	ssyncadd.s32 $0xFFFFFFFF  }
0xb6: {  	_ =	strace $0x9000004E  }
0xb7: {  	_ =	sfence  }
0xb8: {  	s30 =	sld [smem:$0x0];
	_ =	sdelay $0x2  }
0xb9: {  	s31 =	sshll.u32 s1, $0xD;
	s1 =	sshrl.u32 s1, $0x2  }
0xba: {  	s3 =	sand.u32 $0x4000, s31;
	s1 =	sadd.s32 s1, s30  }
0xbb: {  	s0 =	sor.u32 s3, s0;
	s1 =	sshll.u32 s1, $0x11  }
0xbc: {  	s0 =	sor.u32 s1, s0  }
0xbd: {  	s0 =	sadd.s32 $0x8F2B, s0  }
0xbe: {  	[sflag:s0] =	ssyncadd.remote.s32 $0x1  }
0xbf: {  	_ =	sfence.sel $0xFFFF  }
0xc0: {  	[dreg:$0x0] =	wrdreg $0xFFFFFFFF;
	(pc) =	sbr.abs _section_cstart, $3  }
0xc1: {  	[dreg:$0x1] =	wrdreg $0xFFFFFFFF  }
0xc2: {  	_ =	task.clear_ibuf [dreg:s7], $0x2FFFF;
	_ =	strace $0x9FFFFFFF  }
0xc3: {  	(tm) =	ssettm $0x7FFFFFFF  }
tec
execute0_lowered:
.L_overlay_start_1:
0x0: {  	(tag) =	ssettag $0x1  }
0x1: {  	s0 =	rddreg [dreg:$0x0]  }
0x2: {  	s1 =	rddreg [dreg:$0x1]  }
0x3: {  	s2 =	rddreg [dreg:$0x2];
	s3 =	simm.s32 $0x0;
	s14 =	stileid.u32  }
0x4: {  	s6 =	srdreg.scid;
	s30 =	simm.s32 $0x5;
	s16 =	simm.s32 $0x800  }
0x5: {  	s17 =	simm.s32 $0x1;
	s18 =	simm.s32 $0x2;
	s19 =	simm.s32 $0x80  }
0x6: {  	s20 =	simm.s32 $0x1000;
	s21 =	simm.s32 $0x5000;
	s4 =	smul.u32 $0x700, s14  }
0x7: {  	s15 =	simm.s32 $0xA00;
	s28 =	simm.s32 $0xB00;
	s9 =	smul.u32 $0x50000, s14  }
0x8: {  	s31 =	simm.s32 $0xB80;
	s29 =	simm.s32 $0x0;
	s11 =	smul.u32 $0x13C00, s14  }
0x9: {  	[smem:$0x7FF] =	sst s3;
	s5 =	sadd.s32 $0x4EA00, s1;
	s13 =	smul.u32 $0x4F000, s14  }
0xa: {  	s8 =	sand.u32 $0x1, s6;
	s6 =	sadd.s32 $0x600, s1;
	s23 =	smul.u32 $0x2780, s14  }
0xb: {  	s25 =	sshll.u32 s14, $0x6;
	s14 =	simm.s32 $0x200;
	_ =	strace $0x8000004D  }
0xc: {  	[dreg:$0x4] =	wrdreg s5;
	s5 =	sadd.s32 $0x27800, s1;
	s10 =	ssub.s32 $0x2, s8  }
0xd: {  	p0 =	sne.s32 s8, $0x0;
	s8 =	simm.s32 $0x880;
	s7 =	sadd.s32 s4, s1  }
0xe: {  	s1 =	sadd.s32 $0x5F600, s1;
	s12 =	sshrl.u32 s10, $0x1;
	s9 =	sshrl.u32 s9, $0x2  }
0xf: {  	s11 =	sshrl.u32 s11, $0x3;
	s22 =	sshrl.u32 s13, $0x2;
	s13 =	simm.s32 $0x280  }
0x10: {  	s10 =	ssub.s32 s10, s12;
	s11 =	sadd.s32 s1, s11;
	s9 =	sadd.s32 s9, s2  }
0x11: {  	s12 =	sadd.s32 s22, s2;
	s1 =	sadd.s32 s1, s23;
	s22 =	simm.s32 $0x3  }
0x12: {  	s23 =	simm.s32 $0xA80;
	[dreg:$0x5] =	wrdreg s12;
	s11 =	sadd.s32 $0x27800, s11  }
0x13: {  	[dreg:$0x7] =	wrdreg s1;
	s24 =	smax.u32 s10, $0x1;
	s12 =	sadd.s32 s4, s0  }
.Ltmp0:
0x14: {  	s1 =	sor.u32 $0x1C05, s25;
	s26 =	sshrl.u32 s9, $0x3;
	(pc) =	sbr.rel .LBB2_1-.Ltmp0, $4  }
0x15: {  	s9 =	simm.s32 $0x100;
	s4 =	simm.s32 $0x180;
	[dreg:$0x6] =	wrdreg s11  }
0x16: {  	s10 =	simm.s32 $0x980;
	s25 =	simm.s32 $0x300;
	[dreg:$0x8] =	wrdreg s24  }
0x17: {  	s11 =	sadd.s32 $0x58600, s7;
	[dreg:$0xa] =	wrdreg s26;
	s24 =	simm.s32 $0x4  }
0x18: {  	s7 =	simm.s32 $0x900;
	s26 =	simm.s32 $0x380;
	[dreg:$0x9] =	wrdreg s1  }
.LBB2_7:
0x19: {  	s0 =	sadd.s32 s29, s12;
	[sflag:s24] =	ssyncadd.s32 $0xFFFFC000  }
0x1a: {  	[tilespmem:s3], [sflag:$0x1] =	stream.linear.gather [hbm4b:s0+s3], $0x600, $0x38;
	[tilespmem:$0x1D000] =	vst v63  }
0x1b: {  	s0 =	sadd.s32 s29, s11  }
0x1c: {  	[tilespmem:s16], [sflag:$0x2] =	stream.linear.gather [hbm4b:s0+s3], $0x600, $0x38;
	[tilespmem:$0x1D000] =	vst v63  }
0x1d: {  	_ =	swait.ge [sflag:s17], $0x600  }
0x1e: {  	[sflag:s17] =	ssyncset.done $0x0  }
0x1f: {  	[sflag:s17] =	ssyncadd.s32 $0xFFFFFA00  }
0x20: {  	_ =	swait.ge [sflag:s18], $0x600  }
0x21: {  	[sflag:s18] =	ssyncset.done $0x0  }
0x22: {  	[sflag:s18] =	ssyncadd.s32 $0xFFFFFA00  }
0x23: {  	[tilespmem:s20], [sflag:$0x1] =	stream.indirect.gather [hbm4b:s6+s19], $0x80, s3, s19, $0xb8;
	[tilespmem:$0x1D000] =	vst v63  }
0x24: {  	_ =	swait.ge [sflag:s17], $0x4000  }
0x25: {  	[sflag:s17] =	ssyncset.done $0x0  }
0x26: {  	[sflag:s17] =	ssyncadd.s32 $0xFFFFC000  }
0x27: {  	[tilespmem:s21], [sflag:$0x2] =	stream.indirect.gather [hbm4b:s6+s19], $0x80, s19, s19, $0xb8;
	[tilespmem:$0x1D000] =	vst v63  }
0x28: {  	_ = 	snop  }
0x29: {  	[spmem:s2] =	stream.indirect.scatter.add.f32 [tilespmem:s20], [sflag:$0x3], $0x80, s16, s19, $0xb8;
	[tilespmem:$0x1D000] =	vst v63  }
0x2a: {  	_ =	swait.ge [sflag:s18], $0x4000  }
0x2b: {  	[sflag:s18] =	ssyncset.done $0x0  }
0x2c: {  	[sflag:s18] =	ssyncadd.s32 $0xFFFFC000  }
0x2d: {  	_ =	swait.ge [sflag:s22], $0x4000  }
0x2e: {  	[sflag:s22] =	ssyncset.done $0x0  }
0x2f: {  	[sflag:s22] =	ssyncadd.s32 $0xFFFFC000  }
0x30: {  	[spmem:s2] =	stream.indirect.scatter.add.f32 [tilespmem:s21], [sflag:$0x4], $0x80, s8, s19, $0xb8;
	[tilespmem:$0x1D000] =	vst v63  }
0x31: {  	_ =	swait.ge [sflag:s24], $0x4000  }
0x32: {  	[sflag:s24] =	ssyncset.done $0x0  }
0x33: {  	[sflag:s24] =	ssyncadd.s32 $0xFFFFC000  }
0x34: {  	[tilespmem:s20], [sflag:$0x1] =	stream.indirect.gather [hbm4b:s6+s19], $0x80, s9, s19, $0xb8;
	[tilespmem:$0x1D000] =	vst v63  }
0x35: {  	_ =	swait.ge [sflag:s17], $0x4000  }
0x36: {  	[sflag:s17] =	ssyncset.done $0x0  }
0x37: {  	[sflag:s17] =	ssyncadd.s32 $0xFFFFC000  }
0x38: {  	[tilespmem:s21], [sflag:$0x2] =	stream.indirect.gather [hbm4b:s6+s19], $0x80, s4, s19, $0xb8;
	[tilespmem:$0x1D000] =	vst v63  }
0x39: {  	_ = 	snop  }
0x3a: {  	[spmem:s2] =	stream.indirect.scatter.add.f32 [tilespmem:s20], [sflag:$0x3], $0x80, s7, s19, $0xb8;
	[tilespmem:$0x1D000] =	vst v63  }
0x3b: {  	_ =	swait.ge [sflag:s18], $0x4000  }
0x3c: {  	[sflag:s18] =	ssyncset.done $0x0  }
0x3d: {  	[sflag:s18] =	ssyncadd.s32 $0xFFFFC000  }
0x3e: {  	_ =	swait.ge [sflag:s22], $0x4000  }
0x3f: {  	[sflag:s22] =	ssyncset.done $0x0  }
0x40: {  	[sflag:s22] =	ssyncadd.s32 $0xFFFFC000  }
0x41: {  	[spmem:s2] =	stream.indirect.scatter.add.f32 [tilespmem:s21], [sflag:$0x4], $0x80, s10, s19, $0xb8;
	[tilespmem:$0x1D000] =	vst v63  }
0x42: {  	_ =	swait.ge [sflag:s24], $0x4000  }
0x43: {  	[sflag:s24] =	ssyncset.done $0x0  }
0x44: {  	[sflag:s24] =	ssyncadd.s32 $0xFFFFC000  }
0x45: {  	[tilespmem:s20], [sflag:$0x1] =	stream.indirect.gather [hbm4b:s6+s19], $0x80, s14, s19, $0xb8;
	[tilespmem:$0x1D000] =	vst v63  }
0x46: {  	_ =	swait.ge [sflag:s17], $0x4000  }
0x47: {  	[sflag:s17] =	ssyncset.done $0x0  }
0x48: {  	[sflag:s17] =	ssyncadd.s32 $0xFFFFC000  }
0x49: {  	[tilespmem:s21], [sflag:$0x2] =	stream.indirect.gather [hbm4b:s6+s19], $0x80, s13, s19, $0xb8;
	[tilespmem:$0x1D000] =	vst v63  }
0x4a: {  	_ = 	snop  }
0x4b: {  	[spmem:s2] =	stream.indirect.scatter.add.f32 [tilespmem:s20], [sflag:$0x3], $0x80, s15, s19, $0xb8;
	[tilespmem:$0x1D000] =	vst v63  }
0x4c: {  	_ =	swait.ge [sflag:s18], $0x4000  }
0x4d: {  	[sflag:s18] =	ssyncset.done $0x0  }
0x4e: {  	[sflag:s18] =	ssyncadd.s32 $0xFFFFC000  }
0x4f: {  	_ =	swait.ge [sflag:s22], $0x4000  }
0x50: {  	[sflag:s22] =	ssyncset.done $0x0  }
0x51: {  	[sflag:s22] =	ssyncadd.s32 $0xFFFFC000  }
0x52: {  	[spmem:s2] =	stream.indirect.scatter.add.f32 [tilespmem:s21], [sflag:$0x4], $0x80, s23, s19, $0xb8;
	[tilespmem:$0x1D000] =	vst v63  }
0x53: {  	_ =	swait.ge [sflag:s24], $0x4000  }
0x54: {  	[sflag:s24] =	ssyncset.done $0x0  }
0x55: {  	[sflag:s24] =	ssyncadd.s32 $0xFFFFC000  }
0x56: {  	[tilespmem:s20], [sflag:$0x1] =	stream.indirect.gather [hbm4b:s6+s19], $0x80, s25, s19, $0xb8;
	[tilespmem:$0x1D000] =	vst v63  }
0x57: {  	_ =	swait.ge [sflag:s17], $0x4000  }
0x58: {  	[sflag:s17] =	ssyncset.done $0x0  }
0x59: {  	[sflag:s17] =	ssyncadd.s32 $0xFFFFC000  }
0x5a: {  	[tilespmem:s21], [sflag:$0x2] =	stream.indirect.gather [hbm4b:s6+s19], $0x80, s26, s19, $0xb8;
	[tilespmem:$0x1D000] =	vst v63  }
0x5b: {  	_ = 	snop  }
0x5c: {  	[spmem:s2] =	stream.indirect.scatter.add.f32 [tilespmem:s20], [sflag:$0x3], $0x80, s28, s19, $0xb8;
	[tilespmem:$0x1D000] =	vst v63  }
0x5d: {  	_ =	swait.ge [sflag:s18], $0x4000  }
0x5e: {  	[sflag:s18] =	ssyncset.done $0x0  }
0x5f: {  	[sflag:s18] =	ssyncadd.s32 $0xFFFFC000  }
0x60: {  	_ =	swait.ge [sflag:s22], $0x4000  }
0x61: {  	[sflag:s22] =	ssyncset.done $0x0  }
0x62: {  	s7 =	simm.s32 $0xB80;
	[sflag:s22] =	ssyncadd.s32 $0xFFFFC000  }
0x63: {  	[spmem:s2] =	stream.indirect.scatter.add.f32 [tilespmem:s21], [sflag:$0x4], $0x80, s7, s19, $0xb8;
	[tilespmem:$0x1D000] =	vst v63  }
0x64: {  	_ =	swait.ge [sflag:s24], $0x4000  }
0x65: {  	[sflag:s24] =	ssyncset.done $0x0  }
0x66: {  	[sflag:s24] =	ssyncadd.s32 $0xFFFFC000  }
0x67: {  	[tilespmem:s20], [sflag:$0x1] =	stream.indirect.gather [hbm4b:s6+s19], $0x80, s1, s19, $0xb8;
	[tilespmem:$0x1D000] =	vst v63  }
0x68: {  	_ =	swait.ge [sflag:s17], $0x4000  }
0x69: {  	[sflag:s17] =	ssyncset.done $0x0  }
0x6a: {  	s8 =	simm.s32 $0x480;
	[sflag:s17] =	ssyncadd.s32 $0xFFFFC000  }
0x6b: {  	[tilespmem:s21], [sflag:$0x2] =	stream.indirect.gather [hbm4b:s6+s19], $0x80, s8, s19, $0xb8;
	[tilespmem:$0x1D000] =	vst v63  }
0x6c: {  	s9 =	simm.s32 $0xC00  }
0x6d: {  	[spmem:s2] =	stream.indirect.scatter.add.f32 [tilespmem:s20], [sflag:$0x3], $0x80, s9, s19, $0xb8;
	[tilespmem:$0x1D000] =	vst v63  }
0x6e: {  	_ =	swait.ge [sflag:s18], $0x4000  }
0x6f: {  	[sflag:s18] =	ssyncset.done $0x0  }
0x70: {  	[sflag:s18] =	ssyncadd.s32 $0xFFFFC000  }
0x71: {  	_ =	swait.ge [sflag:s22], $0x4000  }
0x72: {  	[sflag:s22] =	ssyncset.done $0x0  }
0x73: {  	s10 =	simm.s32 $0xC80;
	[sflag:s22] =	ssyncadd.s32 $0xFFFFC000  }
0x74: {  	[spmem:s2] =	stream.indirect.scatter.add.f32 [tilespmem:s21], [sflag:$0x4], $0x80, s10, s19, $0xb8;
	[tilespmem:$0x1D000] =	vst v63  }
0x75: {  	_ =	swait.ge [sflag:s24], $0x4000  }
0x76: {  	[sflag:s24] =	ssyncset.done $0x0  }
0x77: {  	s13 =	simm.s32 $0x500;
	[sflag:s24] =	ssyncadd.s32 $0xFFFFC000  }
0x78: {  	[tilespmem:s20], [sflag:$0x1] =	stream.indirect.gather [hbm4b:s6+s19], $0x80, s13, s19, $0xb8;
	[tilespmem:$0x1D000] =	vst v63  }
0x79: {  	_ =	swait.ge [sflag:s17], $0x4000  }
0x7a: {  	[sflag:s17] =	ssyncset.done $0x0  }
0x7b: {  	s14 =	simm.s32 $0x580;
	[sflag:s17] =	ssyncadd.s32 $0xFFFFC000  }
0x7c: {  	[tilespmem:s21], [sflag:$0x2] =	stream.indirect.gather [hbm4b:s6+s19], $0x80, s14, s19, $0xb8;
	[tilespmem:$0x1D000] =	vst v63  }
0x7d: {  	s15 =	simm.s32 $0xD00  }
0x7e: {  	[spmem:s2] =	stream.indirect.scatter.add.f32 [tilespmem:s20], [sflag:$0x3], $0x80, s15, s19, $0xb8;
	[tilespmem:$0x1D000] =	vst v63  }
0x7f: {  	_ =	swait.ge [sflag:s18], $0x4000  }
0x80: {  	[sflag:s18] =	ssyncset.done $0x0  }
0x81: {  	[sflag:s18] =	ssyncadd.s32 $0xFFFFC000  }
0x82: {  	_ =	swait.ge [sflag:s22], $0x4000  }
0x83: {  	[sflag:s22] =	ssyncset.done $0x0  }
0x84: {  	s23 =	simm.s32 $0xD80;
	[sflag:s22] =	ssyncadd.s32 $0xFFFFC000  }
0x85: {  	[spmem:s2] =	stream.indirect.scatter.add.f32 [tilespmem:s21], [sflag:$0x4], $0x80, s23, s19, $0xb8;
	[tilespmem:$0x1D000] =	vst v63  }
0x86: {  	_ =	swait.ge [sflag:s24], $0x4000  }
0x87: {  	s30 =	simm.s32 $0x5;
	[sflag:s24] =	ssyncset.done $0x0  }
0x88: {  	s31 =	simm.s32 $0xB80;
	s4 =	simm.s32 $0x180;
	[sflag:s24] =	ssyncadd.s32 $0xFFFFC000  }
0x89: {  	s28 =	simm.s32 $0xB00;
	s7 =	simm.s32 $0x900;
	[bflag:$0x0] =	sbarrier.arrive $0xFFFF  }
0x8a: {  	s8 =	simm.s32 $0x880;
	s9 =	simm.s32 $0x100;
	s25 =	rddreg [dreg:$0x5]  }
0x8b: {  	s10 =	simm.s32 $0x980;
	s13 =	simm.s32 $0x280;
	s26 =	rddreg [dreg:$0x6]  }
0x8c: {  	s14 =	simm.s32 $0x200;
	s29 =	rddreg [dreg:$0x9];
	s0 =	sshrl.u32 s25, $0x3  }
0x8d: {  	[hbm:s26], [sflag:s29] =	dma.local [spmem:s0], $0x2780  }
0x8e: {  	s15 =	simm.s32 $0xA00;
	s23 =	simm.s32 $0xA80;
	_ =	swait.ge [sflag:s30], $0x2780  }
0x8f: {  	s1 =	smov.u32 s29;
	s25 =	simm.s32 $0x300;
	[sflag:s30] =	ssyncset.done $0x0  }
0x90: {  	s26 =	simm.s32 $0x380;
	s29 =	rddreg [dreg:$0xb];
	[sflag:s30] =	ssyncadd.s32 $0xFFFFD880  }
.LBB2_8:
0x91: {  	s29 =	sadd.s32 $0x1, s29;
	s0 =	rddreg [dreg:$0x8]  }
0x92: {  	p1 =	sne.s32 s29, s0  }
.Ltmp1:
0x93: {  	_ = 	snop;
	(pc) =	sbr.rel @!p1 .LBB2_9-.Ltmp1, $1  }
0x94: {  	_ =	sdelay $0x3  }
.LBB2_1:
.Ltmp2:
0x95: {  	(pc) =	sbr.rel @p0 .LBB2_5-.Ltmp2, $2  }
0x96: {  	_ =	sdelay $0x2  }
0x97: {  	[dreg:$0xb] =	wrdreg s29  }
0x98: {  	s0 =	rddreg [dreg:$0x4]  }
0x99: {  	s29 =	rddreg [dreg:$0xa]  }
0x9a: {  	[spmem:s29], [sflag:s1] =	dma.local [hbm:s0], $0x2800  }
0x9b: {  	_ =	swait.ge [sflag:s30], $0x2800  }
0x9c: {  	[sflag:s30] =	ssyncset.done $0x0  }
0x9d: {  	[sflag:s30] =	ssyncadd.s32 $0xFFFFD800  }
0x9e: {  	s29 =	sadd.s32 $0x0, s12;
	[bflag:$0x0] =	sbarrier.arrive $0xFFFF  }
0x9f: {  	[tilespmem:s3], [sflag:$0x1] =	stream.linear.gather [hbm4b:s29+s3], $0x600, $0x38;
	[tilespmem:$0x1D000] =	vst v63  }
0xa0: {  	s29 =	sadd.s32 $0x0, s11  }
0xa1: {  	[tilespmem:s16], [sflag:$0x2] =	stream.linear.gather [hbm4b:s29+s3], $0x600, $0x38;
	[tilespmem:$0x1D000] =	vst v63  }
0xa2: {  	_ =	swait.ge [sflag:s17], $0x600  }
0xa3: {  	[sflag:s17] =	ssyncset.done $0x0  }
0xa4: {  	[sflag:s17] =	ssyncadd.s32 $0xFFFFFA00  }
0xa5: {  	_ =	swait.ge [sflag:s18], $0x600  }
0xa6: {  	[sflag:s18] =	ssyncset.done $0x0  }
0xa7: {  	[sflag:s18] =	ssyncadd.s32 $0xFFFFFA00  }
0xa8: {  	[tilespmem:s20], [sflag:$0x1] =	stream.indirect.gather [hbm4b:s5+s19], $0x80, s3, s19, $0xb8;
	[tilespmem:$0x1D000] =	vst v63  }
0xa9: {  	_ =	swait.ge [sflag:s17], $0x4000  }
0xaa: {  	[sflag:s17] =	ssyncset.done $0x0  }
0xab: {  	[sflag:s17] =	ssyncadd.s32 $0xFFFFC000  }
0xac: {  	[tilespmem:s21], [sflag:$0x2] =	stream.indirect.gather [hbm4b:s5+s19], $0x80, s19, s19, $0xb8;
	[tilespmem:$0x1D000] =	vst v63  }
0xad: {  	_ = 	snop  }
0xae: {  	[spmem:s2] =	stream.indirect.scatter.add.f32 [tilespmem:s20], [sflag:$0x3], $0x80, s16, s19, $0xb8;
	[tilespmem:$0x1D000] =	vst v63  }
0xaf: {  	_ =	swait.ge [sflag:s18], $0x4000  }
0xb0: {  	[sflag:s18] =	ssyncset.done $0x0  }
0xb1: {  	[sflag:s18] =	ssyncadd.s32 $0xFFFFC000  }
0xb2: {  	_ =	swait.ge [sflag:s22], $0x4000  }
0xb3: {  	[sflag:s22] =	ssyncset.done $0x0  }
0xb4: {  	[sflag:s22] =	ssyncadd.s32 $0xFFFFC000  }
0xb5: {  	[spmem:s2] =	stream.indirect.scatter.add.f32 [tilespmem:s21], [sflag:$0x4], $0x80, s8, s19, $0xb8;
	[tilespmem:$0x1D000] =	vst v63  }
0xb6: {  	_ =	swait.ge [sflag:s24], $0x4000  }
0xb7: {  	[sflag:s24] =	ssyncset.done $0x0  }
0xb8: {  	[sflag:s24] =	ssyncadd.s32 $0xFFFFC000  }
0xb9: {  	[tilespmem:s20], [sflag:$0x1] =	stream.indirect.gather [hbm4b:s5+s19], $0x80, s9, s19, $0xb8;
	[tilespmem:$0x1D000] =	vst v63  }
0xba: {  	_ =	swait.ge [sflag:s17], $0x4000  }
0xbb: {  	[sflag:s17] =	ssyncset.done $0x0  }
0xbc: {  	[sflag:s17] =	ssyncadd.s32 $0xFFFFC000  }
0xbd: {  	[tilespmem:s21], [sflag:$0x2] =	stream.indirect.gather [hbm4b:s5+s19], $0x80, s4, s19, $0xb8;
	[tilespmem:$0x1D000] =	vst v63  }
0xbe: {  	_ = 	snop  }
0xbf: {  	[spmem:s2] =	stream.indirect.scatter.add.f32 [tilespmem:s20], [sflag:$0x3], $0x80, s7, s19, $0xb8;
	[tilespmem:$0x1D000] =	vst v63  }
0xc0: {  	_ =	swait.ge [sflag:s18], $0x4000  }
0xc1: {  	[sflag:s18] =	ssyncset.done $0x0  }
0xc2: {  	[sflag:s18] =	ssyncadd.s32 $0xFFFFC000  }
0xc3: {  	_ =	swait.ge [sflag:s22], $0x4000  }
0xc4: {  	[sflag:s22] =	ssyncset.done $0x0  }
0xc5: {  	[sflag:s22] =	ssyncadd.s32 $0xFFFFC000  }
0xc6: {  	[spmem:s2] =	stream.indirect.scatter.add.f32 [tilespmem:s21], [sflag:$0x4], $0x80, s10, s19, $0xb8;
	[tilespmem:$0x1D000] =	vst v63  }
0xc7: {  	_ =	swait.ge [sflag:s24], $0x4000  }
0xc8: {  	[sflag:s24] =	ssyncset.done $0x0  }
0xc9: {  	[sflag:s24] =	ssyncadd.s32 $0xFFFFC000  }
0xca: {  	[tilespmem:s20], [sflag:$0x1] =	stream.indirect.gather [hbm4b:s5+s19], $0x80, s14, s19, $0xb8;
	[tilespmem:$0x1D000] =	vst v63  }
0xcb: {  	_ =	swait.ge [sflag:s17], $0x4000  }
0xcc: {  	[sflag:s17] =	ssyncset.done $0x0  }
0xcd: {  	[sflag:s17] =	ssyncadd.s32 $0xFFFFC000  }
0xce: {  	[tilespmem:s21], [sflag:$0x2] =	stream.indirect.gather [hbm4b:s5+s19], $0x80, s13, s19, $0xb8;
	[tilespmem:$0x1D000] =	vst v63  }
0xcf: {  	_ = 	snop  }
0xd0: {  	[spmem:s2] =	stream.indirect.scatter.add.f32 [tilespmem:s20], [sflag:$0x3], $0x80, s15, s19, $0xb8;
	[tilespmem:$0x1D000] =	vst v63  }
0xd1: {  	_ =	swait.ge [sflag:s18], $0x4000  }
0xd2: {  	[sflag:s18] =	ssyncset.done $0x0  }
0xd3: {  	[sflag:s18] =	ssyncadd.s32 $0xFFFFC000  }
0xd4: {  	_ =	swait.ge [sflag:s22], $0x4000  }
0xd5: {  	[sflag:s22] =	ssyncset.done $0x0  }
0xd6: {  	[sflag:s22] =	ssyncadd.s32 $0xFFFFC000  }
0xd7: {  	[spmem:s2] =	stream.indirect.scatter.add.f32 [tilespmem:s21], [sflag:$0x4], $0x80, s23, s19, $0xb8;
	[tilespmem:$0x1D000] =	vst v63  }
0xd8: {  	_ =	swait.ge [sflag:s24], $0x4000  }
0xd9: {  	[sflag:s24] =	ssyncset.done $0x0  }
0xda: {  	[sflag:s24] =	ssyncadd.s32 $0xFFFFC000  }
0xdb: {  	[tilespmem:s20], [sflag:$0x1] =	stream.indirect.gather [hbm4b:s5+s19], $0x80, s25, s19, $0xb8;
	[tilespmem:$0x1D000] =	vst v63  }
0xdc: {  	_ =	swait.ge [sflag:s17], $0x4000  }
0xdd: {  	[sflag:s17] =	ssyncset.done $0x0  }
0xde: {  	[sflag:s17] =	ssyncadd.s32 $0xFFFFC000  }
0xdf: {  	[tilespmem:s21], [sflag:$0x2] =	stream.indirect.gather [hbm4b:s5+s19], $0x80, s26, s19, $0xb8;
	[tilespmem:$0x1D000] =	vst v63  }
0xe0: {  	_ = 	snop  }
0xe1: {  	[spmem:s2] =	stream.indirect.scatter.add.f32 [tilespmem:s20], [sflag:$0x3], $0x80, s28, s19, $0xb8;
	[tilespmem:$0x1D000] =	vst v63  }
0xe2: {  	_ =	swait.ge [sflag:s18], $0x4000  }
0xe3: {  	[sflag:s18] =	ssyncset.done $0x0  }
0xe4: {  	[sflag:s18] =	ssyncadd.s32 $0xFFFFC000  }
0xe5: {  	_ =	swait.ge [sflag:s22], $0x4000  }
0xe6: {  	[sflag:s22] =	ssyncset.done $0x0  }
0xe7: {  	[sflag:s22] =	ssyncadd.s32 $0xFFFFC000  }
0xe8: {  	[spmem:s2] =	stream.indirect.scatter.add.f32 [tilespmem:s21], [sflag:$0x4], $0x80, s31, s19, $0xb8;
	[tilespmem:$0x1D000] =	vst v63  }
0xe9: {  	_ =	swait.ge [sflag:s24], $0x4000  }
0xea: {  	[sflag:s24] =	ssyncset.done $0x0  }
0xeb: {  	s10 =	simm.s32 $0x400;
	[sflag:s24] =	ssyncadd.s32 $0xFFFFC000  }
0xec: {  	[tilespmem:s20], [sflag:$0x1] =	stream.indirect.gather [hbm4b:s5+s19], $0x80, s10, s19, $0xb8;
	[tilespmem:$0x1D000] =	vst v63  }
0xed: {  	_ =	swait.ge [sflag:s17], $0x4000  }
0xee: {  	[sflag:s17] =	ssyncset.done $0x0  }
0xef: {  	s13 =	simm.s32 $0x480;
	[sflag:s17] =	ssyncadd.s32 $0xFFFFC000  }
0xf0: {  	[tilespmem:s21], [sflag:$0x2] =	stream.indirect.gather [hbm4b:s5+s19], $0x80, s13, s19, $0xb8;
	[tilespmem:$0x1D000] =	vst v63  }
0xf1: {  	s14 =	simm.s32 $0xC00  }
0xf2: {  	[spmem:s2] =	stream.indirect.scatter.add.f32 [tilespmem:s20], [sflag:$0x3], $0x80, s14, s19, $0xb8;
	[tilespmem:$0x1D000] =	vst v63  }
0xf3: {  	_ =	swait.ge [sflag:s18], $0x4000  }
0xf4: {  	[sflag:s18] =	ssyncset.done $0x0  }
0xf5: {  	[sflag:s18] =	ssyncadd.s32 $0xFFFFC000  }
0xf6: {  	_ =	swait.ge [sflag:s22], $0x4000  }
0xf7: {  	[sflag:s22] =	ssyncset.done $0x0  }
0xf8: {  	s15 =	simm.s32 $0xC80;
	[sflag:s22] =	ssyncadd.s32 $0xFFFFC000  }
0xf9: {  	[spmem:s2] =	stream.indirect.scatter.add.f32 [tilespmem:s21], [sflag:$0x4], $0x80, s15, s19, $0xb8;
	[tilespmem:$0x1D000] =	vst v63  }
0xfa: {  	_ =	swait.ge [sflag:s24], $0x4000  }
0xfb: {  	[sflag:s24] =	ssyncset.done $0x0  }
0xfc: {  	s23 =	simm.s32 $0x500;
	[sflag:s24] =	ssyncadd.s32 $0xFFFFC000  }
0xfd: {  	[tilespmem:s20], [sflag:$0x1] =	stream.indirect.gather [hbm4b:s5+s19], $0x80, s23, s19, $0xb8;
	[tilespmem:$0x1D000] =	vst v63  }
0xfe: {  	_ =	swait.ge [sflag:s17], $0x4000  }
0xff: {  	[sflag:s17] =	ssyncset.done $0x0  }
0x100: {  	s25 =	simm.s32 $0x580;
	[sflag:s17] =	ssyncadd.s32 $0xFFFFC000  }
0x101: {  	[tilespmem:s21], [sflag:$0x2] =	stream.indirect.gather [hbm4b:s5+s19], $0x80, s25, s19, $0xb8;
	[tilespmem:$0x1D000] =	vst v63  }
0x102: {  	s26 =	simm.s32 $0xD00  }
0x103: {  	[spmem:s2] =	stream.indirect.scatter.add.f32 [tilespmem:s20], [sflag:$0x3], $0x80, s26, s19, $0xb8;
	[tilespmem:$0x1D000] =	vst v63  }
0x104: {  	s30 =	simm.s32 $0x200;
	_ =	swait.ge [sflag:s18], $0x4000  }
0x105: {  	s29 =	simm.s32 $0x100;
	s8 =	simm.s32 $0x880;
	[sflag:s18] =	ssyncset.done $0x0  }
0x106: {  	s9 =	simm.s32 $0x100;
	s4 =	simm.s32 $0x180;
	[sflag:s18] =	ssyncadd.s32 $0xFFFFC000  }
0x107: {  	s7 =	simm.s32 $0x900;
	s28 =	simm.s32 $0xB00;
	_ =	swait.ge [sflag:s22], $0x4000  }
0x108: {  	s31 =	simm.s32 $0xD80;
	s10 =	simm.s32 $0x980;
	[sflag:s22] =	ssyncset.done $0x0  }
0x109: {  	s13 =	simm.s32 $0x280;
	s14 =	simm.s32 $0x200;
	[sflag:s22] =	ssyncadd.s32 $0xFFFFC000  }
0x10a: {  	[spmem:s2] =	stream.indirect.scatter.add.f32 [tilespmem:s21], [sflag:$0x4], $0x80, s31, s19, $0xb8;
	[tilespmem:$0x1D000] =	vst v63  }
0x10b: {  	s15 =	simm.s32 $0xA00;
	s23 =	simm.s32 $0xA80;
	_ =	swait.ge [sflag:s24], $0x4000  }
0x10c: {  	s25 =	simm.s32 $0x300;
	s26 =	simm.s32 $0x380;
	[sflag:s24] =	ssyncset.done $0x0  }
.LBB2_3:
0x10d: {  	s0 =	sadd.s32 s29, s12;
	[sflag:s24] =	ssyncadd.s32 $0xFFFFC000  }
0x10e: {  	s1 =	smov.u32 s30;
	s31 =	sadd.s32 $0x100, s30;
	p1 =	seq.s32 s30, $0x600  }
0x10f: {  	[tilespmem:s3], [sflag:$0x1] =	stream.linear.gather [hbm4b:s0+s3], $0x600, $0x38;
	[tilespmem:$0x1D000] =	vst v63  }
0x110: {  	s0 =	sadd.s32 s29, s11;
	s29 =	smov.u32 s1;
	s1 =	simm.s32 $0x400  }
0x111: {  	[tilespmem:s16], [sflag:$0x2] =	stream.linear.gather [hbm4b:s0+s3], $0x600, $0x38;
	[tilespmem:$0x1D000] =	vst v63  }
0x112: {  	_ =	swait.ge [sflag:s17], $0x600  }
0x113: {  	[sflag:s17] =	ssyncset.done $0x0  }
0x114: {  	[sflag:s17] =	ssyncadd.s32 $0xFFFFFA00  }
0x115: {  	_ =	swait.ge [sflag:s18], $0x600  }
0x116: {  	[sflag:s18] =	ssyncset.done $0x0  }
0x117: {  	[sflag:s18] =	ssyncadd.s32 $0xFFFFFA00  }
0x118: {  	[tilespmem:s20], [sflag:$0x1] =	stream.indirect.gather [hbm4b:s5+s19], $0x80, s3, s19, $0xb8;
	[tilespmem:$0x1D000] =	vst v63  }
0x119: {  	_ =	swait.ge [sflag:s17], $0x4000  }
0x11a: {  	[sflag:s17] =	ssyncset.done $0x0  }
0x11b: {  	[sflag:s17] =	ssyncadd.s32 $0xFFFFC000  }
0x11c: {  	[tilespmem:s21], [sflag:$0x2] =	stream.indirect.gather [hbm4b:s5+s19], $0x80, s19, s19, $0xb8;
	[tilespmem:$0x1D000] =	vst v63  }
0x11d: {  	_ = 	snop  }
0x11e: {  	[spmem:s2] =	stream.indirect.scatter.add.f32 [tilespmem:s20], [sflag:$0x3], $0x80, s16, s19, $0xb8;
	[tilespmem:$0x1D000] =	vst v63  }
0x11f: {  	_ =	swait.ge [sflag:s18], $0x4000  }
0x120: {  	[sflag:s18] =	ssyncset.done $0x0  }
0x121: {  	[sflag:s18] =	ssyncadd.s32 $0xFFFFC000  }
0x122: {  	_ =	swait.ge [sflag:s22], $0x4000  }
0x123: {  	[sflag:s22] =	ssyncset.done $0x0  }
0x124: {  	[sflag:s22] =	ssyncadd.s32 $0xFFFFC000  }
0x125: {  	[spmem:s2] =	stream.indirect.scatter.add.f32 [tilespmem:s21], [sflag:$0x4], $0x80, s8, s19, $0xb8;
	[tilespmem:$0x1D000] =	vst v63  }
0x126: {  	_ =	swait.ge [sflag:s24], $0x4000  }
0x127: {  	[sflag:s24] =	ssyncset.done $0x0  }
0x128: {  	[sflag:s24] =	ssyncadd.s32 $0xFFFFC000  }
0x129: {  	[tilespmem:s20], [sflag:$0x1] =	stream.indirect.gather [hbm4b:s5+s19], $0x80, s9, s19, $0xb8;
	[tilespmem:$0x1D000] =	vst v63  }
0x12a: {  	_ =	swait.ge [sflag:s17], $0x4000  }
0x12b: {  	[sflag:s17] =	ssyncset.done $0x0  }
0x12c: {  	[sflag:s17] =	ssyncadd.s32 $0xFFFFC000  }
0x12d: {  	[tilespmem:s21], [sflag:$0x2] =	stream.indirect.gather [hbm4b:s5+s19], $0x80, s4, s19, $0xb8;
	[tilespmem:$0x1D000] =	vst v63  }
0x12e: {  	_ = 	snop  }
0x12f: {  	[spmem:s2] =	stream.indirect.scatter.add.f32 [tilespmem:s20], [sflag:$0x3], $0x80, s7, s19, $0xb8;
	[tilespmem:$0x1D000] =	vst v63  }
0x130: {  	_ =	swait.ge [sflag:s18], $0x4000  }
0x131: {  	[sflag:s18] =	ssyncset.done $0x0  }
0x132: {  	[sflag:s18] =	ssyncadd.s32 $0xFFFFC000  }
0x133: {  	_ =	swait.ge [sflag:s22], $0x4000  }
0x134: {  	[sflag:s22] =	ssyncset.done $0x0  }
0x135: {  	[sflag:s22] =	ssyncadd.s32 $0xFFFFC000  }
0x136: {  	[spmem:s2] =	stream.indirect.scatter.add.f32 [tilespmem:s21], [sflag:$0x4], $0x80, s10, s19, $0xb8;
	[tilespmem:$0x1D000] =	vst v63  }
0x137: {  	_ =	swait.ge [sflag:s24], $0x4000  }
0x138: {  	[sflag:s24] =	ssyncset.done $0x0  }
0x139: {  	[sflag:s24] =	ssyncadd.s32 $0xFFFFC000  }
0x13a: {  	[tilespmem:s20], [sflag:$0x1] =	stream.indirect.gather [hbm4b:s5+s19], $0x80, s14, s19, $0xb8;
	[tilespmem:$0x1D000] =	vst v63  }
0x13b: {  	_ =	swait.ge [sflag:s17], $0x4000  }
0x13c: {  	[sflag:s17] =	ssyncset.done $0x0  }
0x13d: {  	[sflag:s17] =	ssyncadd.s32 $0xFFFFC000  }
0x13e: {  	[tilespmem:s21], [sflag:$0x2] =	stream.indirect.gather [hbm4b:s5+s19], $0x80, s13, s19, $0xb8;
	[tilespmem:$0x1D000] =	vst v63  }
0x13f: {  	_ = 	snop  }
0x140: {  	[spmem:s2] =	stream.indirect.scatter.add.f32 [tilespmem:s20], [sflag:$0x3], $0x80, s15, s19, $0xb8;
	[tilespmem:$0x1D000] =	vst v63  }
0x141: {  	_ =	swait.ge [sflag:s18], $0x4000  }
0x142: {  	[sflag:s18] =	ssyncset.done $0x0  }
0x143: {  	[sflag:s18] =	ssyncadd.s32 $0xFFFFC000  }
0x144: {  	_ =	swait.ge [sflag:s22], $0x4000  }
0x145: {  	[sflag:s22] =	ssyncset.done $0x0  }
0x146: {  	[sflag:s22] =	ssyncadd.s32 $0xFFFFC000  }
0x147: {  	[spmem:s2] =	stream.indirect.scatter.add.f32 [tilespmem:s21], [sflag:$0x4], $0x80, s23, s19, $0xb8;
	[tilespmem:$0x1D000] =	vst v63  }
0x148: {  	_ =	swait.ge [sflag:s24], $0x4000  }
0x149: {  	[sflag:s24] =	ssyncset.done $0x0  }
0x14a: {  	[sflag:s24] =	ssyncadd.s32 $0xFFFFC000  }
0x14b: {  	[tilespmem:s20], [sflag:$0x1] =	stream.indirect.gather [hbm4b:s5+s19], $0x80, s25, s19, $0xb8;
	[tilespmem:$0x1D000] =	vst v63  }
0x14c: {  	_ =	swait.ge [sflag:s17], $0x4000  }
0x14d: {  	[sflag:s17] =	ssyncset.done $0x0  }
0x14e: {  	[sflag:s17] =	ssyncadd.s32 $0xFFFFC000  }
0x14f: {  	[tilespmem:s21], [sflag:$0x2] =	stream.indirect.gather [hbm4b:s5+s19], $0x80, s26, s19, $0xb8;
	[tilespmem:$0x1D000] =	vst v63  }
0x150: {  	_ = 	snop  }
0x151: {  	[spmem:s2] =	stream.indirect.scatter.add.f32 [tilespmem:s20], [sflag:$0x3], $0x80, s28, s19, $0xb8;
	[tilespmem:$0x1D000] =	vst v63  }
0x152: {  	_ =	swait.ge [sflag:s18], $0x4000  }
0x153: {  	[sflag:s18] =	ssyncset.done $0x0  }
0x154: {  	[sflag:s18] =	ssyncadd.s32 $0xFFFFC000  }
0x155: {  	_ =	swait.ge [sflag:s22], $0x4000  }
0x156: {  	[sflag:s22] =	ssyncset.done $0x0  }
0x157: {  	s0 =	simm.s32 $0xB80;
	[sflag:s22] =	ssyncadd.s32 $0xFFFFC000  }
0x158: {  	[spmem:s2] =	stream.indirect.scatter.add.f32 [tilespmem:s21], [sflag:$0x4], $0x80, s0, s19, $0xb8;
	[tilespmem:$0x1D000] =	vst v63  }
0x159: {  	_ =	swait.ge [sflag:s24], $0x4000  }
0x15a: {  	[sflag:s24] =	ssyncset.done $0x0  }
0x15b: {  	[sflag:s24] =	ssyncadd.s32 $0xFFFFC000  }
0x15c: {  	[tilespmem:s20], [sflag:$0x1] =	stream.indirect.gather [hbm4b:s5+s19], $0x80, s1, s19, $0xb8;
	[tilespmem:$0x1D000] =	vst v63  }
0x15d: {  	_ =	swait.ge [sflag:s17], $0x4000  }
0x15e: {  	[sflag:s17] =	ssyncset.done $0x0  }
0x15f: {  	s0 =	simm.s32 $0x480;
	[sflag:s17] =	ssyncadd.s32 $0xFFFFC000  }
0x160: {  	[tilespmem:s21], [sflag:$0x2] =	stream.indirect.gather [hbm4b:s5+s19], $0x80, s0, s19, $0xb8;
	[tilespmem:$0x1D000] =	vst v63  }
0x161: {  	s0 =	simm.s32 $0xC00  }
0x162: {  	[spmem:s2] =	stream.indirect.scatter.add.f32 [tilespmem:s20], [sflag:$0x3], $0x80, s0, s19, $0xb8;
	[tilespmem:$0x1D000] =	vst v63  }
0x163: {  	_ =	swait.ge [sflag:s18], $0x4000  }
0x164: {  	[sflag:s18] =	ssyncset.done $0x0  }
0x165: {  	[sflag:s18] =	ssyncadd.s32 $0xFFFFC000  }
0x166: {  	_ =	swait.ge [sflag:s22], $0x4000  }
0x167: {  	[sflag:s22] =	ssyncset.done $0x0  }
0x168: {  	s0 =	simm.s32 $0xC80;
	[sflag:s22] =	ssyncadd.s32 $0xFFFFC000  }
0x169: {  	[spmem:s2] =	stream.indirect.scatter.add.f32 [tilespmem:s21], [sflag:$0x4], $0x80, s0, s19, $0xb8;
	[tilespmem:$0x1D000] =	vst v63  }
0x16a: {  	_ =	swait.ge [sflag:s24], $0x4000  }
0x16b: {  	[sflag:s24] =	ssyncset.done $0x0  }
0x16c: {  	s0 =	simm.s32 $0x500;
	[sflag:s24] =	ssyncadd.s32 $0xFFFFC000  }
0x16d: {  	[tilespmem:s20], [sflag:$0x1] =	stream.indirect.gather [hbm4b:s5+s19], $0x80, s0, s19, $0xb8;
	[tilespmem:$0x1D000] =	vst v63  }
0x16e: {  	_ =	swait.ge [sflag:s17], $0x4000  }
0x16f: {  	[sflag:s17] =	ssyncset.done $0x0  }
0x170: {  	s0 =	simm.s32 $0x580;
	[sflag:s17] =	ssyncadd.s32 $0xFFFFC000  }
0x171: {  	[tilespmem:s21], [sflag:$0x2] =	stream.indirect.gather [hbm4b:s5+s19], $0x80, s0, s19, $0xb8;
	[tilespmem:$0x1D000] =	vst v63  }
0x172: {  	s0 =	simm.s32 $0xD00  }
0x173: {  	[spmem:s2] =	stream.indirect.scatter.add.f32 [tilespmem:s20], [sflag:$0x3], $0x80, s0, s19, $0xb8;
	[tilespmem:$0x1D000] =	vst v63  }
0x174: {  	_ =	swait.ge [sflag:s18], $0x4000  }
0x175: {  	[sflag:s18] =	ssyncset.done $0x0  }
0x176: {  	[sflag:s18] =	ssyncadd.s32 $0xFFFFC000  }
0x177: {  	_ =	swait.ge [sflag:s22], $0x4000  }
.Ltmp3:
0x178: {  	[sflag:s22] =	ssyncset.done $0x0;
	(pc) =	sbr.rel @!p1 .LBB2_3-.Ltmp3, $4  }
0x179: {  	s0 =	simm.s32 $0xD80;
	[sflag:s22] =	ssyncadd.s32 $0xFFFFC000  }
0x17a: {  	[spmem:s2] =	stream.indirect.scatter.add.f32 [tilespmem:s21], [sflag:$0x4], $0x80, s0, s19, $0xb8;
	[tilespmem:$0x1D000] =	vst v63  }
0x17b: {  	_ =	swait.ge [sflag:s24], $0x4000  }
0x17c: {  	s30 =	smov.u32 s31;
	[sflag:s24] =	ssyncset.done $0x0  }
0x17d: {  	s0 =	sadd.s32 s29, s12;
	[sflag:s24] =	ssyncadd.s32 $0xFFFFC000  }
0x17e: {  	[tilespmem:s3], [sflag:$0x1] =	stream.linear.gather [hbm4b:s0+s3], $0x600, $0x38;
	[tilespmem:$0x1D000] =	vst v63  }
0x17f: {  	s0 =	sadd.s32 s29, s11  }
0x180: {  	[tilespmem:s16], [sflag:$0x2] =	stream.linear.gather [hbm4b:s0+s3], $0x600, $0x38;
	[tilespmem:$0x1D000] =	vst v63  }
0x181: {  	_ =	swait.ge [sflag:s17], $0x600  }
0x182: {  	[sflag:s17] =	ssyncset.done $0x0  }
0x183: {  	[sflag:s17] =	ssyncadd.s32 $0xFFFFFA00  }
0x184: {  	_ =	swait.ge [sflag:s18], $0x600  }
0x185: {  	[sflag:s18] =	ssyncset.done $0x0  }
0x186: {  	[sflag:s18] =	ssyncadd.s32 $0xFFFFFA00  }
0x187: {  	[tilespmem:s20], [sflag:$0x1] =	stream.indirect.gather [hbm4b:s5+s19], $0x80, s3, s19, $0xb8;
	[tilespmem:$0x1D000] =	vst v63  }
0x188: {  	_ =	swait.ge [sflag:s17], $0x4000  }
0x189: {  	[sflag:s17] =	ssyncset.done $0x0  }
0x18a: {  	[sflag:s17] =	ssyncadd.s32 $0xFFFFC000  }
0x18b: {  	[tilespmem:s21], [sflag:$0x2] =	stream.indirect.gather [hbm4b:s5+s19], $0x80, s19, s19, $0xb8;
	[tilespmem:$0x1D000] =	vst v63  }
0x18c: {  	_ = 	snop  }
0x18d: {  	[spmem:s2] =	stream.indirect.scatter.add.f32 [tilespmem:s20], [sflag:$0x3], $0x80, s16, s19, $0xb8;
	[tilespmem:$0x1D000] =	vst v63  }
0x18e: {  	_ =	swait.ge [sflag:s18], $0x4000  }
0x18f: {  	[sflag:s18] =	ssyncset.done $0x0  }
0x190: {  	[sflag:s18] =	ssyncadd.s32 $0xFFFFC000  }
0x191: {  	_ =	swait.ge [sflag:s22], $0x4000  }
0x192: {  	[sflag:s22] =	ssyncset.done $0x0  }
0x193: {  	[sflag:s22] =	ssyncadd.s32 $0xFFFFC000  }
0x194: {  	[spmem:s2] =	stream.indirect.scatter.add.f32 [tilespmem:s21], [sflag:$0x4], $0x80, s8, s19, $0xb8;
	[tilespmem:$0x1D000] =	vst v63  }
0x195: {  	_ =	swait.ge [sflag:s24], $0x4000  }
0x196: {  	[sflag:s24] =	ssyncset.done $0x0  }
0x197: {  	[sflag:s24] =	ssyncadd.s32 $0xFFFFC000  }
0x198: {  	[tilespmem:s20], [sflag:$0x1] =	stream.indirect.gather [hbm4b:s5+s19], $0x80, s9, s19, $0xb8;
	[tilespmem:$0x1D000] =	vst v63  }
0x199: {  	_ =	swait.ge [sflag:s17], $0x4000  }
0x19a: {  	[sflag:s17] =	ssyncset.done $0x0  }
0x19b: {  	[sflag:s17] =	ssyncadd.s32 $0xFFFFC000  }
0x19c: {  	[tilespmem:s21], [sflag:$0x2] =	stream.indirect.gather [hbm4b:s5+s19], $0x80, s4, s19, $0xb8;
	[tilespmem:$0x1D000] =	vst v63  }
0x19d: {  	_ = 	snop  }
0x19e: {  	[spmem:s2] =	stream.indirect.scatter.add.f32 [tilespmem:s20], [sflag:$0x3], $0x80, s7, s19, $0xb8;
	[tilespmem:$0x1D000] =	vst v63  }
0x19f: {  	_ =	swait.ge [sflag:s18], $0x4000  }
0x1a0: {  	[sflag:s18] =	ssyncset.done $0x0  }
0x1a1: {  	[sflag:s18] =	ssyncadd.s32 $0xFFFFC000  }
0x1a2: {  	_ =	swait.ge [sflag:s22], $0x4000  }
0x1a3: {  	[sflag:s22] =	ssyncset.done $0x0  }
0x1a4: {  	[sflag:s22] =	ssyncadd.s32 $0xFFFFC000  }
0x1a5: {  	[spmem:s2] =	stream.indirect.scatter.add.f32 [tilespmem:s21], [sflag:$0x4], $0x80, s10, s19, $0xb8;
	[tilespmem:$0x1D000] =	vst v63  }
0x1a6: {  	_ =	swait.ge [sflag:s24], $0x4000  }
0x1a7: {  	[sflag:s24] =	ssyncset.done $0x0  }
0x1a8: {  	[sflag:s24] =	ssyncadd.s32 $0xFFFFC000  }
0x1a9: {  	[tilespmem:s20], [sflag:$0x1] =	stream.indirect.gather [hbm4b:s5+s19], $0x80, s14, s19, $0xb8;
	[tilespmem:$0x1D000] =	vst v63  }
0x1aa: {  	_ =	swait.ge [sflag:s17], $0x4000  }
0x1ab: {  	[sflag:s17] =	ssyncset.done $0x0  }
0x1ac: {  	[sflag:s17] =	ssyncadd.s32 $0xFFFFC000  }
0x1ad: {  	[tilespmem:s21], [sflag:$0x2] =	stream.indirect.gather [hbm4b:s5+s19], $0x80, s13, s19, $0xb8;
	[tilespmem:$0x1D000] =	vst v63  }
0x1ae: {  	_ = 	snop  }
0x1af: {  	[spmem:s2] =	stream.indirect.scatter.add.f32 [tilespmem:s20], [sflag:$0x3], $0x80, s15, s19, $0xb8;
	[tilespmem:$0x1D000] =	vst v63  }
0x1b0: {  	_ =	swait.ge [sflag:s18], $0x4000  }
0x1b1: {  	[sflag:s18] =	ssyncset.done $0x0  }
0x1b2: {  	[sflag:s18] =	ssyncadd.s32 $0xFFFFC000  }
0x1b3: {  	_ =	swait.ge [sflag:s22], $0x4000  }
0x1b4: {  	[sflag:s22] =	ssyncset.done $0x0  }
0x1b5: {  	[sflag:s22] =	ssyncadd.s32 $0xFFFFC000  }
0x1b6: {  	[spmem:s2] =	stream.indirect.scatter.add.f32 [tilespmem:s21], [sflag:$0x4], $0x80, s23, s19, $0xb8;
	[tilespmem:$0x1D000] =	vst v63  }
0x1b7: {  	_ =	swait.ge [sflag:s24], $0x4000  }
0x1b8: {  	[sflag:s24] =	ssyncset.done $0x0  }
0x1b9: {  	[sflag:s24] =	ssyncadd.s32 $0xFFFFC000  }
0x1ba: {  	[tilespmem:s20], [sflag:$0x1] =	stream.indirect.gather [hbm4b:s5+s19], $0x80, s25, s19, $0xb8;
	[tilespmem:$0x1D000] =	vst v63  }
0x1bb: {  	_ =	swait.ge [sflag:s17], $0x4000  }
0x1bc: {  	[sflag:s17] =	ssyncset.done $0x0  }
0x1bd: {  	[sflag:s17] =	ssyncadd.s32 $0xFFFFC000  }
0x1be: {  	[tilespmem:s21], [sflag:$0x2] =	stream.indirect.gather [hbm4b:s5+s19], $0x80, s26, s19, $0xb8;
	[tilespmem:$0x1D000] =	vst v63  }
0x1bf: {  	_ = 	snop  }
0x1c0: {  	[spmem:s2] =	stream.indirect.scatter.add.f32 [tilespmem:s20], [sflag:$0x3], $0x80, s28, s19, $0xb8;
	[tilespmem:$0x1D000] =	vst v63  }
0x1c1: {  	_ =	swait.ge [sflag:s18], $0x4000  }
0x1c2: {  	[sflag:s18] =	ssyncset.done $0x0  }
0x1c3: {  	[sflag:s18] =	ssyncadd.s32 $0xFFFFC000  }
0x1c4: {  	_ =	swait.ge [sflag:s22], $0x4000  }
0x1c5: {  	[sflag:s22] =	ssyncset.done $0x0  }
0x1c6: {  	s9 =	simm.s32 $0xB80;
	[sflag:s22] =	ssyncadd.s32 $0xFFFFC000  }
0x1c7: {  	[spmem:s2] =	stream.indirect.scatter.add.f32 [tilespmem:s21], [sflag:$0x4], $0x80, s9, s19, $0xb8;
	[tilespmem:$0x1D000] =	vst v63  }
0x1c8: {  	_ =	swait.ge [sflag:s24], $0x4000  }
0x1c9: {  	[sflag:s24] =	ssyncset.done $0x0  }
0x1ca: {  	[sflag:s24] =	ssyncadd.s32 $0xFFFFC000  }
0x1cb: {  	[tilespmem:s20], [sflag:$0x1] =	stream.indirect.gather [hbm4b:s5+s19], $0x80, s1, s19, $0xb8;
	[tilespmem:$0x1D000] =	vst v63  }
0x1cc: {  	_ =	swait.ge [sflag:s17], $0x4000  }
0x1cd: {  	[sflag:s17] =	ssyncset.done $0x0  }
0x1ce: {  	s10 =	simm.s32 $0x480;
	[sflag:s17] =	ssyncadd.s32 $0xFFFFC000  }
0x1cf: {  	[tilespmem:s21], [sflag:$0x2] =	stream.indirect.gather [hbm4b:s5+s19], $0x80, s10, s19, $0xb8;
	[tilespmem:$0x1D000] =	vst v63  }
0x1d0: {  	s13 =	simm.s32 $0xC00  }
0x1d1: {  	[spmem:s2] =	stream.indirect.scatter.add.f32 [tilespmem:s20], [sflag:$0x3], $0x80, s13, s19, $0xb8;
	[tilespmem:$0x1D000] =	vst v63  }
0x1d2: {  	_ =	swait.ge [sflag:s18], $0x4000  }
0x1d3: {  	[sflag:s18] =	ssyncset.done $0x0  }
0x1d4: {  	[sflag:s18] =	ssyncadd.s32 $0xFFFFC000  }
0x1d5: {  	_ =	swait.ge [sflag:s22], $0x4000  }
0x1d6: {  	[sflag:s22] =	ssyncset.done $0x0  }
0x1d7: {  	s14 =	simm.s32 $0xC80;
	[sflag:s22] =	ssyncadd.s32 $0xFFFFC000  }
0x1d8: {  	[spmem:s2] =	stream.indirect.scatter.add.f32 [tilespmem:s21], [sflag:$0x4], $0x80, s14, s19, $0xb8;
	[tilespmem:$0x1D000] =	vst v63  }
0x1d9: {  	_ =	swait.ge [sflag:s24], $0x4000  }
0x1da: {  	[sflag:s24] =	ssyncset.done $0x0  }
0x1db: {  	s15 =	simm.s32 $0x500;
	[sflag:s24] =	ssyncadd.s32 $0xFFFFC000  }
0x1dc: {  	[tilespmem:s20], [sflag:$0x1] =	stream.indirect.gather [hbm4b:s5+s19], $0x80, s15, s19, $0xb8;
	[tilespmem:$0x1D000] =	vst v63  }
0x1dd: {  	_ =	swait.ge [sflag:s17], $0x4000  }
0x1de: {  	[sflag:s17] =	ssyncset.done $0x0  }
0x1df: {  	s23 =	simm.s32 $0x580;
	[sflag:s17] =	ssyncadd.s32 $0xFFFFC000  }
0x1e0: {  	[tilespmem:s21], [sflag:$0x2] =	stream.indirect.gather [hbm4b:s5+s19], $0x80, s23, s19, $0xb8;
	[tilespmem:$0x1D000] =	vst v63  }
0x1e1: {  	s25 =	simm.s32 $0xD00  }
0x1e2: {  	[spmem:s2] =	stream.indirect.scatter.add.f32 [tilespmem:s20], [sflag:$0x3], $0x80, s25, s19, $0xb8;
	[tilespmem:$0x1D000] =	vst v63  }
0x1e3: {  	_ =	swait.ge [sflag:s18], $0x4000  }
0x1e4: {  	[sflag:s18] =	ssyncset.done $0x0  }
0x1e5: {  	[sflag:s18] =	ssyncadd.s32 $0xFFFFC000  }
0x1e6: {  	_ =	swait.ge [sflag:s22], $0x4000  }
0x1e7: {  	[sflag:s22] =	ssyncset.done $0x0  }
0x1e8: {  	s26 =	simm.s32 $0xD80;
	[sflag:s22] =	ssyncadd.s32 $0xFFFFC000  }
0x1e9: {  	[spmem:s2] =	stream.indirect.scatter.add.f32 [tilespmem:s21], [sflag:$0x4], $0x80, s26, s19, $0xb8;
	[tilespmem:$0x1D000] =	vst v63  }
0x1ea: {  	_ =	swait.ge [sflag:s24], $0x4000  }
0x1eb: {  	[sflag:s24] =	ssyncset.done $0x0  }
0x1ec: {  	[sflag:s24] =	ssyncadd.s32 $0xFFFFC000  }
0x1ed: {  	[bflag:$0x0] =	sbarrier.arrive $0xFFFF  }
0x1ee: {  	s31 =	simm.s32 $0xB80;
	s1 =	rddreg [dreg:$0x5]  }
0x1ef: {  	s30 =	simm.s32 $0x5;
	s8 =	simm.s32 $0x880;
	s29 =	rddreg [dreg:$0x9]  }
0x1f0: {  	s4 =	simm.s32 $0x180;
	s0 =	sshrl.u32 s1, $0x3;
	s1 =	rddreg [dreg:$0x7]  }
0x1f1: {  	[hbm:s1], [sflag:s29] =	dma.local [spmem:s0], $0x2780  }
0x1f2: {  	s7 =	simm.s32 $0x900;
	s28 =	simm.s32 $0xB00;
	_ =	swait.ge [sflag:s30], $0x2780  }
.Ltmp4:
0x1f3: {  	s9 =	simm.s32 $0x100;
	[sflag:s30] =	ssyncset.done $0x0;
	(pc) =	sbr.rel .LBB2_8-.Ltmp4, $4  }
0x1f4: {  	s10 =	simm.s32 $0x980;
	s13 =	simm.s32 $0x280;
	[sflag:s30] =	ssyncadd.s32 $0xFFFFD880  }
0x1f5: {  	s14 =	simm.s32 $0x200;
	s15 =	simm.s32 $0xA00;
	[bflag:$0x0] =	sbarrier.arrive $0xFFFF  }
0x1f6: {  	s23 =	simm.s32 $0xA80;
	s25 =	simm.s32 $0x300;
	[bflag:$0x0] =	sbarrier.arrive $0xFFFF  }
0x1f7: {  	s26 =	simm.s32 $0x380;
	s1 =	smov.u32 s29;
	s29 =	rddreg [dreg:$0xb]  }
.LBB2_5:
0x1f8: {  	[bflag:$0x0] =	sbarrier.arrive $0xFFFF  }
0x1f9: {  	[bflag:$0x0] =	sbarrier.arrive $0xFFFF  }
0x1fa: {  	s0 =	rddreg [dreg:$0x4]  }
0x1fb: {  	s29 =	rddreg [dreg:$0xa]  }
0x1fc: {  	[spmem:s29], [sflag:s1] =	dma.local [hbm:s0], $0x2800  }
0x1fd: {  	_ =	swait.ge [sflag:s30], $0x2800  }
0x1fe: {  	[sflag:s30] =	ssyncset.done $0x0  }
0x1ff: {  	[sflag:s30] =	ssyncadd.s32 $0xFFFFD800  }
0x200: {  	s30 =	sadd.s32 $0x0, s12;
	[bflag:$0x0] =	sbarrier.arrive $0xFFFF  }
0x201: {  	[tilespmem:s3], [sflag:$0x1] =	stream.linear.gather [hbm4b:s30+s3], $0x600, $0x38;
	[tilespmem:$0x1D000] =	vst v63  }
0x202: {  	s1 =	sadd.s32 $0x0, s11  }
0x203: {  	[tilespmem:s16], [sflag:$0x2] =	stream.linear.gather [hbm4b:s1+s3], $0x600, $0x38;
	[tilespmem:$0x1D000] =	vst v63  }
0x204: {  	_ =	swait.ge [sflag:s17], $0x600  }
0x205: {  	[sflag:s17] =	ssyncset.done $0x0  }
0x206: {  	[sflag:s17] =	ssyncadd.s32 $0xFFFFFA00  }
0x207: {  	_ =	swait.ge [sflag:s18], $0x600  }
0x208: {  	[sflag:s18] =	ssyncset.done $0x0  }
0x209: {  	[sflag:s18] =	ssyncadd.s32 $0xFFFFFA00  }
0x20a: {  	[tilespmem:s20], [sflag:$0x1] =	stream.indirect.gather [hbm4b:s6+s19], $0x80, s3, s19, $0xb8;
	[tilespmem:$0x1D000] =	vst v63  }
0x20b: {  	_ =	swait.ge [sflag:s17], $0x4000  }
0x20c: {  	[sflag:s17] =	ssyncset.done $0x0  }
0x20d: {  	[sflag:s17] =	ssyncadd.s32 $0xFFFFC000  }
0x20e: {  	[tilespmem:s21], [sflag:$0x2] =	stream.indirect.gather [hbm4b:s6+s19], $0x80, s19, s19, $0xb8;
	[tilespmem:$0x1D000] =	vst v63  }
0x20f: {  	_ = 	snop  }
0x210: {  	[spmem:s2] =	stream.indirect.scatter.add.f32 [tilespmem:s20], [sflag:$0x3], $0x80, s16, s19, $0xb8;
	[tilespmem:$0x1D000] =	vst v63  }
0x211: {  	_ =	swait.ge [sflag:s18], $0x4000  }
0x212: {  	[sflag:s18] =	ssyncset.done $0x0  }
0x213: {  	[sflag:s18] =	ssyncadd.s32 $0xFFFFC000  }
0x214: {  	_ =	swait.ge [sflag:s22], $0x4000  }
0x215: {  	[sflag:s22] =	ssyncset.done $0x0  }
0x216: {  	[sflag:s22] =	ssyncadd.s32 $0xFFFFC000  }
0x217: {  	[spmem:s2] =	stream.indirect.scatter.add.f32 [tilespmem:s21], [sflag:$0x4], $0x80, s8, s19, $0xb8;
	[tilespmem:$0x1D000] =	vst v63  }
0x218: {  	_ =	swait.ge [sflag:s24], $0x4000  }
0x219: {  	[sflag:s24] =	ssyncset.done $0x0  }
0x21a: {  	[sflag:s24] =	ssyncadd.s32 $0xFFFFC000  }
0x21b: {  	[tilespmem:s20], [sflag:$0x1] =	stream.indirect.gather [hbm4b:s6+s19], $0x80, s9, s19, $0xb8;
	[tilespmem:$0x1D000] =	vst v63  }
0x21c: {  	_ =	swait.ge [sflag:s17], $0x4000  }
0x21d: {  	[sflag:s17] =	ssyncset.done $0x0  }
0x21e: {  	[sflag:s17] =	ssyncadd.s32 $0xFFFFC000  }
0x21f: {  	[tilespmem:s21], [sflag:$0x2] =	stream.indirect.gather [hbm4b:s6+s19], $0x80, s4, s19, $0xb8;
	[tilespmem:$0x1D000] =	vst v63  }
0x220: {  	_ = 	snop  }
0x221: {  	[spmem:s2] =	stream.indirect.scatter.add.f32 [tilespmem:s20], [sflag:$0x3], $0x80, s7, s19, $0xb8;
	[tilespmem:$0x1D000] =	vst v63  }
0x222: {  	_ =	swait.ge [sflag:s18], $0x4000  }
0x223: {  	[sflag:s18] =	ssyncset.done $0x0  }
0x224: {  	[sflag:s18] =	ssyncadd.s32 $0xFFFFC000  }
0x225: {  	_ =	swait.ge [sflag:s22], $0x4000  }
0x226: {  	[sflag:s22] =	ssyncset.done $0x0  }
0x227: {  	[sflag:s22] =	ssyncadd.s32 $0xFFFFC000  }
0x228: {  	[spmem:s2] =	stream.indirect.scatter.add.f32 [tilespmem:s21], [sflag:$0x4], $0x80, s10, s19, $0xb8;
	[tilespmem:$0x1D000] =	vst v63  }
0x229: {  	_ =	swait.ge [sflag:s24], $0x4000  }
0x22a: {  	[sflag:s24] =	ssyncset.done $0x0  }
0x22b: {  	[sflag:s24] =	ssyncadd.s32 $0xFFFFC000  }
0x22c: {  	[tilespmem:s20], [sflag:$0x1] =	stream.indirect.gather [hbm4b:s6+s19], $0x80, s14, s19, $0xb8;
	[tilespmem:$0x1D000] =	vst v63  }
0x22d: {  	_ =	swait.ge [sflag:s17], $0x4000  }
0x22e: {  	[sflag:s17] =	ssyncset.done $0x0  }
0x22f: {  	[sflag:s17] =	ssyncadd.s32 $0xFFFFC000  }
0x230: {  	[tilespmem:s21], [sflag:$0x2] =	stream.indirect.gather [hbm4b:s6+s19], $0x80, s13, s19, $0xb8;
	[tilespmem:$0x1D000] =	vst v63  }
0x231: {  	_ = 	snop  }
0x232: {  	[spmem:s2] =	stream.indirect.scatter.add.f32 [tilespmem:s20], [sflag:$0x3], $0x80, s15, s19, $0xb8;
	[tilespmem:$0x1D000] =	vst v63  }
0x233: {  	_ =	swait.ge [sflag:s18], $0x4000  }
0x234: {  	[sflag:s18] =	ssyncset.done $0x0  }
0x235: {  	[sflag:s18] =	ssyncadd.s32 $0xFFFFC000  }
0x236: {  	_ =	swait.ge [sflag:s22], $0x4000  }
0x237: {  	[sflag:s22] =	ssyncset.done $0x0  }
0x238: {  	[sflag:s22] =	ssyncadd.s32 $0xFFFFC000  }
0x239: {  	[spmem:s2] =	stream.indirect.scatter.add.f32 [tilespmem:s21], [sflag:$0x4], $0x80, s23, s19, $0xb8;
	[tilespmem:$0x1D000] =	vst v63  }
0x23a: {  	_ =	swait.ge [sflag:s24], $0x4000  }
0x23b: {  	[sflag:s24] =	ssyncset.done $0x0  }
0x23c: {  	[sflag:s24] =	ssyncadd.s32 $0xFFFFC000  }
0x23d: {  	[tilespmem:s20], [sflag:$0x1] =	stream.indirect.gather [hbm4b:s6+s19], $0x80, s25, s19, $0xb8;
	[tilespmem:$0x1D000] =	vst v63  }
0x23e: {  	_ =	swait.ge [sflag:s17], $0x4000  }
0x23f: {  	[sflag:s17] =	ssyncset.done $0x0  }
0x240: {  	[sflag:s17] =	ssyncadd.s32 $0xFFFFC000  }
0x241: {  	[tilespmem:s21], [sflag:$0x2] =	stream.indirect.gather [hbm4b:s6+s19], $0x80, s26, s19, $0xb8;
	[tilespmem:$0x1D000] =	vst v63  }
0x242: {  	_ = 	snop  }
0x243: {  	[spmem:s2] =	stream.indirect.scatter.add.f32 [tilespmem:s20], [sflag:$0x3], $0x80, s28, s19, $0xb8;
	[tilespmem:$0x1D000] =	vst v63  }
0x244: {  	_ =	swait.ge [sflag:s18], $0x4000  }
0x245: {  	[sflag:s18] =	ssyncset.done $0x0  }
0x246: {  	[sflag:s18] =	ssyncadd.s32 $0xFFFFC000  }
0x247: {  	_ =	swait.ge [sflag:s22], $0x4000  }
0x248: {  	[sflag:s22] =	ssyncset.done $0x0  }
0x249: {  	[sflag:s22] =	ssyncadd.s32 $0xFFFFC000  }
0x24a: {  	[spmem:s2] =	stream.indirect.scatter.add.f32 [tilespmem:s21], [sflag:$0x4], $0x80, s31, s19, $0xb8;
	[tilespmem:$0x1D000] =	vst v63  }
0x24b: {  	_ =	swait.ge [sflag:s24], $0x4000  }
0x24c: {  	[sflag:s24] =	ssyncset.done $0x0  }
0x24d: {  	s10 =	simm.s32 $0x400;
	[sflag:s24] =	ssyncadd.s32 $0xFFFFC000  }
0x24e: {  	[tilespmem:s20], [sflag:$0x1] =	stream.indirect.gather [hbm4b:s6+s19], $0x80, s10, s19, $0xb8;
	[tilespmem:$0x1D000] =	vst v63  }
0x24f: {  	_ =	swait.ge [sflag:s17], $0x4000  }
0x250: {  	[sflag:s17] =	ssyncset.done $0x0  }
0x251: {  	s13 =	simm.s32 $0x480;
	[sflag:s17] =	ssyncadd.s32 $0xFFFFC000  }
0x252: {  	[tilespmem:s21], [sflag:$0x2] =	stream.indirect.gather [hbm4b:s6+s19], $0x80, s13, s19, $0xb8;
	[tilespmem:$0x1D000] =	vst v63  }
0x253: {  	s14 =	simm.s32 $0xC00  }
0x254: {  	[spmem:s2] =	stream.indirect.scatter.add.f32 [tilespmem:s20], [sflag:$0x3], $0x80, s14, s19, $0xb8;
	[tilespmem:$0x1D000] =	vst v63  }
0x255: {  	_ =	swait.ge [sflag:s18], $0x4000  }
0x256: {  	[sflag:s18] =	ssyncset.done $0x0  }
0x257: {  	[sflag:s18] =	ssyncadd.s32 $0xFFFFC000  }
0x258: {  	_ =	swait.ge [sflag:s22], $0x4000  }
0x259: {  	[sflag:s22] =	ssyncset.done $0x0  }
0x25a: {  	s15 =	simm.s32 $0xC80;
	[sflag:s22] =	ssyncadd.s32 $0xFFFFC000  }
0x25b: {  	[spmem:s2] =	stream.indirect.scatter.add.f32 [tilespmem:s21], [sflag:$0x4], $0x80, s15, s19, $0xb8;
	[tilespmem:$0x1D000] =	vst v63  }
0x25c: {  	_ =	swait.ge [sflag:s24], $0x4000  }
0x25d: {  	[sflag:s24] =	ssyncset.done $0x0  }
0x25e: {  	s23 =	simm.s32 $0x500;
	[sflag:s24] =	ssyncadd.s32 $0xFFFFC000  }
0x25f: {  	[tilespmem:s20], [sflag:$0x1] =	stream.indirect.gather [hbm4b:s6+s19], $0x80, s23, s19, $0xb8;
	[tilespmem:$0x1D000] =	vst v63  }
0x260: {  	_ =	swait.ge [sflag:s17], $0x4000  }
0x261: {  	[sflag:s17] =	ssyncset.done $0x0  }
0x262: {  	s25 =	simm.s32 $0x580;
	[sflag:s17] =	ssyncadd.s32 $0xFFFFC000  }
0x263: {  	[tilespmem:s21], [sflag:$0x2] =	stream.indirect.gather [hbm4b:s6+s19], $0x80, s25, s19, $0xb8;
	[tilespmem:$0x1D000] =	vst v63  }
0x264: {  	s26 =	simm.s32 $0xD00  }
0x265: {  	[spmem:s2] =	stream.indirect.scatter.add.f32 [tilespmem:s20], [sflag:$0x3], $0x80, s26, s19, $0xb8;
	[tilespmem:$0x1D000] =	vst v63  }
0x266: {  	s29 =	simm.s32 $0x100;
	_ =	swait.ge [sflag:s18], $0x4000  }
0x267: {  	s30 =	simm.s32 $0xD80;
	s8 =	simm.s32 $0x880;
	[sflag:s18] =	ssyncset.done $0x0  }
0x268: {  	s9 =	simm.s32 $0x100;
	s4 =	simm.s32 $0x180;
	[sflag:s18] =	ssyncadd.s32 $0xFFFFC000  }
0x269: {  	s7 =	simm.s32 $0x900;
	s28 =	simm.s32 $0xB00;
	_ =	swait.ge [sflag:s22], $0x4000  }
0x26a: {  	s31 =	simm.s32 $0x200;
	s10 =	simm.s32 $0x980;
	[sflag:s22] =	ssyncset.done $0x0  }
0x26b: {  	s13 =	simm.s32 $0x280;
	s14 =	simm.s32 $0x200;
	[sflag:s22] =	ssyncadd.s32 $0xFFFFC000  }
0x26c: {  	[spmem:s2] =	stream.indirect.scatter.add.f32 [tilespmem:s21], [sflag:$0x4], $0x80, s30, s19, $0xb8;
	[tilespmem:$0x1D000] =	vst v63  }
0x26d: {  	s15 =	simm.s32 $0xA00;
	s23 =	simm.s32 $0xA80;
	_ =	swait.ge [sflag:s24], $0x4000  }
0x26e: {  	s25 =	simm.s32 $0x300;
	s26 =	simm.s32 $0x380;
	[sflag:s24] =	ssyncset.done $0x0  }
.LBB2_6:
0x26f: {  	s0 =	sadd.s32 s29, s12;
	[sflag:s24] =	ssyncadd.s32 $0xFFFFC000  }
0x270: {  	s1 =	smov.u32 s31;
	s30 =	sadd.s32 $0x100, s31;
	p1 =	sne.s32 s31, $0x600  }
0x271: {  	[tilespmem:s3], [sflag:$0x1] =	stream.linear.gather [hbm4b:s0+s3], $0x600, $0x38;
	[tilespmem:$0x1D000] =	vst v63  }
0x272: {  	s0 =	sadd.s32 s29, s11;
	s29 =	smov.u32 s1;
	s1 =	simm.s32 $0x400  }
0x273: {  	[tilespmem:s16], [sflag:$0x2] =	stream.linear.gather [hbm4b:s0+s3], $0x600, $0x38;
	[tilespmem:$0x1D000] =	vst v63  }
0x274: {  	_ =	swait.ge [sflag:s17], $0x600  }
0x275: {  	[sflag:s17] =	ssyncset.done $0x0  }
0x276: {  	[sflag:s17] =	ssyncadd.s32 $0xFFFFFA00  }
0x277: {  	_ =	swait.ge [sflag:s18], $0x600  }
0x278: {  	[sflag:s18] =	ssyncset.done $0x0  }
0x279: {  	[sflag:s18] =	ssyncadd.s32 $0xFFFFFA00  }
0x27a: {  	[tilespmem:s20], [sflag:$0x1] =	stream.indirect.gather [hbm4b:s6+s19], $0x80, s3, s19, $0xb8;
	[tilespmem:$0x1D000] =	vst v63  }
0x27b: {  	_ =	swait.ge [sflag:s17], $0x4000  }
0x27c: {  	[sflag:s17] =	ssyncset.done $0x0  }
0x27d: {  	[sflag:s17] =	ssyncadd.s32 $0xFFFFC000  }
0x27e: {  	[tilespmem:s21], [sflag:$0x2] =	stream.indirect.gather [hbm4b:s6+s19], $0x80, s19, s19, $0xb8;
	[tilespmem:$0x1D000] =	vst v63  }
0x27f: {  	_ = 	snop  }
0x280: {  	[spmem:s2] =	stream.indirect.scatter.add.f32 [tilespmem:s20], [sflag:$0x3], $0x80, s16, s19, $0xb8;
	[tilespmem:$0x1D000] =	vst v63  }
0x281: {  	_ =	swait.ge [sflag:s18], $0x4000  }
0x282: {  	[sflag:s18] =	ssyncset.done $0x0  }
0x283: {  	[sflag:s18] =	ssyncadd.s32 $0xFFFFC000  }
0x284: {  	_ =	swait.ge [sflag:s22], $0x4000  }
0x285: {  	[sflag:s22] =	ssyncset.done $0x0  }
0x286: {  	[sflag:s22] =	ssyncadd.s32 $0xFFFFC000  }
0x287: {  	[spmem:s2] =	stream.indirect.scatter.add.f32 [tilespmem:s21], [sflag:$0x4], $0x80, s8, s19, $0xb8;
	[tilespmem:$0x1D000] =	vst v63  }
0x288: {  	_ =	swait.ge [sflag:s24], $0x4000  }
0x289: {  	[sflag:s24] =	ssyncset.done $0x0  }
0x28a: {  	[sflag:s24] =	ssyncadd.s32 $0xFFFFC000  }
0x28b: {  	[tilespmem:s20], [sflag:$0x1] =	stream.indirect.gather [hbm4b:s6+s19], $0x80, s9, s19, $0xb8;
	[tilespmem:$0x1D000] =	vst v63  }
0x28c: {  	_ =	swait.ge [sflag:s17], $0x4000  }
0x28d: {  	[sflag:s17] =	ssyncset.done $0x0  }
0x28e: {  	[sflag:s17] =	ssyncadd.s32 $0xFFFFC000  }
0x28f: {  	[tilespmem:s21], [sflag:$0x2] =	stream.indirect.gather [hbm4b:s6+s19], $0x80, s4, s19, $0xb8;
	[tilespmem:$0x1D000] =	vst v63  }
0x290: {  	_ = 	snop  }
0x291: {  	[spmem:s2] =	stream.indirect.scatter.add.f32 [tilespmem:s20], [sflag:$0x3], $0x80, s7, s19, $0xb8;
	[tilespmem:$0x1D000] =	vst v63  }
0x292: {  	_ =	swait.ge [sflag:s18], $0x4000  }
0x293: {  	[sflag:s18] =	ssyncset.done $0x0  }
0x294: {  	[sflag:s18] =	ssyncadd.s32 $0xFFFFC000  }
0x295: {  	_ =	swait.ge [sflag:s22], $0x4000  }
0x296: {  	[sflag:s22] =	ssyncset.done $0x0  }
0x297: {  	[sflag:s22] =	ssyncadd.s32 $0xFFFFC000  }
0x298: {  	[spmem:s2] =	stream.indirect.scatter.add.f32 [tilespmem:s21], [sflag:$0x4], $0x80, s10, s19, $0xb8;
	[tilespmem:$0x1D000] =	vst v63  }
0x299: {  	_ =	swait.ge [sflag:s24], $0x4000  }
0x29a: {  	[sflag:s24] =	ssyncset.done $0x0  }
0x29b: {  	[sflag:s24] =	ssyncadd.s32 $0xFFFFC000  }
0x29c: {  	[tilespmem:s20], [sflag:$0x1] =	stream.indirect.gather [hbm4b:s6+s19], $0x80, s14, s19, $0xb8;
	[tilespmem:$0x1D000] =	vst v63  }
0x29d: {  	_ =	swait.ge [sflag:s17], $0x4000  }
0x29e: {  	[sflag:s17] =	ssyncset.done $0x0  }
0x29f: {  	[sflag:s17] =	ssyncadd.s32 $0xFFFFC000  }
0x2a0: {  	[tilespmem:s21], [sflag:$0x2] =	stream.indirect.gather [hbm4b:s6+s19], $0x80, s13, s19, $0xb8;
	[tilespmem:$0x1D000] =	vst v63  }
0x2a1: {  	_ = 	snop  }
0x2a2: {  	[spmem:s2] =	stream.indirect.scatter.add.f32 [tilespmem:s20], [sflag:$0x3], $0x80, s15, s19, $0xb8;
	[tilespmem:$0x1D000] =	vst v63  }
0x2a3: {  	_ =	swait.ge [sflag:s18], $0x4000  }
0x2a4: {  	[sflag:s18] =	ssyncset.done $0x0  }
0x2a5: {  	[sflag:s18] =	ssyncadd.s32 $0xFFFFC000  }
0x2a6: {  	_ =	swait.ge [sflag:s22], $0x4000  }
0x2a7: {  	[sflag:s22] =	ssyncset.done $0x0  }
0x2a8: {  	[sflag:s22] =	ssyncadd.s32 $0xFFFFC000  }
0x2a9: {  	[spmem:s2] =	stream.indirect.scatter.add.f32 [tilespmem:s21], [sflag:$0x4], $0x80, s23, s19, $0xb8;
	[tilespmem:$0x1D000] =	vst v63  }
0x2aa: {  	_ =	swait.ge [sflag:s24], $0x4000  }
0x2ab: {  	[sflag:s24] =	ssyncset.done $0x0  }
0x2ac: {  	[sflag:s24] =	ssyncadd.s32 $0xFFFFC000  }
0x2ad: {  	[tilespmem:s20], [sflag:$0x1] =	stream.indirect.gather [hbm4b:s6+s19], $0x80, s25, s19, $0xb8;
	[tilespmem:$0x1D000] =	vst v63  }
0x2ae: {  	_ =	swait.ge [sflag:s17], $0x4000  }
0x2af: {  	[sflag:s17] =	ssyncset.done $0x0  }
0x2b0: {  	[sflag:s17] =	ssyncadd.s32 $0xFFFFC000  }
0x2b1: {  	[tilespmem:s21], [sflag:$0x2] =	stream.indirect.gather [hbm4b:s6+s19], $0x80, s26, s19, $0xb8;
	[tilespmem:$0x1D000] =	vst v63  }
0x2b2: {  	_ = 	snop  }
0x2b3: {  	[spmem:s2] =	stream.indirect.scatter.add.f32 [tilespmem:s20], [sflag:$0x3], $0x80, s28, s19, $0xb8;
	[tilespmem:$0x1D000] =	vst v63  }
0x2b4: {  	_ =	swait.ge [sflag:s18], $0x4000  }
0x2b5: {  	[sflag:s18] =	ssyncset.done $0x0  }
0x2b6: {  	[sflag:s18] =	ssyncadd.s32 $0xFFFFC000  }
0x2b7: {  	_ =	swait.ge [sflag:s22], $0x4000  }
0x2b8: {  	[sflag:s22] =	ssyncset.done $0x0  }
0x2b9: {  	s0 =	simm.s32 $0xB80;
	[sflag:s22] =	ssyncadd.s32 $0xFFFFC000  }
0x2ba: {  	[spmem:s2] =	stream.indirect.scatter.add.f32 [tilespmem:s21], [sflag:$0x4], $0x80, s0, s19, $0xb8;
	[tilespmem:$0x1D000] =	vst v63  }
0x2bb: {  	_ =	swait.ge [sflag:s24], $0x4000  }
0x2bc: {  	[sflag:s24] =	ssyncset.done $0x0  }
0x2bd: {  	[sflag:s24] =	ssyncadd.s32 $0xFFFFC000  }
0x2be: {  	[tilespmem:s20], [sflag:$0x1] =	stream.indirect.gather [hbm4b:s6+s19], $0x80, s1, s19, $0xb8;
	[tilespmem:$0x1D000] =	vst v63  }
0x2bf: {  	_ =	swait.ge [sflag:s17], $0x4000  }
0x2c0: {  	[sflag:s17] =	ssyncset.done $0x0  }
0x2c1: {  	s0 =	simm.s32 $0x480;
	[sflag:s17] =	ssyncadd.s32 $0xFFFFC000  }
0x2c2: {  	[tilespmem:s21], [sflag:$0x2] =	stream.indirect.gather [hbm4b:s6+s19], $0x80, s0, s19, $0xb8;
	[tilespmem:$0x1D000] =	vst v63  }
0x2c3: {  	s0 =	simm.s32 $0xC00  }
0x2c4: {  	[spmem:s2] =	stream.indirect.scatter.add.f32 [tilespmem:s20], [sflag:$0x3], $0x80, s0, s19, $0xb8;
	[tilespmem:$0x1D000] =	vst v63  }
0x2c5: {  	_ =	swait.ge [sflag:s18], $0x4000  }
0x2c6: {  	[sflag:s18] =	ssyncset.done $0x0  }
0x2c7: {  	[sflag:s18] =	ssyncadd.s32 $0xFFFFC000  }
0x2c8: {  	_ =	swait.ge [sflag:s22], $0x4000  }
0x2c9: {  	[sflag:s22] =	ssyncset.done $0x0  }
0x2ca: {  	s0 =	simm.s32 $0xC80;
	[sflag:s22] =	ssyncadd.s32 $0xFFFFC000  }
0x2cb: {  	[spmem:s2] =	stream.indirect.scatter.add.f32 [tilespmem:s21], [sflag:$0x4], $0x80, s0, s19, $0xb8;
	[tilespmem:$0x1D000] =	vst v63  }
0x2cc: {  	_ =	swait.ge [sflag:s24], $0x4000  }
0x2cd: {  	[sflag:s24] =	ssyncset.done $0x0  }
0x2ce: {  	s0 =	simm.s32 $0x500;
	[sflag:s24] =	ssyncadd.s32 $0xFFFFC000  }
0x2cf: {  	[tilespmem:s20], [sflag:$0x1] =	stream.indirect.gather [hbm4b:s6+s19], $0x80, s0, s19, $0xb8;
	[tilespmem:$0x1D000] =	vst v63  }
0x2d0: {  	_ =	swait.ge [sflag:s17], $0x4000  }
0x2d1: {  	[sflag:s17] =	ssyncset.done $0x0  }
0x2d2: {  	s0 =	simm.s32 $0x580;
	[sflag:s17] =	ssyncadd.s32 $0xFFFFC000  }
0x2d3: {  	[tilespmem:s21], [sflag:$0x2] =	stream.indirect.gather [hbm4b:s6+s19], $0x80, s0, s19, $0xb8;
	[tilespmem:$0x1D000] =	vst v63  }
0x2d4: {  	s0 =	simm.s32 $0xD00  }
0x2d5: {  	[spmem:s2] =	stream.indirect.scatter.add.f32 [tilespmem:s20], [sflag:$0x3], $0x80, s0, s19, $0xb8;
	[tilespmem:$0x1D000] =	vst v63  }
0x2d6: {  	_ =	swait.ge [sflag:s18], $0x4000  }
0x2d7: {  	[sflag:s18] =	ssyncset.done $0x0  }
0x2d8: {  	[sflag:s18] =	ssyncadd.s32 $0xFFFFC000  }
0x2d9: {  	_ =	swait.ge [sflag:s22], $0x4000  }
.Ltmp5:
0x2da: {  	[sflag:s22] =	ssyncset.done $0x0;
	(pc) =	sbr.rel @p1 .LBB2_6-.Ltmp5, $4  }
0x2db: {  	s0 =	simm.s32 $0xD80;
	[sflag:s22] =	ssyncadd.s32 $0xFFFFC000  }
0x2dc: {  	[spmem:s2] =	stream.indirect.scatter.add.f32 [tilespmem:s21], [sflag:$0x4], $0x80, s0, s19, $0xb8;
	[tilespmem:$0x1D000] =	vst v63  }
0x2dd: {  	_ =	swait.ge [sflag:s24], $0x4000  }
0x2de: {  	s31 =	smov.u32 s30;
	[sflag:s24] =	ssyncset.done $0x0  }
.Ltmp6:
0x2df: {  	_ = 	snop;
	(pc) =	sbr.rel .LBB2_7-.Ltmp6, $1  }
0x2e0: {  	_ =	sdelay $0x3  }
.LBB2_9:
0x2e1: {  	_ =	sfence.sel $0x180000  }
0x2e2: {  	[bflag:$0x0] =	sbarrier.arrive $0xFFFF  }
0x2e3: {  	_ =	strace $0x9000004D  }
0x2e4: {  	s0 =	stileid.u32;
	[bflag:$0x2] =	sbarrier.arrive $0xFFFF  }
0x2e5: {  	p0 =	sne.s32 s0, $0x0;
	s0 =	rddreg [dreg:$0x3]  }
0x2e6: {  	s0 =	sadd.s32 @!p0 $0x100000, s0  }
0x2e7: {  	[sflag:s0] =	ssyncadd.tile.s32 @!p0 $0x1;
	_ =	shalt  }
.Lfunc_end2:
_tile_overlayer_lowered:
.L_overlay_start_2:
0x2e8: {  	(tag) =	ssettag $0x2  }
0x2e9: {  	s0 =	rddreg [dreg:$0x0];
	s2 =	stileid.u32  }
0x2ea: {  	s1 =	rddreg [dreg:$0x1];
	p0 =	sne.s32 s2, $0x0  }
0x2eb: {  	s3 =	rddreg [dreg:$0x2];
	[bflag:$0x3] =	sbarrier.arrive $0xFFFF;
	s2 =	simm.s32 @!p0 $0x1C05  }
0x2ec: {  	[timem:s3], [sflag:s2] =	dma.local @!p0 [hbm:s0], s1  }
0x2ed: {  	s0 =	simm.s32 @!p0 $0x5  }
0x2ee: {  	_ =	swait.ge @!p0 [sflag:s0], s1  }
0x2ef: {  	s1 =	ssub.s32 @!p0 $0x0, s1;
	[sflag:s0] =	ssyncset.done @!p0 $0x0  }
0x2f0: {  	[sflag:s0] =	ssyncadd.s32 @!p0 s1  }
0x2f1: {  	[bflag:$0x3] =	sbarrier.arrive $0xFFFF  }
0x2f2: {  	_ =	shalt  }

// kernel: kernel.20.cloned.1.call-start
scs
__scs_entry_jumppad:
0x0: {  	(pc) =	sbr.rel $0x88, $3  }
0x1: {  	(tag) =	ssettag $0x0;
	lr =	simm.s32 $0x1  }
0x2: {  	[smem:$0x3F99] =	sst lr;
	_ =	strace $0xD0000000  }
0x3: {  	_ = 	snop  }
0x4: {  	_ = 	snop  }
0x5: {  	_ = 	snop  }
0x6: {  	_ = 	snop  }
0x7: {  	_ = 	snop  }
__scs_overlays_trampoline_lowered:
0x8: {  	[smem:$0x3FA8] =	sst s0  }
0x9: {  	[smem:$0x3FA9] =	sst s1  }
0xa: {  	[smem:$0x3FAA] =	sst s2  }
0xb: {  	[smem:$0x3FAB] =	sst s3  }
0xc: {  	[smem:$0x3FAC] =	sst s4  }
0xd: {  	[smem:$0x3FAD] =	sst s5  }
0xe: {  	[smem:$0x3FAE] =	sst s6  }
0xf: {  	[smem:$0x3FAF] =	sst s7  }
0x10: {  	[smem:$0x3FB0] =	sst s8  }
0x11: {  	[smem:$0x3FB1] =	sst s9;
	s0 =	simm.s32 @!p0 $0x0  }
0x12: {  	s1 =	sld [smem:$0x3F97];
	s0 =	simm.s32 @p0 $0x1  }
0x13: {  	[smem:$0x3FB2] =	sst s0;
	s0 =	simm.s32 @!p1 $0x0  }
0x14: {  	s2 =	sld [smem:$0x3F96];
	s0 =	simm.s32 @p1 $0x1  }
0x15: {  	[smem:$0x3FB3] =	sst s0;
	s0 =	simm.s32 @!p2 $0x0  }
0x16: {  	s3 =	sld [smem:$0x3FDB];
	s0 =	simm.s32 @p2 $0x1  }
0x17: {  	s4 =	simm.s32 $0x1BF5;
	[smem:$0x3FB5] =	sst s0  }
0x18: {  	s0 =	sld [smem:$0x3F98];
	_ =	swait.ge [sflag:s4], $0x0  }
0x19: {  	s7 =	sld [smem:$0x3F99]  }
0x1a: {  	s8 =	sadd.s32 $0xFFFFE003, lr  }
0x1b: {  	s9 =	sadd.s32 $0xFFFFFEF7, lr;
	s5 =	simm.s32 $0xFFFFFFFF;
	p2 =	slt.u32 s8, $0xFFFFF086  }
0x1c: {  	p1 =	slt.u32 s9, $0xF7A;
	s5 =	simm.s32 @!p2 $0x0  }
0x1d: {  	s5 =	simm.s32 @p1 $0x1;
	p0 =	seq.s32 s7, s2  }
0x1e: {  	s7 =	smul.u32 @!p0 $0xF7A, s2;
	p2 =	seq.s32 @!p0 s5, $0x0  }
0x1f: {  	s9 =	smul.u32 $0xF7A, s1;
	s8 =	simm.s32 @!p0 $0x1BF5;
	p2 =	por !p2, p0  }
0x20: {  	[sflag:s8] =	ssyncset.s32 @!p0 $0xFFFFF086;
	s6 =	sadd.s32 @!p0 s3, s7;
	s7 =	simm.s32 @!p0 $0x108  }
0x21: {  	s3 =	sadd.s32 s3, s9;
	s6 =	sadd.s32 @!p0 $0x88, s6;
	s7 =	simm.s32 @p2 $0x1082  }
0x22: {  	[simem:s7], [sflag:s8] =	dma.local @!p0 [hbm:s6], $0xF7A  }
0x23: {  	s9 =	sor.u32 $0xD0000000, s2;
	s6 =	simm.s32 $0x108;
	_ =	swait.ge @!p0 [sflag:s8], $0x0  }
0x24: {  	s3 =	sadd.s32 $0x88, s3;
	s6 =	simm.s32 @!p1 $0x1082;
	[sflag:s4] =	ssyncset.s32 $0xFFFFF086  }
0x25: {  	[simem:s6], [sflag:s4] =	dma.local [hbm:s3], $0xF7A  }
0x26: {  	[smem:$0x3F99] =	sst s1;
	(tag) =	ssettag s2;
	_ =	strace s9  }
0x27: {  	s1 =	sld [smem:$0x3FA9]  }
0x28: {  	s2 =	sld [smem:$0x3FAA]  }
0x29: {  	s4 =	sld [smem:$0x3FAC]  }
0x2a: {  	p0 =	seq.s32 s5, $0x0;
	s5 =	sld [smem:$0x3FAD]  }
0x2b: {  	s6 =	sld [smem:$0x3FAE]  }
0x2c: {  	s7 =	sld [smem:$0x3FAF]  }
0x2d: {  	s3 =	simm.s32 $0x108;
	s8 =	sld [smem:$0x3FB0]  }
0x2e: {  	s3 =	simm.s32 @!p0 $0x1082;
	s9 =	sld [smem:$0x3FB1]  }
0x2f: {  	lr =	sadd.s32 s0, s3;
	s0 =	sld [smem:$0x3FA8]  }
0x30: {  	s3 =	sld [smem:$0x3FAB]  }
0x31: {  	[smem:$0x3FB4] =	sst s10  }
0x32: {  	s10 =	sld [smem:$0x3FB2];
	_ =	sdelay $0x3  }
0x33: {  	p0 =	seq.s32 s10, $0x1;
	s10 =	sld [smem:$0x3FB4];
	_ =	sdelay $0x3  }
0x34: {  	[smem:$0x3FB4] =	sst s10  }
0x35: {  	s10 =	sld [smem:$0x3FB3];
	_ =	sdelay $0x3  }
0x36: {  	p1 =	seq.s32 s10, $0x1;
	s10 =	sld [smem:$0x3FB4];
	_ =	sdelay $0x3  }
0x37: {  	[smem:$0x3FB4] =	sst s10  }
0x38: {  	s10 =	sld [smem:$0x3FB5]  }
0x39: {  	_ = 	snop;
	(pc) =	sbr.ind lr, $3  }
0x3a: {  	_ = 	snop  }
0x3b: {  	_ = 	snop  }
0x3c: {  	p2 =	seq.s32 s10, $0x1;
	s10 =	sld [smem:$0x3FB4]  }
0x3d: {  	_ =	shalt  }
0x3e: {  	_ =	shalt  }
0x3f: {  	_ =	shalt  }
0x40: {  	_ =	shalt  }
0x41: {  	_ =	shalt  }
0x42: {  	_ =	shalt  }
0x43: {  	_ =	shalt  }
0x44: {  	_ =	shalt  }
0x45: {  	_ =	shalt  }
0x46: {  	_ =	shalt  }
0x47: {  	_ =	shalt  }
0x48: {  	_ =	shalt  }
0x49: {  	_ =	shalt  }
0x4a: {  	_ =	shalt  }
0x4b: {  	_ =	shalt  }
0x4c: {  	_ =	shalt  }
0x4d: {  	_ =	shalt  }
0x4e: {  	_ =	shalt  }
0x4f: {  	_ =	shalt  }
0x50: {  	_ =	shalt  }
0x51: {  	_ =	shalt  }
0x52: {  	_ =	shalt  }
0x53: {  	_ =	shalt  }
0x54: {  	_ =	shalt  }
0x55: {  	_ =	shalt  }
0x56: {  	_ =	shalt  }
0x57: {  	_ =	shalt  }
0x58: {  	_ =	shalt  }
0x59: {  	_ =	shalt  }
0x5a: {  	_ =	shalt  }
0x5b: {  	_ =	shalt  }
0x5c: {  	_ =	shalt  }
0x5d: {  	_ =	shalt  }
0x5e: {  	_ =	shalt  }
0x5f: {  	_ =	shalt  }
0x60: {  	_ =	shalt  }
0x61: {  	_ =	shalt  }
0x62: {  	_ =	shalt  }
0x63: {  	_ =	shalt  }
0x64: {  	_ =	shalt  }
0x65: {  	_ =	shalt  }
0x66: {  	_ =	shalt  }
0x67: {  	_ =	shalt  }
0x68: {  	_ =	shalt  }
0x69: {  	_ =	shalt  }
0x6a: {  	_ =	shalt  }
0x6b: {  	_ =	shalt  }
0x6c: {  	_ =	shalt  }
0x6d: {  	_ =	shalt  }
0x6e: {  	_ =	shalt  }
0x6f: {  	_ =	shalt  }
0x70: {  	_ =	shalt  }
0x71: {  	_ =	shalt  }
0x72: {  	_ =	shalt  }
0x73: {  	_ =	shalt  }
0x74: {  	_ =	shalt  }
0x75: {  	_ =	shalt  }
0x76: {  	_ =	shalt  }
0x77: {  	_ =	shalt  }
0x78: {  	_ =	shalt  }
0x79: {  	_ =	shalt  }
0x7a: {  	_ =	shalt  }
0x7b: {  	_ =	shalt  }
0x7c: {  	_ =	shalt  }
0x7d: {  	_ =	shalt  }
0x7e: {  	_ =	shalt  }
0x7f: {  	_ =	shalt  }
0x80: {  	_ =	shalt  }
0x81: {  	_ =	shalt  }
0x82: {  	_ =	shalt  }
0x83: {  	_ =	shalt  }
0x84: {  	_ =	shalt  }
0x85: {  	_ =	shalt  }
0x86: {  	_ =	shalt  }
0x87: {  	_ =	shalt  }
.Lfunc_end0:
.L_simem_size_0:
called_computation.3_lowered:
.L_overlay_start_0:
0x88: {  	s2 =	sld [smem:$0x3FD9]  }
0x89: {  	s3 =	sld [smem:$0x3FFE];
	_ =	sdelay $0x1  }
0x8a: {  	s1 =	srdreg.scid  }
0x8b: {  	s0 =	sand.u32 $0x1, s1  }
0x8c: {  	s16 =	sshll.u32 s0, $0xA;
	s2 =	sadd.s32 s3, s2  }
0x8d: {  	s2 =	sadd.s32 s2, s16  }
0x8e: {  	[smem:$0x3FC0] =	sst s2  }
0x8f: {  	_ = 	snop  }
0x90: {  	(tm) =	ssettm $0x1  }
0x91: {  	s17 =	sld [smem:$0x3FFB];
	_ =	sdelay $0x3  }
0x92: {  	_ =	strace s17  }
0x93: {  	s2 =	sld [smem:$0x3FFC];
	_ =	sdelay $0x3  }
0x94: {  	_ =	strace s2  }
0x95: {  	s2 =	sld [smem:$0x3FFD];
	_ =	sdelay $0x3  }
0x96: {  	_ =	strace s2  }
0x97: {  	_ =	strace $0x8FFFFFFF  }
0x98: {  	s18 =	sld [smem:$0x3FDB];
	_ =	sdelay $0x1  }
0x99: {  	s19 =	simm.s32 $_scs_section_size  }
0x9a: {  	s4 =	simm.s32 $_size__tile_overlayer_lowered;
	s5 =	simm.s32 $_tile_overlayer_lowered  }
0x9b: {  	s22 =	simm.s32 $0x1BFF;
	s21 =	sshll.u32 s5, $0x1;
	s2 =	sadd.s32 s19, s18  }
0x9c: {  	s6 =	simm.s32 $0x0;
	s20 =	sshll.u32 s4, $0x1;
	s4 =	sadd.s32 s21, s2  }
0x9d: {  	[timem:s6], [sflag:s22] =	dma.local [hbm:s4], s20  }
0x9e: {  	_ =	swait.ge [sflag:s22], s20  }
0x9f: {  	s3 =	ssub.s32 $0x0, s20;
	[sflag:s22] =	ssyncset.done $0x0  }
0xa0: {  	[sflag:s22] =	ssyncadd.s32 s3;
	_ =	sdelay $0x1  }
0xa1: {  	s23 =	simm.s32 $0x1B8B  }
0xa2: {  	_ =	swait.ge [sflag:s23], $0x1  }
0xa3: {  	[sflag:s23] =	ssyncset.done $0x0  }
0xa4: {  	s25 =	simm.s32 $0x1B8E;
	s24 =	sld [smem:$0x3FFE];
	[sflag:s23] =	ssyncadd.s32 $0xFFFFFFFF  }
0xa5: {  	s26 =	simm.s32 $execute0_lowered;
	[smem:$0x3FD2] =	sst s25  }
0xa6: {  	s4 =	sshll.u32 s26, $0x1;
	_ =	strace $0x8000004F;
	[dreg:$0x1] =	wrdreg $0xFFFFFFFF  }
0xa7: {  	s28 =	simm.s32 $_size_execute0_lowered;
	s2 =	sadd.s32 s2, s4;
	[dreg:$0x0] =	wrdreg $0x0  }
0xa8: {  	s4 =	sshll.u32 s28, $0x1;
	[dreg:$0x2] =	wrdreg s2  }
0xa9: {  	[dreg:$0x3] =	wrdreg s4  }
0xaa: {  	[dreg:$0x4] =	wrdreg $0xC0  }
0xab: {  	_ =	task [dreg:s6], $0x5FFFF  }
0xac: {  	[dreg:$0x1] =	wrdreg $0xFFFFFFFF  }
0xad: {  	[dreg:$0x0] =	wrdreg $0x60  }
0xae: {  	[dreg:$0x2] =	wrdreg s24  }
0xaf: {  	[dreg:$0x3] =	wrdreg $0xA8000  }
0xb0: {  	[dreg:$0x4] =	wrdreg $0x9  }
0xb1: {  	_ =	task.clear_ibuf [dreg:s6], $0x5FFFF;
	_ =	strace $0x9000004F  }
0xb2: {  	s29 =	simm.s32 $0x9;
	_ =	strace $0x80000051  }
0xb3: {  	_ =	swait.ge [sflag:s29], $0x1  }
0xb4: {  	[sflag:s29] =	ssyncadd.s32 $0xFFFFFFFF  }
0xb5: {  	_ =	strace $0x90000051  }
0xb6: {  	_ =	sfence  }
0xb7: {  	s30 =	sld [smem:$0x0];
	_ =	sdelay $0x2  }
0xb8: {  	s31 =	sshll.u32 s1, $0xD;
	s1 =	sshrl.u32 s1, $0x2  }
0xb9: {  	s3 =	sand.u32 $0x4000, s31;
	s1 =	sadd.s32 s1, s30  }
0xba: {  	s0 =	sor.u32 s3, s0;
	s1 =	sshll.u32 s1, $0x11  }
0xbb: {  	s0 =	sor.u32 s1, s0  }
0xbc: {  	s0 =	sadd.s32 $0x8F2B, s0  }
0xbd: {  	[sflag:s0] =	ssyncadd.remote.s32 $0x1  }
0xbe: {  	_ =	sfence.sel $0xFFFF  }
0xbf: {  	[dreg:$0x0] =	wrdreg $0xFFFFFFFF;
	(pc) =	sbr.abs _section_cstart, $3  }
0xc0: {  	[dreg:$0x1] =	wrdreg $0xFFFFFFFF  }
0xc1: {  	_ =	task.clear_ibuf [dreg:s6], $0x2FFFF;
	_ =	strace $0x9FFFFFFF  }
0xc2: {  	(tm) =	ssettm $0x7FFFFFFF  }
0xc3: {  	_ =	shalt  }
tec
execute0_lowered:
.L_overlay_start_1:
0x0: {  	(tag) =	ssettag $0x1  }
0x1: {  	s0 =	rddreg [dreg:$0x0]  }
0x2: {  	s1 =	rddreg [dreg:$0x1]  }
0x3: {  	s2 =	simm.s32 $0x0;
	s3 =	srdreg.scid;
	s16 =	stileid.u32  }
0x4: {  	s17 =	simm.s32 $0x3;
	s21 =	simm.s32 $0x400;
	s22 =	simm.s32 $0x1  }
0x5: {  	s23 =	simm.s32 $0x2;
	s24 =	simm.s32 $0x80;
	s25 =	simm.s32 $0x800  }
0x6: {  	s28 =	simm.s32 $0x8800;
	s29 =	simm.s32 $0x0;
	s30 =	simm.s32 $0x0  }
0x7: {  	[smem:$0x7FF] =	sst s2;
	s12 =	sadd.s32 $0x27E00, s0;
	s4 =	sadd.s32 $0x600, s0  }
0x8: {  	s3 =	sand.u32 $0x1, s3;
	s6 =	sadd.s32 $0xB8600, s0;
	s7 =	sadd.s32 $0xAE600, s0  }
0x9: {  	s8 =	sadd.s32 $0xC2600, s0;
	p4 =	sne.s32 s16, $0xF;
	s10 =	smul.u32 $0x4F000, s16  }
0xa: {  	p0 =	seq.s32 s16, $0xF;
	s11 =	smul.u32 $0x2780, s16;
	s15 =	sadd.s32 $0x128400, s1  }
0xb: {  	s13 =	sadd.s32 $0xC2A00, s0;
	s26 =	sshll.u32 s16, $0x6;
	_ =	strace $0x80000050  }
0xc: {  	s5 =	ssub.s32 $0x2, s3;
	p2 =	seq.s32 s3, $0x0;
	p3 =	seq.s32 s3, $0x1  }
0xd: {  	s3 =	smul.u32 $0x50000, s3;
	[dreg:$0x3] =	wrdreg s12;
	s0 =	sor.u32 $0x1C03, s26  }
0xe: {  	s20 =	sshrl.u32 s15, $0x3;
	s26 =	simm.s32 $0x4800;
	s9 =	sshrl.u32 s5, $0x1  }
0xf: {  	p1 =	por !p2, !p4;
	p2 =	por !p2, !p0;
	s10 =	sshrl.u32 s10, $0x2  }
0x10: {  	s12 =	sadd.s32 s12, s11;
	p4 =	por !p4, !p3;
	s11 =	sadd.s32 s4, s11  }
0x11: {  	[dreg:$0x5] =	wrdreg s0;
	s5 =	ssub.s32 s5, s9;
	p1 =	por !p1, !p1  }
0x12: {  	p2 =	por !p2, !p2;
	s9 =	smul.u32 $0x5000, s16;
	s10 =	sadd.s32 s10, s1  }
0x13: {  	[dreg:$0x4] =	wrdreg s12;
	p4 =	por !p4, !p4;
	s14 =	smax.u32 s5, $0x1  }
0x14: {  	s31 =	sshrl.u32 s10, $0x3;
	s0 =	sshll.u32 @p4 s16, $0x6;
	s19 =	sshrl.u32 @p4 s10, $0x3  }
0x15: {  	s12 =	sadd.s32 s3, s9;
	[dreg:$0x6] =	wrdreg s31;
	s18 =	sor.u32 @p4 $0x1C03, s0  }
.LBB2_1:
.Ltmp0:
0x16: {  	(pc) =	sbr.rel @!p1 .LBB2_3-.Ltmp0, $1  }
0x17: {  	_ =	sdelay $0x3  }
0x18: {  	s0 =	rddreg [dreg:$0x4]  }
0x19: {  	s3 =	rddreg [dreg:$0x5]  }
.Ltmp1:
0x1a: {  	s5 =	rddreg [dreg:$0x6];
	(pc) =	sbr.rel .LBB2_4-.Ltmp1, $4  }
0x1b: {  	[spmem:s5], [sflag:s3] =	dma.local [hbm:s0], $0x2780  }
0x1c: {  	_ =	swait.ge [sflag:s17], $0x2780  }
0x1d: {  	[sflag:s17] =	ssyncset.done $0x0  }
0x1e: {  	p5 =	por $0x0, $0x0;
	[sflag:s17] =	ssyncadd.s32 $0xFFFFD880  }
.LBB2_3:
.Ltmp2:
0x1f: {  	(pc) =	sbr.rel @p2 .LBB2_5-.Ltmp2, $2  }
0x20: {  	_ =	sdelay $0x2  }
0x21: {  	s3 =	simm.s32 $0xF;
	p5 =	por p0, p0;
	s0 =	rddreg [dreg:$0x3]  }
.LBB2_4:
0x22: {  	[spmem:s19], [sflag:s18] =	dma.local @p4 [hbm:s11], $0x2780  }
0x23: {  	p6 =	por @p4 $0x1, $0x1  }
0x24: {  	p6 =	por @!p4 p3, p3  }
0x25: {  	p5 =	por !p6, !p5  }
0x26: {  	p5 =	por !p5, !p5  }
.Ltmp3:
0x27: {  	_ = 	snop;
	(pc) =	sbr.rel @!p5 .LBB2_6-.Ltmp3, $4  }
0x28: {  	s0 =	simm.s32 @p4 $0x3  }
0x29: {  	_ =	swait.ge @p4 [sflag:s0], $0x2780  }
0x2a: {  	[sflag:s0] =	ssyncset.done @p4 $0x0  }
0x2b: {  	s3 =	stileid.u32;
	[sflag:s0] =	ssyncadd.s32 @p4 $0xFFFFD880;
	s0 =	smov.u32 s4  }
.LBB2_5:
0x2c: {  	s3 =	sshll.u32 s3, $0x6  }
0x2d: {  	s0 =	sadd.s32 $0x25080, s0;
	s3 =	sor.u32 $0x1C03, s3  }
0x2e: {  	[spmem:s20], [sflag:s3] =	dma.local [hbm:s0], $0x2080  }
0x2f: {  	_ =	swait.ge [sflag:s17], $0x2080  }
0x30: {  	[sflag:s17] =	ssyncset.done $0x0  }
0x31: {  	[sflag:s17] =	ssyncadd.s32 $0xFFFFDF80  }
.LBB2_6:
0x32: {  	[bflag:$0x0] =	sbarrier.arrive $0xFFFF;
	s31 =	simm.s32 $0x0  }
.LBB2_7:
0x33: {  	s0 =	sshll.u32 s31, $0xA  }
0x34: {  	s3 =	sadd.s32 s9, s0  }
0x35: {  	s3 =	sshrl.u32 s3, $0x3  }
0x36: {  	s5 =	sadd.s32 s6, s3  }
0x37: {  	[tilespmem:s30], [sflag:$0x1] =	stream.linear.gather [hbm4b:s5+s30], $0x400, $0x38;
	[tilespmem:$0x1E080] =	vst v63  }
0x38: {  	s3 =	sadd.s32 s7, s3  }
0x39: {  	[tilespmem:s21], [sflag:$0x2] =	stream.linear.gather [hbm4b:s3+s30], $0x400, $0x38;
	[tilespmem:$0x1E080] =	vst v63  }
0x3a: {  	_ =	swait.ge [sflag:s22], $0x400  }
0x3b: {  	[sflag:s22] =	ssyncset.done $0x0  }
0x3c: {  	[sflag:s22] =	ssyncadd.s32 $0xFFFFFC00  }
0x3d: {  	_ =	swait.ge [sflag:s23], $0x400  }
0x3e: {  	[sflag:s23] =	ssyncset.done $0x0  }
0x3f: {  	s0 =	sadd.s32 s12, s0;
	s5 =	simm.s32 $0x0;
	[sflag:s23] =	ssyncadd.s32 $0xFFFFFC00  }
.LBB2_8:
0x40: {  	s10 =	sshll.u32 s5, $0x7  }
0x41: {  	[tilespmem:s25], [sflag:$0x1] =	stream.indirect.gather [spmem:s1], $0x80, s10, s24, $0xb8;
	[tilespmem:$0x1E080] =	vst v63  }
0x42: {  	s3 =	sadd.s32 $0x400, s10  }
0x43: {  	[tilespmem:s26], [sflag:$0x2] =	stream.indirect.gather [spmem:s1], $0x80, s3, s24, $0xb8;
	[tilespmem:$0x1E080] =	vst v63  }
0x44: {  	_ =	swait.ge [sflag:s22], $0x4000  }
0x45: {  	[sflag:s22] =	ssyncset.done $0x0  }
0x46: {  	[sflag:s22] =	ssyncadd.s32 $0xFFFFC000  }
0x47: {  	_ =	swait.ge [sflag:s23], $0x4000  }
0x48: {  	[sflag:s23] =	ssyncset.done $0x0  }
0x49: {  	s3 =	simm.s32 $0x0;
	[sflag:s23] =	ssyncadd.s32 $0xFFFFC000  }
0x4a: {  	v0 =	vld [tilespmem:s3+$0x800]  }
0x4b: {  	v1 =	vld [tilespmem:s3+$0x4800]  }
0x4c: {  	v2 =	vld [tilespmem:s3+$0x810]  }
0x4d: {  	v3 =	vld [tilespmem:s3+$0x4810]  }
0x4e: {  	v4 =	vld [tilespmem:s3+$0x820]  }
0x4f: {  	v5 =	vld [tilespmem:s3+$0x4820]  }
0x50: {  	v6 =	vld [tilespmem:s3+$0x830]  }
0x51: {  	v7 =	vld [tilespmem:s3+$0x4830]  }
0x52: {  	v0 =	vmul.f32 v1, v0;
	v1 =	vmul.f32 v3, v2;
	v2 =	vld [tilespmem:s3+$0x840]  }
0x53: {  	v3 =	vld [tilespmem:s3+$0x4840]  }
0x54: {  	v8 =	vld [tilespmem:s3+$0x4850];
	v0 =	vadd.f32 v1, v0;
	v1 =	vmul.f32 v5, v4  }
0x55: {  	v5 =	vld [tilespmem:s3+$0x850]  }
0x56: {  	v0 =	vadd.f32 v1, v0;
	v1 =	vmul.f32 v7, v6;
	v6 =	vld [tilespmem:s3+$0x860]  }
0x57: {  	v7 =	vld [tilespmem:s3+$0x4860]  }
0x58: {  	v4 =	vld [tilespmem:s3+$0x4870];
	v2 =	vmul.f32 v3, v2;
	v9 =	vadd.f32 v1, v0  }
0x59: {  	s15 =	simm.s32 $0x80;
	v1 =	vld [tilespmem:s3+$0x870]  }
0x5a: {  	v3 =	vld [tilespmem:s15+$0x810];
	v5 =	vmul.f32 v8, v5;
	v9 =	vadd.f32 v2, v9  }
0x5b: {  	v0 =	vld [tilespmem:s15+$0x800]  }
0x5c: {  	s16 =	simm.s32 $0x400;
	v2 =	vld [tilespmem:s15+$0x4800];
	v6 =	vmul.f32 v7, v6;
	v5 =	vadd.f32 v5, v9  }
.LBB2_9:
0x5d: {  	p5 =	sne.s32 s16, $0x7E00;
	v7 =	vld [tilespmem:s15+$0x4810]  }
0x5e: {  	v8 =	vld [tilespmem:s15+$0x820];
	v5 =	vadd.f32 v6, v5;
	v1 =	vmul.f32 v4, v1  }
0x5f: {  	v4 =	vld [tilespmem:s15+$0x4820]  }
0x60: {  	v6 =	vld [tilespmem:s15+$0x830];
	v1 =	vadd.f32 v1, v5  }
0x61: {  	v5 =	vld [tilespmem:s15+$0x4830]  }
0x62: {  	v0 =	vmul.f32 v2, v0;
	v2 =	vmul.f32 v7, v3;
	v3 =	vld [tilespmem:s15+$0x840];
	[tilespmem:s3+$0x8800] =	vst v1;
	s3 =	smov.u32 s15  }
0x63: {  	v1 =	vld [tilespmem:s3+$0x4840]  }
0x64: {  	v0 =	vadd.f32 v2, v0;
	v2 =	vmul.f32 v4, v8;
	v7 =	vld [tilespmem:s3+$0x850]  }
0x65: {  	v8 =	vld [tilespmem:s3+$0x4850]  }
0x66: {  	v0 =	vadd.f32 v2, v0;
	v2 =	vmul.f32 v5, v6;
	v6 =	vld [tilespmem:s3+$0x860]  }
0x67: {  	v9 =	vld [tilespmem:s3+$0x4860]  }
.Ltmp4:
0x68: {  	v2 =	vadd.f32 v2, v0;
	v3 =	vmul.f32 v1, v3;
	v1 =	vld [tilespmem:s3+$0x870];
	(pc) =	sbr.rel @p5 .LBB2_9-.Ltmp4, $4  }
0x69: {  	s15 =	sshra.s32 s16, $0x2;
	v4 =	vld [tilespmem:s3+$0x4870]  }
0x6a: {  	v0 =	vld [tilespmem:s15+$0x800];
	v5 =	vadd.f32 v3, v2;
	v7 =	vmul.f32 v8, v7  }
0x6b: {  	v2 =	vld [tilespmem:s15+$0x4800]  }
0x6c: {  	s16 =	sadd.s32 $0x200, s16;
	v3 =	vld [tilespmem:s15+$0x810];
	v5 =	vadd.f32 v7, v5;
	v6 =	vmul.f32 v9, v6  }
0x6d: {  	v7 =	vld [tilespmem:s15+$0x4810]  }
0x6e: {  	v8 =	vld [tilespmem:s15+$0x820];
	v5 =	vadd.f32 v6, v5;
	v1 =	vmul.f32 v4, v1  }
0x6f: {  	v4 =	vld [tilespmem:s15+$0x4820]  }
0x70: {  	v6 =	vld [tilespmem:s15+$0x830];
	v1 =	vadd.f32 v1, v5  }
0x71: {  	v5 =	vld [tilespmem:s15+$0x4830]  }
0x72: {  	v9 =	vld [tilespmem:s15+$0x840];
	v0 =	vmul.f32 v2, v0;
	v2 =	vmul.f32 v7, v3;
	[tilespmem:s3+$0x8800] =	vst v1  }
0x73: {  	v1 =	vld [tilespmem:s15+$0x4840]  }
0x74: {  	v3 =	vld [tilespmem:s15+$0x850];
	v0 =	vadd.f32 v2, v0;
	v2 =	vmul.f32 v4, v8  }
0x75: {  	v4 =	vld [tilespmem:s15+$0x4850]  }
0x76: {  	v0 =	vadd.f32 v2, v0;
	v2 =	vmul.f32 v5, v6;
	v5 =	vld [tilespmem:s15+$0x860]  }
0x77: {  	v6 =	vld [tilespmem:s15+$0x4860]  }
0x78: {  	v7 =	vld [tilespmem:s15+$0x4870];
	v0 =	vadd.f32 v2, v0;
	v1 =	vmul.f32 v1, v9  }
0x79: {  	v2 =	vld [tilespmem:s15+$0x870]  }
0x7a: {  	v0 =	vadd.f32 v1, v0;
	v1 =	vmul.f32 v4, v3;
	_ =	sdelay $0x1  }
0x7b: {  	v0 =	vadd.f32 v1, v0;
	v1 =	vmul.f32 v6, v5;
	_ =	sdelay $0x1  }
0x7c: {  	v0 =	vadd.f32 v1, v0;
	v1 =	vmul.f32 v7, v2;
	_ =	sdelay $0x1  }
0x7d: {  	s10 =	sadd.s32 s10, s0;
	v0 =	vadd.f32 v1, v0  }
0x7e: {  	s10 =	sshll.u32 s10, $0x4  }
0x7f: {  	s16 =	simm.s32 $0x0;
	s3 =	sadd.s32 s8, s10;
	[tilespmem:s15+$0x8800] =	vst v0  }
0x80: {  	[hbm4b:s3+s16] =	stream.linear.scatter [tilespmem:s28], [sflag:$0x3], $0x2000, $0x38;
	[tilespmem:$0x1E080] =	vst v63  }
0x81: {  	_ =	swait.ge [sflag:s17], $0x2000  }
0x82: {  	[sflag:s17] =	ssyncset.done $0x0  }
0x83: {  	s3 =	simm.s32 $0x0;
	[sflag:s17] =	ssyncadd.s32 $0xFFFFE000  }
0x84: {  	v0 =	vld [tilespmem:s3+$0x2800]  }
0x85: {  	v1 =	vld [tilespmem:s3+$0x6800]  }
0x86: {  	v2 =	vld [tilespmem:s3+$0x2810]  }
0x87: {  	v3 =	vld [tilespmem:s3+$0x6810]  }
0x88: {  	v4 =	vld [tilespmem:s3+$0x2820]  }
0x89: {  	v5 =	vld [tilespmem:s3+$0x6820]  }
0x8a: {  	v6 =	vld [tilespmem:s3+$0x2830]  }
0x8b: {  	v7 =	vld [tilespmem:s3+$0x6830]  }
0x8c: {  	v0 =	vmul.f32 v1, v0;
	v1 =	vmul.f32 v3, v2;
	v2 =	vld [tilespmem:s3+$0x2840]  }
0x8d: {  	v3 =	vld [tilespmem:s3+$0x6840]  }
0x8e: {  	v8 =	vld [tilespmem:s3+$0x6850];
	v0 =	vadd.f32 v1, v0;
	v1 =	vmul.f32 v5, v4  }
0x8f: {  	v5 =	vld [tilespmem:s3+$0x2850]  }
0x90: {  	v0 =	vadd.f32 v1, v0;
	v1 =	vmul.f32 v7, v6;
	v6 =	vld [tilespmem:s3+$0x2860]  }
0x91: {  	v7 =	vld [tilespmem:s3+$0x6860]  }
0x92: {  	v4 =	vld [tilespmem:s3+$0x6870];
	v2 =	vmul.f32 v3, v2;
	v63 =	vadd.f32 v1, v0  }
0x93: {  	s15 =	simm.s32 $0x80;
	v1 =	vld [tilespmem:s3+$0x2870]  }
0x94: {  	v3 =	vld [tilespmem:s15+$0x2810];
	v5 =	vmul.f32 v8, v5;
	v9 =	vadd.f32 v2, v63  }
0x95: {  	v0 =	vld [tilespmem:s15+$0x2800]  }
0x96: {  	s16 =	simm.s32 $0x400;
	v2 =	vld [tilespmem:s15+$0x6800];
	v6 =	vmul.f32 v7, v6;
	v5 =	vadd.f32 v5, v9  }
.LBB2_11:
0x97: {  	p5 =	sne.s32 s16, $0x7E00;
	v7 =	vld [tilespmem:s15+$0x6810]  }
0x98: {  	v8 =	vld [tilespmem:s15+$0x2820];
	v5 =	vadd.f32 v6, v5;
	v1 =	vmul.f32 v4, v1  }
0x99: {  	v4 =	vld [tilespmem:s15+$0x6820]  }
0x9a: {  	v6 =	vld [tilespmem:s15+$0x2830];
	v1 =	vadd.f32 v1, v5  }
0x9b: {  	v5 =	vld [tilespmem:s15+$0x6830]  }
0x9c: {  	v0 =	vmul.f32 v2, v0;
	v2 =	vmul.f32 v7, v3;
	v3 =	vld [tilespmem:s15+$0x2840];
	[tilespmem:s3+$0x8800] =	vst v1;
	s3 =	smov.u32 s15  }
0x9d: {  	v1 =	vld [tilespmem:s3+$0x6840]  }
0x9e: {  	v0 =	vadd.f32 v2, v0;
	v2 =	vmul.f32 v4, v8;
	v7 =	vld [tilespmem:s3+$0x2850]  }
0x9f: {  	v8 =	vld [tilespmem:s3+$0x6850]  }
0xa0: {  	v0 =	vadd.f32 v2, v0;
	v2 =	vmul.f32 v5, v6;
	v6 =	vld [tilespmem:s3+$0x2860]  }
0xa1: {  	v9 =	vld [tilespmem:s3+$0x6860]  }
.Ltmp5:
0xa2: {  	v2 =	vadd.f32 v2, v0;
	v3 =	vmul.f32 v1, v3;
	v1 =	vld [tilespmem:s3+$0x2870];
	(pc) =	sbr.rel @p5 .LBB2_11-.Ltmp5, $4  }
0xa3: {  	s15 =	sshra.s32 s16, $0x2;
	v4 =	vld [tilespmem:s3+$0x6870]  }
0xa4: {  	v0 =	vld [tilespmem:s15+$0x2800];
	v5 =	vadd.f32 v3, v2;
	v7 =	vmul.f32 v8, v7  }
0xa5: {  	v2 =	vld [tilespmem:s15+$0x6800]  }
0xa6: {  	s16 =	sadd.s32 $0x200, s16;
	v3 =	vld [tilespmem:s15+$0x2810];
	v5 =	vadd.f32 v7, v5;
	v6 =	vmul.f32 v9, v6  }
0xa7: {  	v7 =	vld [tilespmem:s15+$0x6810]  }
0xa8: {  	v8 =	vld [tilespmem:s15+$0x2820];
	v5 =	vadd.f32 v6, v5;
	v1 =	vmul.f32 v4, v1  }
0xa9: {  	v49 =	vld [tilespmem:s15+$0x6820]  }
0xaa: {  	v50 =	vld [tilespmem:s15+$0x2830];
	v1 =	vadd.f32 v1, v5  }
0xab: {  	v51 =	vld [tilespmem:s15+$0x6830]  }
0xac: {  	v9 =	vld [tilespmem:s15+$0x2840];
	v0 =	vmul.f32 v2, v0;
	v52 =	vmul.f32 v7, v3;
	[tilespmem:s3+$0x8800] =	vst v1  }
0xad: {  	v1 =	vld [tilespmem:s15+$0x6840]  }
0xae: {  	v53 =	vmul.f32 v49, v8;
	v54 =	vld [tilespmem:s15+$0x2850];
	v0 =	vadd.f32 v52, v0  }
0xaf: {  	v55 =	vld [tilespmem:s15+$0x6850]  }
0xb0: {  	v56 =	vmul.f32 v51, v50;
	v57 =	vld [tilespmem:s15+$0x2860];
	v0 =	vadd.f32 v53, v0  }
0xb1: {  	v58 =	vld [tilespmem:s15+$0x6860]  }
0xb2: {  	v59 =	vld [tilespmem:s15+$0x2870];
	v0 =	vadd.f32 v56, v0;
	v1 =	vmul.f32 v1, v9  }
0xb3: {  	v60 =	vld [tilespmem:s15+$0x6870]  }
0xb4: {  	v61 =	vmul.f32 v55, v54;
	v0 =	vadd.f32 v1, v0;
	_ =	sdelay $0x1  }
0xb5: {  	v62 =	vmul.f32 v58, v57;
	v0 =	vadd.f32 v61, v0;
	_ =	sdelay $0x1  }
0xb6: {  	v63 =	vmul.f32 v60, v59;
	v0 =	vadd.f32 v62, v0;
	_ =	sdelay $0x1  }
0xb7: {  	s5 =	sadd.s32 $0x1, s5;
	v0 =	vadd.f32 v63, v0  }
0xb8: {  	p5 =	sne.s32 s5, $0x8  }
.Ltmp6:
0xb9: {  	s16 =	sadd.s32 s10, s13;
	[tilespmem:s15+$0x8800] =	vst v0;
	(pc) =	sbr.rel @p5 .LBB2_8-.Ltmp6, $4  }
0xba: {  	[hbm4b:s16+s2] =	stream.linear.scatter [tilespmem:s28], [sflag:$0x3], $0x2000, $0x38;
	[tilespmem:$0x1E080] =	vst v63  }
0xbb: {  	_ =	swait.ge [sflag:s17], $0x2000  }
0xbc: {  	[sflag:s17] =	ssyncset.done $0x0  }
0xbd: {  	[sflag:s17] =	ssyncadd.s32 $0xFFFFE000  }
0xbe: {  	s31 =	sadd.s32 $0x1, s31  }
0xbf: {  	p5 =	sne.s32 s31, $0x14  }
.Ltmp7:
0xc0: {  	_ = 	snop;
	(pc) =	sbr.rel @p5 .LBB2_7-.Ltmp7, $1  }
0xc1: {  	_ =	sdelay $0x3  }
0xc2: {  	s29 =	sadd.s32 $0x1, s29  }
0xc3: {  	p5 =	sne.s32 s29, s14  }
.Ltmp8:
0xc4: {  	_ = 	snop;
	(pc) =	sbr.rel @p5 .LBB2_1-.Ltmp8, $1  }
0xc5: {  	_ =	sdelay $0x3  }
0xc6: {  	_ =	sfence.sel $0x180000  }
0xc7: {  	[bflag:$0x0] =	sbarrier.arrive $0xFFFF  }
0xc8: {  	_ =	strace $0x90000050  }
0xc9: {  	s0 =	stileid.u32;
	[bflag:$0x2] =	sbarrier.arrive $0xFFFF  }
0xca: {  	p0 =	sne.s32 s0, $0x0;
	s0 =	rddreg [dreg:$0x2]  }
0xcb: {  	s0 =	sadd.s32 @!p0 $0x100000, s0  }
0xcc: {  	[sflag:s0] =	ssyncadd.tile.s32 @!p0 $0x1;
	_ =	shalt  }
.Lfunc_end2:
_tile_overlayer_lowered:
.L_overlay_start_2:
0xcd: {  	(tag) =	ssettag $0x2  }
0xce: {  	s0 =	rddreg [dreg:$0x0];
	s2 =	stileid.u32  }
0xcf: {  	s1 =	rddreg [dreg:$0x1];
	p0 =	sne.s32 s2, $0x0  }
0xd0: {  	s3 =	rddreg [dreg:$0x2];
	[bflag:$0x3] =	sbarrier.arrive $0xFFFF;
	s2 =	simm.s32 @!p0 $0x1C03  }
0xd1: {  	[timem:s3], [sflag:s2] =	dma.local @!p0 [hbm:s0], s1  }
0xd2: {  	s0 =	simm.s32 @!p0 $0x3  }
0xd3: {  	_ =	swait.ge @!p0 [sflag:s0], s1  }
0xd4: {  	s1 =	ssub.s32 @!p0 $0x0, s1;
	[sflag:s0] =	ssyncset.done @!p0 $0x0  }
0xd5: {  	[sflag:s0] =	ssyncadd.s32 @!p0 s1  }
0xd6: {  	[bflag:$0x3] =	sbarrier.arrive $0xFFFF  }
0xd7: {  	_ =	shalt  }

</sc_bundles>
